<compile_context>
chip_gen: v7x
topology: tpu7x:2x2x1
jax: 0.10.2.dev20260603
libtpu: 0.0.44.dev20260713+nightly
codegen_flags: <defaults>
</compile_context>

<pallas_src>
import functools

import jax
import jax.numpy as jnp
from jax import lax
from jax.experimental import pallas as pl
from jax.experimental.pallas import tpu as pltpu
from jax.experimental.pallas import tpu_sc as plsc

H = 128
N_NODES = 50000
E = 500000

NUM_TILES = 16
NUM_CORES = 2
NCHUNK = 4
C = 12544
OUT_ROWS = NCHUNK * C
TRASH = 8
ROWS_PER_TILE = C // NUM_TILES
SEG = 8192
NSEG = 4
EDGES_PER_TILE = SEG * NSEG
E_PAD = EDGES_PER_TILE * NUM_TILES
RB = 128
RBS = 7
BIG = 1 << 27
CNTW = 32
ADT = jnp.bfloat16


def _seg_sum_body(with_count, refs):
    if with_count:
        (feat_hbm, src_hbm, dst_hbm, z800, zc800, ones_hbm,
         out_hbm, cnt_out_hbm,
         selsrc_v, seldst_v, srcseg_v, dstseg_v, rows0_v, rows1_v, ones_v,
         acc_sh, cnt_sh, sem0, sem1) = refs
    else:
        (feat_hbm, src_hbm, dst_hbm, z800,
         out_hbm,
         selsrc_v, seldst_v, srcseg_v, dstseg_v, rows0_v, rows1_v,
         acc_sh, sem0, sem1) = refs
        cnt_out_hbm = zc800 = ones_hbm = ones_v = cnt_sh = None

    core = lax.axis_index("c")
    sid = lax.axis_index("s")
    iota = lax.iota(jnp.int32, 16)
    padsrc_vals = iota * 97 + sid * 16
    paddst_vals = C + (iota & 7)

    if with_count:
        pltpu.sync_copy(ones_hbm, ones_v)
    ebase = sid * EDGES_PER_TILE

    def chunk_body(k, _):
        lo = (core * (NCHUNK // NUM_CORES) + k) * C
        plsc.subcore_barrier()
        pltpu.sync_copy(z800, acc_sh.at[pl.ds(sid * ROWS_PER_TILE, ROWS_PER_TILE)])
        if with_count:
            pltpu.sync_copy(zc800, cnt_sh.at[pl.ds(sid * ROWS_PER_TILE, ROWS_PER_TILE)])
        plsc.subcore_barrier()

        def seg_body(s, _):
            off = ebase + s * SEG
            pltpu.sync_copy(src_hbm.at[pl.ds(off, SEG)], srcseg_v)
            pltpu.sync_copy(dst_hbm.at[pl.ds(off, SEG)], dstseg_v)

            @plsc.parallel_loop(0, SEG // 16, unroll=8, carry=jnp.int32(0))
            def kcnt(g, cnt):
                dstv = dstseg_v[pl.ds(g * 16, 16)]
                srcv = srcseg_v[pl.ds(g * 16, 16)]
                local = dstv - lo
                m = local.astype(jnp.uint32) < jnp.uint32(C)
                mi = jnp.where(m, 1, 0).astype(jnp.int32)
                pos = cnt + plsc.cumsum(mi) - 1
                plsc.store_scatter(selsrc_v, [pos >> RBS, pos & (RB - 1)], srcv, mask=m)
                plsc.store_scatter(seldst_v, [pos >> RBS, pos & (RB - 1)], local, mask=m)
                return cnt + jnp.sum(mi)

            nb = (kcnt + (RB - 1)) >> RBS

            g0 = kcnt >> 4
            for t in range(RB // 16 + 1):
                posp = (g0 + t) * 16 + iota
                mp = (posp >= kcnt) & (posp < nb * RB)
                plsc.store_scatter(selsrc_v, [posp >> RBS, posp & (RB - 1)], padsrc_vals, mask=mp)
                plsc.store_scatter(seldst_v, [posp >> RBS, posp & (RB - 1)], paddst_vals, mask=mp)

            def slot(j, nxt, buf, bufn, sem, semn):
                pltpu.make_async_copy(feat_hbm.at[selsrc_v.at[j]], buf, sem).wait()

                @pl.when(nxt < nb)
                def _():
                    pltpu.async_copy(feat_hbm.at[selsrc_v.at[nxt]], bufn, semn)

                pltpu.sync_copy(buf, acc_sh.at[seldst_v.at[j]], add=True)
                if with_count:
                    pltpu.sync_copy(ones_v, cnt_sh.at[seldst_v.at[j]], add=True)

            def step(jj, _):
                j0 = jj * 2

                @pl.when(j0 < nb)
                def _():
                    slot(j0, j0 + 1, rows0_v, rows1_v, sem0, sem1)

                @pl.when(j0 + 1 < nb)
                def _():
                    slot(j0 + 1, j0 + 2, rows1_v, rows0_v, sem1, sem0)

                return 0

            @pl.when(nb > 0)
            def _():
                pltpu.async_copy(feat_hbm.at[selsrc_v.at[0]], rows0_v, sem0)

            lax.fori_loop(0, (nb + 1) >> 1, step, 0)
            return 0

        lax.fori_loop(0, NSEG, seg_body, 0)

        plsc.subcore_barrier()
        r0 = sid * ROWS_PER_TILE
        pltpu.sync_copy(acc_sh.at[pl.ds(r0, ROWS_PER_TILE)],
                        out_hbm.at[pl.ds(lo + r0, ROWS_PER_TILE)])
        if with_count:
            pltpu.sync_copy(cnt_sh.at[pl.ds(r0, ROWS_PER_TILE)],
                            cnt_out_hbm.at[pl.ds(lo + r0, ROWS_PER_TILE)])
        return 0

    lax.fori_loop(0, NCHUNK // NUM_CORES, chunk_body, 0)


def _make_seg_sum(with_count):
    out_type = [jax.ShapeDtypeStruct((OUT_ROWS, H), ADT)]
    if with_count:
        out_type.append(jax.ShapeDtypeStruct((OUT_ROWS, CNTW), ADT))
    mesh = plsc.VectorSubcoreMesh(core_axis_name="c", subcore_axis_name="s")
    scratch = [
        pltpu.VMEM((SEG // RB, RB), jnp.int32),
        pltpu.VMEM((SEG // RB, RB), jnp.int32),
        pltpu.VMEM((SEG,), jnp.int32),
        pltpu.VMEM((SEG,), jnp.int32),
        pltpu.VMEM((RB, H), ADT),
        pltpu.VMEM((RB, H), ADT),
    ]
    if with_count:
        scratch.append(pltpu.VMEM((RB, CNTW), ADT))
    scratch.append(pltpu.VMEM_SHARED((C + TRASH, H), ADT))
    if with_count:
        scratch.append(pltpu.VMEM_SHARED((C + TRASH, CNTW), ADT))
    scratch.extend([pltpu.SemaphoreType.DMA] * 2)
    return pl.kernel(
        lambda *refs: _seg_sum_body(with_count, refs),
        out_type=tuple(out_type),
        mesh=mesh,
        scratch_types=tuple(scratch),
        compiler_params=pltpu.CompilerParams(needs_layout_passes=False,
                                             use_tc_tiling_on_sc=False),
        name="seg_sum_cnt" if with_count else "seg_sum",
    )


_TC_R = 2000


def _apply_router_body(s_ref, cnt_ref, h2_ref, featr_ref, wrt_ref, br_ref,
                       outr_ref):
    cnt = jnp.maximum(cnt_ref[...][:, 0:1].astype(jnp.float32), 1.0)
    h1m = s_ref[...].astype(jnp.float32) / cnt
    z = (jnp.dot(h1m, wrt_ref[:H, :], preferred_element_type=jnp.float32,
                 precision=lax.Precision.HIGHEST)
         + jnp.dot(h2_ref[...].astype(jnp.float32), wrt_ref[H:, :], preferred_element_type=jnp.float32,
                   precision=lax.Precision.HIGHEST)
         + br_ref[...])
    outr_ref[...] = featr_ref[...] + jnp.maximum(z, 0.0)


def _apply_packet_body(h1p_ref, featp_ref, wpt_ref, bp_ref, outp_ref):
    p = jnp.dot(h1p_ref[...].astype(jnp.float32), wpt_ref[...], preferred_element_type=jnp.float32,
                precision=lax.Precision.HIGHEST) + bp_ref[...]
    outp_ref[...] = featp_ref[...] + jnp.maximum(p, 0.0)


def _blk(shape):
    return pl.BlockSpec(shape, lambda i: (i, 0))


def _apply_router(s_r, cnt_r, h2_r, feat_router, wrt, br):
    return pl.pallas_call(
        _apply_router_body,
        grid=(N_NODES // _TC_R,),
        in_specs=[_blk((_TC_R, H)), _blk((_TC_R, CNTW)), _blk((_TC_R, H)),
                  _blk((_TC_R, H)),
                  pl.BlockSpec((2 * H, H), lambda i: (0, 0)),
                  pl.BlockSpec((1, H), lambda i: (0, 0))],
        out_specs=_blk((_TC_R, H)),
        out_shape=jax.ShapeDtypeStruct((N_NODES, H), jnp.float32),
    )(s_r, cnt_r, h2_r, feat_router, wrt, br)


def _apply_packet(h1_p, feat_packet, wpt, bp):
    return pl.pallas_call(
        _apply_packet_body,
        grid=(N_NODES // _TC_R,),
        in_specs=[_blk((_TC_R, H)), _blk((_TC_R, H)),
                  pl.BlockSpec((H, H), lambda i: (0, 0)),
                  pl.BlockSpec((1, H), lambda i: (0, 0))],
        out_specs=_blk((_TC_R, H)),
        out_shape=jax.ShapeDtypeStruct((N_NODES, H), jnp.float32),
    )(h1_p, feat_packet, wpt, bp)


def _pad_edges(e):
    padn = E_PAD - E
    src = jnp.concatenate([e[0].astype(jnp.int32),
                           jnp.zeros((padn,), jnp.int32)])
    dst = jnp.concatenate([e[1].astype(jnp.int32),
                           jnp.full((padn,), BIG, jnp.int32)])
    return src, dst


def kernel(feat_router, feat_packet, W_r, b_r, W_p, b_p,
           edge_pass, edge_transfer, edge_connect):
    z800 = jnp.zeros((ROWS_PER_TILE, H), ADT)
    zc800 = jnp.zeros((ROWS_PER_TILE, CNTW), ADT)
    ones = jnp.ones((RB, CNTW), ADT)
    feat_r16 = feat_router.astype(ADT)
    feat_p16 = feat_packet.astype(ADT)

    seg_sum = _make_seg_sum(False)
    seg_sum_cnt = _make_seg_sum(True)

    sp, dp = _pad_edges(edge_pass)
    st, dt = _pad_edges(edge_transfer)
    sc, dc = _pad_edges(edge_connect)

    (h1_packet,) = seg_sum(feat_r16, sp, dp, z800)
    p_new = _apply_packet(h1_packet, feat_packet, W_p.T, b_p.reshape(1, H))
    sc, dc, _ = lax.optimization_barrier((sc, dc, h1_packet))
    s_router, cnt16 = seg_sum_cnt(feat_p16, st, dt, z800, zc800, ones)
    (h2_router,) = seg_sum(feat_r16, sc, dc, z800)
    r_new = _apply_router(s_router, cnt16, h2_router, feat_router,
                          W_r.T, b_r.reshape(1, H))
    return r_new, p_new

# --- scband reference (transcript-rebuilt; emitter-appended) ---
"""Pipeline reference for scband-hetero-graph-conv-33131377721484 (READ-ONLY COPY).

The authoritative reference and input builder live on the scoring server;
editing this copy changes nothing except your own understanding.
"""

import jax, jax.numpy as jnp
import numpy as np

H = 128
N_R = 50000
N_P = 50000
E = 500000

# Metagraph assumed for the DGL heterograph:
#   ('router', 'pass',     'packet'): copy_u('feat') -> sum  into packet 'h1'
#   ('packet', 'transfer', 'router'): copy_u('feat') -> mean into router 'h1'
#   ('router', 'connect',  'router'): copy_u('feat') -> sum  into router 'h2'

def setup_inputs(seed: int = 0) -> dict:
    key = jax.random.key(seed)
    ks = jax.random.split(key, 8)
    feat_router = jax.random.normal(ks[0], (N_R, H), dtype=jnp.float32)
    feat_packet = jax.random.normal(ks[1], (N_P, H), dtype=jnp.float32)
    edge_pass = jax.random.randint(ks[2], (2, E), 0, N_R)      # src: router, dst: packet (both 50000)
    edge_transfer = jax.random.randint(ks[3], (2, E), 0, N_P)  # src: packet, dst: router
    edge_connect = jax.random.randint(ks[4], (2, E), 0, N_R)   # src: router, dst: router
    # lin_r: Linear(2*H, H); torch weight layout [out, in]
    W_r = jax.random.normal(ks[5], (H, 2 * H), dtype=jnp.float32) * 0.05
    b_r = jnp.zeros((H,), dtype=jnp.float32)
    # lin_p: Linear(H, H)
    W_p = jax.random.normal(ks[6], (H, H), dtype=jnp.float32) * 0.05
    b_p = jnp.zeros((H,), dtype=jnp.float32)
    return {
        'feat_router': feat_router,
        'feat_packet': feat_packet,
        'W_r': W_r, 'b_r': b_r,
        'W_p': W_p, 'b_p': b_p,
        'edge_pass': edge_pass,
        'edge_transfer': edge_transfer,
        'edge_connect': edge_connect,
    }

def reference(feat_router, feat_packet, W_r, b_r, W_p, b_p, edge_pass, edge_transfer, edge_connect):
    # etype 'pass': router -> packet, copy_u + sum -> packet h1
    m = jnp.take(feat_router, edge_pass[0], axis=0)
    h1_packet = jax.ops.segment_sum(m, edge_pass[1], num_segments=N_P)
    # etype 'transfer': packet -> router, copy_u + mean -> router h1
    m = jnp.take(feat_packet, edge_transfer[0], axis=0)
    s = jax.ops.segment_sum(m, edge_transfer[1], num_segments=N_R)
    cnt = jax.ops.segment_sum(jnp.ones((E,), dtype=jnp.float32), edge_transfer[1], num_segments=N_R)
    h1_router = s / jnp.maximum(cnt, 1.0)[:, None]
    # etype 'connect': router -> router, copy_u + sum -> router h2
    m = jnp.take(feat_router, edge_connect[0], axis=0)
    h2_router = jax.ops.segment_sum(m, edge_connect[1], num_segments=N_R)
    # apply_nodes on 'router': feat += relu(lin_r(concat([h1, h2])))
    z = jnp.concatenate([h1_router, h2_router], axis=-1)
    feat_router_new = feat_router + jax.nn.relu(z @ W_r.T + b_r)
    # apply_nodes on 'packet': feat += relu(lin_p(h1))
    feat_packet_new = feat_packet + jax.nn.relu(h1_packet @ W_p.T + b_p)
    return feat_router_new, feat_packet_new

if __name__ == "__main__":
    import jax
    _d = setup_inputs()
    print(jax.jit(kernel)(*tuple(_d.values())))

</pallas_src>

<mosaic_0001>
#map = affine_map<(d0, d1) -> (0, 0)>
#map1 = affine_map<(d0, d1) -> (0)>
module attributes {stable_mosaic.version = 14 : i64} {
  func.func @seg_sum(%arg0: i32, %arg1: i32, %arg2: memref<50000x128xbf16, #tpu.memory_space<hbm>>, %arg3: memref<524288xi32, #tpu.memory_space<hbm>>, %arg4: memref<524288xi32, #tpu.memory_space<hbm>>, %arg5: memref<784x128xbf16, #tpu.memory_space<hbm>>, %arg6: memref<50176x128xbf16, #tpu.memory_space<hbm>>, %arg7: memref<64x128xi32, #tpu.memory_space<vmem>>, %arg8: memref<64x128xi32, #tpu.memory_space<vmem>>, %arg9: memref<8192xi32, #tpu.memory_space<vmem>>, %arg10: memref<8192xi32, #tpu.memory_space<vmem>>, %arg11: memref<128x128xbf16, #tpu.memory_space<vmem>>, %arg12: memref<128x128xbf16, #tpu.memory_space<vmem>>, %arg13: memref<12552x128xbf16, #tpu.memory_space<vmem_shared>>, %arg14: memref<!tpu.dma_semaphore, #tpu.memory_space<semaphore_mem>>, %arg15: memref<!tpu.dma_semaphore, #tpu.memory_space<semaphore_mem>>) attributes {dimension_semantics = [#tpu.dimension_semantics<core_parallel>, #tpu.dimension_semantics<subcore_parallel>], iteration_bounds = array<i64: 2, 16>, scalar_prefetch = 0 : i64, scratch_operands = 9 : i64, tpu.core_type = #tpu.core_type<sc_vector_subcore>, window_params = [{transform_indices = #map}, {transform_indices = #map1}, {transform_indices = #map1}, {transform_indices = #map}, {transform_indices = #map}]} {
    %iota3A = tpu.iota {dimensions = array<i32: 0>} : vector<16xi32>
    %mul3A = arith.constant 97 : i32
    %mul3A_0 = vector.broadcast %mul3A : i32 to vector<16xi32>
    %mul3A_1 = arith.muli %iota3A, %mul3A_0 : vector<16xi32>
    %mul3A_2 = arith.constant 16 : i32
    %mul3A_3 = arith.muli %arg1, %mul3A_2 : i32
    %add3A = vector.broadcast %mul3A_3 : i32 to vector<16xi32>
    %add3A_4 = arith.addi %mul3A_1, %add3A : vector<16xi32>
    %and3A = arith.constant 7 : i32
    %and3A_5 = vector.broadcast %and3A : i32 to vector<16xi32>
    %and3A_6 = arith.andi %iota3A, %and3A_5 : vector<16xi32>
    %add3A_7 = arith.constant 12544 : i32
    %add3A_8 = vector.broadcast %add3A_7 : i32 to vector<16xi32>
    %add3A_9 = arith.addi %add3A_8, %and3A_6 : vector<16xi32>
    %mul3A_10 = arith.constant 32768 : i32
    %mul3A_11 = arith.muli %arg1, %mul3A_10 : i32
    %scan3A = arith.constant 0 : i32
    %scan3A_12 = arith.constant 0 : i32
    %scan3A_13 = arith.constant 2 : i32
    %scan3A_14 = arith.addi %scan3A_12, %scan3A_13 : i32
    %scan3A_15 = arith.constant 1 : i32
    %scan3A_16 = scf.for %scan3A_18 = %scan3A_12 to %scan3A_14 step %scan3A_15 iter_args(%scan3A_19 = %scan3A) -> (i32)  : i32 {
      %mul3A_20 = arith.constant 2 : i32
      %mul3A_21 = arith.muli %arg0, %mul3A_20 : i32
      %add3A_22 = arith.addi %mul3A_21, %scan3A_18 : i32
      %mul3A_23 = arith.constant 12544 : i32
      %mul3A_24 = arith.muli %add3A_22, %mul3A_23 : i32
      %barrier3A = arith.constant 0 : index
      tpu.barrier barrier_id(%barrier3A)
      %mul3A_25 = arith.constant 784 : i32
      %mul3A_26 = arith.muli %arg1, %mul3A_25 : i32
      "tpu.region"() ({
        %run_scoped3A = tpu.sem_alloc : memref<!tpu.dma_semaphore, #tpu.memory_space<semaphore_mem>>
        %dma_start3A = arith.constant 0 : i32
        %dma_start3A_40 = tpu.memref_slice %arg13[%mul3A_26, %dma_start3A] : memref<12552x128xbf16, #tpu.memory_space<vmem_shared>> -> memref<784x128xbf16, #tpu.memory_space<vmem_shared>>
        tpu.enqueue_dma source(%arg5 : memref<784x128xbf16, #tpu.memory_space<hbm>>) target(%dma_start3A_40 : memref<784x128xbf16, #tpu.memory_space<vmem_shared>>) target_semaphore(%run_scoped3A : memref<!tpu.dma_semaphore, #tpu.memory_space<semaphore_mem>>)
        %dma_wait3A = arith.constant 0 : i32
        %dma_wait3A_41 = tpu.memref_slice %arg13[%mul3A_26, %dma_wait3A] : memref<12552x128xbf16, #tpu.memory_space<vmem_shared>> -> memref<784x128xbf16, #tpu.memory_space<vmem_shared>>
        tpu.wait_dma2 semaphore(%run_scoped3A : memref<!tpu.dma_semaphore, #tpu.memory_space<semaphore_mem>>) src(%arg5 : memref<784x128xbf16, #tpu.memory_space<hbm>>) dst(%dma_wait3A_41 : memref<784x128xbf16, #tpu.memory_space<vmem_shared>>)
        tpu.yield
      }) : () -> ()
      %barrier3A_27 = arith.constant 0 : index
      tpu.barrier barrier_id(%barrier3A_27)
      %scan3A_28 = arith.constant 0 : i32
      %scan3A_29 = arith.constant 0 : i32
      %scan3A_30 = arith.constant 4 : i32
      %scan3A_31 = arith.addi %scan3A_29, %scan3A_30 : i32
      %scan3A_32 = arith.constant 1 : i32
      %scan3A_33 = scf.for %scan3A_40 = %scan3A_29 to %scan3A_31 step %scan3A_32 iter_args(%scan3A_41 = %scan3A_28) -> (i32)  : i32 {
        %mul3A_42 = arith.constant 8192 : i32
        %mul3A_43 = arith.muli %scan3A_40, %mul3A_42 : i32
        %add3A_44 = arith.addi %mul3A_11, %mul3A_43 : i32
        "tpu.region"() ({
          %run_scoped3A = tpu.sem_alloc : memref<!tpu.dma_semaphore, #tpu.memory_space<semaphore_mem>>
          %dma_start3A = tpu.memref_slice %arg3[%add3A_44] : memref<524288xi32, #tpu.memory_space<hbm>> -> memref<8192xi32, #tpu.memory_space<hbm>>
          %dma_start3A_295 = tpu.memref_slice %arg3[%add3A_44] : memref<524288xi32, #tpu.memory_space<hbm>> -> memref<8192xi32, #tpu.memory_space<hbm>>
          tpu.enqueue_dma source(%dma_start3A_295 : memref<8192xi32, #tpu.memory_space<hbm>>) target(%arg9 : memref<8192xi32, #tpu.memory_space<vmem>>) target_semaphore(%run_scoped3A : memref<!tpu.dma_semaphore, #tpu.memory_space<semaphore_mem>>)
          %dma_wait3A = tpu.memref_slice %arg3[%add3A_44] : memref<524288xi32, #tpu.memory_space<hbm>> -> memref<8192xi32, #tpu.memory_space<hbm>>
          %dma_wait3A_296 = tpu.memref_slice %arg3[%add3A_44] : memref<524288xi32, #tpu.memory_space<hbm>> -> memref<8192xi32, #tpu.memory_space<hbm>>
          tpu.wait_dma2 semaphore(%run_scoped3A : memref<!tpu.dma_semaphore, #tpu.memory_space<semaphore_mem>>) src(%dma_wait3A_296 : memref<8192xi32, #tpu.memory_space<hbm>>) dst(%arg9 : memref<8192xi32, #tpu.memory_space<vmem>>)
          tpu.yield
        }) : () -> ()
        "tpu.region"() ({
          %run_scoped3A = tpu.sem_alloc : memref<!tpu.dma_semaphore, #tpu.memory_space<semaphore_mem>>
          %dma_start3A = tpu.memref_slice %arg4[%add3A_44] : memref<524288xi32, #tpu.memory_space<hbm>> -> memref<8192xi32, #tpu.memory_space<hbm>>
          %dma_start3A_295 = tpu.memref_slice %arg4[%add3A_44] : memref<524288xi32, #tpu.memory_space<hbm>> -> memref<8192xi32, #tpu.memory_space<hbm>>
          tpu.enqueue_dma source(%dma_start3A_295 : memref<8192xi32, #tpu.memory_space<hbm>>) target(%arg10 : memref<8192xi32, #tpu.memory_space<vmem>>) target_semaphore(%run_scoped3A : memref<!tpu.dma_semaphore, #tpu.memory_space<semaphore_mem>>)
          %dma_wait3A = tpu.memref_slice %arg4[%add3A_44] : memref<524288xi32, #tpu.memory_space<hbm>> -> memref<8192xi32, #tpu.memory_space<hbm>>
          %dma_wait3A_296 = tpu.memref_slice %arg4[%add3A_44] : memref<524288xi32, #tpu.memory_space<hbm>> -> memref<8192xi32, #tpu.memory_space<hbm>>
          tpu.wait_dma2 semaphore(%run_scoped3A : memref<!tpu.dma_semaphore, #tpu.memory_space<semaphore_mem>>) src(%dma_wait3A_296 : memref<8192xi32, #tpu.memory_space<hbm>>) dst(%arg10 : memref<8192xi32, #tpu.memory_space<vmem>>)
          tpu.yield
        }) : () -> ()
        %parallel_loop3A = arith.constant 0 : i32
        %parallel_loop3A_45 = arith.constant 512 : i32
        %parallel_loop3A_46 = arith.constant 1 : i32
        %parallel_loop3A_47 = arith.constant 0 : i32
        %parallel_loop3A_48 = scf.for %parallel_loop3A_295 = %parallel_loop3A to %parallel_loop3A_45 step %parallel_loop3A_46 iter_args(%parallel_loop3A_296 = %parallel_loop3A_47) -> (i32)  : i32 {
          %parallel_loop3A_297 = arith.constant 16 : i32
          %parallel_loop3A_298 = arith.muli %parallel_loop3A_295, %parallel_loop3A_297 : i32
          %parallel_loop3A_299 = arith.index_cast %parallel_loop3A_298 : i32 to index
          %parallel_loop3A_300 = tpu.vector_load %arg10[%parallel_loop3A_299] {strides = array<i32>} : memref<8192xi32, #tpu.memory_space<vmem>>, vector<16xi32>,
          %parallel_loop3A_301 = arith.constant 16 : i32
          %parallel_loop3A_302 = arith.muli %parallel_loop3A_295, %parallel_loop3A_301 : i32
          %parallel_loop3A_303 = arith.index_cast %parallel_loop3A_302 : i32 to index
          %parallel_loop3A_304 = tpu.vector_load %arg9[%parallel_loop3A_303] {strides = array<i32>} : memref<8192xi32, #tpu.memory_space<vmem>>, vector<16xi32>,
          %parallel_loop3A_305 = vector.broadcast %mul3A_24 : i32 to vector<16xi32>
          %parallel_loop3A_306 = arith.subi %parallel_loop3A_300, %parallel_loop3A_305 : vector<16xi32>
          %parallel_loop3A_307 = arith.constant 12544 : i32
          %parallel_loop3A_308 = vector.broadcast %parallel_loop3A_307 : i32 to vector<16xi32>
          %parallel_loop3A_309 = arith.cmpi ult, %parallel_loop3A_306, %parallel_loop3A_308 : vector<16xi32>
          %parallel_loop3A_310 = arith.constant 1 : i32
          %parallel_loop3A_311 = arith.constant 0 : i32
          %parallel_loop3A_312 = vector.broadcast %parallel_loop3A_310 : i32 to vector<16xi32>
          %parallel_loop3A_313 = vector.broadcast %parallel_loop3A_311 : i32 to vector<16xi32>
          %parallel_loop3A_314 = arith.select %parallel_loop3A_309, %parallel_loop3A_312, %parallel_loop3A_313 : vector<16xi1>, vector<16xi32>
          %parallel_loop3A_315 = arith.constant true
          %parallel_loop3A_316 = vector.broadcast %parallel_loop3A_315 : i1 to vector<16xi1>
          %parallel_loop3A_317 = tpu.scan <sum>, %parallel_loop3A_314 masked %parallel_loop3A_316 : vector<16xi32>, vector<16xi1> -> vector<16xi32>
          %parallel_loop3A_318 = vector.broadcast %parallel_loop3A_296 : i32 to vector<16xi32>
          %parallel_loop3A_319 = arith.addi %parallel_loop3A_318, %parallel_loop3A_317 : vector<16xi32>
          %parallel_loop3A_320 = arith.constant 1 : i32
          %parallel_loop3A_321 = vector.broadcast %parallel_loop3A_320 : i32 to vector<16xi32>
          %parallel_loop3A_322 = arith.subi %parallel_loop3A_319, %parallel_loop3A_321 : vector<16xi32>
          %parallel_loop3A_323 = arith.constant 7 : i32
          %parallel_loop3A_324 = vector.broadcast %parallel_loop3A_323 : i32 to vector<16xi32>
          %parallel_loop3A_325 = arith.shrsi %parallel_loop3A_322, %parallel_loop3A_324 : vector<16xi32>
          %parallel_loop3A_326 = arith.constant 127 : i32
          %parallel_loop3A_327 = vector.broadcast %parallel_loop3A_326 : i32 to vector<16xi32>
          %parallel_loop3A_328 = arith.andi %parallel_loop3A_322, %parallel_loop3A_327 : vector<16xi32>
          tpu.vector_store_idx %arg7[%parallel_loop3A_325, %parallel_loop3A_328], %parallel_loop3A_304 masked %parallel_loop3A_309 : memref<64x128xi32, #tpu.memory_space<vmem>>[vector<16xi32>, vector<16xi32>], vector<16xi32>, vector<16xi1>
          %parallel_loop3A_329 = arith.constant 7 : i32
          %parallel_loop3A_330 = vector.broadcast %parallel_loop3A_329 : i32 to vector<16xi32>
          %parallel_loop3A_331 = arith.shrsi %parallel_loop3A_322, %parallel_loop3A_330 : vector<16xi32>
          %parallel_loop3A_332 = arith.constant 127 : i32
          %parallel_loop3A_333 = vector.broadcast %parallel_loop3A_332 : i32 to vector<16xi32>
          %parallel_loop3A_334 = arith.andi %parallel_loop3A_322, %parallel_loop3A_333 : vector<16xi32>
          tpu.vector_store_idx %arg8[%parallel_loop3A_331, %parallel_loop3A_334], %parallel_loop3A_306 masked %parallel_loop3A_309 : memref<64x128xi32, #tpu.memory_space<vmem>>[vector<16xi32>, vector<16xi32>], vector<16xi32>, vector<16xi1>
          %parallel_loop3A_335 = arith.constant true
          %parallel_loop3A_336 = vector.broadcast %parallel_loop3A_335 : i1 to vector<16xi1>
          %parallel_loop3A_337 = tpu.scan <sum>, %parallel_loop3A_314 masked %parallel_loop3A_336 : vector<16xi32>, vector<16xi1> -> vector<16xi32>
          %parallel_loop3A_338 = vector.extract %parallel_loop3A_337[15] : i32 from vector<16xi32>
          %parallel_loop3A_339 = arith.addi %parallel_loop3A_296, %parallel_loop3A_338 : i32
          scf.yield %parallel_loop3A_339 : i32
        } {sc.loop_unroll_factor = 8 : i64, sc.parallel_access}
        %add3A_49 = arith.constant 127 : i32
        %add3A_50 = arith.addi %parallel_loop3A_48, %add3A_49 : i32
        %shift_right_arithmetic3A = arith.constant 7 : i32
        %shift_right_arithmetic3A_51 = arith.shrsi %add3A_50, %shift_right_arithmetic3A : i32
        %shift_right_arithmetic3A_52 = arith.constant 4 : i32
        %shift_right_arithmetic3A_53 = arith.shrsi %parallel_loop3A_48, %shift_right_arithmetic3A_52 : i32
        %add3A_54 = arith.constant 0 : i32
        %add3A_55 = arith.addi %shift_right_arithmetic3A_53, %add3A_54 : i32
        %mul3A_56 = arith.constant 16 : i32
        %mul3A_57 = arith.muli %add3A_55, %mul3A_56 : i32
        %add3A_58 = vector.broadcast %mul3A_57 : i32 to vector<16xi32>
        %add3A_59 = arith.addi %add3A_58, %iota3A : vector<16xi32>
        %ge3A = vector.broadcast %parallel_loop3A_48 : i32 to vector<16xi32>
        %ge3A_60 = arith.cmpi sge, %add3A_59, %ge3A : vector<16xi32>
        %mul3A_61 = arith.constant 128 : i32
        %mul3A_62 = arith.muli %shift_right_arithmetic3A_51, %mul3A_61 : i32
        %lt3A = vector.broadcast %mul3A_62 : i32 to vector<16xi32>
        %lt3A_63 = arith.cmpi slt, %add3A_59, %lt3A : vector<16xi32>
        %and3A_64 = arith.andi %ge3A_60, %lt3A_63 : vector<16xi1>
        %shift_right_arithmetic3A_65 = arith.constant 7 : i32
        %shift_right_arithmetic3A_66 = vector.broadcast %shift_right_arithmetic3A_65 : i32 to vector<16xi32>
        %shift_right_arithmetic3A_67 = arith.shrsi %add3A_59, %shift_right_arithmetic3A_66 : vector<16xi32>
        %and3A_68 = arith.constant 127 : i32
        %and3A_69 = vector.broadcast %and3A_68 : i32 to vector<16xi32>
        %and3A_70 = arith.andi %add3A_59, %and3A_69 : vector<16xi32>
        tpu.vector_store_idx %arg7[%shift_right_arithmetic3A_67, %and3A_70], %add3A_4 masked %and3A_64 : memref<64x128xi32, #tpu.memory_space<vmem>>[vector<16xi32>, vector<16xi32>], vector<16xi32>, vector<16xi1>
        %shift_right_arithmetic3A_71 = arith.constant 7 : i32
        %shift_right_arithmetic3A_72 = vector.broadcast %shift_right_arithmetic3A_71 : i32 to vector<16xi32>
        %shift_right_arithmetic3A_73 = arith.shrsi %add3A_59, %shift_right_arithmetic3A_72 : vector<16xi32>
        %and3A_74 = arith.constant 127 : i32
        %and3A_75 = vector.broadcast %and3A_74 : i32 to vector<16xi32>
        %and3A_76 = arith.andi %add3A_59, %and3A_75 : vector<16xi32>
        tpu.vector_store_idx %arg8[%shift_right_arithmetic3A_73, %and3A_76], %add3A_9 masked %and3A_64 : memref<64x128xi32, #tpu.memory_space<vmem>>[vector<16xi32>, vector<16xi32>], vector<16xi32>, vector<16xi1>
        %add3A_77 = arith.constant 1 : i32
        %add3A_78 = arith.addi %shift_right_arithmetic3A_53, %add3A_77 : i32
        %mul3A_79 = arith.constant 16 : i32
        %mul3A_80 = arith.muli %add3A_78, %mul3A_79 : i32
        %add3A_81 = vector.broadcast %mul3A_80 : i32 to vector<16xi32>
        %add3A_82 = arith.addi %add3A_81, %iota3A : vector<16xi32>
        %ge3A_83 = vector.broadcast %parallel_loop3A_48 : i32 to vector<16xi32>
        %ge3A_84 = arith.cmpi sge, %add3A_82, %ge3A_83 : vector<16xi32>
        %mul3A_85 = arith.constant 128 : i32
        %mul3A_86 = arith.muli %shift_right_arithmetic3A_51, %mul3A_85 : i32
        %lt3A_87 = vector.broadcast %mul3A_86 : i32 to vector<16xi32>
        %lt3A_88 = arith.cmpi slt, %add3A_82, %lt3A_87 : vector<16xi32>
        %and3A_89 = arith.andi %ge3A_84, %lt3A_88 : vector<16xi1>
        %shift_right_arithmetic3A_90 = arith.constant 7 : i32
        %shift_right_arithmetic3A_91 = vector.broadcast %shift_right_arithmetic3A_90 : i32 to vector<16xi32>
        %shift_right_arithmetic3A_92 = arith.shrsi %add3A_82, %shift_right_arithmetic3A_91 : vector<16xi32>
        %and3A_93 = arith.constant 127 : i32
        %and3A_94 = vector.broadcast %and3A_93 : i32 to vector<16xi32>
        %and3A_95 = arith.andi %add3A_82, %and3A_94 : vector<16xi32>
        tpu.vector_store_idx %arg7[%shift_right_arithmetic3A_92, %and3A_95], %add3A_4 masked %and3A_89 : memref<64x128xi32, #tpu.memory_space<vmem>>[vector<16xi32>, vector<16xi32>], vector<16xi32>, vector<16xi1>
        %shift_right_arithmetic3A_96 = arith.constant 7 : i32
        %shift_right_arithmetic3A_97 = vector.broadcast %shift_right_arithmetic3A_96 : i32 to vector<16xi32>
        %shift_right_arithmetic3A_98 = arith.shrsi %add3A_82, %shift_right_arithmetic3A_97 : vector<16xi32>
        %and3A_99 = arith.constant 127 : i32
        %and3A_100 = vector.broadcast %and3A_99 : i32 to vector<16xi32>
        %and3A_101 = arith.andi %add3A_82, %and3A_100 : vector<16xi32>
        tpu.vector_store_idx %arg8[%shift_right_arithmetic3A_98, %and3A_101], %add3A_9 masked %and3A_89 : memref<64x128xi32, #tpu.memory_space<vmem>>[vector<16xi32>, vector<16xi32>], vector<16xi32>, vector<16xi1>
        %add3A_102 = arith.constant 2 : i32
        %add3A_103 = arith.addi %shift_right_arithmetic3A_53, %add3A_102 : i32
        %mul3A_104 = arith.constant 16 : i32
        %mul3A_105 = arith.muli %add3A_103, %mul3A_104 : i32
        %add3A_106 = vector.broadcast %mul3A_105 : i32 to vector<16xi32>
        %add3A_107 = arith.addi %add3A_106, %iota3A : vector<16xi32>
        %ge3A_108 = vector.broadcast %parallel_loop3A_48 : i32 to vector<16xi32>
        %ge3A_109 = arith.cmpi sge, %add3A_107, %ge3A_108 : vector<16xi32>
        %mul3A_110 = arith.constant 128 : i32
        %mul3A_111 = arith.muli %shift_right_arithmetic3A_51, %mul3A_110 : i32
        %lt3A_112 = vector.broadcast %mul3A_111 : i32 to vector<16xi32>
        %lt3A_113 = arith.cmpi slt, %add3A_107, %lt3A_112 : vector<16xi32>
        %and3A_114 = arith.andi %ge3A_109, %lt3A_113 : vector<16xi1>
        %shift_right_arithmetic3A_115 = arith.constant 7 : i32
        %shift_right_arithmetic3A_116 = vector.broadcast %shift_right_arithmetic3A_115 : i32 to vector<16xi32>
        %shift_right_arithmetic3A_117 = arith.shrsi %add3A_107, %shift_right_arithmetic3A_116 : vector<16xi32>
        %and3A_118 = arith.constant 127 : i32
        %and3A_119 = vector.broadcast %and3A_118 : i32 to vector<16xi32>
        %and3A_120 = arith.andi %add3A_107, %and3A_119 : vector<16xi32>
        tpu.vector_store_idx %arg7[%shift_right_arithmetic3A_117, %and3A_120], %add3A_4 masked %and3A_114 : memref<64x128xi32, #tpu.memory_space<vmem>>[vector<16xi32>, vector<16xi32>], vector<16xi32>, vector<16xi1>
        %shift_right_arithmetic3A_121 = arith.constant 7 : i32
        %shift_right_arithmetic3A_122 = vector.broadcast %shift_right_arithmetic3A_121 : i32 to vector<16xi32>
        %shift_right_arithmetic3A_123 = arith.shrsi %add3A_107, %shift_right_arithmetic3A_122 : vector<16xi32>
        %and3A_124 = arith.constant 127 : i32
        %and3A_125 = vector.broadcast %and3A_124 : i32 to vector<16xi32>
        %and3A_126 = arith.andi %add3A_107, %and3A_125 : vector<16xi32>
        tpu.vector_store_idx %arg8[%shift_right_arithmetic3A_123, %and3A_126], %add3A_9 masked %and3A_114 : memref<64x128xi32, #tpu.memory_space<vmem>>[vector<16xi32>, vector<16xi32>], vector<16xi32>, vector<16xi1>
        %add3A_127 = arith.constant 3 : i32
        %add3A_128 = arith.addi %shift_right_arithmetic3A_53, %add3A_127 : i32
        %mul3A_129 = arith.constant 16 : i32
        %mul3A_130 = arith.muli %add3A_128, %mul3A_129 : i32
        %add3A_131 = vector.broadcast %mul3A_130 : i32 to vector<16xi32>
        %add3A_132 = arith.addi %add3A_131, %iota3A : vector<16xi32>
        %ge3A_133 = vector.broadcast %parallel_loop3A_48 : i32 to vector<16xi32>
        %ge3A_134 = arith.cmpi sge, %add3A_132, %ge3A_133 : vector<16xi32>
        %mul3A_135 = arith.constant 128 : i32
        %mul3A_136 = arith.muli %shift_right_arithmetic3A_51, %mul3A_135 : i32
        %lt3A_137 = vector.broadcast %mul3A_136 : i32 to vector<16xi32>
        %lt3A_138 = arith.cmpi slt, %add3A_132, %lt3A_137 : vector<16xi32>
        %and3A_139 = arith.andi %ge3A_134, %lt3A_138 : vector<16xi1>
        %shift_right_arithmetic3A_140 = arith.constant 7 : i32
        %shift_right_arithmetic3A_141 = vector.broadcast %shift_right_arithmetic3A_140 : i32 to vector<16xi32>
        %shift_right_arithmetic3A_142 = arith.shrsi %add3A_132, %shift_right_arithmetic3A_141 : vector<16xi32>
        %and3A_143 = arith.constant 127 : i32
        %and3A_144 = vector.broadcast %and3A_143 : i32 to vector<16xi32>
        %and3A_145 = arith.andi %add3A_132, %and3A_144 : vector<16xi32>
        tpu.vector_store_idx %arg7[%shift_right_arithmetic3A_142, %and3A_145], %add3A_4 masked %and3A_139 : memref<64x128xi32, #tpu.memory_space<vmem>>[vector<16xi32>, vector<16xi32>], vector<16xi32>, vector<16xi1>
        %shift_right_arithmetic3A_146 = arith.constant 7 : i32
        %shift_right_arithmetic3A_147 = vector.broadcast %shift_right_arithmetic3A_146 : i32 to vector<16xi32>
        %shift_right_arithmetic3A_148 = arith.shrsi %add3A_132, %shift_right_arithmetic3A_147 : vector<16xi32>
        %and3A_149 = arith.constant 127 : i32
        %and3A_150 = vector.broadcast %and3A_149 : i32 to vector<16xi32>
        %and3A_151 = arith.andi %add3A_132, %and3A_150 : vector<16xi32>
        tpu.vector_store_idx %arg8[%shift_right_arithmetic3A_148, %and3A_151], %add3A_9 masked %and3A_139 : memref<64x128xi32, #tpu.memory_space<vmem>>[vector<16xi32>, vector<16xi32>], vector<16xi32>, vector<16xi1>
        %add3A_152 = arith.constant 4 : i32
        %add3A_153 = arith.addi %shift_right_arithmetic3A_53, %add3A_152 : i32
        %mul3A_154 = arith.constant 16 : i32
        %mul3A_155 = arith.muli %add3A_153, %mul3A_154 : i32
        %add3A_156 = vector.broadcast %mul3A_155 : i32 to vector<16xi32>
        %add3A_157 = arith.addi %add3A_156, %iota3A : vector<16xi32>
        %ge3A_158 = vector.broadcast %parallel_loop3A_48 : i32 to vector<16xi32>
        %ge3A_159 = arith.cmpi sge, %add3A_157, %ge3A_158 : vector<16xi32>
        %mul3A_160 = arith.constant 128 : i32
        %mul3A_161 = arith.muli %shift_right_arithmetic3A_51, %mul3A_160 : i32
        %lt3A_162 = vector.broadcast %mul3A_161 : i32 to vector<16xi32>
        %lt3A_163 = arith.cmpi slt, %add3A_157, %lt3A_162 : vector<16xi32>
        %and3A_164 = arith.andi %ge3A_159, %lt3A_163 : vector<16xi1>
        %shift_right_arithmetic3A_165 = arith.constant 7 : i32
        %shift_right_arithmetic3A_166 = vector.broadcast %shift_right_arithmetic3A_165 : i32 to vector<16xi32>
        %shift_right_arithmetic3A_167 = arith.shrsi %add3A_157, %shift_right_arithmetic3A_166 : vector<16xi32>
        %and3A_168 = arith.constant 127 : i32
        %and3A_169 = vector.broadcast %and3A_168 : i32 to vector<16xi32>
        %and3A_170 = arith.andi %add3A_157, %and3A_169 : vector<16xi32>
        tpu.vector_store_idx %arg7[%shift_right_arithmetic3A_167, %and3A_170], %add3A_4 masked %and3A_164 : memref<64x128xi32, #tpu.memory_space<vmem>>[vector<16xi32>, vector<16xi32>], vector<16xi32>, vector<16xi1>
        %shift_right_arithmetic3A_171 = arith.constant 7 : i32
        %shift_right_arithmetic3A_172 = vector.broadcast %shift_right_arithmetic3A_171 : i32 to vector<16xi32>
        %shift_right_arithmetic3A_173 = arith.shrsi %add3A_157, %shift_right_arithmetic3A_172 : vector<16xi32>
        %and3A_174 = arith.constant 127 : i32
        %and3A_175 = vector.broadcast %and3A_174 : i32 to vector<16xi32>
        %and3A_176 = arith.andi %add3A_157, %and3A_175 : vector<16xi32>
        tpu.vector_store_idx %arg8[%shift_right_arithmetic3A_173, %and3A_176], %add3A_9 masked %and3A_164 : memref<64x128xi32, #tpu.memory_space<vmem>>[vector<16xi32>, vector<16xi32>], vector<16xi32>, vector<16xi1>
        %add3A_177 = arith.constant 5 : i32
        %add3A_178 = arith.addi %shift_right_arithmetic3A_53, %add3A_177 : i32
        %mul3A_179 = arith.constant 16 : i32
        %mul3A_180 = arith.muli %add3A_178, %mul3A_179 : i32
        %add3A_181 = vector.broadcast %mul3A_180 : i32 to vector<16xi32>
        %add3A_182 = arith.addi %add3A_181, %iota3A : vector<16xi32>
        %ge3A_183 = vector.broadcast %parallel_loop3A_48 : i32 to vector<16xi32>
        %ge3A_184 = arith.cmpi sge, %add3A_182, %ge3A_183 : vector<16xi32>
        %mul3A_185 = arith.constant 128 : i32
        %mul3A_186 = arith.muli %shift_right_arithmetic3A_51, %mul3A_185 : i32
        %lt3A_187 = vector.broadcast %mul3A_186 : i32 to vector<16xi32>
        %lt3A_188 = arith.cmpi slt, %add3A_182, %lt3A_187 : vector<16xi32>
        %and3A_189 = arith.andi %ge3A_184, %lt3A_188 : vector<16xi1>
        %shift_right_arithmetic3A_190 = arith.constant 7 : i32
        %shift_right_arithmetic3A_191 = vector.broadcast %shift_right_arithmetic3A_190 : i32 to vector<16xi32>
        %shift_right_arithmetic3A_192 = arith.shrsi %add3A_182, %shift_right_arithmetic3A_191 : vector<16xi32>
        %and3A_193 = arith.constant 127 : i32
        %and3A_194 = vector.broadcast %and3A_193 : i32 to vector<16xi32>
        %and3A_195 = arith.andi %add3A_182, %and3A_194 : vector<16xi32>
        tpu.vector_store_idx %arg7[%shift_right_arithmetic3A_192, %and3A_195], %add3A_4 masked %and3A_189 : memref<64x128xi32, #tpu.memory_space<vmem>>[vector<16xi32>, vector<16xi32>], vector<16xi32>, vector<16xi1>
        %shift_right_arithmetic3A_196 = arith.constant 7 : i32
        %shift_right_arithmetic3A_197 = vector.broadcast %shift_right_arithmetic3A_196 : i32 to vector<16xi32>
        %shift_right_arithmetic3A_198 = arith.shrsi %add3A_182, %shift_right_arithmetic3A_197 : vector<16xi32>
        %and3A_199 = arith.constant 127 : i32
        %and3A_200 = vector.broadcast %and3A_199 : i32 to vector<16xi32>
        %and3A_201 = arith.andi %add3A_182, %and3A_200 : vector<16xi32>
        tpu.vector_store_idx %arg8[%shift_right_arithmetic3A_198, %and3A_201], %add3A_9 masked %and3A_189 : memref<64x128xi32, #tpu.memory_space<vmem>>[vector<16xi32>, vector<16xi32>], vector<16xi32>, vector<16xi1>
        %add3A_202 = arith.constant 6 : i32
        %add3A_203 = arith.addi %shift_right_arithmetic3A_53, %add3A_202 : i32
        %mul3A_204 = arith.constant 16 : i32
        %mul3A_205 = arith.muli %add3A_203, %mul3A_204 : i32
        %add3A_206 = vector.broadcast %mul3A_205 : i32 to vector<16xi32>
        %add3A_207 = arith.addi %add3A_206, %iota3A : vector<16xi32>
        %ge3A_208 = vector.broadcast %parallel_loop3A_48 : i32 to vector<16xi32>
        %ge3A_209 = arith.cmpi sge, %add3A_207, %ge3A_208 : vector<16xi32>
        %mul3A_210 = arith.constant 128 : i32
        %mul3A_211 = arith.muli %shift_right_arithmetic3A_51, %mul3A_210 : i32
        %lt3A_212 = vector.broadcast %mul3A_211 : i32 to vector<16xi32>
        %lt3A_213 = arith.cmpi slt, %add3A_207, %lt3A_212 : vector<16xi32>
        %and3A_214 = arith.andi %ge3A_209, %lt3A_213 : vector<16xi1>
        %shift_right_arithmetic3A_215 = arith.constant 7 : i32
        %shift_right_arithmetic3A_216 = vector.broadcast %shift_right_arithmetic3A_215 : i32 to vector<16xi32>
        %shift_right_arithmetic3A_217 = arith.shrsi %add3A_207, %shift_right_arithmetic3A_216 : vector<16xi32>
        %and3A_218 = arith.constant 127 : i32
        %and3A_219 = vector.broadcast %and3A_218 : i32 to vector<16xi32>
        %and3A_220 = arith.andi %add3A_207, %and3A_219 : vector<16xi32>
        tpu.vector_store_idx %arg7[%shift_right_arithmetic3A_217, %and3A_220], %add3A_4 masked %and3A_214 : memref<64x128xi32, #tpu.memory_space<vmem>>[vector<16xi32>, vector<16xi32>], vector<16xi32>, vector<16xi1>
        %shift_right_arithmetic3A_221 = arith.constant 7 : i32
        %shift_right_arithmetic3A_222 = vector.broadcast %shift_right_arithmetic3A_221 : i32 to vector<16xi32>
        %shift_right_arithmetic3A_223 = arith.shrsi %add3A_207, %shift_right_arithmetic3A_222 : vector<16xi32>
        %and3A_224 = arith.constant 127 : i32
        %and3A_225 = vector.broadcast %and3A_224 : i32 to vector<16xi32>
        %and3A_226 = arith.andi %add3A_207, %and3A_225 : vector<16xi32>
        tpu.vector_store_idx %arg8[%shift_right_arithmetic3A_223, %and3A_226], %add3A_9 masked %and3A_214 : memref<64x128xi32, #tpu.memory_space<vmem>>[vector<16xi32>, vector<16xi32>], vector<16xi32>, vector<16xi1>
        %add3A_227 = arith.constant 7 : i32
        %add3A_228 = arith.addi %shift_right_arithmetic3A_53, %add3A_227 : i32
        %mul3A_229 = arith.constant 16 : i32
        %mul3A_230 = arith.muli %add3A_228, %mul3A_229 : i32
        %add3A_231 = vector.broadcast %mul3A_230 : i32 to vector<16xi32>
        %add3A_232 = arith.addi %add3A_231, %iota3A : vector<16xi32>
        %ge3A_233 = vector.broadcast %parallel_loop3A_48 : i32 to vector<16xi32>
        %ge3A_234 = arith.cmpi sge, %add3A_232, %ge3A_233 : vector<16xi32>
        %mul3A_235 = arith.constant 128 : i32
        %mul3A_236 = arith.muli %shift_right_arithmetic3A_51, %mul3A_235 : i32
        %lt3A_237 = vector.broadcast %mul3A_236 : i32 to vector<16xi32>
        %lt3A_238 = arith.cmpi slt, %add3A_232, %lt3A_237 : vector<16xi32>
        %and3A_239 = arith.andi %ge3A_234, %lt3A_238 : vector<16xi1>
        %shift_right_arithmetic3A_240 = arith.constant 7 : i32
        %shift_right_arithmetic3A_241 = vector.broadcast %shift_right_arithmetic3A_240 : i32 to vector<16xi32>
        %shift_right_arithmetic3A_242 = arith.shrsi %add3A_232, %shift_right_arithmetic3A_241 : vector<16xi32>
        %and3A_243 = arith.constant 127 : i32
        %and3A_244 = vector.broadcast %and3A_243 : i32 to vector<16xi32>
        %and3A_245 = arith.andi %add3A_232, %and3A_244 : vector<16xi32>
        tpu.vector_store_idx %arg7[%shift_right_arithmetic3A_242, %and3A_245], %add3A_4 masked %and3A_239 : memref<64x128xi32, #tpu.memory_space<vmem>>[vector<16xi32>, vector<16xi32>], vector<16xi32>, vector<16xi1>
        %shift_right_arithmetic3A_246 = arith.constant 7 : i32
        %shift_right_arithmetic3A_247 = vector.broadcast %shift_right_arithmetic3A_246 : i32 to vector<16xi32>
        %shift_right_arithmetic3A_248 = arith.shrsi %add3A_232, %shift_right_arithmetic3A_247 : vector<16xi32>
        %and3A_249 = arith.constant 127 : i32
        %and3A_250 = vector.broadcast %and3A_249 : i32 to vector<16xi32>
        %and3A_251 = arith.andi %add3A_232, %and3A_250 : vector<16xi32>
        tpu.vector_store_idx %arg8[%shift_right_arithmetic3A_248, %and3A_251], %add3A_9 masked %and3A_239 : memref<64x128xi32, #tpu.memory_space<vmem>>[vector<16xi32>, vector<16xi32>], vector<16xi32>, vector<16xi1>
        %add3A_252 = arith.constant 8 : i32
        %add3A_253 = arith.addi %shift_right_arithmetic3A_53, %add3A_252 : i32
        %mul3A_254 = arith.constant 16 : i32
        %mul3A_255 = arith.muli %add3A_253, %mul3A_254 : i32
        %add3A_256 = vector.broadcast %mul3A_255 : i32 to vector<16xi32>
        %add3A_257 = arith.addi %add3A_256, %iota3A : vector<16xi32>
        %ge3A_258 = vector.broadcast %parallel_loop3A_48 : i32 to vector<16xi32>
        %ge3A_259 = arith.cmpi sge, %add3A_257, %ge3A_258 : vector<16xi32>
        %mul3A_260 = arith.constant 128 : i32
        %mul3A_261 = arith.muli %shift_right_arithmetic3A_51, %mul3A_260 : i32
        %lt3A_262 = vector.broadcast %mul3A_261 : i32 to vector<16xi32>
        %lt3A_263 = arith.cmpi slt, %add3A_257, %lt3A_262 : vector<16xi32>
        %and3A_264 = arith.andi %ge3A_259, %lt3A_263 : vector<16xi1>
        %shift_right_arithmetic3A_265 = arith.constant 7 : i32
        %shift_right_arithmetic3A_266 = vector.broadcast %shift_right_arithmetic3A_265 : i32 to vector<16xi32>
        %shift_right_arithmetic3A_267 = arith.shrsi %add3A_257, %shift_right_arithmetic3A_266 : vector<16xi32>
        %and3A_268 = arith.constant 127 : i32
        %and3A_269 = vector.broadcast %and3A_268 : i32 to vector<16xi32>
        %and3A_270 = arith.andi %add3A_257, %and3A_269 : vector<16xi32>
        tpu.vector_store_idx %arg7[%shift_right_arithmetic3A_267, %and3A_270], %add3A_4 masked %and3A_264 : memref<64x128xi32, #tpu.memory_space<vmem>>[vector<16xi32>, vector<16xi32>], vector<16xi32>, vector<16xi1>
        %shift_right_arithmetic3A_271 = arith.constant 7 : i32
        %shift_right_arithmetic3A_272 = vector.broadcast %shift_right_arithmetic3A_271 : i32 to vector<16xi32>
        %shift_right_arithmetic3A_273 = arith.shrsi %add3A_257, %shift_right_arithmetic3A_272 : vector<16xi32>
        %and3A_274 = arith.constant 127 : i32
        %and3A_275 = vector.broadcast %and3A_274 : i32 to vector<16xi32>
        %and3A_276 = arith.andi %add3A_257, %and3A_275 : vector<16xi32>
        tpu.vector_store_idx %arg8[%shift_right_arithmetic3A_273, %and3A_276], %add3A_9 masked %and3A_264 : memref<64x128xi32, #tpu.memory_space<vmem>>[vector<16xi32>, vector<16xi32>], vector<16xi32>, vector<16xi1>
        %gt3A = arith.constant 0 : i32
        %gt3A_277 = arith.cmpi sgt, %shift_right_arithmetic3A_51, %gt3A : i32
        %convert_element_type3A = arith.extui %gt3A_277 : i1 to i32
        %cond3A = arith.constant 0 : i32
        %cond3A_278 = arith.cmpi ne, %convert_element_type3A, %cond3A : i32
        scf.if %cond3A_278 {
          %dma_start3A = arith.constant 0 : i32
          %dma_start3A_295 = arith.constant 0 : i32
          %dma_start3A_296 = tpu.memref_slice %arg7[%dma_start3A, %dma_start3A_295] : memref<64x128xi32, #tpu.memory_space<vmem>> -> memref<1x128xi32, #tpu.memory_space<vmem>>
          %dma_start3A_297 = tpu.memref_squeeze %dma_start3A_296 : memref<1x128xi32, #tpu.memory_space<vmem>> -> memref<128xi32, #tpu.memory_space<vmem>>
          %dma_start3A_298 = arith.constant 0 : i32
          %dma_start3A_299 = arith.constant 0 : i32
          %dma_start3A_300 = tpu.memref_slice %arg2[%dma_start3A_298, %dma_start3A_299] : memref<50000x128xbf16, #tpu.memory_space<hbm>> -> memref<50000x128xbf16, #tpu.memory_space<hbm>>
          tpu.enqueue_indirect_dma source(%dma_start3A_300 : memref<50000x128xbf16, #tpu.memory_space<hbm>>) target(%arg11 : memref<128x128xbf16, #tpu.memory_space<vmem>>) offsets(%dma_start3A_297 : memref<128xi32, #tpu.memory_space<vmem>>) semaphore(%arg14 : memref<!tpu.dma_semaphore, #tpu.memory_space<semaphore_mem>>)
        } else {
        }
        %add3A_279 = arith.constant 1 : i32
        %add3A_280 = arith.addi %shift_right_arithmetic3A_51, %add3A_279 : i32
        %shift_right_arithmetic3A_281 = arith.constant 1 : i32
        %shift_right_arithmetic3A_282 = arith.shrsi %add3A_280, %shift_right_arithmetic3A_281 : i32
        %while3A = arith.constant 0 : i32
        %while3A_283 = arith.constant 0 : i32
        %while3A_284 = arith.subi %shift_right_arithmetic3A_282, %while3A : i32
        %while3A_285 = arith.addi %while3A, %while3A_284 : i32
        %while3A_286 = arith.constant 1 : i32
        %while3A_287 = arith.divsi %while3A_284, %while3A_286 : i32
        %while3A_288 = arith.muli %while3A_287, %while3A_286 : i32
        %while3A_289 = arith.addi %while3A, %while3A_288 : i32
        %while3A_290 = arith.constant 1 : i32
        %while3A_291 = scf.for %while3A_295 = %while3A to %while3A_289 step %while3A_290 iter_args(%while3A_296 = %while3A_283) -> (i32)  : i32 {
          %mul3A_297 = arith.constant 2 : i32
          %mul3A_298 = arith.muli %while3A_295, %mul3A_297 : i32
          %lt3A_299 = arith.cmpi slt, %mul3A_298, %shift_right_arithmetic3A_51 : i32
          %convert_element_type3A_300 = arith.extui %lt3A_299 : i1 to i32
          %cond3A_301 = arith.constant 0 : i32
          %cond3A_302 = arith.cmpi ne, %convert_element_type3A_300, %cond3A_301 : i32
          scf.if %cond3A_302 {
            %add3A_310 = arith.constant 1 : i32
            %add3A_311 = arith.addi %mul3A_298, %add3A_310 : i32
            %dma_wait3A = arith.constant 0 : i32
            %dma_wait3A_312 = tpu.memref_slice %arg7[%mul3A_298, %dma_wait3A] : memref<64x128xi32, #tpu.memory_space<vmem>> -> memref<1x128xi32, #tpu.memory_space<vmem>>
            %dma_wait3A_313 = tpu.memref_squeeze %dma_wait3A_312 : memref<1x128xi32, #tpu.memory_space<vmem>> -> memref<128xi32, #tpu.memory_space<vmem>>
            %dma_wait3A_314 = arith.constant 0 : i32
            %dma_wait3A_315 = arith.constant 0 : i32
            %dma_wait3A_316 = tpu.memref_slice %arg2[%dma_wait3A_314, %dma_wait3A_315] : memref<50000x128xbf16, #tpu.memory_space<hbm>> -> memref<50000x128xbf16, #tpu.memory_space<hbm>>
            tpu.wait_indirect_dma semaphore(%arg14 : memref<!tpu.dma_semaphore, #tpu.memory_space<semaphore_mem>>) src(%dma_wait3A_316 : memref<50000x128xbf16, #tpu.memory_space<hbm>>) dst(%arg11 : memref<128x128xbf16, #tpu.memory_space<vmem>>)
            %lt3A_317 = arith.cmpi slt, %add3A_311, %shift_right_arithmetic3A_51 : i32
            %convert_element_type3A_318 = arith.extui %lt3A_317 : i1 to i32
            %cond3A_319 = arith.constant 0 : i32
            %cond3A_320 = arith.cmpi ne, %convert_element_type3A_318, %cond3A_319 : i32
            scf.if %cond3A_320 {
              %dma_start3A = arith.constant 0 : i32
              %dma_start3A_321 = tpu.memref_slice %arg7[%add3A_311, %dma_start3A] : memref<64x128xi32, #tpu.memory_space<vmem>> -> memref<1x128xi32, #tpu.memory_space<vmem>>
              %dma_start3A_322 = tpu.memref_squeeze %dma_start3A_321 : memref<1x128xi32, #tpu.memory_space<vmem>> -> memref<128xi32, #tpu.memory_space<vmem>>
              %dma_start3A_323 = arith.constant 0 : i32
              %dma_start3A_324 = arith.constant 0 : i32
              %dma_start3A_325 = tpu.memref_slice %arg2[%dma_start3A_323, %dma_start3A_324] : memref<50000x128xbf16, #tpu.memory_space<hbm>> -> memref<50000x128xbf16, #tpu.memory_space<hbm>>
              tpu.enqueue_indirect_dma source(%dma_start3A_325 : memref<50000x128xbf16, #tpu.memory_space<hbm>>) target(%arg12 : memref<128x128xbf16, #tpu.memory_space<vmem>>) offsets(%dma_start3A_322 : memref<128xi32, #tpu.memory_space<vmem>>) semaphore(%arg15 : memref<!tpu.dma_semaphore, #tpu.memory_space<semaphore_mem>>)
            } else {
            }
            "tpu.region"() ({
              %run_scoped3A = tpu.sem_alloc : memref<!tpu.dma_semaphore, #tpu.memory_space<semaphore_mem>>
              %dma_start3A = arith.constant 0 : i32
              %dma_start3A_321 = tpu.memref_slice %arg8[%mul3A_298, %dma_start3A] : memref<64x128xi32, #tpu.memory_space<vmem>> -> memref<1x128xi32, #tpu.memory_space<vmem>>
              %dma_start3A_322 = tpu.memref_squeeze %dma_start3A_321 : memref<1x128xi32, #tpu.memory_space<vmem>> -> memref<128xi32, #tpu.memory_space<vmem>>
              %dma_start3A_323 = arith.constant 0 : i32
              %dma_start3A_324 = arith.constant 0 : i32
              %dma_start3A_325 = tpu.memref_slice %arg13[%dma_start3A_323, %dma_start3A_324] : memref<12552x128xbf16, #tpu.memory_space<vmem_shared>> -> memref<12552x128xbf16, #tpu.memory_space<vmem_shared>>
              tpu.enqueue_indirect_dma source(%arg11 : memref<128x128xbf16, #tpu.memory_space<vmem>>) target(%dma_start3A_325 : memref<12552x128xbf16, #tpu.memory_space<vmem_shared>>) offsets(%dma_start3A_322 : memref<128xi32, #tpu.memory_space<vmem>>) semaphore(%run_scoped3A : memref<!tpu.dma_semaphore, #tpu.memory_space<semaphore_mem>>) {add = true}
              %dma_wait3A_326 = arith.constant 0 : i32
              %dma_wait3A_327 = tpu.memref_slice %arg8[%mul3A_298, %dma_wait3A_326] : memref<64x128xi32, #tpu.memory_space<vmem>> -> memref<1x128xi32, #tpu.memory_space<vmem>>
              %dma_wait3A_328 = tpu.memref_squeeze %dma_wait3A_327 : memref<1x128xi32, #tpu.memory_space<vmem>> -> memref<128xi32, #tpu.memory_space<vmem>>
              %dma_wait3A_329 = arith.constant 0 : i32
              %dma_wait3A_330 = arith.constant 0 : i32
              %dma_wait3A_331 = tpu.memref_slice %arg13[%dma_wait3A_329, %dma_wait3A_330] : memref<12552x128xbf16, #tpu.memory_space<vmem_shared>> -> memref<12552x128xbf16, #tpu.memory_space<vmem_shared>>
              tpu.wait_indirect_dma semaphore(%run_scoped3A : memref<!tpu.dma_semaphore, #tpu.memory_space<semaphore_mem>>) src(%arg11 : memref<128x128xbf16, #tpu.memory_space<vmem>>) dst(%dma_wait3A_331 : memref<12552x128xbf16, #tpu.memory_space<vmem_shared>>)
              tpu.yield
            }) : () -> ()
          } else {
          }
          %add3A_303 = arith.constant 1 : i32
          %add3A_304 = arith.addi %mul3A_298, %add3A_303 : i32
          %lt3A_305 = arith.cmpi slt, %add3A_304, %shift_right_arithmetic3A_51 : i32
          %convert_element_type3A_306 = arith.extui %lt3A_305 : i1 to i32
          %cond3A_307 = arith.constant 0 : i32
          %cond3A_308 = arith.cmpi ne, %convert_element_type3A_306, %cond3A_307 : i32
          scf.if %cond3A_308 {
            %add3A_310 = arith.constant 1 : i32
            %add3A_311 = arith.addi %mul3A_298, %add3A_310 : i32
            %add3A_312 = arith.constant 2 : i32
            %add3A_313 = arith.addi %mul3A_298, %add3A_312 : i32
            %dma_wait3A = arith.constant 0 : i32
            %dma_wait3A_314 = tpu.memref_slice %arg7[%add3A_311, %dma_wait3A] : memref<64x128xi32, #tpu.memory_space<vmem>> -> memref<1x128xi32, #tpu.memory_space<vmem>>
            %dma_wait3A_315 = tpu.memref_squeeze %dma_wait3A_314 : memref<1x128xi32, #tpu.memory_space<vmem>> -> memref<128xi32, #tpu.memory_space<vmem>>
            %dma_wait3A_316 = arith.constant 0 : i32
            %dma_wait3A_317 = arith.constant 0 : i32
            %dma_wait3A_318 = tpu.memref_slice %arg2[%dma_wait3A_316, %dma_wait3A_317] : memref<50000x128xbf16, #tpu.memory_space<hbm>> -> memref<50000x128xbf16, #tpu.memory_space<hbm>>
            tpu.wait_indirect_dma semaphore(%arg15 : memref<!tpu.dma_semaphore, #tpu.memory_space<semaphore_mem>>) src(%dma_wait3A_318 : memref<50000x128xbf16, #tpu.memory_space<hbm>>) dst(%arg12 : memref<128x128xbf16, #tpu.memory_space<vmem>>)
            %lt3A_319 = arith.cmpi slt, %add3A_313, %shift_right_arithmetic3A_51 : i32
            %convert_element_type3A_320 = arith.extui %lt3A_319 : i1 to i32
            %cond3A_321 = arith.constant 0 : i32
            %cond3A_322 = arith.cmpi ne, %convert_element_type3A_320, %cond3A_321 : i32
            scf.if %cond3A_322 {
              %dma_start3A = arith.constant 0 : i32
              %dma_start3A_323 = tpu.memref_slice %arg7[%add3A_313, %dma_start3A] : memref<64x128xi32, #tpu.memory_space<vmem>> -> memref<1x128xi32, #tpu.memory_space<vmem>>
              %dma_start3A_324 = tpu.memref_squeeze %dma_start3A_323 : memref<1x128xi32, #tpu.memory_space<vmem>> -> memref<128xi32, #tpu.memory_space<vmem>>
              %dma_start3A_325 = arith.constant 0 : i32
              %dma_start3A_326 = arith.constant 0 : i32
              %dma_start3A_327 = tpu.memref_slice %arg2[%dma_start3A_325, %dma_start3A_326] : memref<50000x128xbf16, #tpu.memory_space<hbm>> -> memref<50000x128xbf16, #tpu.memory_space<hbm>>
              tpu.enqueue_indirect_dma source(%dma_start3A_327 : memref<50000x128xbf16, #tpu.memory_space<hbm>>) target(%arg11 : memref<128x128xbf16, #tpu.memory_space<vmem>>) offsets(%dma_start3A_324 : memref<128xi32, #tpu.memory_space<vmem>>) semaphore(%arg14 : memref<!tpu.dma_semaphore, #tpu.memory_space<semaphore_mem>>)
            } else {
            }
            "tpu.region"() ({
              %run_scoped3A = tpu.sem_alloc : memref<!tpu.dma_semaphore, #tpu.memory_space<semaphore_mem>>
              %dma_start3A = arith.constant 0 : i32
              %dma_start3A_323 = tpu.memref_slice %arg8[%add3A_311, %dma_start3A] : memref<64x128xi32, #tpu.memory_space<vmem>> -> memref<1x128xi32, #tpu.memory_space<vmem>>
              %dma_start3A_324 = tpu.memref_squeeze %dma_start3A_323 : memref<1x128xi32, #tpu.memory_space<vmem>> -> memref<128xi32, #tpu.memory_space<vmem>>
              %dma_start3A_325 = arith.constant 0 : i32
              %dma_start3A_326 = arith.constant 0 : i32
              %dma_start3A_327 = tpu.memref_slice %arg13[%dma_start3A_325, %dma_start3A_326] : memref<12552x128xbf16, #tpu.memory_space<vmem_shared>> -> memref<12552x128xbf16, #tpu.memory_space<vmem_shared>>
              tpu.enqueue_indirect_dma source(%arg12 : memref<128x128xbf16, #tpu.memory_space<vmem>>) target(%dma_start3A_327 : memref<12552x128xbf16, #tpu.memory_space<vmem_shared>>) offsets(%dma_start3A_324 : memref<128xi32, #tpu.memory_space<vmem>>) semaphore(%run_scoped3A : memref<!tpu.dma_semaphore, #tpu.memory_space<semaphore_mem>>) {add = true}
              %dma_wait3A_328 = arith.constant 0 : i32
              %dma_wait3A_329 = tpu.memref_slice %arg8[%add3A_311, %dma_wait3A_328] : memref<64x128xi32, #tpu.memory_space<vmem>> -> memref<1x128xi32, #tpu.memory_space<vmem>>
              %dma_wait3A_330 = tpu.memref_squeeze %dma_wait3A_329 : memref<1x128xi32, #tpu.memory_space<vmem>> -> memref<128xi32, #tpu.memory_space<vmem>>
              %dma_wait3A_331 = arith.constant 0 : i32
              %dma_wait3A_332 = arith.constant 0 : i32
              %dma_wait3A_333 = tpu.memref_slice %arg13[%dma_wait3A_331, %dma_wait3A_332] : memref<12552x128xbf16, #tpu.memory_space<vmem_shared>> -> memref<12552x128xbf16, #tpu.memory_space<vmem_shared>>
              tpu.wait_indirect_dma semaphore(%run_scoped3A : memref<!tpu.dma_semaphore, #tpu.memory_space<semaphore_mem>>) src(%arg12 : memref<128x128xbf16, #tpu.memory_space<vmem>>) dst(%dma_wait3A_333 : memref<12552x128xbf16, #tpu.memory_space<vmem_shared>>)
              tpu.yield
            }) : () -> ()
          } else {
          }
          %while3A_309 = arith.constant 0 : i32
          scf.yield %while3A_309 : i32
        }
        %while3A_292 = arith.constant 1 : i32
        %while3A_293 = scf.for %while3A_295 = %while3A_289 to %while3A_285 step %while3A_292 iter_args(%while3A_296 = %while3A_291) -> (i32)  : i32 {
          %mul3A_297 = arith.constant 2 : i32
          %mul3A_298 = arith.muli %while3A_295, %mul3A_297 : i32
          %lt3A_299 = arith.cmpi slt, %mul3A_298, %shift_right_arithmetic3A_51 : i32
          %convert_element_type3A_300 = arith.extui %lt3A_299 : i1 to i32
          %cond3A_301 = arith.constant 0 : i32
          %cond3A_302 = arith.cmpi ne, %convert_element_type3A_300, %cond3A_301 : i32
          scf.if %cond3A_302 {
            %add3A_310 = arith.constant 1 : i32
            %add3A_311 = arith.addi %mul3A_298, %add3A_310 : i32
            %dma_wait3A = arith.constant 0 : i32
            %dma_wait3A_312 = tpu.memref_slice %arg7[%mul3A_298, %dma_wait3A] : memref<64x128xi32, #tpu.memory_space<vmem>> -> memref<1x128xi32, #tpu.memory_space<vmem>>
            %dma_wait3A_313 = tpu.memref_squeeze %dma_wait3A_312 : memref<1x128xi32, #tpu.memory_space<vmem>> -> memref<128xi32, #tpu.memory_space<vmem>>
            %dma_wait3A_314 = arith.constant 0 : i32
            %dma_wait3A_315 = arith.constant 0 : i32
            %dma_wait3A_316 = tpu.memref_slice %arg2[%dma_wait3A_314, %dma_wait3A_315] : memref<50000x128xbf16, #tpu.memory_space<hbm>> -> memref<50000x128xbf16, #tpu.memory_space<hbm>>
            tpu.wait_indirect_dma semaphore(%arg14 : memref<!tpu.dma_semaphore, #tpu.memory_space<semaphore_mem>>) src(%dma_wait3A_316 : memref<50000x128xbf16, #tpu.memory_space<hbm>>) dst(%arg11 : memref<128x128xbf16, #tpu.memory_space<vmem>>)
            %lt3A_317 = arith.cmpi slt, %add3A_311, %shift_right_arithmetic3A_51 : i32
            %convert_element_type3A_318 = arith.extui %lt3A_317 : i1 to i32
            %cond3A_319 = arith.constant 0 : i32
            %cond3A_320 = arith.cmpi ne, %convert_element_type3A_318, %cond3A_319 : i32
            scf.if %cond3A_320 {
              %dma_start3A = arith.constant 0 : i32
              %dma_start3A_321 = tpu.memref_slice %arg7[%add3A_311, %dma_start3A] : memref<64x128xi32, #tpu.memory_space<vmem>> -> memref<1x128xi32, #tpu.memory_space<vmem>>
              %dma_start3A_322 = tpu.memref_squeeze %dma_start3A_321 : memref<1x128xi32, #tpu.memory_space<vmem>> -> memref<128xi32, #tpu.memory_space<vmem>>
              %dma_start3A_323 = arith.constant 0 : i32
              %dma_start3A_324 = arith.constant 0 : i32
              %dma_start3A_325 = tpu.memref_slice %arg2[%dma_start3A_323, %dma_start3A_324] : memref<50000x128xbf16, #tpu.memory_space<hbm>> -> memref<50000x128xbf16, #tpu.memory_space<hbm>>
              tpu.enqueue_indirect_dma source(%dma_start3A_325 : memref<50000x128xbf16, #tpu.memory_space<hbm>>) target(%arg12 : memref<128x128xbf16, #tpu.memory_space<vmem>>) offsets(%dma_start3A_322 : memref<128xi32, #tpu.memory_space<vmem>>) semaphore(%arg15 : memref<!tpu.dma_semaphore, #tpu.memory_space<semaphore_mem>>)
            } else {
            }
            "tpu.region"() ({
              %run_scoped3A = tpu.sem_alloc : memref<!tpu.dma_semaphore, #tpu.memory_space<semaphore_mem>>
              %dma_start3A = arith.constant 0 : i32
              %dma_start3A_321 = tpu.memref_slice %arg8[%mul3A_298, %dma_start3A] : memref<64x128xi32, #tpu.memory_space<vmem>> -> memref<1x128xi32, #tpu.memory_space<vmem>>
              %dma_start3A_322 = tpu.memref_squeeze %dma_start3A_321 : memref<1x128xi32, #tpu.memory_space<vmem>> -> memref<128xi32, #tpu.memory_space<vmem>>
              %dma_start3A_323 = arith.constant 0 : i32
              %dma_start3A_324 = arith.constant 0 : i32
              %dma_start3A_325 = tpu.memref_slice %arg13[%dma_start3A_323, %dma_start3A_324] : memref<12552x128xbf16, #tpu.memory_space<vmem_shared>> -> memref<12552x128xbf16, #tpu.memory_space<vmem_shared>>
              tpu.enqueue_indirect_dma source(%arg11 : memref<128x128xbf16, #tpu.memory_space<vmem>>) target(%dma_start3A_325 : memref<12552x128xbf16, #tpu.memory_space<vmem_shared>>) offsets(%dma_start3A_322 : memref<128xi32, #tpu.memory_space<vmem>>) semaphore(%run_scoped3A : memref<!tpu.dma_semaphore, #tpu.memory_space<semaphore_mem>>) {add = true}
              %dma_wait3A_326 = arith.constant 0 : i32
              %dma_wait3A_327 = tpu.memref_slice %arg8[%mul3A_298, %dma_wait3A_326] : memref<64x128xi32, #tpu.memory_space<vmem>> -> memref<1x128xi32, #tpu.memory_space<vmem>>
              %dma_wait3A_328 = tpu.memref_squeeze %dma_wait3A_327 : memref<1x128xi32, #tpu.memory_space<vmem>> -> memref<128xi32, #tpu.memory_space<vmem>>
              %dma_wait3A_329 = arith.constant 0 : i32
              %dma_wait3A_330 = arith.constant 0 : i32
              %dma_wait3A_331 = tpu.memref_slice %arg13[%dma_wait3A_329, %dma_wait3A_330] : memref<12552x128xbf16, #tpu.memory_space<vmem_shared>> -> memref<12552x128xbf16, #tpu.memory_space<vmem_shared>>
              tpu.wait_indirect_dma semaphore(%run_scoped3A : memref<!tpu.dma_semaphore, #tpu.memory_space<semaphore_mem>>) src(%arg11 : memref<128x128xbf16, #tpu.memory_space<vmem>>) dst(%dma_wait3A_331 : memref<12552x128xbf16, #tpu.memory_space<vmem_shared>>)
              tpu.yield
            }) : () -> ()
          } else {
          }
          %add3A_303 = arith.constant 1 : i32
          %add3A_304 = arith.addi %mul3A_298, %add3A_303 : i32
          %lt3A_305 = arith.cmpi slt, %add3A_304, %shift_right_arithmetic3A_51 : i32
          %convert_element_type3A_306 = arith.extui %lt3A_305 : i1 to i32
          %cond3A_307 = arith.constant 0 : i32
          %cond3A_308 = arith.cmpi ne, %convert_element_type3A_306, %cond3A_307 : i32
          scf.if %cond3A_308 {
            %add3A_310 = arith.constant 1 : i32
            %add3A_311 = arith.addi %mul3A_298, %add3A_310 : i32
            %add3A_312 = arith.constant 2 : i32
            %add3A_313 = arith.addi %mul3A_298, %add3A_312 : i32
            %dma_wait3A = arith.constant 0 : i32
            %dma_wait3A_314 = tpu.memref_slice %arg7[%add3A_311, %dma_wait3A] : memref<64x128xi32, #tpu.memory_space<vmem>> -> memref<1x128xi32, #tpu.memory_space<vmem>>
            %dma_wait3A_315 = tpu.memref_squeeze %dma_wait3A_314 : memref<1x128xi32, #tpu.memory_space<vmem>> -> memref<128xi32, #tpu.memory_space<vmem>>
            %dma_wait3A_316 = arith.constant 0 : i32
            %dma_wait3A_317 = arith.constant 0 : i32
            %dma_wait3A_318 = tpu.memref_slice %arg2[%dma_wait3A_316, %dma_wait3A_317] : memref<50000x128xbf16, #tpu.memory_space<hbm>> -> memref<50000x128xbf16, #tpu.memory_space<hbm>>
            tpu.wait_indirect_dma semaphore(%arg15 : memref<!tpu.dma_semaphore, #tpu.memory_space<semaphore_mem>>) src(%dma_wait3A_318 : memref<50000x128xbf16, #tpu.memory_space<hbm>>) dst(%arg12 : memref<128x128xbf16, #tpu.memory_space<vmem>>)
            %lt3A_319 = arith.cmpi slt, %add3A_313, %shift_right_arithmetic3A_51 : i32
            %convert_element_type3A_320 = arith.extui %lt3A_319 : i1 to i32
            %cond3A_321 = arith.constant 0 : i32
            %cond3A_322 = arith.cmpi ne, %convert_element_type3A_320, %cond3A_321 : i32
            scf.if %cond3A_322 {
              %dma_start3A = arith.constant 0 : i32
              %dma_start3A_323 = tpu.memref_slice %arg7[%add3A_313, %dma_start3A] : memref<64x128xi32, #tpu.memory_space<vmem>> -> memref<1x128xi32, #tpu.memory_space<vmem>>
              %dma_start3A_324 = tpu.memref_squeeze %dma_start3A_323 : memref<1x128xi32, #tpu.memory_space<vmem>> -> memref<128xi32, #tpu.memory_space<vmem>>
              %dma_start3A_325 = arith.constant 0 : i32
              %dma_start3A_326 = arith.constant 0 : i32
              %dma_start3A_327 = tpu.memref_slice %arg2[%dma_start3A_325, %dma_start3A_326] : memref<50000x128xbf16, #tpu.memory_space<hbm>> -> memref<50000x128xbf16, #tpu.memory_space<hbm>>
              tpu.enqueue_indirect_dma source(%dma_start3A_327 : memref<50000x128xbf16, #tpu.memory_space<hbm>>) target(%arg11 : memref<128x128xbf16, #tpu.memory_space<vmem>>) offsets(%dma_start3A_324 : memref<128xi32, #tpu.memory_space<vmem>>) semaphore(%arg14 : memref<!tpu.dma_semaphore, #tpu.memory_space<semaphore_mem>>)
            } else {
            }
            "tpu.region"() ({
              %run_scoped3A = tpu.sem_alloc : memref<!tpu.dma_semaphore, #tpu.memory_space<semaphore_mem>>
              %dma_start3A = arith.constant 0 : i32
              %dma_start3A_323 = tpu.memref_slice %arg8[%add3A_311, %dma_start3A] : memref<64x128xi32, #tpu.memory_space<vmem>> -> memref<1x128xi32, #tpu.memory_space<vmem>>
              %dma_start3A_324 = tpu.memref_squeeze %dma_start3A_323 : memref<1x128xi32, #tpu.memory_space<vmem>> -> memref<128xi32, #tpu.memory_space<vmem>>
              %dma_start3A_325 = arith.constant 0 : i32
              %dma_start3A_326 = arith.constant 0 : i32
              %dma_start3A_327 = tpu.memref_slice %arg13[%dma_start3A_325, %dma_start3A_326] : memref<12552x128xbf16, #tpu.memory_space<vmem_shared>> -> memref<12552x128xbf16, #tpu.memory_space<vmem_shared>>
              tpu.enqueue_indirect_dma source(%arg12 : memref<128x128xbf16, #tpu.memory_space<vmem>>) target(%dma_start3A_327 : memref<12552x128xbf16, #tpu.memory_space<vmem_shared>>) offsets(%dma_start3A_324 : memref<128xi32, #tpu.memory_space<vmem>>) semaphore(%run_scoped3A : memref<!tpu.dma_semaphore, #tpu.memory_space<semaphore_mem>>) {add = true}
              %dma_wait3A_328 = arith.constant 0 : i32
              %dma_wait3A_329 = tpu.memref_slice %arg8[%add3A_311, %dma_wait3A_328] : memref<64x128xi32, #tpu.memory_space<vmem>> -> memref<1x128xi32, #tpu.memory_space<vmem>>
              %dma_wait3A_330 = tpu.memref_squeeze %dma_wait3A_329 : memref<1x128xi32, #tpu.memory_space<vmem>> -> memref<128xi32, #tpu.memory_space<vmem>>
              %dma_wait3A_331 = arith.constant 0 : i32
              %dma_wait3A_332 = arith.constant 0 : i32
              %dma_wait3A_333 = tpu.memref_slice %arg13[%dma_wait3A_331, %dma_wait3A_332] : memref<12552x128xbf16, #tpu.memory_space<vmem_shared>> -> memref<12552x128xbf16, #tpu.memory_space<vmem_shared>>
              tpu.wait_indirect_dma semaphore(%run_scoped3A : memref<!tpu.dma_semaphore, #tpu.memory_space<semaphore_mem>>) src(%arg12 : memref<128x128xbf16, #tpu.memory_space<vmem>>) dst(%dma_wait3A_333 : memref<12552x128xbf16, #tpu.memory_space<vmem_shared>>)
              tpu.yield
            }) : () -> ()
          } else {
          }
          %while3A_309 = arith.constant 0 : i32
          scf.yield %while3A_309 : i32
        }
        %scan3A_294 = arith.constant 0 : i32
        scf.yield %scan3A_294 : i32
      }
      %scan3A_34 = arith.constant 4 : i32
      %barrier3A_35 = arith.constant 0 : index
      tpu.barrier barrier_id(%barrier3A_35)
      %mul3A_36 = arith.constant 784 : i32
      %mul3A_37 = arith.muli %arg1, %mul3A_36 : i32
      %add3A_38 = arith.addi %mul3A_24, %mul3A_37 : i32
      "tpu.region"() ({
        %run_scoped3A = tpu.sem_alloc : memref<!tpu.dma_semaphore, #tpu.memory_space<semaphore_mem>>
        %dma_start3A = arith.constant 0 : i32
        %dma_start3A_40 = tpu.memref_slice %arg6[%add3A_38, %dma_start3A] : memref<50176x128xbf16, #tpu.memory_space<hbm>> -> memref<784x128xbf16, #tpu.memory_space<hbm>>
        %dma_start3A_41 = arith.constant 0 : i32
        %dma_start3A_42 = tpu.memref_slice %arg13[%mul3A_37, %dma_start3A_41] : memref<12552x128xbf16, #tpu.memory_space<vmem_shared>> -> memref<784x128xbf16, #tpu.memory_space<vmem_shared>>
        tpu.enqueue_dma source(%dma_start3A_42 : memref<784x128xbf16, #tpu.memory_space<vmem_shared>>) target(%dma_start3A_40 : memref<784x128xbf16, #tpu.memory_space<hbm>>) target_semaphore(%run_scoped3A : memref<!tpu.dma_semaphore, #tpu.memory_space<semaphore_mem>>)
        %dma_wait3A = arith.constant 0 : i32
        %dma_wait3A_43 = tpu.memref_slice %arg6[%add3A_38, %dma_wait3A] : memref<50176x128xbf16, #tpu.memory_space<hbm>> -> memref<784x128xbf16, #tpu.memory_space<hbm>>
        %dma_wait3A_44 = arith.constant 0 : i32
        %dma_wait3A_45 = tpu.memref_slice %arg13[%mul3A_37, %dma_wait3A_44] : memref<12552x128xbf16, #tpu.memory_space<vmem_shared>> -> memref<784x128xbf16, #tpu.memory_space<vmem_shared>>
        tpu.wait_dma2 semaphore(%run_scoped3A : memref<!tpu.dma_semaphore, #tpu.memory_space<semaphore_mem>>) src(%dma_wait3A_45 : memref<784x128xbf16, #tpu.memory_space<vmem_shared>>) dst(%dma_wait3A_43 : memref<784x128xbf16, #tpu.memory_space<hbm>>)
        tpu.yield
      }) : () -> ()
      %scan3A_39 = arith.constant 0 : i32
      scf.yield %scan3A_39 : i32
    }
    %scan3A_17 = arith.constant 2 : i32
    return
  }
}

#map = affine_map<(d0, d1) -> (0, 0)>
#map1 = affine_map<(d0, d1) -> (0)>
module attributes {stable_mosaic.version = 14 : i64} {
  func.func @seg_sum(%arg0: i32, %arg1: i32, %arg2: memref<50000x128xbf16, #tpu.memory_space<hbm>>, %arg3: memref<524288xi32, #tpu.memory_space<hbm>>, %arg4: memref<524288xi32, #tpu.memory_space<hbm>>, %arg5: memref<784x128xbf16, #tpu.memory_space<hbm>>, %arg6: memref<50176x128xbf16, #tpu.memory_space<hbm>>, %arg7: memref<64x128xi32, #tpu.memory_space<vmem>>, %arg8: memref<64x128xi32, #tpu.memory_space<vmem>>, %arg9: memref<8192xi32, #tpu.memory_space<vmem>>, %arg10: memref<8192xi32, #tpu.memory_space<vmem>>, %arg11: memref<128x128xbf16, #tpu.memory_space<vmem>>, %arg12: memref<128x128xbf16, #tpu.memory_space<vmem>>, %arg13: memref<12552x128xbf16, #tpu.memory_space<vmem_shared>>, %arg14: memref<!tpu.dma_semaphore, #tpu.memory_space<semaphore_mem>>, %arg15: memref<!tpu.dma_semaphore, #tpu.memory_space<semaphore_mem>>) attributes {dimension_semantics = [#tpu.dimension_semantics<core_parallel>, #tpu.dimension_semantics<subcore_parallel>], iteration_bounds = array<i64: 2, 16>, scalar_prefetch = 0 : i64, scratch_operands = 9 : i64, tpu.core_type = #tpu.core_type<sc_vector_subcore>, window_params = [{transform_indices = #map}, {transform_indices = #map1}, {transform_indices = #map1}, {transform_indices = #map}, {transform_indices = #map}]} {
    %iota3A = tpu.iota {dimensions = array<i32: 0>} : vector<16xi32>
    %mul3A = arith.constant 97 : i32
    %mul3A_0 = vector.broadcast %mul3A : i32 to vector<16xi32>
    %mul3A_1 = arith.muli %iota3A, %mul3A_0 : vector<16xi32>
    %mul3A_2 = arith.constant 16 : i32
    %mul3A_3 = arith.muli %arg1, %mul3A_2 : i32
    %add3A = vector.broadcast %mul3A_3 : i32 to vector<16xi32>
    %add3A_4 = arith.addi %mul3A_1, %add3A : vector<16xi32>
    %and3A = arith.constant 7 : i32
    %and3A_5 = vector.broadcast %and3A : i32 to vector<16xi32>
    %and3A_6 = arith.andi %iota3A, %and3A_5 : vector<16xi32>
    %add3A_7 = arith.constant 12544 : i32
    %add3A_8 = vector.broadcast %add3A_7 : i32 to vector<16xi32>
    %add3A_9 = arith.addi %add3A_8, %and3A_6 : vector<16xi32>
    %mul3A_10 = arith.constant 32768 : i32
    %mul3A_11 = arith.muli %arg1, %mul3A_10 : i32
    %scan3A = arith.constant 0 : i32
    %scan3A_12 = arith.constant 0 : i32
    %scan3A_13 = arith.constant 2 : i32
    %scan3A_14 = arith.addi %scan3A_12, %scan3A_13 : i32
    %scan3A_15 = arith.constant 1 : i32
    %scan3A_16 = scf.for %scan3A_18 = %scan3A_12 to %scan3A_14 step %scan3A_15 iter_args(%scan3A_19 = %scan3A) -> (i32)  : i32 {
      %mul3A_20 = arith.constant 2 : i32
      %mul3A_21 = arith.muli %arg0, %mul3A_20 : i32
      %add3A_22 = arith.addi %mul3A_21, %scan3A_18 : i32
      %mul3A_23 = arith.constant 12544 : i32
      %mul3A_24 = arith.muli %add3A_22, %mul3A_23 : i32
      %barrier3A = arith.constant 0 : index
      tpu.barrier barrier_id(%barrier3A)
      %mul3A_25 = arith.constant 784 : i32
      %mul3A_26 = arith.muli %arg1, %mul3A_25 : i32
      "tpu.region"() ({
        %run_scoped3A = tpu.sem_alloc : memref<!tpu.dma_semaphore, #tpu.memory_space<semaphore_mem>>
        %dma_start3A = arith.constant 0 : i32
        %dma_start3A_40 = tpu.memref_slice %arg13[%mul3A_26, %dma_start3A] : memref<12552x128xbf16, #tpu.memory_space<vmem_shared>> -> memref<784x128xbf16, #tpu.memory_space<vmem_shared>>
        tpu.enqueue_dma source(%arg5 : memref<784x128xbf16, #tpu.memory_space<hbm>>) target(%dma_start3A_40 : memref<784x128xbf16, #tpu.memory_space<vmem_shared>>) target_semaphore(%run_scoped3A : memref<!tpu.dma_semaphore, #tpu.memory_space<semaphore_mem>>)
        %dma_wait3A = arith.constant 0 : i32
        %dma_wait3A_41 = tpu.memref_slice %arg13[%mul3A_26, %dma_wait3A] : memref<12552x128xbf16, #tpu.memory_space<vmem_shared>> -> memref<784x128xbf16, #tpu.memory_space<vmem_shared>>
        tpu.wait_dma2 semaphore(%run_scoped3A : memref<!tpu.dma_semaphore, #tpu.memory_space<semaphore_mem>>) src(%arg5 : memref<784x128xbf16, #tpu.memory_space<hbm>>) dst(%dma_wait3A_41 : memref<784x128xbf16, #tpu.memory_space<vmem_shared>>)
        tpu.yield
      }) : () -> ()
      %barrier3A_27 = arith.constant 0 : index
      tpu.barrier barrier_id(%barrier3A_27)
      %scan3A_28 = arith.constant 0 : i32
      %scan3A_29 = arith.constant 0 : i32
      %scan3A_30 = arith.constant 4 : i32
      %scan3A_31 = arith.addi %scan3A_29, %scan3A_30 : i32
      %scan3A_32 = arith.constant 1 : i32
      %scan3A_33 = scf.for %scan3A_40 = %scan3A_29 to %scan3A_31 step %scan3A_32 iter_args(%scan3A_41 = %scan3A_28) -> (i32)  : i32 {
        %mul3A_42 = arith.constant 8192 : i32
        %mul3A_43 = arith.muli %scan3A_40, %mul3A_42 : i32
        %add3A_44 = arith.addi %mul3A_11, %mul3A_43 : i32
        "tpu.region"() ({
          %run_scoped3A = tpu.sem_alloc : memref<!tpu.dma_semaphore, #tpu.memory_space<semaphore_mem>>
          %dma_start3A = tpu.memref_slice %arg3[%add3A_44] : memref<524288xi32, #tpu.memory_space<hbm>> -> memref<8192xi32, #tpu.memory_space<hbm>>
          %dma_start3A_295 = tpu.memref_slice %arg3[%add3A_44] : memref<524288xi32, #tpu.memory_space<hbm>> -> memref<8192xi32, #tpu.memory_space<hbm>>
          tpu.enqueue_dma source(%dma_start3A_295 : memref<8192xi32, #tpu.memory_space<hbm>>) target(%arg9 : memref<8192xi32, #tpu.memory_space<vmem>>) target_semaphore(%run_scoped3A : memref<!tpu.dma_semaphore, #tpu.memory_space<semaphore_mem>>)
          %dma_wait3A = tpu.memref_slice %arg3[%add3A_44] : memref<524288xi32, #tpu.memory_space<hbm>> -> memref<8192xi32, #tpu.memory_space<hbm>>
          %dma_wait3A_296 = tpu.memref_slice %arg3[%add3A_44] : memref<524288xi32, #tpu.memory_space<hbm>> -> memref<8192xi32, #tpu.memory_space<hbm>>
          tpu.wait_dma2 semaphore(%run_scoped3A : memref<!tpu.dma_semaphore, #tpu.memory_space<semaphore_mem>>) src(%dma_wait3A_296 : memref<8192xi32, #tpu.memory_space<hbm>>) dst(%arg9 : memref<8192xi32, #tpu.memory_space<vmem>>)
          tpu.yield
        }) : () -> ()
        "tpu.region"() ({
          %run_scoped3A = tpu.sem_alloc : memref<!tpu.dma_semaphore, #tpu.memory_space<semaphore_mem>>
          %dma_start3A = tpu.memref_slice %arg4[%add3A_44] : memref<524288xi32, #tpu.memory_space<hbm>> -> memref<8192xi32, #tpu.memory_space<hbm>>
          %dma_start3A_295 = tpu.memref_slice %arg4[%add3A_44] : memref<524288xi32, #tpu.memory_space<hbm>> -> memref<8192xi32, #tpu.memory_space<hbm>>
          tpu.enqueue_dma source(%dma_start3A_295 : memref<8192xi32, #tpu.memory_space<hbm>>) target(%arg10 : memref<8192xi32, #tpu.memory_space<vmem>>) target_semaphore(%run_scoped3A : memref<!tpu.dma_semaphore, #tpu.memory_space<semaphore_mem>>)
          %dma_wait3A = tpu.memref_slice %arg4[%add3A_44] : memref<524288xi32, #tpu.memory_space<hbm>> -> memref<8192xi32, #tpu.memory_space<hbm>>
          %dma_wait3A_296 = tpu.memref_slice %arg4[%add3A_44] : memref<524288xi32, #tpu.memory_space<hbm>> -> memref<8192xi32, #tpu.memory_space<hbm>>
          tpu.wait_dma2 semaphore(%run_scoped3A : memref<!tpu.dma_semaphore, #tpu.memory_space<semaphore_mem>>) src(%dma_wait3A_296 : memref<8192xi32, #tpu.memory_space<hbm>>) dst(%arg10 : memref<8192xi32, #tpu.memory_space<vmem>>)
          tpu.yield
        }) : () -> ()
        %parallel_loop3A = arith.constant 0 : i32
        %parallel_loop3A_45 = arith.constant 512 : i32
        %parallel_loop3A_46 = arith.constant 1 : i32
        %parallel_loop3A_47 = arith.constant 0 : i32
        %parallel_loop3A_48 = scf.for %parallel_loop3A_295 = %parallel_loop3A to %parallel_loop3A_45 step %parallel_loop3A_46 iter_args(%parallel_loop3A_296 = %parallel_loop3A_47) -> (i32)  : i32 {
          %parallel_loop3A_297 = arith.constant 16 : i32
          %parallel_loop3A_298 = arith.muli %parallel_loop3A_295, %parallel_loop3A_297 : i32
          %parallel_loop3A_299 = arith.index_cast %parallel_loop3A_298 : i32 to index
          %parallel_loop3A_300 = tpu.vector_load %arg10[%parallel_loop3A_299] {strides = array<i32>} : memref<8192xi32, #tpu.memory_space<vmem>>, vector<16xi32>,
          %parallel_loop3A_301 = arith.constant 16 : i32
          %parallel_loop3A_302 = arith.muli %parallel_loop3A_295, %parallel_loop3A_301 : i32
          %parallel_loop3A_303 = arith.index_cast %parallel_loop3A_302 : i32 to index
          %parallel_loop3A_304 = tpu.vector_load %arg9[%parallel_loop3A_303] {strides = array<i32>} : memref<8192xi32, #tpu.memory_space<vmem>>, vector<16xi32>,
          %parallel_loop3A_305 = vector.broadcast %mul3A_24 : i32 to vector<16xi32>
          %parallel_loop3A_306 = arith.subi %parallel_loop3A_300, %parallel_loop3A_305 : vector<16xi32>
          %parallel_loop3A_307 = arith.constant 12544 : i32
          %parallel_loop3A_308 = vector.broadcast %parallel_loop3A_307 : i32 to vector<16xi32>
          %parallel_loop3A_309 = arith.cmpi ult, %parallel_loop3A_306, %parallel_loop3A_308 : vector<16xi32>
          %parallel_loop3A_310 = arith.constant 1 : i32
          %parallel_loop3A_311 = arith.constant 0 : i32
          %parallel_loop3A_312 = vector.broadcast %parallel_loop3A_310 : i32 to vector<16xi32>
          %parallel_loop3A_313 = vector.broadcast %parallel_loop3A_311 : i32 to vector<16xi32>
          %parallel_loop3A_314 = arith.select %parallel_loop3A_309, %parallel_loop3A_312, %parallel_loop3A_313 : vector<16xi1>, vector<16xi32>
          %parallel_loop3A_315 = arith.constant true
          %parallel_loop3A_316 = vector.broadcast %parallel_loop3A_315 : i1 to vector<16xi1>
          %parallel_loop3A_317 = tpu.scan <sum>, %parallel_loop3A_314 masked %parallel_loop3A_316 : vector<16xi32>, vector<16xi1> -> vector<16xi32>
          %parallel_loop3A_318 = vector.broadcast %parallel_loop3A_296 : i32 to vector<16xi32>
          %parallel_loop3A_319 = arith.addi %parallel_loop3A_318, %parallel_loop3A_317 : vector<16xi32>
          %parallel_loop3A_320 = arith.constant 1 : i32
          %parallel_loop3A_321 = vector.broadcast %parallel_loop3A_320 : i32 to vector<16xi32>
          %parallel_loop3A_322 = arith.subi %parallel_loop3A_319, %parallel_loop3A_321 : vector<16xi32>
          %parallel_loop3A_323 = arith.constant 7 : i32
          %parallel_loop3A_324 = vector.broadcast %parallel_loop3A_323 : i32 to vector<16xi32>
          %parallel_loop3A_325 = arith.shrsi %parallel_loop3A_322, %parallel_loop3A_324 : vector<16xi32>
          %parallel_loop3A_326 = arith.constant 127 : i32
          %parallel_loop3A_327 = vector.broadcast %parallel_loop3A_326 : i32 to vector<16xi32>
          %parallel_loop3A_328 = arith.andi %parallel_loop3A_322, %parallel_loop3A_327 : vector<16xi32>
          tpu.vector_store_idx %arg7[%parallel_loop3A_325, %parallel_loop3A_328], %parallel_loop3A_304 masked %parallel_loop3A_309 : memref<64x128xi32, #tpu.memory_space<vmem>>[vector<16xi32>, vector<16xi32>], vector<16xi32>, vector<16xi1>
          %parallel_loop3A_329 = arith.constant 7 : i32
          %parallel_loop3A_330 = vector.broadcast %parallel_loop3A_329 : i32 to vector<16xi32>
          %parallel_loop3A_331 = arith.shrsi %parallel_loop3A_322, %parallel_loop3A_330 : vector<16xi32>
          %parallel_loop3A_332 = arith.constant 127 : i32
          %parallel_loop3A_333 = vector.broadcast %parallel_loop3A_332 : i32 to vector<16xi32>
          %parallel_loop3A_334 = arith.andi %parallel_loop3A_322, %parallel_loop3A_333 : vector<16xi32>
          tpu.vector_store_idx %arg8[%parallel_loop3A_331, %parallel_loop3A_334], %parallel_loop3A_306 masked %parallel_loop3A_309 : memref<64x128xi32, #tpu.memory_space<vmem>>[vector<16xi32>, vector<16xi32>], vector<16xi32>, vector<16xi1>
          %parallel_loop3A_335 = arith.constant true
          %parallel_loop3A_336 = vector.broadcast %parallel_loop3A_335 : i1 to vector<16xi1>
          %parallel_loop3A_337 = tpu.scan <sum>, %parallel_loop3A_314 masked %parallel_loop3A_336 : vector<16xi32>, vector<16xi1> -> vector<16xi32>
          %parallel_loop3A_338 = vector.extract %parallel_loop3A_337[15] : i32 from vector<16xi32>
          %parallel_loop3A_339 = arith.addi %parallel_loop3A_296, %parallel_loop3A_338 : i32
          scf.yield %parallel_loop3A_339 : i32
        } {sc.loop_unroll_factor = 8 : i64, sc.parallel_access}
        %add3A_49 = arith.constant 127 : i32
        %add3A_50 = arith.addi %parallel_loop3A_48, %add3A_49 : i32
        %shift_right_arithmetic3A = arith.constant 7 : i32
        %shift_right_arithmetic3A_51 = arith.shrsi %add3A_50, %shift_right_arithmetic3A : i32
        %shift_right_arithmetic3A_52 = arith.constant 4 : i32
        %shift_right_arithmetic3A_53 = arith.shrsi %parallel_loop3A_48, %shift_right_arithmetic3A_52 : i32
        %add3A_54 = arith.constant 0 : i32
        %add3A_55 = arith.addi %shift_right_arithmetic3A_53, %add3A_54 : i32
        %mul3A_56 = arith.constant 16 : i32
        %mul3A_57 = arith.muli %add3A_55, %mul3A_56 : i32
        %add3A_58 = vector.broadcast %mul3A_57 : i32 to vector<16xi32>
        %add3A_59 = arith.addi %add3A_58, %iota3A : vector<16xi32>
        %ge3A = vector.broadcast %parallel_loop3A_48 : i32 to vector<16xi32>
        %ge3A_60 = arith.cmpi sge, %add3A_59, %ge3A : vector<16xi32>
        %mul3A_61 = arith.constant 128 : i32
        %mul3A_62 = arith.muli %shift_right_arithmetic3A_51, %mul3A_61 : i32
        %lt3A = vector.broadcast %mul3A_62 : i32 to vector<16xi32>
        %lt3A_63 = arith.cmpi slt, %add3A_59, %lt3A : vector<16xi32>
        %and3A_64 = arith.andi %ge3A_60, %lt3A_63 : vector<16xi1>
        %shift_right_arithmetic3A_65 = arith.constant 7 : i32
        %shift_right_arithmetic3A_66 = vector.broadcast %shift_right_arithmetic3A_65 : i32 to vector<16xi32>
        %shift_right_arithmetic3A_67 = arith.shrsi %add3A_59, %shift_right_arithmetic3A_66 : vector<16xi32>
        %and3A_68 = arith.constant 127 : i32
        %and3A_69 = vector.broadcast %and3A_68 : i32 to vector<16xi32>
        %and3A_70 = arith.andi %add3A_59, %and3A_69 : vector<16xi32>
        tpu.vector_store_idx %arg7[%shift_right_arithmetic3A_67, %and3A_70], %add3A_4 masked %and3A_64 : memref<64x128xi32, #tpu.memory_space<vmem>>[vector<16xi32>, vector<16xi32>], vector<16xi32>, vector<16xi1>
        %shift_right_arithmetic3A_71 = arith.constant 7 : i32
        %shift_right_arithmetic3A_72 = vector.broadcast %shift_right_arithmetic3A_71 : i32 to vector<16xi32>
        %shift_right_arithmetic3A_73 = arith.shrsi %add3A_59, %shift_right_arithmetic3A_72 : vector<16xi32>
        %and3A_74 = arith.constant 127 : i32
        %and3A_75 = vector.broadcast %and3A_74 : i32 to vector<16xi32>
        %and3A_76 = arith.andi %add3A_59, %and3A_75 : vector<16xi32>
        tpu.vector_store_idx %arg8[%shift_right_arithmetic3A_73, %and3A_76], %add3A_9 masked %and3A_64 : memref<64x128xi32, #tpu.memory_space<vmem>>[vector<16xi32>, vector<16xi32>], vector<16xi32>, vector<16xi1>
        %add3A_77 = arith.constant 1 : i32
        %add3A_78 = arith.addi %shift_right_arithmetic3A_53, %add3A_77 : i32
        %mul3A_79 = arith.constant 16 : i32
        %mul3A_80 = arith.muli %add3A_78, %mul3A_79 : i32
        %add3A_81 = vector.broadcast %mul3A_80 : i32 to vector<16xi32>
        %add3A_82 = arith.addi %add3A_81, %iota3A : vector<16xi32>
        %ge3A_83 = vector.broadcast %parallel_loop3A_48 : i32 to vector<16xi32>
        %ge3A_84 = arith.cmpi sge, %add3A_82, %ge3A_83 : vector<16xi32>
        %mul3A_85 = arith.constant 128 : i32
        %mul3A_86 = arith.muli %shift_right_arithmetic3A_51, %mul3A_85 : i32
        %lt3A_87 = vector.broadcast %mul3A_86 : i32 to vector<16xi32>
        %lt3A_88 = arith.cmpi slt, %add3A_82, %lt3A_87 : vector<16xi32>
        %and3A_89 = arith.andi %ge3A_84, %lt3A_88 : vector<16xi1>
        %shift_right_arithmetic3A_90 = arith.constant 7 : i32
        %shift_right_arithmetic3A_91 = vector.broadcast %shift_right_arithmetic3A_90 : i32 to vector<16xi32>
        %shift_right_arithmetic3A_92 = arith.shrsi %add3A_82, %shift_right_arithmetic3A_91 : vector<16xi32>
        %and3A_93 = arith.constant 127 : i32
        %and3A_94 = vector.broadcast %and3A_93 : i32 to vector<16xi32>
        %and3A_95 = arith.andi %add3A_82, %and3A_94 : vector<16xi32>
        tpu.vector_store_idx %arg7[%shift_right_arithmetic3A_92, %and3A_95], %add3A_4 masked %and3A_89 : memref<64x128xi32, #tpu.memory_space<vmem>>[vector<16xi32>, vector<16xi32>], vector<16xi32>, vector<16xi1>
        %shift_right_arithmetic3A_96 = arith.constant 7 : i32
        %shift_right_arithmetic3A_97 = vector.broadcast %shift_right_arithmetic3A_96 : i32 to vector<16xi32>
        %shift_right_arithmetic3A_98 = arith.shrsi %add3A_82, %shift_right_arithmetic3A_97 : vector<16xi32>
        %and3A_99 = arith.constant 127 : i32
        %and3A_100 = vector.broadcast %and3A_99 : i32 to vector<16xi32>
        %and3A_101 = arith.andi %add3A_82, %and3A_100 : vector<16xi32>
        tpu.vector_store_idx %arg8[%shift_right_arithmetic3A_98, %and3A_101], %add3A_9 masked %and3A_89 : memref<64x128xi32, #tpu.memory_space<vmem>>[vector<16xi32>, vector<16xi32>], vector<16xi32>, vector<16xi1>
        %add3A_102 = arith.constant 2 : i32
        %add3A_103 = arith.addi %shift_right_arithmetic3A_53, %add3A_102 : i32
        %mul3A_104 = arith.constant 16 : i32
        %mul3A_105 = arith.muli %add3A_103, %mul3A_104 : i32
        %add3A_106 = vector.broadcast %mul3A_105 : i32 to vector<16xi32>
        %add3A_107 = arith.addi %add3A_106, %iota3A : vector<16xi32>
        %ge3A_108 = vector.broadcast %parallel_loop3A_48 : i32 to vector<16xi32>
        %ge3A_109 = arith.cmpi sge, %add3A_107, %ge3A_108 : vector<16xi32>
        %mul3A_110 = arith.constant 128 : i32
        %mul3A_111 = arith.muli %shift_right_arithmetic3A_51, %mul3A_110 : i32
        %lt3A_112 = vector.broadcast %mul3A_111 : i32 to vector<16xi32>
        %lt3A_113 = arith.cmpi slt, %add3A_107, %lt3A_112 : vector<16xi32>
        %and3A_114 = arith.andi %ge3A_109, %lt3A_113 : vector<16xi1>
        %shift_right_arithmetic3A_115 = arith.constant 7 : i32
        %shift_right_arithmetic3A_116 = vector.broadcast %shift_right_arithmetic3A_115 : i32 to vector<16xi32>
        %shift_right_arithmetic3A_117 = arith.shrsi %add3A_107, %shift_right_arithmetic3A_116 : vector<16xi32>
        %and3A_118 = arith.constant 127 : i32
        %and3A_119 = vector.broadcast %and3A_118 : i32 to vector<16xi32>
        %and3A_120 = arith.andi %add3A_107, %and3A_119 : vector<16xi32>
        tpu.vector_store_idx %arg7[%shift_right_arithmetic3A_117, %and3A_120], %add3A_4 masked %and3A_114 : memref<64x128xi32, #tpu.memory_space<vmem>>[vector<16xi32>, vector<16xi32>], vector<16xi32>, vector<16xi1>
        %shift_right_arithmetic3A_121 = arith.constant 7 : i32
        %shift_right_arithmetic3A_122 = vector.broadcast %shift_right_arithmetic3A_121 : i32 to vector<16xi32>
        %shift_right_arithmetic3A_123 = arith.shrsi %add3A_107, %shift_right_arithmetic3A_122 : vector<16xi32>
        %and3A_124 = arith.constant 127 : i32
        %and3A_125 = vector.broadcast %and3A_124 : i32 to vector<16xi32>
        %and3A_126 = arith.andi %add3A_107, %and3A_125 : vector<16xi32>
        tpu.vector_store_idx %arg8[%shift_right_arithmetic3A_123, %and3A_126], %add3A_9 masked %and3A_114 : memref<64x128xi32, #tpu.memory_space<vmem>>[vector<16xi32>, vector<16xi32>], vector<16xi32>, vector<16xi1>
        %add3A_127 = arith.constant 3 : i32
        %add3A_128 = arith.addi %shift_right_arithmetic3A_53, %add3A_127 : i32
        %mul3A_129 = arith.constant 16 : i32
        %mul3A_130 = arith.muli %add3A_128, %mul3A_129 : i32
        %add3A_131 = vector.broadcast %mul3A_130 : i32 to vector<16xi32>
        %add3A_132 = arith.addi %add3A_131, %iota3A : vector<16xi32>
        %ge3A_133 = vector.broadcast %parallel_loop3A_48 : i32 to vector<16xi32>
        %ge3A_134 = arith.cmpi sge, %add3A_132, %ge3A_133 : vector<16xi32>
        %mul3A_135 = arith.constant 128 : i32
        %mul3A_136 = arith.muli %shift_right_arithmetic3A_51, %mul3A_135 : i32
        %lt3A_137 = vector.broadcast %mul3A_136 : i32 to vector<16xi32>
        %lt3A_138 = arith.cmpi slt, %add3A_132, %lt3A_137 : vector<16xi32>
        %and3A_139 = arith.andi %ge3A_134, %lt3A_138 : vector<16xi1>
        %shift_right_arithmetic3A_140 = arith.constant 7 : i32
        %shift_right_arithmetic3A_141 = vector.broadcast %shift_right_arithmetic3A_140 : i32 to vector<16xi32>
        %shift_right_arithmetic3A_142 = arith.shrsi %add3A_132, %shift_right_arithmetic3A_141 : vector<16xi32>
        %and3A_143 = arith.constant 127 : i32
        %and3A_144 = vector.broadcast %and3A_143 : i32 to vector<16xi32>
        %and3A_145 = arith.andi %add3A_132, %and3A_144 : vector<16xi32>
        tpu.vector_store_idx %arg7[%shift_right_arithmetic3A_142, %and3A_145], %add3A_4 masked %and3A_139 : memref<64x128xi32, #tpu.memory_space<vmem>>[vector<16xi32>, vector<16xi32>], vector<16xi32>, vector<16xi1>
        %shift_right_arithmetic3A_146 = arith.constant 7 : i32
        %shift_right_arithmetic3A_147 = vector.broadcast %shift_right_arithmetic3A_146 : i32 to vector<16xi32>
        %shift_right_arithmetic3A_148 = arith.shrsi %add3A_132, %shift_right_arithmetic3A_147 : vector<16xi32>
        %and3A_149 = arith.constant 127 : i32
        %and3A_150 = vector.broadcast %and3A_149 : i32 to vector<16xi32>
        %and3A_151 = arith.andi %add3A_132, %and3A_150 : vector<16xi32>
        tpu.vector_store_idx %arg8[%shift_right_arithmetic3A_148, %and3A_151], %add3A_9 masked %and3A_139 : memref<64x128xi32, #tpu.memory_space<vmem>>[vector<16xi32>, vector<16xi32>], vector<16xi32>, vector<16xi1>
        %add3A_152 = arith.constant 4 : i32
        %add3A_153 = arith.addi %shift_right_arithmetic3A_53, %add3A_152 : i32
        %mul3A_154 = arith.constant 16 : i32
        %mul3A_155 = arith.muli %add3A_153, %mul3A_154 : i32
        %add3A_156 = vector.broadcast %mul3A_155 : i32 to vector<16xi32>
        %add3A_157 = arith.addi %add3A_156, %iota3A : vector<16xi32>
        %ge3A_158 = vector.broadcast %parallel_loop3A_48 : i32 to vector<16xi32>
        %ge3A_159 = arith.cmpi sge, %add3A_157, %ge3A_158 : vector<16xi32>
        %mul3A_160 = arith.constant 128 : i32
        %mul3A_161 = arith.muli %shift_right_arithmetic3A_51, %mul3A_160 : i32
        %lt3A_162 = vector.broadcast %mul3A_161 : i32 to vector<16xi32>
        %lt3A_163 = arith.cmpi slt, %add3A_157, %lt3A_162 : vector<16xi32>
        %and3A_164 = arith.andi %ge3A_159, %lt3A_163 : vector<16xi1>
        %shift_right_arithmetic3A_165 = arith.constant 7 : i32
        %shift_right_arithmetic3A_166 = vector.broadcast %shift_right_arithmetic3A_165 : i32 to vector<16xi32>
        %shift_right_arithmetic3A_167 = arith.shrsi %add3A_157, %shift_right_arithmetic3A_166 : vector<16xi32>
        %and3A_168 = arith.constant 127 : i32
        %and3A_169 = vector.broadcast %and3A_168 : i32 to vector<16xi32>
        %and3A_170 = arith.andi %add3A_157, %and3A_169 : vector<16xi32>
        tpu.vector_store_idx %arg7[%shift_right_arithmetic3A_167, %and3A_170], %add3A_4 masked %and3A_164 : memref<64x128xi32, #tpu.memory_space<vmem>>[vector<16xi32>, vector<16xi32>], vector<16xi32>, vector<16xi1>
        %shift_right_arithmetic3A_171 = arith.constant 7 : i32
        %shift_right_arithmetic3A_172 = vector.broadcast %shift_right_arithmetic3A_171 : i32 to vector<16xi32>
        %shift_right_arithmetic3A_173 = arith.shrsi %add3A_157, %shift_right_arithmetic3A_172 : vector<16xi32>
        %and3A_174 = arith.constant 127 : i32
        %and3A_175 = vector.broadcast %and3A_174 : i32 to vector<16xi32>
        %and3A_176 = arith.andi %add3A_157, %and3A_175 : vector<16xi32>
        tpu.vector_store_idx %arg8[%shift_right_arithmetic3A_173, %and3A_176], %add3A_9 masked %and3A_164 : memref<64x128xi32, #tpu.memory_space<vmem>>[vector<16xi32>, vector<16xi32>], vector<16xi32>, vector<16xi1>
        %add3A_177 = arith.constant 5 : i32
        %add3A_178 = arith.addi %shift_right_arithmetic3A_53, %add3A_177 : i32
        %mul3A_179 = arith.constant 16 : i32
        %mul3A_180 = arith.muli %add3A_178, %mul3A_179 : i32
        %add3A_181 = vector.broadcast %mul3A_180 : i32 to vector<16xi32>
        %add3A_182 = arith.addi %add3A_181, %iota3A : vector<16xi32>
        %ge3A_183 = vector.broadcast %parallel_loop3A_48 : i32 to vector<16xi32>
        %ge3A_184 = arith.cmpi sge, %add3A_182, %ge3A_183 : vector<16xi32>
        %mul3A_185 = arith.constant 128 : i32
        %mul3A_186 = arith.muli %shift_right_arithmetic3A_51, %mul3A_185 : i32
        %lt3A_187 = vector.broadcast %mul3A_186 : i32 to vector<16xi32>
        %lt3A_188 = arith.cmpi slt, %add3A_182, %lt3A_187 : vector<16xi32>
        %and3A_189 = arith.andi %ge3A_184, %lt3A_188 : vector<16xi1>
        %shift_right_arithmetic3A_190 = arith.constant 7 : i32
        %shift_right_arithmetic3A_191 = vector.broadcast %shift_right_arithmetic3A_190 : i32 to vector<16xi32>
        %shift_right_arithmetic3A_192 = arith.shrsi %add3A_182, %shift_right_arithmetic3A_191 : vector<16xi32>
        %and3A_193 = arith.constant 127 : i32
        %and3A_194 = vector.broadcast %and3A_193 : i32 to vector<16xi32>
        %and3A_195 = arith.andi %add3A_182, %and3A_194 : vector<16xi32>
        tpu.vector_store_idx %arg7[%shift_right_arithmetic3A_192, %and3A_195], %add3A_4 masked %and3A_189 : memref<64x128xi32, #tpu.memory_space<vmem>>[vector<16xi32>, vector<16xi32>], vector<16xi32>, vector<16xi1>
        %shift_right_arithmetic3A_196 = arith.constant 7 : i32
        %shift_right_arithmetic3A_197 = vector.broadcast %shift_right_arithmetic3A_196 : i32 to vector<16xi32>
        %shift_right_arithmetic3A_198 = arith.shrsi %add3A_182, %shift_right_arithmetic3A_197 : vector<16xi32>
        %and3A_199 = arith.constant 127 : i32
        %and3A_200 = vector.broadcast %and3A_199 : i32 to vector<16xi32>
        %and3A_201 = arith.andi %add3A_182, %and3A_200 : vector<16xi32>
        tpu.vector_store_idx %arg8[%shift_right_arithmetic3A_198, %and3A_201], %add3A_9 masked %and3A_189 : memref<64x128xi32, #tpu.memory_space<vmem>>[vector<16xi32>, vector<16xi32>], vector<16xi32>, vector<16xi1>
        %add3A_202 = arith.constant 6 : i32
        %add3A_203 = arith.addi %shift_right_arithmetic3A_53, %add3A_202 : i32
        %mul3A_204 = arith.constant 16 : i32
        %mul3A_205 = arith.muli %add3A_203, %mul3A_204 : i32
        %add3A_206 = vector.broadcast %mul3A_205 : i32 to vector<16xi32>
        %add3A_207 = arith.addi %add3A_206, %iota3A : vector<16xi32>
        %ge3A_208 = vector.broadcast %parallel_loop3A_48 : i32 to vector<16xi32>
        %ge3A_209 = arith.cmpi sge, %add3A_207, %ge3A_208 : vector<16xi32>
        %mul3A_210 = arith.constant 128 : i32
        %mul3A_211 = arith.muli %shift_right_arithmetic3A_51, %mul3A_210 : i32
        %lt3A_212 = vector.broadcast %mul3A_211 : i32 to vector<16xi32>
        %lt3A_213 = arith.cmpi slt, %add3A_207, %lt3A_212 : vector<16xi32>
        %and3A_214 = arith.andi %ge3A_209, %lt3A_213 : vector<16xi1>
        %shift_right_arithmetic3A_215 = arith.constant 7 : i32
        %shift_right_arithmetic3A_216 = vector.broadcast %shift_right_arithmetic3A_215 : i32 to vector<16xi32>
        %shift_right_arithmetic3A_217 = arith.shrsi %add3A_207, %shift_right_arithmetic3A_216 : vector<16xi32>
        %and3A_218 = arith.constant 127 : i32
        %and3A_219 = vector.broadcast %and3A_218 : i32 to vector<16xi32>
        %and3A_220 = arith.andi %add3A_207, %and3A_219 : vector<16xi32>
        tpu.vector_store_idx %arg7[%shift_right_arithmetic3A_217, %and3A_220], %add3A_4 masked %and3A_214 : memref<64x128xi32, #tpu.memory_space<vmem>>[vector<16xi32>, vector<16xi32>], vector<16xi32>, vector<16xi1>
        %shift_right_arithmetic3A_221 = arith.constant 7 : i32
        %shift_right_arithmetic3A_222 = vector.broadcast %shift_right_arithmetic3A_221 : i32 to vector<16xi32>
        %shift_right_arithmetic3A_223 = arith.shrsi %add3A_207, %shift_right_arithmetic3A_222 : vector<16xi32>
        %and3A_224 = arith.constant 127 : i32
        %and3A_225 = vector.broadcast %and3A_224 : i32 to vector<16xi32>
        %and3A_226 = arith.andi %add3A_207, %and3A_225 : vector<16xi32>
        tpu.vector_store_idx %arg8[%shift_right_arithmetic3A_223, %and3A_226], %add3A_9 masked %and3A_214 : memref<64x128xi32, #tpu.memory_space<vmem>>[vector<16xi32>, vector<16xi32>], vector<16xi32>, vector<16xi1>
        %add3A_227 = arith.constant 7 : i32
        %add3A_228 = arith.addi %shift_right_arithmetic3A_53, %add3A_227 : i32
        %mul3A_229 = arith.constant 16 : i32
        %mul3A_230 = arith.muli %add3A_228, %mul3A_229 : i32
        %add3A_231 = vector.broadcast %mul3A_230 : i32 to vector<16xi32>
        %add3A_232 = arith.addi %add3A_231, %iota3A : vector<16xi32>
        %ge3A_233 = vector.broadcast %parallel_loop3A_48 : i32 to vector<16xi32>
        %ge3A_234 = arith.cmpi sge, %add3A_232, %ge3A_233 : vector<16xi32>
        %mul3A_235 = arith.constant 128 : i32
        %mul3A_236 = arith.muli %shift_right_arithmetic3A_51, %mul3A_235 : i32
        %lt3A_237 = vector.broadcast %mul3A_236 : i32 to vector<16xi32>
        %lt3A_238 = arith.cmpi slt, %add3A_232, %lt3A_237 : vector<16xi32>
        %and3A_239 = arith.andi %ge3A_234, %lt3A_238 : vector<16xi1>
        %shift_right_arithmetic3A_240 = arith.constant 7 : i32
        %shift_right_arithmetic3A_241 = vector.broadcast %shift_right_arithmetic3A_240 : i32 to vector<16xi32>
        %shift_right_arithmetic3A_242 = arith.shrsi %add3A_232, %shift_right_arithmetic3A_241 : vector<16xi32>
        %and3A_243 = arith.constant 127 : i32
        %and3A_244 = vector.broadcast %and3A_243 : i32 to vector<16xi32>
        %and3A_245 = arith.andi %add3A_232, %and3A_244 : vector<16xi32>
        tpu.vector_store_idx %arg7[%shift_right_arithmetic3A_242, %and3A_245], %add3A_4 masked %and3A_239 : memref<64x128xi32, #tpu.memory_space<vmem>>[vector<16xi32>, vector<16xi32>], vector<16xi32>, vector<16xi1>
        %shift_right_arithmetic3A_246 = arith.constant 7 : i32
        %shift_right_arithmetic3A_247 = vector.broadcast %shift_right_arithmetic3A_246 : i32 to vector<16xi32>
        %shift_right_arithmetic3A_248 = arith.shrsi %add3A_232, %shift_right_arithmetic3A_247 : vector<16xi32>
        %and3A_249 = arith.constant 127 : i32
        %and3A_250 = vector.broadcast %and3A_249 : i32 to vector<16xi32>
        %and3A_251 = arith.andi %add3A_232, %and3A_250 : vector<16xi32>
        tpu.vector_store_idx %arg8[%shift_right_arithmetic3A_248, %and3A_251], %add3A_9 masked %and3A_239 : memref<64x128xi32, #tpu.memory_space<vmem>>[vector<16xi32>, vector<16xi32>], vector<16xi32>, vector<16xi1>
        %add3A_252 = arith.constant 8 : i32
        %add3A_253 = arith.addi %shift_right_arithmetic3A_53, %add3A_252 : i32
        %mul3A_254 = arith.constant 16 : i32
        %mul3A_255 = arith.muli %add3A_253, %mul3A_254 : i32
        %add3A_256 = vector.broadcast %mul3A_255 : i32 to vector<16xi32>
        %add3A_257 = arith.addi %add3A_256, %iota3A : vector<16xi32>
        %ge3A_258 = vector.broadcast %parallel_loop3A_48 : i32 to vector<16xi32>
        %ge3A_259 = arith.cmpi sge, %add3A_257, %ge3A_258 : vector<16xi32>
        %mul3A_260 = arith.constant 128 : i32
        %mul3A_261 = arith.muli %shift_right_arithmetic3A_51, %mul3A_260 : i32
        %lt3A_262 = vector.broadcast %mul3A_261 : i32 to vector<16xi32>
        %lt3A_263 = arith.cmpi slt, %add3A_257, %lt3A_262 : vector<16xi32>
        %and3A_264 = arith.andi %ge3A_259, %lt3A_263 : vector<16xi1>
        %shift_right_arithmetic3A_265 = arith.constant 7 : i32
        %shift_right_arithmetic3A_266 = vector.broadcast %shift_right_arithmetic3A_265 : i32 to vector<16xi32>
        %shift_right_arithmetic3A_267 = arith.shrsi %add3A_257, %shift_right_arithmetic3A_266 : vector<16xi32>
        %and3A_268 = arith.constant 127 : i32
        %and3A_269 = vector.broadcast %and3A_268 : i32 to vector<16xi32>
        %and3A_270 = arith.andi %add3A_257, %and3A_269 : vector<16xi32>
        tpu.vector_store_idx %arg7[%shift_right_arithmetic3A_267, %and3A_270], %add3A_4 masked %and3A_264 : memref<64x128xi32, #tpu.memory_space<vmem>>[vector<16xi32>, vector<16xi32>], vector<16xi32>, vector<16xi1>
        %shift_right_arithmetic3A_271 = arith.constant 7 : i32
        %shift_right_arithmetic3A_272 = vector.broadcast %shift_right_arithmetic3A_271 : i32 to vector<16xi32>
        %shift_right_arithmetic3A_273 = arith.shrsi %add3A_257, %shift_right_arithmetic3A_272 : vector<16xi32>
        %and3A_274 = arith.constant 127 : i32
        %and3A_275 = vector.broadcast %and3A_274 : i32 to vector<16xi32>
        %and3A_276 = arith.andi %add3A_257, %and3A_275 : vector<16xi32>
        tpu.vector_store_idx %arg8[%shift_right_arithmetic3A_273, %and3A_276], %add3A_9 masked %and3A_264 : memref<64x128xi32, #tpu.memory_space<vmem>>[vector<16xi32>, vector<16xi32>], vector<16xi32>, vector<16xi1>
        %gt3A = arith.constant 0 : i32
        %gt3A_277 = arith.cmpi sgt, %shift_right_arithmetic3A_51, %gt3A : i32
        %convert_element_type3A = arith.extui %gt3A_277 : i1 to i32
        %cond3A = arith.constant 0 : i32
        %cond3A_278 = arith.cmpi ne, %convert_element_type3A, %cond3A : i32
        scf.if %cond3A_278 {
          %dma_start3A = arith.constant 0 : i32
          %dma_start3A_295 = arith.constant 0 : i32
          %dma_start3A_296 = tpu.memref_slice %arg7[%dma_start3A, %dma_start3A_295] : memref<64x128xi32, #tpu.memory_space<vmem>> -> memref<1x128xi32, #tpu.memory_space<vmem>>
          %dma_start3A_297 = tpu.memref_squeeze %dma_start3A_296 : memref<1x128xi32, #tpu.memory_space<vmem>> -> memref<128xi32, #tpu.memory_space<vmem>>
          %dma_start3A_298 = arith.constant 0 : i32
          %dma_start3A_299 = arith.constant 0 : i32
          %dma_start3A_300 = tpu.memref_slice %arg2[%dma_start3A_298, %dma_start3A_299] : memref<50000x128xbf16, #tpu.memory_space<hbm>> -> memref<50000x128xbf16, #tpu.memory_space<hbm>>
          tpu.enqueue_indirect_dma source(%dma_start3A_300 : memref<50000x128xbf16, #tpu.memory_space<hbm>>) target(%arg11 : memref<128x128xbf16, #tpu.memory_space<vmem>>) offsets(%dma_start3A_297 : memref<128xi32, #tpu.memory_space<vmem>>) semaphore(%arg14 : memref<!tpu.dma_semaphore, #tpu.memory_space<semaphore_mem>>)
        } else {
        }
        %add3A_279 = arith.constant 1 : i32
        %add3A_280 = arith.addi %shift_right_arithmetic3A_51, %add3A_279 : i32
        %shift_right_arithmetic3A_281 = arith.constant 1 : i32
        %shift_right_arithmetic3A_282 = arith.shrsi %add3A_280, %shift_right_arithmetic3A_281 : i32
        %while3A = arith.constant 0 : i32
        %while3A_283 = arith.constant 0 : i32
        %while3A_284 = arith.subi %shift_right_arithmetic3A_282, %while3A : i32
        %while3A_285 = arith.addi %while3A, %while3A_284 : i32
        %while3A_286 = arith.constant 1 : i32
        %while3A_287 = arith.divsi %while3A_284, %while3A_286 : i32
        %while3A_288 = arith.muli %while3A_287, %while3A_286 : i32
        %while3A_289 = arith.addi %while3A, %while3A_288 : i32
        %while3A_290 = arith.constant 1 : i32
        %while3A_291 = scf.for %while3A_295 = %while3A to %while3A_289 step %while3A_290 iter_args(%while3A_296 = %while3A_283) -> (i32)  : i32 {
          %mul3A_297 = arith.constant 2 : i32
          %mul3A_298 = arith.muli %while3A_295, %mul3A_297 : i32
          %lt3A_299 = arith.cmpi slt, %mul3A_298, %shift_right_arithmetic3A_51 : i32
          %convert_element_type3A_300 = arith.extui %lt3A_299 : i1 to i32
          %cond3A_301 = arith.constant 0 : i32
          %cond3A_302 = arith.cmpi ne, %convert_element_type3A_300, %cond3A_301 : i32
          scf.if %cond3A_302 {
            %add3A_310 = arith.constant 1 : i32
            %add3A_311 = arith.addi %mul3A_298, %add3A_310 : i32
            %dma_wait3A = arith.constant 0 : i32
            %dma_wait3A_312 = tpu.memref_slice %arg7[%mul3A_298, %dma_wait3A] : memref<64x128xi32, #tpu.memory_space<vmem>> -> memref<1x128xi32, #tpu.memory_space<vmem>>
            %dma_wait3A_313 = tpu.memref_squeeze %dma_wait3A_312 : memref<1x128xi32, #tpu.memory_space<vmem>> -> memref<128xi32, #tpu.memory_space<vmem>>
            %dma_wait3A_314 = arith.constant 0 : i32
            %dma_wait3A_315 = arith.constant 0 : i32
            %dma_wait3A_316 = tpu.memref_slice %arg2[%dma_wait3A_314, %dma_wait3A_315] : memref<50000x128xbf16, #tpu.memory_space<hbm>> -> memref<50000x128xbf16, #tpu.memory_space<hbm>>
            tpu.wait_indirect_dma semaphore(%arg14 : memref<!tpu.dma_semaphore, #tpu.memory_space<semaphore_mem>>) src(%dma_wait3A_316 : memref<50000x128xbf16, #tpu.memory_space<hbm>>) dst(%arg11 : memref<128x128xbf16, #tpu.memory_space<vmem>>)
            %lt3A_317 = arith.cmpi slt, %add3A_311, %shift_right_arithmetic3A_51 : i32
            %convert_element_type3A_318 = arith.extui %lt3A_317 : i1 to i32
            %cond3A_319 = arith.constant 0 : i32
            %cond3A_320 = arith.cmpi ne, %convert_element_type3A_318, %cond3A_319 : i32
            scf.if %cond3A_320 {
              %dma_start3A = arith.constant 0 : i32
              %dma_start3A_321 = tpu.memref_slice %arg7[%add3A_311, %dma_start3A] : memref<64x128xi32, #tpu.memory_space<vmem>> -> memref<1x128xi32, #tpu.memory_space<vmem>>
              %dma_start3A_322 = tpu.memref_squeeze %dma_start3A_321 : memref<1x128xi32, #tpu.memory_space<vmem>> -> memref<128xi32, #tpu.memory_space<vmem>>
              %dma_start3A_323 = arith.constant 0 : i32
              %dma_start3A_324 = arith.constant 0 : i32
              %dma_start3A_325 = tpu.memref_slice %arg2[%dma_start3A_323, %dma_start3A_324] : memref<50000x128xbf16, #tpu.memory_space<hbm>> -> memref<50000x128xbf16, #tpu.memory_space<hbm>>
              tpu.enqueue_indirect_dma source(%dma_start3A_325 : memref<50000x128xbf16, #tpu.memory_space<hbm>>) target(%arg12 : memref<128x128xbf16, #tpu.memory_space<vmem>>) offsets(%dma_start3A_322 : memref<128xi32, #tpu.memory_space<vmem>>) semaphore(%arg15 : memref<!tpu.dma_semaphore, #tpu.memory_space<semaphore_mem>>)
            } else {
            }
            "tpu.region"() ({
              %run_scoped3A = tpu.sem_alloc : memref<!tpu.dma_semaphore, #tpu.memory_space<semaphore_mem>>
              %dma_start3A = arith.constant 0 : i32
              %dma_start3A_321 = tpu.memref_slice %arg8[%mul3A_298, %dma_start3A] : memref<64x128xi32, #tpu.memory_space<vmem>> -> memref<1x128xi32, #tpu.memory_space<vmem>>
              %dma_start3A_322 = tpu.memref_squeeze %dma_start3A_321 : memref<1x128xi32, #tpu.memory_space<vmem>> -> memref<128xi32, #tpu.memory_space<vmem>>
              %dma_start3A_323 = arith.constant 0 : i32
              %dma_start3A_324 = arith.constant 0 : i32
              %dma_start3A_325 = tpu.memref_slice %arg13[%dma_start3A_323, %dma_start3A_324] : memref<12552x128xbf16, #tpu.memory_space<vmem_shared>> -> memref<12552x128xbf16, #tpu.memory_space<vmem_shared>>
              tpu.enqueue_indirect_dma source(%arg11 : memref<128x128xbf16, #tpu.memory_space<vmem>>) target(%dma_start3A_325 : memref<12552x128xbf16, #tpu.memory_space<vmem_shared>>) offsets(%dma_start3A_322 : memref<128xi32, #tpu.memory_space<vmem>>) semaphore(%run_scoped3A : memref<!tpu.dma_semaphore, #tpu.memory_space<semaphore_mem>>) {add = true}
              %dma_wait3A_326 = arith.constant 0 : i32
              %dma_wait3A_327 = tpu.memref_slice %arg8[%mul3A_298, %dma_wait3A_326] : memref<64x128xi32, #tpu.memory_space<vmem>> -> memref<1x128xi32, #tpu.memory_space<vmem>>
              %dma_wait3A_328 = tpu.memref_squeeze %dma_wait3A_327 : memref<1x128xi32, #tpu.memory_space<vmem>> -> memref<128xi32, #tpu.memory_space<vmem>>
              %dma_wait3A_329 = arith.constant 0 : i32
              %dma_wait3A_330 = arith.constant 0 : i32
              %dma_wait3A_331 = tpu.memref_slice %arg13[%dma_wait3A_329, %dma_wait3A_330] : memref<12552x128xbf16, #tpu.memory_space<vmem_shared>> -> memref<12552x128xbf16, #tpu.memory_space<vmem_shared>>
              tpu.wait_indirect_dma semaphore(%run_scoped3A : memref<!tpu.dma_semaphore, #tpu.memory_space<semaphore_mem>>) src(%arg11 : memref<128x128xbf16, #tpu.memory_space<vmem>>) dst(%dma_wait3A_331 : memref<12552x128xbf16, #tpu.memory_space<vmem_shared>>)
              tpu.yield
            }) : () -> ()
          } else {
          }
          %add3A_303 = arith.constant 1 : i32
          %add3A_304 = arith.addi %mul3A_298, %add3A_303 : i32
          %lt3A_305 = arith.cmpi slt, %add3A_304, %shift_right_arithmetic3A_51 : i32
          %convert_element_type3A_306 = arith.extui %lt3A_305 : i1 to i32
          %cond3A_307 = arith.constant 0 : i32
          %cond3A_308 = arith.cmpi ne, %convert_element_type3A_306, %cond3A_307 : i32
          scf.if %cond3A_308 {
            %add3A_310 = arith.constant 1 : i32
            %add3A_311 = arith.addi %mul3A_298, %add3A_310 : i32
            %add3A_312 = arith.constant 2 : i32
            %add3A_313 = arith.addi %mul3A_298, %add3A_312 : i32
            %dma_wait3A = arith.constant 0 : i32
            %dma_wait3A_314 = tpu.memref_slice %arg7[%add3A_311, %dma_wait3A] : memref<64x128xi32, #tpu.memory_space<vmem>> -> memref<1x128xi32, #tpu.memory_space<vmem>>
            %dma_wait3A_315 = tpu.memref_squeeze %dma_wait3A_314 : memref<1x128xi32, #tpu.memory_space<vmem>> -> memref<128xi32, #tpu.memory_space<vmem>>
            %dma_wait3A_316 = arith.constant 0 : i32
            %dma_wait3A_317 = arith.constant 0 : i32
            %dma_wait3A_318 = tpu.memref_slice %arg2[%dma_wait3A_316, %dma_wait3A_317] : memref<50000x128xbf16, #tpu.memory_space<hbm>> -> memref<50000x128xbf16, #tpu.memory_space<hbm>>
            tpu.wait_indirect_dma semaphore(%arg15 : memref<!tpu.dma_semaphore, #tpu.memory_space<semaphore_mem>>) src(%dma_wait3A_318 : memref<50000x128xbf16, #tpu.memory_space<hbm>>) dst(%arg12 : memref<128x128xbf16, #tpu.memory_space<vmem>>)
            %lt3A_319 = arith.cmpi slt, %add3A_313, %shift_right_arithmetic3A_51 : i32
            %convert_element_type3A_320 = arith.extui %lt3A_319 : i1 to i32
            %cond3A_321 = arith.constant 0 : i32
            %cond3A_322 = arith.cmpi ne, %convert_element_type3A_320, %cond3A_321 : i32
            scf.if %cond3A_322 {
              %dma_start3A = arith.constant 0 : i32
              %dma_start3A_323 = tpu.memref_slice %arg7[%add3A_313, %dma_start3A] : memref<64x128xi32, #tpu.memory_space<vmem>> -> memref<1x128xi32, #tpu.memory_space<vmem>>
              %dma_start3A_324 = tpu.memref_squeeze %dma_start3A_323 : memref<1x128xi32, #tpu.memory_space<vmem>> -> memref<128xi32, #tpu.memory_space<vmem>>
              %dma_start3A_325 = arith.constant 0 : i32
              %dma_start3A_326 = arith.constant 0 : i32
              %dma_start3A_327 = tpu.memref_slice %arg2[%dma_start3A_325, %dma_start3A_326] : memref<50000x128xbf16, #tpu.memory_space<hbm>> -> memref<50000x128xbf16, #tpu.memory_space<hbm>>
              tpu.enqueue_indirect_dma source(%dma_start3A_327 : memref<50000x128xbf16, #tpu.memory_space<hbm>>) target(%arg11 : memref<128x128xbf16, #tpu.memory_space<vmem>>) offsets(%dma_start3A_324 : memref<128xi32, #tpu.memory_space<vmem>>) semaphore(%arg14 : memref<!tpu.dma_semaphore, #tpu.memory_space<semaphore_mem>>)
            } else {
            }
            "tpu.region"() ({
              %run_scoped3A = tpu.sem_alloc : memref<!tpu.dma_semaphore, #tpu.memory_space<semaphore_mem>>
              %dma_start3A = arith.constant 0 : i32
              %dma_start3A_323 = tpu.memref_slice %arg8[%add3A_311, %dma_start3A] : memref<64x128xi32, #tpu.memory_space<vmem>> -> memref<1x128xi32, #tpu.memory_space<vmem>>
              %dma_start3A_324 = tpu.memref_squeeze %dma_start3A_323 : memref<1x128xi32, #tpu.memory_space<vmem>> -> memref<128xi32, #tpu.memory_space<vmem>>
              %dma_start3A_325 = arith.constant 0 : i32
              %dma_start3A_326 = arith.constant 0 : i32
              %dma_start3A_327 = tpu.memref_slice %arg13[%dma_start3A_325, %dma_start3A_326] : memref<12552x128xbf16, #tpu.memory_space<vmem_shared>> -> memref<12552x128xbf16, #tpu.memory_space<vmem_shared>>
              tpu.enqueue_indirect_dma source(%arg12 : memref<128x128xbf16, #tpu.memory_space<vmem>>) target(%dma_start3A_327 : memref<12552x128xbf16, #tpu.memory_space<vmem_shared>>) offsets(%dma_start3A_324 : memref<128xi32, #tpu.memory_space<vmem>>) semaphore(%run_scoped3A : memref<!tpu.dma_semaphore, #tpu.memory_space<semaphore_mem>>) {add = true}
              %dma_wait3A_328 = arith.constant 0 : i32
              %dma_wait3A_329 = tpu.memref_slice %arg8[%add3A_311, %dma_wait3A_328] : memref<64x128xi32, #tpu.memory_space<vmem>> -> memref<1x128xi32, #tpu.memory_space<vmem>>
              %dma_wait3A_330 = tpu.memref_squeeze %dma_wait3A_329 : memref<1x128xi32, #tpu.memory_space<vmem>> -> memref<128xi32, #tpu.memory_space<vmem>>
              %dma_wait3A_331 = arith.constant 0 : i32
              %dma_wait3A_332 = arith.constant 0 : i32
              %dma_wait3A_333 = tpu.memref_slice %arg13[%dma_wait3A_331, %dma_wait3A_332] : memref<12552x128xbf16, #tpu.memory_space<vmem_shared>> -> memref<12552x128xbf16, #tpu.memory_space<vmem_shared>>
              tpu.wait_indirect_dma semaphore(%run_scoped3A : memref<!tpu.dma_semaphore, #tpu.memory_space<semaphore_mem>>) src(%arg12 : memref<128x128xbf16, #tpu.memory_space<vmem>>) dst(%dma_wait3A_333 : memref<12552x128xbf16, #tpu.memory_space<vmem_shared>>)
              tpu.yield
            }) : () -> ()
          } else {
          }
          %while3A_309 = arith.constant 0 : i32
          scf.yield %while3A_309 : i32
        }
        %while3A_292 = arith.constant 1 : i32
        %while3A_293 = scf.for %while3A_295 = %while3A_289 to %while3A_285 step %while3A_292 iter_args(%while3A_296 = %while3A_291) -> (i32)  : i32 {
          %mul3A_297 = arith.constant 2 : i32
          %mul3A_298 = arith.muli %while3A_295, %mul3A_297 : i32
          %lt3A_299 = arith.cmpi slt, %mul3A_298, %shift_right_arithmetic3A_51 : i32
          %convert_element_type3A_300 = arith.extui %lt3A_299 : i1 to i32
          %cond3A_301 = arith.constant 0 : i32
          %cond3A_302 = arith.cmpi ne, %convert_element_type3A_300, %cond3A_301 : i32
          scf.if %cond3A_302 {
            %add3A_310 = arith.constant 1 : i32
            %add3A_311 = arith.addi %mul3A_298, %add3A_310 : i32
            %dma_wait3A = arith.constant 0 : i32
            %dma_wait3A_312 = tpu.memref_slice %arg7[%mul3A_298, %dma_wait3A] : memref<64x128xi32, #tpu.memory_space<vmem>> -> memref<1x128xi32, #tpu.memory_space<vmem>>
            %dma_wait3A_313 = tpu.memref_squeeze %dma_wait3A_312 : memref<1x128xi32, #tpu.memory_space<vmem>> -> memref<128xi32, #tpu.memory_space<vmem>>
            %dma_wait3A_314 = arith.constant 0 : i32
            %dma_wait3A_315 = arith.constant 0 : i32
            %dma_wait3A_316 = tpu.memref_slice %arg2[%dma_wait3A_314, %dma_wait3A_315] : memref<50000x128xbf16, #tpu.memory_space<hbm>> -> memref<50000x128xbf16, #tpu.memory_space<hbm>>
            tpu.wait_indirect_dma semaphore(%arg14 : memref<!tpu.dma_semaphore, #tpu.memory_space<semaphore_mem>>) src(%dma_wait3A_316 : memref<50000x128xbf16, #tpu.memory_space<hbm>>) dst(%arg11 : memref<128x128xbf16, #tpu.memory_space<vmem>>)
            %lt3A_317 = arith.cmpi slt, %add3A_311, %shift_right_arithmetic3A_51 : i32
            %convert_element_type3A_318 = arith.extui %lt3A_317 : i1 to i32
            %cond3A_319 = arith.constant 0 : i32
            %cond3A_320 = arith.cmpi ne, %convert_element_type3A_318, %cond3A_319 : i32
            scf.if %cond3A_320 {
              %dma_start3A = arith.constant 0 : i32
              %dma_start3A_321 = tpu.memref_slice %arg7[%add3A_311, %dma_start3A] : memref<64x128xi32, #tpu.memory_space<vmem>> -> memref<1x128xi32, #tpu.memory_space<vmem>>
              %dma_start3A_322 = tpu.memref_squeeze %dma_start3A_321 : memref<1x128xi32, #tpu.memory_space<vmem>> -> memref<128xi32, #tpu.memory_space<vmem>>
              %dma_start3A_323 = arith.constant 0 : i32
              %dma_start3A_324 = arith.constant 0 : i32
              %dma_start3A_325 = tpu.memref_slice %arg2[%dma_start3A_323, %dma_start3A_324] : memref<50000x128xbf16, #tpu.memory_space<hbm>> -> memref<50000x128xbf16, #tpu.memory_space<hbm>>
              tpu.enqueue_indirect_dma source(%dma_start3A_325 : memref<50000x128xbf16, #tpu.memory_space<hbm>>) target(%arg12 : memref<128x128xbf16, #tpu.memory_space<vmem>>) offsets(%dma_start3A_322 : memref<128xi32, #tpu.memory_space<vmem>>) semaphore(%arg15 : memref<!tpu.dma_semaphore, #tpu.memory_space<semaphore_mem>>)
            } else {
            }
            "tpu.region"() ({
              %run_scoped3A = tpu.sem_alloc : memref<!tpu.dma_semaphore, #tpu.memory_space<semaphore_mem>>
              %dma_start3A = arith.constant 0 : i32
              %dma_start3A_321 = tpu.memref_slice %arg8[%mul3A_298, %dma_start3A] : memref<64x128xi32, #tpu.memory_space<vmem>> -> memref<1x128xi32, #tpu.memory_space<vmem>>
              %dma_start3A_322 = tpu.memref_squeeze %dma_start3A_321 : memref<1x128xi32, #tpu.memory_space<vmem>> -> memref<128xi32, #tpu.memory_space<vmem>>
              %dma_start3A_323 = arith.constant 0 : i32
              %dma_start3A_324 = arith.constant 0 : i32
              %dma_start3A_325 = tpu.memref_slice %arg13[%dma_start3A_323, %dma_start3A_324] : memref<12552x128xbf16, #tpu.memory_space<vmem_shared>> -> memref<12552x128xbf16, #tpu.memory_space<vmem_shared>>
              tpu.enqueue_indirect_dma source(%arg11 : memref<128x128xbf16, #tpu.memory_space<vmem>>) target(%dma_start3A_325 : memref<12552x128xbf16, #tpu.memory_space<vmem_shared>>) offsets(%dma_start3A_322 : memref<128xi32, #tpu.memory_space<vmem>>) semaphore(%run_scoped3A : memref<!tpu.dma_semaphore, #tpu.memory_space<semaphore_mem>>) {add = true}
              %dma_wait3A_326 = arith.constant 0 : i32
              %dma_wait3A_327 = tpu.memref_slice %arg8[%mul3A_298, %dma_wait3A_326] : memref<64x128xi32, #tpu.memory_space<vmem>> -> memref<1x128xi32, #tpu.memory_space<vmem>>
              %dma_wait3A_328 = tpu.memref_squeeze %dma_wait3A_327 : memref<1x128xi32, #tpu.memory_space<vmem>> -> memref<128xi32, #tpu.memory_space<vmem>>
              %dma_wait3A_329 = arith.constant 0 : i32
              %dma_wait3A_330 = arith.constant 0 : i32
              %dma_wait3A_331 = tpu.memref_slice %arg13[%dma_wait3A_329, %dma_wait3A_330] : memref<12552x128xbf16, #tpu.memory_space<vmem_shared>> -> memref<12552x128xbf16, #tpu.memory_space<vmem_shared>>
              tpu.wait_indirect_dma semaphore(%run_scoped3A : memref<!tpu.dma_semaphore, #tpu.memory_space<semaphore_mem>>) src(%arg11 : memref<128x128xbf16, #tpu.memory_space<vmem>>) dst(%dma_wait3A_331 : memref<12552x128xbf16, #tpu.memory_space<vmem_shared>>)
              tpu.yield
            }) : () -> ()
          } else {
          }
          %add3A_303 = arith.constant 1 : i32
          %add3A_304 = arith.addi %mul3A_298, %add3A_303 : i32
          %lt3A_305 = arith.cmpi slt, %add3A_304, %shift_right_arithmetic3A_51 : i32
          %convert_element_type3A_306 = arith.extui %lt3A_305 : i1 to i32
          %cond3A_307 = arith.constant 0 : i32
          %cond3A_308 = arith.cmpi ne, %convert_element_type3A_306, %cond3A_307 : i32
          scf.if %cond3A_308 {
            %add3A_310 = arith.constant 1 : i32
            %add3A_311 = arith.addi %mul3A_298, %add3A_310 : i32
            %add3A_312 = arith.constant 2 : i32
            %add3A_313 = arith.addi %mul3A_298, %add3A_312 : i32
            %dma_wait3A = arith.constant 0 : i32
            %dma_wait3A_314 = tpu.memref_slice %arg7[%add3A_311, %dma_wait3A] : memref<64x128xi32, #tpu.memory_space<vmem>> -> memref<1x128xi32, #tpu.memory_space<vmem>>
            %dma_wait3A_315 = tpu.memref_squeeze %dma_wait3A_314 : memref<1x128xi32, #tpu.memory_space<vmem>> -> memref<128xi32, #tpu.memory_space<vmem>>
            %dma_wait3A_316 = arith.constant 0 : i32
            %dma_wait3A_317 = arith.constant 0 : i32
            %dma_wait3A_318 = tpu.memref_slice %arg2[%dma_wait3A_316, %dma_wait3A_317] : memref<50000x128xbf16, #tpu.memory_space<hbm>> -> memref<50000x128xbf16, #tpu.memory_space<hbm>>
            tpu.wait_indirect_dma semaphore(%arg15 : memref<!tpu.dma_semaphore, #tpu.memory_space<semaphore_mem>>) src(%dma_wait3A_318 : memref<50000x128xbf16, #tpu.memory_space<hbm>>) dst(%arg12 : memref<128x128xbf16, #tpu.memory_space<vmem>>)
            %lt3A_319 = arith.cmpi slt, %add3A_313, %shift_right_arithmetic3A_51 : i32
            %convert_element_type3A_320 = arith.extui %lt3A_319 : i1 to i32
            %cond3A_321 = arith.constant 0 : i32
            %cond3A_322 = arith.cmpi ne, %convert_element_type3A_320, %cond3A_321 : i32
            scf.if %cond3A_322 {
              %dma_start3A = arith.constant 0 : i32
              %dma_start3A_323 = tpu.memref_slice %arg7[%add3A_313, %dma_start3A] : memref<64x128xi32, #tpu.memory_space<vmem>> -> memref<1x128xi32, #tpu.memory_space<vmem>>
              %dma_start3A_324 = tpu.memref_squeeze %dma_start3A_323 : memref<1x128xi32, #tpu.memory_space<vmem>> -> memref<128xi32, #tpu.memory_space<vmem>>
              %dma_start3A_325 = arith.constant 0 : i32
              %dma_start3A_326 = arith.constant 0 : i32
              %dma_start3A_327 = tpu.memref_slice %arg2[%dma_start3A_325, %dma_start3A_326] : memref<50000x128xbf16, #tpu.memory_space<hbm>> -> memref<50000x128xbf16, #tpu.memory_space<hbm>>
              tpu.enqueue_indirect_dma source(%dma_start3A_327 : memref<50000x128xbf16, #tpu.memory_space<hbm>>) target(%arg11 : memref<128x128xbf16, #tpu.memory_space<vmem>>) offsets(%dma_start3A_324 : memref<128xi32, #tpu.memory_space<vmem>>) semaphore(%arg14 : memref<!tpu.dma_semaphore, #tpu.memory_space<semaphore_mem>>)
            } else {
            }
            "tpu.region"() ({
              %run_scoped3A = tpu.sem_alloc : memref<!tpu.dma_semaphore, #tpu.memory_space<semaphore_mem>>
              %dma_start3A = arith.constant 0 : i32
              %dma_start3A_323 = tpu.memref_slice %arg8[%add3A_311, %dma_start3A] : memref<64x128xi32, #tpu.memory_space<vmem>> -> memref<1x128xi32, #tpu.memory_space<vmem>>
              %dma_start3A_324 = tpu.memref_squeeze %dma_start3A_323 : memref<1x128xi32, #tpu.memory_space<vmem>> -> memref<128xi32, #tpu.memory_space<vmem>>
              %dma_start3A_325 = arith.constant 0 : i32
              %dma_start3A_326 = arith.constant 0 : i32
              %dma_start3A_327 = tpu.memref_slice %arg13[%dma_start3A_325, %dma_start3A_326] : memref<12552x128xbf16, #tpu.memory_space<vmem_shared>> -> memref<12552x128xbf16, #tpu.memory_space<vmem_shared>>
              tpu.enqueue_indirect_dma source(%arg12 : memref<128x128xbf16, #tpu.memory_space<vmem>>) target(%dma_start3A_327 : memref<12552x128xbf16, #tpu.memory_space<vmem_shared>>) offsets(%dma_start3A_324 : memref<128xi32, #tpu.memory_space<vmem>>) semaphore(%run_scoped3A : memref<!tpu.dma_semaphore, #tpu.memory_space<semaphore_mem>>) {add = true}
              %dma_wait3A_328 = arith.constant 0 : i32
              %dma_wait3A_329 = tpu.memref_slice %arg8[%add3A_311, %dma_wait3A_328] : memref<64x128xi32, #tpu.memory_space<vmem>> -> memref<1x128xi32, #tpu.memory_space<vmem>>
              %dma_wait3A_330 = tpu.memref_squeeze %dma_wait3A_329 : memref<1x128xi32, #tpu.memory_space<vmem>> -> memref<128xi32, #tpu.memory_space<vmem>>
              %dma_wait3A_331 = arith.constant 0 : i32
              %dma_wait3A_332 = arith.constant 0 : i32
              %dma_wait3A_333 = tpu.memref_slice %arg13[%dma_wait3A_331, %dma_wait3A_332] : memref<12552x128xbf16, #tpu.memory_space<vmem_shared>> -> memref<12552x128xbf16, #tpu.memory_space<vmem_shared>>
              tpu.wait_indirect_dma semaphore(%run_scoped3A : memref<!tpu.dma_semaphore, #tpu.memory_space<semaphore_mem>>) src(%arg12 : memref<128x128xbf16, #tpu.memory_space<vmem>>) dst(%dma_wait3A_333 : memref<12552x128xbf16, #tpu.memory_space<vmem_shared>>)
              tpu.yield
            }) : () -> ()
          } else {
          }
          %while3A_309 = arith.constant 0 : i32
          scf.yield %while3A_309 : i32
        }
        %scan3A_294 = arith.constant 0 : i32
        scf.yield %scan3A_294 : i32
      }
      %scan3A_34 = arith.constant 4 : i32
      %barrier3A_35 = arith.constant 0 : index
      tpu.barrier barrier_id(%barrier3A_35)
      %mul3A_36 = arith.constant 784 : i32
      %mul3A_37 = arith.muli %arg1, %mul3A_36 : i32
      %add3A_38 = arith.addi %mul3A_24, %mul3A_37 : i32
      "tpu.region"() ({
        %run_scoped3A = tpu.sem_alloc : memref<!tpu.dma_semaphore, #tpu.memory_space<semaphore_mem>>
        %dma_start3A = arith.constant 0 : i32
        %dma_start3A_40 = tpu.memref_slice %arg6[%add3A_38, %dma_start3A] : memref<50176x128xbf16, #tpu.memory_space<hbm>> -> memref<784x128xbf16, #tpu.memory_space<hbm>>
        %dma_start3A_41 = arith.constant 0 : i32
        %dma_start3A_42 = tpu.memref_slice %arg13[%mul3A_37, %dma_start3A_41] : memref<12552x128xbf16, #tpu.memory_space<vmem_shared>> -> memref<784x128xbf16, #tpu.memory_space<vmem_shared>>
        tpu.enqueue_dma source(%dma_start3A_42 : memref<784x128xbf16, #tpu.memory_space<vmem_shared>>) target(%dma_start3A_40 : memref<784x128xbf16, #tpu.memory_space<hbm>>) target_semaphore(%run_scoped3A : memref<!tpu.dma_semaphore, #tpu.memory_space<semaphore_mem>>)
        %dma_wait3A = arith.constant 0 : i32
        %dma_wait3A_43 = tpu.memref_slice %arg6[%add3A_38, %dma_wait3A] : memref<50176x128xbf16, #tpu.memory_space<hbm>> -> memref<784x128xbf16, #tpu.memory_space<hbm>>
        %dma_wait3A_44 = arith.constant 0 : i32
        %dma_wait3A_45 = tpu.memref_slice %arg13[%mul3A_37, %dma_wait3A_44] : memref<12552x128xbf16, #tpu.memory_space<vmem_shared>> -> memref<784x128xbf16, #tpu.memory_space<vmem_shared>>
        tpu.wait_dma2 semaphore(%run_scoped3A : memref<!tpu.dma_semaphore, #tpu.memory_space<semaphore_mem>>) src(%dma_wait3A_45 : memref<784x128xbf16, #tpu.memory_space<vmem_shared>>) dst(%dma_wait3A_43 : memref<784x128xbf16, #tpu.memory_space<hbm>>)
        tpu.yield
      }) : () -> ()
      %scan3A_39 = arith.constant 0 : i32
      scf.yield %scan3A_39 : i32
    }
    %scan3A_17 = arith.constant 2 : i32
    return
  }
}

#map = affine_map<(d0, d1) -> (0, 0)>
#map1 = affine_map<(d0, d1) -> (0)>
module attributes {stable_mosaic.version = 14 : i64} {
  func.func @seg_sum_cnt(%arg0: i32, %arg1: i32, %arg2: memref<50000x128xbf16, #tpu.memory_space<hbm>>, %arg3: memref<524288xi32, #tpu.memory_space<hbm>>, %arg4: memref<524288xi32, #tpu.memory_space<hbm>>, %arg5: memref<784x128xbf16, #tpu.memory_space<hbm>>, %arg6: memref<784x32xbf16, #tpu.memory_space<hbm>>, %arg7: memref<128x32xbf16, #tpu.memory_space<hbm>>, %arg8: memref<50176x128xbf16, #tpu.memory_space<hbm>>, %arg9: memref<50176x32xbf16, #tpu.memory_space<hbm>>, %arg10: memref<64x128xi32, #tpu.memory_space<vmem>>, %arg11: memref<64x128xi32, #tpu.memory_space<vmem>>, %arg12: memref<8192xi32, #tpu.memory_space<vmem>>, %arg13: memref<8192xi32, #tpu.memory_space<vmem>>, %arg14: memref<128x128xbf16, #tpu.memory_space<vmem>>, %arg15: memref<128x128xbf16, #tpu.memory_space<vmem>>, %arg16: memref<128x32xbf16, #tpu.memory_space<vmem>>, %arg17: memref<12552x128xbf16, #tpu.memory_space<vmem_shared>>, %arg18: memref<12552x32xbf16, #tpu.memory_space<vmem_shared>>, %arg19: memref<!tpu.dma_semaphore, #tpu.memory_space<semaphore_mem>>, %arg20: memref<!tpu.dma_semaphore, #tpu.memory_space<semaphore_mem>>) attributes {dimension_semantics = [#tpu.dimension_semantics<core_parallel>, #tpu.dimension_semantics<subcore_parallel>], iteration_bounds = array<i64: 2, 16>, scalar_prefetch = 0 : i64, scratch_operands = 11 : i64, tpu.core_type = #tpu.core_type<sc_vector_subcore>, window_params = [{transform_indices = #map}, {transform_indices = #map1}, {transform_indices = #map1}, {transform_indices = #map}, {transform_indices = #map}, {transform_indices = #map}, {transform_indices = #map}, {transform_indices = #map}]} {
    %iota3A = tpu.iota {dimensions = array<i32: 0>} : vector<16xi32>
    %mul3A = arith.constant 97 : i32
    %mul3A_0 = vector.broadcast %mul3A : i32 to vector<16xi32>
    %mul3A_1 = arith.muli %iota3A, %mul3A_0 : vector<16xi32>
    %mul3A_2 = arith.constant 16 : i32
    %mul3A_3 = arith.muli %arg1, %mul3A_2 : i32
    %add3A = vector.broadcast %mul3A_3 : i32 to vector<16xi32>
    %add3A_4 = arith.addi %mul3A_1, %add3A : vector<16xi32>
    %and3A = arith.constant 7 : i32
    %and3A_5 = vector.broadcast %and3A : i32 to vector<16xi32>
    %and3A_6 = arith.andi %iota3A, %and3A_5 : vector<16xi32>
    %add3A_7 = arith.constant 12544 : i32
    %add3A_8 = vector.broadcast %add3A_7 : i32 to vector<16xi32>
    %add3A_9 = arith.addi %add3A_8, %and3A_6 : vector<16xi32>
    "tpu.region"() ({
      %run_scoped3A = tpu.sem_alloc : memref<!tpu.dma_semaphore, #tpu.memory_space<semaphore_mem>>
      tpu.enqueue_dma source(%arg7 : memref<128x32xbf16, #tpu.memory_space<hbm>>) target(%arg16 : memref<128x32xbf16, #tpu.memory_space<vmem>>) target_semaphore(%run_scoped3A : memref<!tpu.dma_semaphore, #tpu.memory_space<semaphore_mem>>)
      tpu.wait_dma2 semaphore(%run_scoped3A : memref<!tpu.dma_semaphore, #tpu.memory_space<semaphore_mem>>) src(%arg7 : memref<128x32xbf16, #tpu.memory_space<hbm>>) dst(%arg16 : memref<128x32xbf16, #tpu.memory_space<vmem>>)
      tpu.yield
    }) : () -> ()
    %mul3A_10 = arith.constant 32768 : i32
    %mul3A_11 = arith.muli %arg1, %mul3A_10 : i32
    %scan3A = arith.constant 0 : i32
    %scan3A_12 = arith.constant 0 : i32
    %scan3A_13 = arith.constant 2 : i32
    %scan3A_14 = arith.addi %scan3A_12, %scan3A_13 : i32
    %scan3A_15 = arith.constant 1 : i32
    %scan3A_16 = scf.for %scan3A_18 = %scan3A_12 to %scan3A_14 step %scan3A_15 iter_args(%scan3A_19 = %scan3A) -> (i32)  : i32 {
      %mul3A_20 = arith.constant 2 : i32
      %mul3A_21 = arith.muli %arg0, %mul3A_20 : i32
      %add3A_22 = arith.addi %mul3A_21, %scan3A_18 : i32
      %mul3A_23 = arith.constant 12544 : i32
      %mul3A_24 = arith.muli %add3A_22, %mul3A_23 : i32
      %barrier3A = arith.constant 0 : index
      tpu.barrier barrier_id(%barrier3A)
      %mul3A_25 = arith.constant 784 : i32
      %mul3A_26 = arith.muli %arg1, %mul3A_25 : i32
      "tpu.region"() ({
        %run_scoped3A = tpu.sem_alloc : memref<!tpu.dma_semaphore, #tpu.memory_space<semaphore_mem>>
        %dma_start3A = arith.constant 0 : i32
        %dma_start3A_43 = tpu.memref_slice %arg17[%mul3A_26, %dma_start3A] : memref<12552x128xbf16, #tpu.memory_space<vmem_shared>> -> memref<784x128xbf16, #tpu.memory_space<vmem_shared>>
        tpu.enqueue_dma source(%arg5 : memref<784x128xbf16, #tpu.memory_space<hbm>>) target(%dma_start3A_43 : memref<784x128xbf16, #tpu.memory_space<vmem_shared>>) target_semaphore(%run_scoped3A : memref<!tpu.dma_semaphore, #tpu.memory_space<semaphore_mem>>)
        %dma_wait3A = arith.constant 0 : i32
        %dma_wait3A_44 = tpu.memref_slice %arg17[%mul3A_26, %dma_wait3A] : memref<12552x128xbf16, #tpu.memory_space<vmem_shared>> -> memref<784x128xbf16, #tpu.memory_space<vmem_shared>>
        tpu.wait_dma2 semaphore(%run_scoped3A : memref<!tpu.dma_semaphore, #tpu.memory_space<semaphore_mem>>) src(%arg5 : memref<784x128xbf16, #tpu.memory_space<hbm>>) dst(%dma_wait3A_44 : memref<784x128xbf16, #tpu.memory_space<vmem_shared>>)
        tpu.yield
      }) : () -> ()
      %mul3A_27 = arith.constant 784 : i32
      %mul3A_28 = arith.muli %arg1, %mul3A_27 : i32
      "tpu.region"() ({
        %run_scoped3A = tpu.sem_alloc : memref<!tpu.dma_semaphore, #tpu.memory_space<semaphore_mem>>
        %dma_start3A = arith.constant 0 : i32
        %dma_start3A_43 = tpu.memref_slice %arg18[%mul3A_28, %dma_start3A] : memref<12552x32xbf16, #tpu.memory_space<vmem_shared>> -> memref<784x32xbf16, #tpu.memory_space<vmem_shared>>
        tpu.enqueue_dma source(%arg6 : memref<784x32xbf16, #tpu.memory_space<hbm>>) target(%dma_start3A_43 : memref<784x32xbf16, #tpu.memory_space<vmem_shared>>) target_semaphore(%run_scoped3A : memref<!tpu.dma_semaphore, #tpu.memory_space<semaphore_mem>>)
        %dma_wait3A = arith.constant 0 : i32
        %dma_wait3A_44 = tpu.memref_slice %arg18[%mul3A_28, %dma_wait3A] : memref<12552x32xbf16, #tpu.memory_space<vmem_shared>> -> memref<784x32xbf16, #tpu.memory_space<vmem_shared>>
        tpu.wait_dma2 semaphore(%run_scoped3A : memref<!tpu.dma_semaphore, #tpu.memory_space<semaphore_mem>>) src(%arg6 : memref<784x32xbf16, #tpu.memory_space<hbm>>) dst(%dma_wait3A_44 : memref<784x32xbf16, #tpu.memory_space<vmem_shared>>)
        tpu.yield
      }) : () -> ()
      %barrier3A_29 = arith.constant 0 : index
      tpu.barrier barrier_id(%barrier3A_29)
      %scan3A_30 = arith.constant 0 : i32
      %scan3A_31 = arith.constant 0 : i32
      %scan3A_32 = arith.constant 4 : i32
      %scan3A_33 = arith.addi %scan3A_31, %scan3A_32 : i32
      %scan3A_34 = arith.constant 1 : i32
      %scan3A_35 = scf.for %scan3A_43 = %scan3A_31 to %scan3A_33 step %scan3A_34 iter_args(%scan3A_44 = %scan3A_30) -> (i32)  : i32 {
        %mul3A_45 = arith.constant 8192 : i32
        %mul3A_46 = arith.muli %scan3A_43, %mul3A_45 : i32
        %add3A_47 = arith.addi %mul3A_11, %mul3A_46 : i32
        "tpu.region"() ({
          %run_scoped3A = tpu.sem_alloc : memref<!tpu.dma_semaphore, #tpu.memory_space<semaphore_mem>>
          %dma_start3A = tpu.memref_slice %arg3[%add3A_47] : memref<524288xi32, #tpu.memory_space<hbm>> -> memref<8192xi32, #tpu.memory_space<hbm>>
          %dma_start3A_298 = tpu.memref_slice %arg3[%add3A_47] : memref<524288xi32, #tpu.memory_space<hbm>> -> memref<8192xi32, #tpu.memory_space<hbm>>
          tpu.enqueue_dma source(%dma_start3A_298 : memref<8192xi32, #tpu.memory_space<hbm>>) target(%arg12 : memref<8192xi32, #tpu.memory_space<vmem>>) target_semaphore(%run_scoped3A : memref<!tpu.dma_semaphore, #tpu.memory_space<semaphore_mem>>)
          %dma_wait3A = tpu.memref_slice %arg3[%add3A_47] : memref<524288xi32, #tpu.memory_space<hbm>> -> memref<8192xi32, #tpu.memory_space<hbm>>
          %dma_wait3A_299 = tpu.memref_slice %arg3[%add3A_47] : memref<524288xi32, #tpu.memory_space<hbm>> -> memref<8192xi32, #tpu.memory_space<hbm>>
          tpu.wait_dma2 semaphore(%run_scoped3A : memref<!tpu.dma_semaphore, #tpu.memory_space<semaphore_mem>>) src(%dma_wait3A_299 : memref<8192xi32, #tpu.memory_space<hbm>>) dst(%arg12 : memref<8192xi32, #tpu.memory_space<vmem>>)
          tpu.yield
        }) : () -> ()
        "tpu.region"() ({
          %run_scoped3A = tpu.sem_alloc : memref<!tpu.dma_semaphore, #tpu.memory_space<semaphore_mem>>
          %dma_start3A = tpu.memref_slice %arg4[%add3A_47] : memref<524288xi32, #tpu.memory_space<hbm>> -> memref<8192xi32, #tpu.memory_space<hbm>>
          %dma_start3A_298 = tpu.memref_slice %arg4[%add3A_47] : memref<524288xi32, #tpu.memory_space<hbm>> -> memref<8192xi32, #tpu.memory_space<hbm>>
          tpu.enqueue_dma source(%dma_start3A_298 : memref<8192xi32, #tpu.memory_space<hbm>>) target(%arg13 : memref<8192xi32, #tpu.memory_space<vmem>>) target_semaphore(%run_scoped3A : memref<!tpu.dma_semaphore, #tpu.memory_space<semaphore_mem>>)
          %dma_wait3A = tpu.memref_slice %arg4[%add3A_47] : memref<524288xi32, #tpu.memory_space<hbm>> -> memref<8192xi32, #tpu.memory_space<hbm>>
          %dma_wait3A_299 = tpu.memref_slice %arg4[%add3A_47] : memref<524288xi32, #tpu.memory_space<hbm>> -> memref<8192xi32, #tpu.memory_space<hbm>>
          tpu.wait_dma2 semaphore(%run_scoped3A : memref<!tpu.dma_semaphore, #tpu.memory_space<semaphore_mem>>) src(%dma_wait3A_299 : memref<8192xi32, #tpu.memory_space<hbm>>) dst(%arg13 : memref<8192xi32, #tpu.memory_space<vmem>>)
          tpu.yield
        }) : () -> ()
        %parallel_loop3A = arith.constant 0 : i32
        %parallel_loop3A_48 = arith.constant 512 : i32
        %parallel_loop3A_49 = arith.constant 1 : i32
        %parallel_loop3A_50 = arith.constant 0 : i32
        %parallel_loop3A_51 = scf.for %parallel_loop3A_298 = %parallel_loop3A to %parallel_loop3A_48 step %parallel_loop3A_49 iter_args(%parallel_loop3A_299 = %parallel_loop3A_50) -> (i32)  : i32 {
          %parallel_loop3A_300 = arith.constant 16 : i32
          %parallel_loop3A_301 = arith.muli %parallel_loop3A_298, %parallel_loop3A_300 : i32
          %parallel_loop3A_302 = arith.index_cast %parallel_loop3A_301 : i32 to index
          %parallel_loop3A_303 = tpu.vector_load %arg13[%parallel_loop3A_302] {strides = array<i32>} : memref<8192xi32, #tpu.memory_space<vmem>>, vector<16xi32>,
          %parallel_loop3A_304 = arith.constant 16 : i32
          %parallel_loop3A_305 = arith.muli %parallel_loop3A_298, %parallel_loop3A_304 : i32
          %parallel_loop3A_306 = arith.index_cast %parallel_loop3A_305 : i32 to index
          %parallel_loop3A_307 = tpu.vector_load %arg12[%parallel_loop3A_306] {strides = array<i32>} : memref<8192xi32, #tpu.memory_space<vmem>>, vector<16xi32>,
          %parallel_loop3A_308 = vector.broadcast %mul3A_24 : i32 to vector<16xi32>
          %parallel_loop3A_309 = arith.subi %parallel_loop3A_303, %parallel_loop3A_308 : vector<16xi32>
          %parallel_loop3A_310 = arith.constant 12544 : i32
          %parallel_loop3A_311 = vector.broadcast %parallel_loop3A_310 : i32 to vector<16xi32>
          %parallel_loop3A_312 = arith.cmpi ult, %parallel_loop3A_309, %parallel_loop3A_311 : vector<16xi32>
          %parallel_loop3A_313 = arith.constant 1 : i32
          %parallel_loop3A_314 = arith.constant 0 : i32
          %parallel_loop3A_315 = vector.broadcast %parallel_loop3A_313 : i32 to vector<16xi32>
          %parallel_loop3A_316 = vector.broadcast %parallel_loop3A_314 : i32 to vector<16xi32>
          %parallel_loop3A_317 = arith.select %parallel_loop3A_312, %parallel_loop3A_315, %parallel_loop3A_316 : vector<16xi1>, vector<16xi32>
          %parallel_loop3A_318 = arith.constant true
          %parallel_loop3A_319 = vector.broadcast %parallel_loop3A_318 : i1 to vector<16xi1>
          %parallel_loop3A_320 = tpu.scan <sum>, %parallel_loop3A_317 masked %parallel_loop3A_319 : vector<16xi32>, vector<16xi1> -> vector<16xi32>
          %parallel_loop3A_321 = vector.broadcast %parallel_loop3A_299 : i32 to vector<16xi32>
          %parallel_loop3A_322 = arith.addi %parallel_loop3A_321, %parallel_loop3A_320 : vector<16xi32>
          %parallel_loop3A_323 = arith.constant 1 : i32
          %parallel_loop3A_324 = vector.broadcast %parallel_loop3A_323 : i32 to vector<16xi32>
          %parallel_loop3A_325 = arith.subi %parallel_loop3A_322, %parallel_loop3A_324 : vector<16xi32>
          %parallel_loop3A_326 = arith.constant 7 : i32
          %parallel_loop3A_327 = vector.broadcast %parallel_loop3A_326 : i32 to vector<16xi32>
          %parallel_loop3A_328 = arith.shrsi %parallel_loop3A_325, %parallel_loop3A_327 : vector<16xi32>
          %parallel_loop3A_329 = arith.constant 127 : i32
          %parallel_loop3A_330 = vector.broadcast %parallel_loop3A_329 : i32 to vector<16xi32>
          %parallel_loop3A_331 = arith.andi %parallel_loop3A_325, %parallel_loop3A_330 : vector<16xi32>
          tpu.vector_store_idx %arg10[%parallel_loop3A_328, %parallel_loop3A_331], %parallel_loop3A_307 masked %parallel_loop3A_312 : memref<64x128xi32, #tpu.memory_space<vmem>>[vector<16xi32>, vector<16xi32>], vector<16xi32>, vector<16xi1>
          %parallel_loop3A_332 = arith.constant 7 : i32
          %parallel_loop3A_333 = vector.broadcast %parallel_loop3A_332 : i32 to vector<16xi32>
          %parallel_loop3A_334 = arith.shrsi %parallel_loop3A_325, %parallel_loop3A_333 : vector<16xi32>
          %parallel_loop3A_335 = arith.constant 127 : i32
          %parallel_loop3A_336 = vector.broadcast %parallel_loop3A_335 : i32 to vector<16xi32>
          %parallel_loop3A_337 = arith.andi %parallel_loop3A_325, %parallel_loop3A_336 : vector<16xi32>
          tpu.vector_store_idx %arg11[%parallel_loop3A_334, %parallel_loop3A_337], %parallel_loop3A_309 masked %parallel_loop3A_312 : memref<64x128xi32, #tpu.memory_space<vmem>>[vector<16xi32>, vector<16xi32>], vector<16xi32>, vector<16xi1>
          %parallel_loop3A_338 = arith.constant true
          %parallel_loop3A_339 = vector.broadcast %parallel_loop3A_338 : i1 to vector<16xi1>
          %parallel_loop3A_340 = tpu.scan <sum>, %parallel_loop3A_317 masked %parallel_loop3A_339 : vector<16xi32>, vector<16xi1> -> vector<16xi32>
          %parallel_loop3A_341 = vector.extract %parallel_loop3A_340[15] : i32 from vector<16xi32>
          %parallel_loop3A_342 = arith.addi %parallel_loop3A_299, %parallel_loop3A_341 : i32
          scf.yield %parallel_loop3A_342 : i32
        } {sc.loop_unroll_factor = 8 : i64, sc.parallel_access}
        %add3A_52 = arith.constant 127 : i32
        %add3A_53 = arith.addi %parallel_loop3A_51, %add3A_52 : i32
        %shift_right_arithmetic3A = arith.constant 7 : i32
        %shift_right_arithmetic3A_54 = arith.shrsi %add3A_53, %shift_right_arithmetic3A : i32
        %shift_right_arithmetic3A_55 = arith.constant 4 : i32
        %shift_right_arithmetic3A_56 = arith.shrsi %parallel_loop3A_51, %shift_right_arithmetic3A_55 : i32
        %add3A_57 = arith.constant 0 : i32
        %add3A_58 = arith.addi %shift_right_arithmetic3A_56, %add3A_57 : i32
        %mul3A_59 = arith.constant 16 : i32
        %mul3A_60 = arith.muli %add3A_58, %mul3A_59 : i32
        %add3A_61 = vector.broadcast %mul3A_60 : i32 to vector<16xi32>
        %add3A_62 = arith.addi %add3A_61, %iota3A : vector<16xi32>
        %ge3A = vector.broadcast %parallel_loop3A_51 : i32 to vector<16xi32>
        %ge3A_63 = arith.cmpi sge, %add3A_62, %ge3A : vector<16xi32>
        %mul3A_64 = arith.constant 128 : i32
        %mul3A_65 = arith.muli %shift_right_arithmetic3A_54, %mul3A_64 : i32
        %lt3A = vector.broadcast %mul3A_65 : i32 to vector<16xi32>
        %lt3A_66 = arith.cmpi slt, %add3A_62, %lt3A : vector<16xi32>
        %and3A_67 = arith.andi %ge3A_63, %lt3A_66 : vector<16xi1>
        %shift_right_arithmetic3A_68 = arith.constant 7 : i32
        %shift_right_arithmetic3A_69 = vector.broadcast %shift_right_arithmetic3A_68 : i32 to vector<16xi32>
        %shift_right_arithmetic3A_70 = arith.shrsi %add3A_62, %shift_right_arithmetic3A_69 : vector<16xi32>
        %and3A_71 = arith.constant 127 : i32
        %and3A_72 = vector.broadcast %and3A_71 : i32 to vector<16xi32>
        %and3A_73 = arith.andi %add3A_62, %and3A_72 : vector<16xi32>
        tpu.vector_store_idx %arg10[%shift_right_arithmetic3A_70, %and3A_73], %add3A_4 masked %and3A_67 : memref<64x128xi32, #tpu.memory_space<vmem>>[vector<16xi32>, vector<16xi32>], vector<16xi32>, vector<16xi1>
        %shift_right_arithmetic3A_74 = arith.constant 7 : i32
        %shift_right_arithmetic3A_75 = vector.broadcast %shift_right_arithmetic3A_74 : i32 to vector<16xi32>
        %shift_right_arithmetic3A_76 = arith.shrsi %add3A_62, %shift_right_arithmetic3A_75 : vector<16xi32>
        %and3A_77 = arith.constant 127 : i32
        %and3A_78 = vector.broadcast %and3A_77 : i32 to vector<16xi32>
        %and3A_79 = arith.andi %add3A_62, %and3A_78 : vector<16xi32>
        tpu.vector_store_idx %arg11[%shift_right_arithmetic3A_76, %and3A_79], %add3A_9 masked %and3A_67 : memref<64x128xi32, #tpu.memory_space<vmem>>[vector<16xi32>, vector<16xi32>], vector<16xi32>, vector<16xi1>
        %add3A_80 = arith.constant 1 : i32
        %add3A_81 = arith.addi %shift_right_arithmetic3A_56, %add3A_80 : i32
        %mul3A_82 = arith.constant 16 : i32
        %mul3A_83 = arith.muli %add3A_81, %mul3A_82 : i32
        %add3A_84 = vector.broadcast %mul3A_83 : i32 to vector<16xi32>
        %add3A_85 = arith.addi %add3A_84, %iota3A : vector<16xi32>
        %ge3A_86 = vector.broadcast %parallel_loop3A_51 : i32 to vector<16xi32>
        %ge3A_87 = arith.cmpi sge, %add3A_85, %ge3A_86 : vector<16xi32>
        %mul3A_88 = arith.constant 128 : i32
        %mul3A_89 = arith.muli %shift_right_arithmetic3A_54, %mul3A_88 : i32
        %lt3A_90 = vector.broadcast %mul3A_89 : i32 to vector<16xi32>
        %lt3A_91 = arith.cmpi slt, %add3A_85, %lt3A_90 : vector<16xi32>
        %and3A_92 = arith.andi %ge3A_87, %lt3A_91 : vector<16xi1>
        %shift_right_arithmetic3A_93 = arith.constant 7 : i32
        %shift_right_arithmetic3A_94 = vector.broadcast %shift_right_arithmetic3A_93 : i32 to vector<16xi32>
        %shift_right_arithmetic3A_95 = arith.shrsi %add3A_85, %shift_right_arithmetic3A_94 : vector<16xi32>
        %and3A_96 = arith.constant 127 : i32
        %and3A_97 = vector.broadcast %and3A_96 : i32 to vector<16xi32>
        %and3A_98 = arith.andi %add3A_85, %and3A_97 : vector<16xi32>
        tpu.vector_store_idx %arg10[%shift_right_arithmetic3A_95, %and3A_98], %add3A_4 masked %and3A_92 : memref<64x128xi32, #tpu.memory_space<vmem>>[vector<16xi32>, vector<16xi32>], vector<16xi32>, vector<16xi1>
        %shift_right_arithmetic3A_99 = arith.constant 7 : i32
        %shift_right_arithmetic3A_100 = vector.broadcast %shift_right_arithmetic3A_99 : i32 to vector<16xi32>
        %shift_right_arithmetic3A_101 = arith.shrsi %add3A_85, %shift_right_arithmetic3A_100 : vector<16xi32>
        %and3A_102 = arith.constant 127 : i32
        %and3A_103 = vector.broadcast %and3A_102 : i32 to vector<16xi32>
        %and3A_104 = arith.andi %add3A_85, %and3A_103 : vector<16xi32>
        tpu.vector_store_idx %arg11[%shift_right_arithmetic3A_101, %and3A_104], %add3A_9 masked %and3A_92 : memref<64x128xi32, #tpu.memory_space<vmem>>[vector<16xi32>, vector<16xi32>], vector<16xi32>, vector<16xi1>
        %add3A_105 = arith.constant 2 : i32
        %add3A_106 = arith.addi %shift_right_arithmetic3A_56, %add3A_105 : i32
        %mul3A_107 = arith.constant 16 : i32
        %mul3A_108 = arith.muli %add3A_106, %mul3A_107 : i32
        %add3A_109 = vector.broadcast %mul3A_108 : i32 to vector<16xi32>
        %add3A_110 = arith.addi %add3A_109, %iota3A : vector<16xi32>
        %ge3A_111 = vector.broadcast %parallel_loop3A_51 : i32 to vector<16xi32>
        %ge3A_112 = arith.cmpi sge, %add3A_110, %ge3A_111 : vector<16xi32>
        %mul3A_113 = arith.constant 128 : i32
        %mul3A_114 = arith.muli %shift_right_arithmetic3A_54, %mul3A_113 : i32
        %lt3A_115 = vector.broadcast %mul3A_114 : i32 to vector<16xi32>
        %lt3A_116 = arith.cmpi slt, %add3A_110, %lt3A_115 : vector<16xi32>
        %and3A_117 = arith.andi %ge3A_112, %lt3A_116 : vector<16xi1>
        %shift_right_arithmetic3A_118 = arith.constant 7 : i32
        %shift_right_arithmetic3A_119 = vector.broadcast %shift_right_arithmetic3A_118 : i32 to vector<16xi32>
        %shift_right_arithmetic3A_120 = arith.shrsi %add3A_110, %shift_right_arithmetic3A_119 : vector<16xi32>
        %and3A_121 = arith.constant 127 : i32
        %and3A_122 = vector.broadcast %and3A_121 : i32 to vector<16xi32>
        %and3A_123 = arith.andi %add3A_110, %and3A_122 : vector<16xi32>
        tpu.vector_store_idx %arg10[%shift_right_arithmetic3A_120, %and3A_123], %add3A_4 masked %and3A_117 : memref<64x128xi32, #tpu.memory_space<vmem>>[vector<16xi32>, vector<16xi32>], vector<16xi32>, vector<16xi1>
        %shift_right_arithmetic3A_124 = arith.constant 7 : i32
        %shift_right_arithmetic3A_125 = vector.broadcast %shift_right_arithmetic3A_124 : i32 to vector<16xi32>
        %shift_right_arithmetic3A_126 = arith.shrsi %add3A_110, %shift_right_arithmetic3A_125 : vector<16xi32>
        %and3A_127 = arith.constant 127 : i32
        %and3A_128 = vector.broadcast %and3A_127 : i32 to vector<16xi32>
        %and3A_129 = arith.andi %add3A_110, %and3A_128 : vector<16xi32>
        tpu.vector_store_idx %arg11[%shift_right_arithmetic3A_126, %and3A_129], %add3A_9 masked %and3A_117 : memref<64x128xi32, #tpu.memory_space<vmem>>[vector<16xi32>, vector<16xi32>], vector<16xi32>, vector<16xi1>
        %add3A_130 = arith.constant 3 : i32
        %add3A_131 = arith.addi %shift_right_arithmetic3A_56, %add3A_130 : i32
        %mul3A_132 = arith.constant 16 : i32
        %mul3A_133 = arith.muli %add3A_131, %mul3A_132 : i32
        %add3A_134 = vector.broadcast %mul3A_133 : i32 to vector<16xi32>
        %add3A_135 = arith.addi %add3A_134, %iota3A : vector<16xi32>
        %ge3A_136 = vector.broadcast %parallel_loop3A_51 : i32 to vector<16xi32>
        %ge3A_137 = arith.cmpi sge, %add3A_135, %ge3A_136 : vector<16xi32>
        %mul3A_138 = arith.constant 128 : i32
        %mul3A_139 = arith.muli %shift_right_arithmetic3A_54, %mul3A_138 : i32
        %lt3A_140 = vector.broadcast %mul3A_139 : i32 to vector<16xi32>
        %lt3A_141 = arith.cmpi slt, %add3A_135, %lt3A_140 : vector<16xi32>
        %and3A_142 = arith.andi %ge3A_137, %lt3A_141 : vector<16xi1>
        %shift_right_arithmetic3A_143 = arith.constant 7 : i32
        %shift_right_arithmetic3A_144 = vector.broadcast %shift_right_arithmetic3A_143 : i32 to vector<16xi32>
        %shift_right_arithmetic3A_145 = arith.shrsi %add3A_135, %shift_right_arithmetic3A_144 : vector<16xi32>
        %and3A_146 = arith.constant 127 : i32
        %and3A_147 = vector.broadcast %and3A_146 : i32 to vector<16xi32>
        %and3A_148 = arith.andi %add3A_135, %and3A_147 : vector<16xi32>
        tpu.vector_store_idx %arg10[%shift_right_arithmetic3A_145, %and3A_148], %add3A_4 masked %and3A_142 : memref<64x128xi32, #tpu.memory_space<vmem>>[vector<16xi32>, vector<16xi32>], vector<16xi32>, vector<16xi1>
        %shift_right_arithmetic3A_149 = arith.constant 7 : i32
        %shift_right_arithmetic3A_150 = vector.broadcast %shift_right_arithmetic3A_149 : i32 to vector<16xi32>
        %shift_right_arithmetic3A_151 = arith.shrsi %add3A_135, %shift_right_arithmetic3A_150 : vector<16xi32>
        %and3A_152 = arith.constant 127 : i32
        %and3A_153 = vector.broadcast %and3A_152 : i32 to vector<16xi32>
        %and3A_154 = arith.andi %add3A_135, %and3A_153 : vector<16xi32>
        tpu.vector_store_idx %arg11[%shift_right_arithmetic3A_151, %and3A_154], %add3A_9 masked %and3A_142 : memref<64x128xi32, #tpu.memory_space<vmem>>[vector<16xi32>, vector<16xi32>], vector<16xi32>, vector<16xi1>
        %add3A_155 = arith.constant 4 : i32
        %add3A_156 = arith.addi %shift_right_arithmetic3A_56, %add3A_155 : i32
        %mul3A_157 = arith.constant 16 : i32
        %mul3A_158 = arith.muli %add3A_156, %mul3A_157 : i32
        %add3A_159 = vector.broadcast %mul3A_158 : i32 to vector<16xi32>
        %add3A_160 = arith.addi %add3A_159, %iota3A : vector<16xi32>
        %ge3A_161 = vector.broadcast %parallel_loop3A_51 : i32 to vector<16xi32>
        %ge3A_162 = arith.cmpi sge, %add3A_160, %ge3A_161 : vector<16xi32>
        %mul3A_163 = arith.constant 128 : i32
        %mul3A_164 = arith.muli %shift_right_arithmetic3A_54, %mul3A_163 : i32
        %lt3A_165 = vector.broadcast %mul3A_164 : i32 to vector<16xi32>
        %lt3A_166 = arith.cmpi slt, %add3A_160, %lt3A_165 : vector<16xi32>
        %and3A_167 = arith.andi %ge3A_162, %lt3A_166 : vector<16xi1>
        %shift_right_arithmetic3A_168 = arith.constant 7 : i32
        %shift_right_arithmetic3A_169 = vector.broadcast %shift_right_arithmetic3A_168 : i32 to vector<16xi32>
        %shift_right_arithmetic3A_170 = arith.shrsi %add3A_160, %shift_right_arithmetic3A_169 : vector<16xi32>
        %and3A_171 = arith.constant 127 : i32
        %and3A_172 = vector.broadcast %and3A_171 : i32 to vector<16xi32>
        %and3A_173 = arith.andi %add3A_160, %and3A_172 : vector<16xi32>
        tpu.vector_store_idx %arg10[%shift_right_arithmetic3A_170, %and3A_173], %add3A_4 masked %and3A_167 : memref<64x128xi32, #tpu.memory_space<vmem>>[vector<16xi32>, vector<16xi32>], vector<16xi32>, vector<16xi1>
        %shift_right_arithmetic3A_174 = arith.constant 7 : i32
        %shift_right_arithmetic3A_175 = vector.broadcast %shift_right_arithmetic3A_174 : i32 to vector<16xi32>
        %shift_right_arithmetic3A_176 = arith.shrsi %add3A_160, %shift_right_arithmetic3A_175 : vector<16xi32>
        %and3A_177 = arith.constant 127 : i32
        %and3A_178 = vector.broadcast %and3A_177 : i32 to vector<16xi32>
        %and3A_179 = arith.andi %add3A_160, %and3A_178 : vector<16xi32>
        tpu.vector_store_idx %arg11[%shift_right_arithmetic3A_176, %and3A_179], %add3A_9 masked %and3A_167 : memref<64x128xi32, #tpu.memory_space<vmem>>[vector<16xi32>, vector<16xi32>], vector<16xi32>, vector<16xi1>
        %add3A_180 = arith.constant 5 : i32
        %add3A_181 = arith.addi %shift_right_arithmetic3A_56, %add3A_180 : i32
        %mul3A_182 = arith.constant 16 : i32
        %mul3A_183 = arith.muli %add3A_181, %mul3A_182 : i32
        %add3A_184 = vector.broadcast %mul3A_183 : i32 to vector<16xi32>
        %add3A_185 = arith.addi %add3A_184, %iota3A : vector<16xi32>
        %ge3A_186 = vector.broadcast %parallel_loop3A_51 : i32 to vector<16xi32>
        %ge3A_187 = arith.cmpi sge, %add3A_185, %ge3A_186 : vector<16xi32>
        %mul3A_188 = arith.constant 128 : i32
        %mul3A_189 = arith.muli %shift_right_arithmetic3A_54, %mul3A_188 : i32
        %lt3A_190 = vector.broadcast %mul3A_189 : i32 to vector<16xi32>
        %lt3A_191 = arith.cmpi slt, %add3A_185, %lt3A_190 : vector<16xi32>
        %and3A_192 = arith.andi %ge3A_187, %lt3A_191 : vector<16xi1>
        %shift_right_arithmetic3A_193 = arith.constant 7 : i32
        %shift_right_arithmetic3A_194 = vector.broadcast %shift_right_arithmetic3A_193 : i32 to vector<16xi32>
        %shift_right_arithmetic3A_195 = arith.shrsi %add3A_185, %shift_right_arithmetic3A_194 : vector<16xi32>
        %and3A_196 = arith.constant 127 : i32
        %and3A_197 = vector.broadcast %and3A_196 : i32 to vector<16xi32>
        %and3A_198 = arith.andi %add3A_185, %and3A_197 : vector<16xi32>
        tpu.vector_store_idx %arg10[%shift_right_arithmetic3A_195, %and3A_198], %add3A_4 masked %and3A_192 : memref<64x128xi32, #tpu.memory_space<vmem>>[vector<16xi32>, vector<16xi32>], vector<16xi32>, vector<16xi1>
        %shift_right_arithmetic3A_199 = arith.constant 7 : i32
        %shift_right_arithmetic3A_200 = vector.broadcast %shift_right_arithmetic3A_199 : i32 to vector<16xi32>
        %shift_right_arithmetic3A_201 = arith.shrsi %add3A_185, %shift_right_arithmetic3A_200 : vector<16xi32>
        %and3A_202 = arith.constant 127 : i32
        %and3A_203 = vector.broadcast %and3A_202 : i32 to vector<16xi32>
        %and3A_204 = arith.andi %add3A_185, %and3A_203 : vector<16xi32>
        tpu.vector_store_idx %arg11[%shift_right_arithmetic3A_201, %and3A_204], %add3A_9 masked %and3A_192 : memref<64x128xi32, #tpu.memory_space<vmem>>[vector<16xi32>, vector<16xi32>], vector<16xi32>, vector<16xi1>
        %add3A_205 = arith.constant 6 : i32
        %add3A_206 = arith.addi %shift_right_arithmetic3A_56, %add3A_205 : i32
        %mul3A_207 = arith.constant 16 : i32
        %mul3A_208 = arith.muli %add3A_206, %mul3A_207 : i32
        %add3A_209 = vector.broadcast %mul3A_208 : i32 to vector<16xi32>
        %add3A_210 = arith.addi %add3A_209, %iota3A : vector<16xi32>
        %ge3A_211 = vector.broadcast %parallel_loop3A_51 : i32 to vector<16xi32>
        %ge3A_212 = arith.cmpi sge, %add3A_210, %ge3A_211 : vector<16xi32>
        %mul3A_213 = arith.constant 128 : i32
        %mul3A_214 = arith.muli %shift_right_arithmetic3A_54, %mul3A_213 : i32
        %lt3A_215 = vector.broadcast %mul3A_214 : i32 to vector<16xi32>
        %lt3A_216 = arith.cmpi slt, %add3A_210, %lt3A_215 : vector<16xi32>
        %and3A_217 = arith.andi %ge3A_212, %lt3A_216 : vector<16xi1>
        %shift_right_arithmetic3A_218 = arith.constant 7 : i32
        %shift_right_arithmetic3A_219 = vector.broadcast %shift_right_arithmetic3A_218 : i32 to vector<16xi32>
        %shift_right_arithmetic3A_220 = arith.shrsi %add3A_210, %shift_right_arithmetic3A_219 : vector<16xi32>
        %and3A_221 = arith.constant 127 : i32
        %and3A_222 = vector.broadcast %and3A_221 : i32 to vector<16xi32>
        %and3A_223 = arith.andi %add3A_210, %and3A_222 : vector<16xi32>
        tpu.vector_store_idx %arg10[%shift_right_arithmetic3A_220, %and3A_223], %add3A_4 masked %and3A_217 : memref<64x128xi32, #tpu.memory_space<vmem>>[vector<16xi32>, vector<16xi32>], vector<16xi32>, vector<16xi1>
        %shift_right_arithmetic3A_224 = arith.constant 7 : i32
        %shift_right_arithmetic3A_225 = vector.broadcast %shift_right_arithmetic3A_224 : i32 to vector<16xi32>
        %shift_right_arithmetic3A_226 = arith.shrsi %add3A_210, %shift_right_arithmetic3A_225 : vector<16xi32>
        %and3A_227 = arith.constant 127 : i32
        %and3A_228 = vector.broadcast %and3A_227 : i32 to vector<16xi32>
        %and3A_229 = arith.andi %add3A_210, %and3A_228 : vector<16xi32>
        tpu.vector_store_idx %arg11[%shift_right_arithmetic3A_226, %and3A_229], %add3A_9 masked %and3A_217 : memref<64x128xi32, #tpu.memory_space<vmem>>[vector<16xi32>, vector<16xi32>], vector<16xi32>, vector<16xi1>
        %add3A_230 = arith.constant 7 : i32
        %add3A_231 = arith.addi %shift_right_arithmetic3A_56, %add3A_230 : i32
        %mul3A_232 = arith.constant 16 : i32
        %mul3A_233 = arith.muli %add3A_231, %mul3A_232 : i32
        %add3A_234 = vector.broadcast %mul3A_233 : i32 to vector<16xi32>
        %add3A_235 = arith.addi %add3A_234, %iota3A : vector<16xi32>
        %ge3A_236 = vector.broadcast %parallel_loop3A_51 : i32 to vector<16xi32>
        %ge3A_237 = arith.cmpi sge, %add3A_235, %ge3A_236 : vector<16xi32>
        %mul3A_238 = arith.constant 128 : i32
        %mul3A_239 = arith.muli %shift_right_arithmetic3A_54, %mul3A_238 : i32
        %lt3A_240 = vector.broadcast %mul3A_239 : i32 to vector<16xi32>
        %lt3A_241 = arith.cmpi slt, %add3A_235, %lt3A_240 : vector<16xi32>
        %and3A_242 = arith.andi %ge3A_237, %lt3A_241 : vector<16xi1>
        %shift_right_arithmetic3A_243 = arith.constant 7 : i32
        %shift_right_arithmetic3A_244 = vector.broadcast %shift_right_arithmetic3A_243 : i32 to vector<16xi32>
        %shift_right_arithmetic3A_245 = arith.shrsi %add3A_235, %shift_right_arithmetic3A_244 : vector<16xi32>
        %and3A_246 = arith.constant 127 : i32
        %and3A_247 = vector.broadcast %and3A_246 : i32 to vector<16xi32>
        %and3A_248 = arith.andi %add3A_235, %and3A_247 : vector<16xi32>
        tpu.vector_store_idx %arg10[%shift_right_arithmetic3A_245, %and3A_248], %add3A_4 masked %and3A_242 : memref<64x128xi32, #tpu.memory_space<vmem>>[vector<16xi32>, vector<16xi32>], vector<16xi32>, vector<16xi1>
        %shift_right_arithmetic3A_249 = arith.constant 7 : i32
        %shift_right_arithmetic3A_250 = vector.broadcast %shift_right_arithmetic3A_249 : i32 to vector<16xi32>
        %shift_right_arithmetic3A_251 = arith.shrsi %add3A_235, %shift_right_arithmetic3A_250 : vector<16xi32>
        %and3A_252 = arith.constant 127 : i32
        %and3A_253 = vector.broadcast %and3A_252 : i32 to vector<16xi32>
        %and3A_254 = arith.andi %add3A_235, %and3A_253 : vector<16xi32>
        tpu.vector_store_idx %arg11[%shift_right_arithmetic3A_251, %and3A_254], %add3A_9 masked %and3A_242 : memref<64x128xi32, #tpu.memory_space<vmem>>[vector<16xi32>, vector<16xi32>], vector<16xi32>, vector<16xi1>
        %add3A_255 = arith.constant 8 : i32
        %add3A_256 = arith.addi %shift_right_arithmetic3A_56, %add3A_255 : i32
        %mul3A_257 = arith.constant 16 : i32
        %mul3A_258 = arith.muli %add3A_256, %mul3A_257 : i32
        %add3A_259 = vector.broadcast %mul3A_258 : i32 to vector<16xi32>
        %add3A_260 = arith.addi %add3A_259, %iota3A : vector<16xi32>
        %ge3A_261 = vector.broadcast %parallel_loop3A_51 : i32 to vector<16xi32>
        %ge3A_262 = arith.cmpi sge, %add3A_260, %ge3A_261 : vector<16xi32>
        %mul3A_263 = arith.constant 128 : i32
        %mul3A_264 = arith.muli %shift_right_arithmetic3A_54, %mul3A_263 : i32
        %lt3A_265 = vector.broadcast %mul3A_264 : i32 to vector<16xi32>
        %lt3A_266 = arith.cmpi slt, %add3A_260, %lt3A_265 : vector<16xi32>
        %and3A_267 = arith.andi %ge3A_262, %lt3A_266 : vector<16xi1>
        %shift_right_arithmetic3A_268 = arith.constant 7 : i32
        %shift_right_arithmetic3A_269 = vector.broadcast %shift_right_arithmetic3A_268 : i32 to vector<16xi32>
        %shift_right_arithmetic3A_270 = arith.shrsi %add3A_260, %shift_right_arithmetic3A_269 : vector<16xi32>
        %and3A_271 = arith.constant 127 : i32
        %and3A_272 = vector.broadcast %and3A_271 : i32 to vector<16xi32>
        %and3A_273 = arith.andi %add3A_260, %and3A_272 : vector<16xi32>
        tpu.vector_store_idx %arg10[%shift_right_arithmetic3A_270, %and3A_273], %add3A_4 masked %and3A_267 : memref<64x128xi32, #tpu.memory_space<vmem>>[vector<16xi32>, vector<16xi32>], vector<16xi32>, vector<16xi1>
        %shift_right_arithmetic3A_274 = arith.constant 7 : i32
        %shift_right_arithmetic3A_275 = vector.broadcast %shift_right_arithmetic3A_274 : i32 to vector<16xi32>
        %shift_right_arithmetic3A_276 = arith.shrsi %add3A_260, %shift_right_arithmetic3A_275 : vector<16xi32>
        %and3A_277 = arith.constant 127 : i32
        %and3A_278 = vector.broadcast %and3A_277 : i32 to vector<16xi32>
        %and3A_279 = arith.andi %add3A_260, %and3A_278 : vector<16xi32>
        tpu.vector_store_idx %arg11[%shift_right_arithmetic3A_276, %and3A_279], %add3A_9 masked %and3A_267 : memref<64x128xi32, #tpu.memory_space<vmem>>[vector<16xi32>, vector<16xi32>], vector<16xi32>, vector<16xi1>
        %gt3A = arith.constant 0 : i32
        %gt3A_280 = arith.cmpi sgt, %shift_right_arithmetic3A_54, %gt3A : i32
        %convert_element_type3A = arith.extui %gt3A_280 : i1 to i32
        %cond3A = arith.constant 0 : i32
        %cond3A_281 = arith.cmpi ne, %convert_element_type3A, %cond3A : i32
        scf.if %cond3A_281 {
          %dma_start3A = arith.constant 0 : i32
          %dma_start3A_298 = arith.constant 0 : i32
          %dma_start3A_299 = tpu.memref_slice %arg10[%dma_start3A, %dma_start3A_298] : memref<64x128xi32, #tpu.memory_space<vmem>> -> memref<1x128xi32, #tpu.memory_space<vmem>>
          %dma_start3A_300 = tpu.memref_squeeze %dma_start3A_299 : memref<1x128xi32, #tpu.memory_space<vmem>> -> memref<128xi32, #tpu.memory_space<vmem>>
          %dma_start3A_301 = arith.constant 0 : i32
          %dma_start3A_302 = arith.constant 0 : i32
          %dma_start3A_303 = tpu.memref_slice %arg2[%dma_start3A_301, %dma_start3A_302] : memref<50000x128xbf16, #tpu.memory_space<hbm>> -> memref<50000x128xbf16, #tpu.memory_space<hbm>>
          tpu.enqueue_indirect_dma source(%dma_start3A_303 : memref<50000x128xbf16, #tpu.memory_space<hbm>>) target(%arg14 : memref<128x128xbf16, #tpu.memory_space<vmem>>) offsets(%dma_start3A_300 : memref<128xi32, #tpu.memory_space<vmem>>) semaphore(%arg19 : memref<!tpu.dma_semaphore, #tpu.memory_space<semaphore_mem>>)
        } else {
        }
        %add3A_282 = arith.constant 1 : i32
        %add3A_283 = arith.addi %shift_right_arithmetic3A_54, %add3A_282 : i32
        %shift_right_arithmetic3A_284 = arith.constant 1 : i32
        %shift_right_arithmetic3A_285 = arith.shrsi %add3A_283, %shift_right_arithmetic3A_284 : i32
        %while3A = arith.constant 0 : i32
        %while3A_286 = arith.constant 0 : i32
        %while3A_287 = arith.subi %shift_right_arithmetic3A_285, %while3A : i32
        %while3A_288 = arith.addi %while3A, %while3A_287 : i32
        %while3A_289 = arith.constant 1 : i32
        %while3A_290 = arith.divsi %while3A_287, %while3A_289 : i32
        %while3A_291 = arith.muli %while3A_290, %while3A_289 : i32
        %while3A_292 = arith.addi %while3A, %while3A_291 : i32
        %while3A_293 = arith.constant 1 : i32
        %while3A_294 = scf.for %while3A_298 = %while3A to %while3A_292 step %while3A_293 iter_args(%while3A_299 = %while3A_286) -> (i32)  : i32 {
          %mul3A_300 = arith.constant 2 : i32
          %mul3A_301 = arith.muli %while3A_298, %mul3A_300 : i32
          %lt3A_302 = arith.cmpi slt, %mul3A_301, %shift_right_arithmetic3A_54 : i32
          %convert_element_type3A_303 = arith.extui %lt3A_302 : i1 to i32
          %cond3A_304 = arith.constant 0 : i32
          %cond3A_305 = arith.cmpi ne, %convert_element_type3A_303, %cond3A_304 : i32
          scf.if %cond3A_305 {
            %add3A_313 = arith.constant 1 : i32
            %add3A_314 = arith.addi %mul3A_301, %add3A_313 : i32
            %dma_wait3A = arith.constant 0 : i32
            %dma_wait3A_315 = tpu.memref_slice %arg10[%mul3A_301, %dma_wait3A] : memref<64x128xi32, #tpu.memory_space<vmem>> -> memref<1x128xi32, #tpu.memory_space<vmem>>
            %dma_wait3A_316 = tpu.memref_squeeze %dma_wait3A_315 : memref<1x128xi32, #tpu.memory_space<vmem>> -> memref<128xi32, #tpu.memory_space<vmem>>
            %dma_wait3A_317 = arith.constant 0 : i32
            %dma_wait3A_318 = arith.constant 0 : i32
            %dma_wait3A_319 = tpu.memref_slice %arg2[%dma_wait3A_317, %dma_wait3A_318] : memref<50000x128xbf16, #tpu.memory_space<hbm>> -> memref<50000x128xbf16, #tpu.memory_space<hbm>>
            tpu.wait_indirect_dma semaphore(%arg19 : memref<!tpu.dma_semaphore, #tpu.memory_space<semaphore_mem>>) src(%dma_wait3A_319 : memref<50000x128xbf16, #tpu.memory_space<hbm>>) dst(%arg14 : memref<128x128xbf16, #tpu.memory_space<vmem>>)
            %lt3A_320 = arith.cmpi slt, %add3A_314, %shift_right_arithmetic3A_54 : i32
            %convert_element_type3A_321 = arith.extui %lt3A_320 : i1 to i32
            %cond3A_322 = arith.constant 0 : i32
            %cond3A_323 = arith.cmpi ne, %convert_element_type3A_321, %cond3A_322 : i32
            scf.if %cond3A_323 {
              %dma_start3A = arith.constant 0 : i32
              %dma_start3A_324 = tpu.memref_slice %arg10[%add3A_314, %dma_start3A] : memref<64x128xi32, #tpu.memory_space<vmem>> -> memref<1x128xi32, #tpu.memory_space<vmem>>
              %dma_start3A_325 = tpu.memref_squeeze %dma_start3A_324 : memref<1x128xi32, #tpu.memory_space<vmem>> -> memref<128xi32, #tpu.memory_space<vmem>>
              %dma_start3A_326 = arith.constant 0 : i32
              %dma_start3A_327 = arith.constant 0 : i32
              %dma_start3A_328 = tpu.memref_slice %arg2[%dma_start3A_326, %dma_start3A_327] : memref<50000x128xbf16, #tpu.memory_space<hbm>> -> memref<50000x128xbf16, #tpu.memory_space<hbm>>
              tpu.enqueue_indirect_dma source(%dma_start3A_328 : memref<50000x128xbf16, #tpu.memory_space<hbm>>) target(%arg15 : memref<128x128xbf16, #tpu.memory_space<vmem>>) offsets(%dma_start3A_325 : memref<128xi32, #tpu.memory_space<vmem>>) semaphore(%arg20 : memref<!tpu.dma_semaphore, #tpu.memory_space<semaphore_mem>>)
            } else {
            }
            "tpu.region"() ({
              %run_scoped3A = tpu.sem_alloc : memref<!tpu.dma_semaphore, #tpu.memory_space<semaphore_mem>>
              %dma_start3A = arith.constant 0 : i32
              %dma_start3A_324 = tpu.memref_slice %arg11[%mul3A_301, %dma_start3A] : memref<64x128xi32, #tpu.memory_space<vmem>> -> memref<1x128xi32, #tpu.memory_space<vmem>>
              %dma_start3A_325 = tpu.memref_squeeze %dma_start3A_324 : memref<1x128xi32, #tpu.memory_space<vmem>> -> memref<128xi32, #tpu.memory_space<vmem>>
              %dma_start3A_326 = arith.constant 0 : i32
              %dma_start3A_327 = arith.constant 0 : i32
              %dma_start3A_328 = tpu.memref_slice %arg17[%dma_start3A_326, %dma_start3A_327] : memref<12552x128xbf16, #tpu.memory_space<vmem_shared>> -> memref<12552x128xbf16, #tpu.memory_space<vmem_shared>>
              tpu.enqueue_indirect_dma source(%arg14 : memref<128x128xbf16, #tpu.memory_space<vmem>>) target(%dma_start3A_328 : memref<12552x128xbf16, #tpu.memory_space<vmem_shared>>) offsets(%dma_start3A_325 : memref<128xi32, #tpu.memory_space<vmem>>) semaphore(%run_scoped3A : memref<!tpu.dma_semaphore, #tpu.memory_space<semaphore_mem>>) {add = true}
              %dma_wait3A_329 = arith.constant 0 : i32
              %dma_wait3A_330 = tpu.memref_slice %arg11[%mul3A_301, %dma_wait3A_329] : memref<64x128xi32, #tpu.memory_space<vmem>> -> memref<1x128xi32, #tpu.memory_space<vmem>>
              %dma_wait3A_331 = tpu.memref_squeeze %dma_wait3A_330 : memref<1x128xi32, #tpu.memory_space<vmem>> -> memref<128xi32, #tpu.memory_space<vmem>>
              %dma_wait3A_332 = arith.constant 0 : i32
              %dma_wait3A_333 = arith.constant 0 : i32
              %dma_wait3A_334 = tpu.memref_slice %arg17[%dma_wait3A_332, %dma_wait3A_333] : memref<12552x128xbf16, #tpu.memory_space<vmem_shared>> -> memref<12552x128xbf16, #tpu.memory_space<vmem_shared>>
              tpu.wait_indirect_dma semaphore(%run_scoped3A : memref<!tpu.dma_semaphore, #tpu.memory_space<semaphore_mem>>) src(%arg14 : memref<128x128xbf16, #tpu.memory_space<vmem>>) dst(%dma_wait3A_334 : memref<12552x128xbf16, #tpu.memory_space<vmem_shared>>)
              tpu.yield
            }) : () -> ()
            "tpu.region"() ({
              %run_scoped3A = tpu.sem_alloc : memref<!tpu.dma_semaphore, #tpu.memory_space<semaphore_mem>>
              %dma_start3A = arith.constant 0 : i32
              %dma_start3A_324 = tpu.memref_slice %arg11[%mul3A_301, %dma_start3A] : memref<64x128xi32, #tpu.memory_space<vmem>> -> memref<1x128xi32, #tpu.memory_space<vmem>>
              %dma_start3A_325 = tpu.memref_squeeze %dma_start3A_324 : memref<1x128xi32, #tpu.memory_space<vmem>> -> memref<128xi32, #tpu.memory_space<vmem>>
              %dma_start3A_326 = arith.constant 0 : i32
              %dma_start3A_327 = arith.constant 0 : i32
              %dma_start3A_328 = tpu.memref_slice %arg18[%dma_start3A_326, %dma_start3A_327] : memref<12552x32xbf16, #tpu.memory_space<vmem_shared>> -> memref<12552x32xbf16, #tpu.memory_space<vmem_shared>>
              tpu.enqueue_indirect_dma source(%arg16 : memref<128x32xbf16, #tpu.memory_space<vmem>>) target(%dma_start3A_328 : memref<12552x32xbf16, #tpu.memory_space<vmem_shared>>) offsets(%dma_start3A_325 : memref<128xi32, #tpu.memory_space<vmem>>) semaphore(%run_scoped3A : memref<!tpu.dma_semaphore, #tpu.memory_space<semaphore_mem>>) {add = true}
              %dma_wait3A_329 = arith.constant 0 : i32
              %dma_wait3A_330 = tpu.memref_slice %arg11[%mul3A_301, %dma_wait3A_329] : memref<64x128xi32, #tpu.memory_space<vmem>> -> memref<1x128xi32, #tpu.memory_space<vmem>>
              %dma_wait3A_331 = tpu.memref_squeeze %dma_wait3A_330 : memref<1x128xi32, #tpu.memory_space<vmem>> -> memref<128xi32, #tpu.memory_space<vmem>>
              %dma_wait3A_332 = arith.constant 0 : i32
              %dma_wait3A_333 = arith.constant 0 : i32
              %dma_wait3A_334 = tpu.memref_slice %arg18[%dma_wait3A_332, %dma_wait3A_333] : memref<12552x32xbf16, #tpu.memory_space<vmem_shared>> -> memref<12552x32xbf16, #tpu.memory_space<vmem_shared>>
              tpu.wait_indirect_dma semaphore(%run_scoped3A : memref<!tpu.dma_semaphore, #tpu.memory_space<semaphore_mem>>) src(%arg16 : memref<128x32xbf16, #tpu.memory_space<vmem>>) dst(%dma_wait3A_334 : memref<12552x32xbf16, #tpu.memory_space<vmem_shared>>)
              tpu.yield
            }) : () -> ()
          } else {
          }
          %add3A_306 = arith.constant 1 : i32
          %add3A_307 = arith.addi %mul3A_301, %add3A_306 : i32
          %lt3A_308 = arith.cmpi slt, %add3A_307, %shift_right_arithmetic3A_54 : i32
          %convert_element_type3A_309 = arith.extui %lt3A_308 : i1 to i32
          %cond3A_310 = arith.constant 0 : i32
          %cond3A_311 = arith.cmpi ne, %convert_element_type3A_309, %cond3A_310 : i32
          scf.if %cond3A_311 {
            %add3A_313 = arith.constant 1 : i32
            %add3A_314 = arith.addi %mul3A_301, %add3A_313 : i32
            %add3A_315 = arith.constant 2 : i32
            %add3A_316 = arith.addi %mul3A_301, %add3A_315 : i32
            %dma_wait3A = arith.constant 0 : i32
            %dma_wait3A_317 = tpu.memref_slice %arg10[%add3A_314, %dma_wait3A] : memref<64x128xi32, #tpu.memory_space<vmem>> -> memref<1x128xi32, #tpu.memory_space<vmem>>
            %dma_wait3A_318 = tpu.memref_squeeze %dma_wait3A_317 : memref<1x128xi32, #tpu.memory_space<vmem>> -> memref<128xi32, #tpu.memory_space<vmem>>
            %dma_wait3A_319 = arith.constant 0 : i32
            %dma_wait3A_320 = arith.constant 0 : i32
            %dma_wait3A_321 = tpu.memref_slice %arg2[%dma_wait3A_319, %dma_wait3A_320] : memref<50000x128xbf16, #tpu.memory_space<hbm>> -> memref<50000x128xbf16, #tpu.memory_space<hbm>>
            tpu.wait_indirect_dma semaphore(%arg20 : memref<!tpu.dma_semaphore, #tpu.memory_space<semaphore_mem>>) src(%dma_wait3A_321 : memref<50000x128xbf16, #tpu.memory_space<hbm>>) dst(%arg15 : memref<128x128xbf16, #tpu.memory_space<vmem>>)
            %lt3A_322 = arith.cmpi slt, %add3A_316, %shift_right_arithmetic3A_54 : i32
            %convert_element_type3A_323 = arith.extui %lt3A_322 : i1 to i32
            %cond3A_324 = arith.constant 0 : i32
            %cond3A_325 = arith.cmpi ne, %convert_element_type3A_323, %cond3A_324 : i32
            scf.if %cond3A_325 {
              %dma_start3A = arith.constant 0 : i32
              %dma_start3A_326 = tpu.memref_slice %arg10[%add3A_316, %dma_start3A] : memref<64x128xi32, #tpu.memory_space<vmem>> -> memref<1x128xi32, #tpu.memory_space<vmem>>
              %dma_start3A_327 = tpu.memref_squeeze %dma_start3A_326 : memref<1x128xi32, #tpu.memory_space<vmem>> -> memref<128xi32, #tpu.memory_space<vmem>>
              %dma_start3A_328 = arith.constant 0 : i32
              %dma_start3A_329 = arith.constant 0 : i32
              %dma_start3A_330 = tpu.memref_slice %arg2[%dma_start3A_328, %dma_start3A_329] : memref<50000x128xbf16, #tpu.memory_space<hbm>> -> memref<50000x128xbf16, #tpu.memory_space<hbm>>
              tpu.enqueue_indirect_dma source(%dma_start3A_330 : memref<50000x128xbf16, #tpu.memory_space<hbm>>) target(%arg14 : memref<128x128xbf16, #tpu.memory_space<vmem>>) offsets(%dma_start3A_327 : memref<128xi32, #tpu.memory_space<vmem>>) semaphore(%arg19 : memref<!tpu.dma_semaphore, #tpu.memory_space<semaphore_mem>>)
            } else {
            }
            "tpu.region"() ({
              %run_scoped3A = tpu.sem_alloc : memref<!tpu.dma_semaphore, #tpu.memory_space<semaphore_mem>>
              %dma_start3A = arith.constant 0 : i32
              %dma_start3A_326 = tpu.memref_slice %arg11[%add3A_314, %dma_start3A] : memref<64x128xi32, #tpu.memory_space<vmem>> -> memref<1x128xi32, #tpu.memory_space<vmem>>
              %dma_start3A_327 = tpu.memref_squeeze %dma_start3A_326 : memref<1x128xi32, #tpu.memory_space<vmem>> -> memref<128xi32, #tpu.memory_space<vmem>>
              %dma_start3A_328 = arith.constant 0 : i32
              %dma_start3A_329 = arith.constant 0 : i32
              %dma_start3A_330 = tpu.memref_slice %arg17[%dma_start3A_328, %dma_start3A_329] : memref<12552x128xbf16, #tpu.memory_space<vmem_shared>> -> memref<12552x128xbf16, #tpu.memory_space<vmem_shared>>
              tpu.enqueue_indirect_dma source(%arg15 : memref<128x128xbf16, #tpu.memory_space<vmem>>) target(%dma_start3A_330 : memref<12552x128xbf16, #tpu.memory_space<vmem_shared>>) offsets(%dma_start3A_327 : memref<128xi32, #tpu.memory_space<vmem>>) semaphore(%run_scoped3A : memref<!tpu.dma_semaphore, #tpu.memory_space<semaphore_mem>>) {add = true}
              %dma_wait3A_331 = arith.constant 0 : i32
              %dma_wait3A_332 = tpu.memref_slice %arg11[%add3A_314, %dma_wait3A_331] : memref<64x128xi32, #tpu.memory_space<vmem>> -> memref<1x128xi32, #tpu.memory_space<vmem>>
              %dma_wait3A_333 = tpu.memref_squeeze %dma_wait3A_332 : memref<1x128xi32, #tpu.memory_space<vmem>> -> memref<128xi32, #tpu.memory_space<vmem>>
              %dma_wait3A_334 = arith.constant 0 : i32
              %dma_wait3A_335 = arith.constant 0 : i32
              %dma_wait3A_336 = tpu.memref_slice %arg17[%dma_wait3A_334, %dma_wait3A_335] : memref<12552x128xbf16, #tpu.memory_space<vmem_shared>> -> memref<12552x128xbf16, #tpu.memory_space<vmem_shared>>
              tpu.wait_indirect_dma semaphore(%run_scoped3A : memref<!tpu.dma_semaphore, #tpu.memory_space<semaphore_mem>>) src(%arg15 : memref<128x128xbf16, #tpu.memory_space<vmem>>) dst(%dma_wait3A_336 : memref<12552x128xbf16, #tpu.memory_space<vmem_shared>>)
              tpu.yield
            }) : () -> ()
            "tpu.region"() ({
              %run_scoped3A = tpu.sem_alloc : memref<!tpu.dma_semaphore, #tpu.memory_space<semaphore_mem>>
              %dma_start3A = arith.constant 0 : i32
              %dma_start3A_326 = tpu.memref_slice %arg11[%add3A_314, %dma_start3A] : memref<64x128xi32, #tpu.memory_space<vmem>> -> memref<1x128xi32, #tpu.memory_space<vmem>>
              %dma_start3A_327 = tpu.memref_squeeze %dma_start3A_326 : memref<1x128xi32, #tpu.memory_space<vmem>> -> memref<128xi32, #tpu.memory_space<vmem>>
              %dma_start3A_328 = arith.constant 0 : i32
              %dma_start3A_329 = arith.constant 0 : i32
              %dma_start3A_330 = tpu.memref_slice %arg18[%dma_start3A_328, %dma_start3A_329] : memref<12552x32xbf16, #tpu.memory_space<vmem_shared>> -> memref<12552x32xbf16, #tpu.memory_space<vmem_shared>>
              tpu.enqueue_indirect_dma source(%arg16 : memref<128x32xbf16, #tpu.memory_space<vmem>>) target(%dma_start3A_330 : memref<12552x32xbf16, #tpu.memory_space<vmem_shared>>) offsets(%dma_start3A_327 : memref<128xi32, #tpu.memory_space<vmem>>) semaphore(%run_scoped3A : memref<!tpu.dma_semaphore, #tpu.memory_space<semaphore_mem>>) {add = true}
              %dma_wait3A_331 = arith.constant 0 : i32
              %dma_wait3A_332 = tpu.memref_slice %arg11[%add3A_314, %dma_wait3A_331] : memref<64x128xi32, #tpu.memory_space<vmem>> -> memref<1x128xi32, #tpu.memory_space<vmem>>
              %dma_wait3A_333 = tpu.memref_squeeze %dma_wait3A_332 : memref<1x128xi32, #tpu.memory_space<vmem>> -> memref<128xi32, #tpu.memory_space<vmem>>
              %dma_wait3A_334 = arith.constant 0 : i32
              %dma_wait3A_335 = arith.constant 0 : i32
              %dma_wait3A_336 = tpu.memref_slice %arg18[%dma_wait3A_334, %dma_wait3A_335] : memref<12552x32xbf16, #tpu.memory_space<vmem_shared>> -> memref<12552x32xbf16, #tpu.memory_space<vmem_shared>>
              tpu.wait_indirect_dma semaphore(%run_scoped3A : memref<!tpu.dma_semaphore, #tpu.memory_space<semaphore_mem>>) src(%arg16 : memref<128x32xbf16, #tpu.memory_space<vmem>>) dst(%dma_wait3A_336 : memref<12552x32xbf16, #tpu.memory_space<vmem_shared>>)
              tpu.yield
            }) : () -> ()
          } else {
          }
          %while3A_312 = arith.constant 0 : i32
          scf.yield %while3A_312 : i32
        }
        %while3A_295 = arith.constant 1 : i32
        %while3A_296 = scf.for %while3A_298 = %while3A_292 to %while3A_288 step %while3A_295 iter_args(%while3A_299 = %while3A_294) -> (i32)  : i32 {
          %mul3A_300 = arith.constant 2 : i32
          %mul3A_301 = arith.muli %while3A_298, %mul3A_300 : i32
          %lt3A_302 = arith.cmpi slt, %mul3A_301, %shift_right_arithmetic3A_54 : i32
          %convert_element_type3A_303 = arith.extui %lt3A_302 : i1 to i32
          %cond3A_304 = arith.constant 0 : i32
          %cond3A_305 = arith.cmpi ne, %convert_element_type3A_303, %cond3A_304 : i32
          scf.if %cond3A_305 {
            %add3A_313 = arith.constant 1 : i32
            %add3A_314 = arith.addi %mul3A_301, %add3A_313 : i32
            %dma_wait3A = arith.constant 0 : i32
            %dma_wait3A_315 = tpu.memref_slice %arg10[%mul3A_301, %dma_wait3A] : memref<64x128xi32, #tpu.memory_space<vmem>> -> memref<1x128xi32, #tpu.memory_space<vmem>>
            %dma_wait3A_316 = tpu.memref_squeeze %dma_wait3A_315 : memref<1x128xi32, #tpu.memory_space<vmem>> -> memref<128xi32, #tpu.memory_space<vmem>>
            %dma_wait3A_317 = arith.constant 0 : i32
            %dma_wait3A_318 = arith.constant 0 : i32
            %dma_wait3A_319 = tpu.memref_slice %arg2[%dma_wait3A_317, %dma_wait3A_318] : memref<50000x128xbf16, #tpu.memory_space<hbm>> -> memref<50000x128xbf16, #tpu.memory_space<hbm>>
            tpu.wait_indirect_dma semaphore(%arg19 : memref<!tpu.dma_semaphore, #tpu.memory_space<semaphore_mem>>) src(%dma_wait3A_319 : memref<50000x128xbf16, #tpu.memory_space<hbm>>) dst(%arg14 : memref<128x128xbf16, #tpu.memory_space<vmem>>)
            %lt3A_320 = arith.cmpi slt, %add3A_314, %shift_right_arithmetic3A_54 : i32
            %convert_element_type3A_321 = arith.extui %lt3A_320 : i1 to i32
            %cond3A_322 = arith.constant 0 : i32
            %cond3A_323 = arith.cmpi ne, %convert_element_type3A_321, %cond3A_322 : i32
            scf.if %cond3A_323 {
              %dma_start3A = arith.constant 0 : i32
              %dma_start3A_324 = tpu.memref_slice %arg10[%add3A_314, %dma_start3A] : memref<64x128xi32, #tpu.memory_space<vmem>> -> memref<1x128xi32, #tpu.memory_space<vmem>>
              %dma_start3A_325 = tpu.memref_squeeze %dma_start3A_324 : memref<1x128xi32, #tpu.memory_space<vmem>> -> memref<128xi32, #tpu.memory_space<vmem>>
              %dma_start3A_326 = arith.constant 0 : i32
              %dma_start3A_327 = arith.constant 0 : i32
              %dma_start3A_328 = tpu.memref_slice %arg2[%dma_start3A_326, %dma_start3A_327] : memref<50000x128xbf16, #tpu.memory_space<hbm>> -> memref<50000x128xbf16, #tpu.memory_space<hbm>>
              tpu.enqueue_indirect_dma source(%dma_start3A_328 : memref<50000x128xbf16, #tpu.memory_space<hbm>>) target(%arg15 : memref<128x128xbf16, #tpu.memory_space<vmem>>) offsets(%dma_start3A_325 : memref<128xi32, #tpu.memory_space<vmem>>) semaphore(%arg20 : memref<!tpu.dma_semaphore, #tpu.memory_space<semaphore_mem>>)
            } else {
            }
            "tpu.region"() ({
              %run_scoped3A = tpu.sem_alloc : memref<!tpu.dma_semaphore, #tpu.memory_space<semaphore_mem>>
              %dma_start3A = arith.constant 0 : i32
              %dma_start3A_324 = tpu.memref_slice %arg11[%mul3A_301, %dma_start3A] : memref<64x128xi32, #tpu.memory_space<vmem>> -> memref<1x128xi32, #tpu.memory_space<vmem>>
              %dma_start3A_325 = tpu.memref_squeeze %dma_start3A_324 : memref<1x128xi32, #tpu.memory_space<vmem>> -> memref<128xi32, #tpu.memory_space<vmem>>
              %dma_start3A_326 = arith.constant 0 : i32
              %dma_start3A_327 = arith.constant 0 : i32
              %dma_start3A_328 = tpu.memref_slice %arg17[%dma_start3A_326, %dma_start3A_327] : memref<12552x128xbf16, #tpu.memory_space<vmem_shared>> -> memref<12552x128xbf16, #tpu.memory_space<vmem_shared>>
              tpu.enqueue_indirect_dma source(%arg14 : memref<128x128xbf16, #tpu.memory_space<vmem>>) target(%dma_start3A_328 : memref<12552x128xbf16, #tpu.memory_space<vmem_shared>>) offsets(%dma_start3A_325 : memref<128xi32, #tpu.memory_space<vmem>>) semaphore(%run_scoped3A : memref<!tpu.dma_semaphore, #tpu.memory_space<semaphore_mem>>) {add = true}
              %dma_wait3A_329 = arith.constant 0 : i32
              %dma_wait3A_330 = tpu.memref_slice %arg11[%mul3A_301, %dma_wait3A_329] : memref<64x128xi32, #tpu.memory_space<vmem>> -> memref<1x128xi32, #tpu.memory_space<vmem>>
              %dma_wait3A_331 = tpu.memref_squeeze %dma_wait3A_330 : memref<1x128xi32, #tpu.memory_space<vmem>> -> memref<128xi32, #tpu.memory_space<vmem>>
              %dma_wait3A_332 = arith.constant 0 : i32
              %dma_wait3A_333 = arith.constant 0 : i32
              %dma_wait3A_334 = tpu.memref_slice %arg17[%dma_wait3A_332, %dma_wait3A_333] : memref<12552x128xbf16, #tpu.memory_space<vmem_shared>> -> memref<12552x128xbf16, #tpu.memory_space<vmem_shared>>
              tpu.wait_indirect_dma semaphore(%run_scoped3A : memref<!tpu.dma_semaphore, #tpu.memory_space<semaphore_mem>>) src(%arg14 : memref<128x128xbf16, #tpu.memory_space<vmem>>) dst(%dma_wait3A_334 : memref<12552x128xbf16, #tpu.memory_space<vmem_shared>>)
              tpu.yield
            }) : () -> ()
            "tpu.region"() ({
              %run_scoped3A = tpu.sem_alloc : memref<!tpu.dma_semaphore, #tpu.memory_space<semaphore_mem>>
              %dma_start3A = arith.constant 0 : i32
              %dma_start3A_324 = tpu.memref_slice %arg11[%mul3A_301, %dma_start3A] : memref<64x128xi32, #tpu.memory_space<vmem>> -> memref<1x128xi32, #tpu.memory_space<vmem>>
              %dma_start3A_325 = tpu.memref_squeeze %dma_start3A_324 : memref<1x128xi32, #tpu.memory_space<vmem>> -> memref<128xi32, #tpu.memory_space<vmem>>
              %dma_start3A_326 = arith.constant 0 : i32
              %dma_start3A_327 = arith.constant 0 : i32
              %dma_start3A_328 = tpu.memref_slice %arg18[%dma_start3A_326, %dma_start3A_327] : memref<12552x32xbf16, #tpu.memory_space<vmem_shared>> -> memref<12552x32xbf16, #tpu.memory_space<vmem_shared>>
              tpu.enqueue_indirect_dma source(%arg16 : memref<128x32xbf16, #tpu.memory_space<vmem>>) target(%dma_start3A_328 : memref<12552x32xbf16, #tpu.memory_space<vmem_shared>>) offsets(%dma_start3A_325 : memref<128xi32, #tpu.memory_space<vmem>>) semaphore(%run_scoped3A : memref<!tpu.dma_semaphore, #tpu.memory_space<semaphore_mem>>) {add = true}
              %dma_wait3A_329 = arith.constant 0 : i32
              %dma_wait3A_330 = tpu.memref_slice %arg11[%mul3A_301, %dma_wait3A_329] : memref<64x128xi32, #tpu.memory_space<vmem>> -> memref<1x128xi32, #tpu.memory_space<vmem>>
              %dma_wait3A_331 = tpu.memref_squeeze %dma_wait3A_330 : memref<1x128xi32, #tpu.memory_space<vmem>> -> memref<128xi32, #tpu.memory_space<vmem>>
              %dma_wait3A_332 = arith.constant 0 : i32
              %dma_wait3A_333 = arith.constant 0 : i32
              %dma_wait3A_334 = tpu.memref_slice %arg18[%dma_wait3A_332, %dma_wait3A_333] : memref<12552x32xbf16, #tpu.memory_space<vmem_shared>> -> memref<12552x32xbf16, #tpu.memory_space<vmem_shared>>
              tpu.wait_indirect_dma semaphore(%run_scoped3A : memref<!tpu.dma_semaphore, #tpu.memory_space<semaphore_mem>>) src(%arg16 : memref<128x32xbf16, #tpu.memory_space<vmem>>) dst(%dma_wait3A_334 : memref<12552x32xbf16, #tpu.memory_space<vmem_shared>>)
              tpu.yield
            }) : () -> ()
          } else {
          }
          %add3A_306 = arith.constant 1 : i32
          %add3A_307 = arith.addi %mul3A_301, %add3A_306 : i32
          %lt3A_308 = arith.cmpi slt, %add3A_307, %shift_right_arithmetic3A_54 : i32
          %convert_element_type3A_309 = arith.extui %lt3A_308 : i1 to i32
          %cond3A_310 = arith.constant 0 : i32
          %cond3A_311 = arith.cmpi ne, %convert_element_type3A_309, %cond3A_310 : i32
          scf.if %cond3A_311 {
            %add3A_313 = arith.constant 1 : i32
            %add3A_314 = arith.addi %mul3A_301, %add3A_313 : i32
            %add3A_315 = arith.constant 2 : i32
            %add3A_316 = arith.addi %mul3A_301, %add3A_315 : i32
            %dma_wait3A = arith.constant 0 : i32
            %dma_wait3A_317 = tpu.memref_slice %arg10[%add3A_314, %dma_wait3A] : memref<64x128xi32, #tpu.memory_space<vmem>> -> memref<1x128xi32, #tpu.memory_space<vmem>>
            %dma_wait3A_318 = tpu.memref_squeeze %dma_wait3A_317 : memref<1x128xi32, #tpu.memory_space<vmem>> -> memref<128xi32, #tpu.memory_space<vmem>>
            %dma_wait3A_319 = arith.constant 0 : i32
            %dma_wait3A_320 = arith.constant 0 : i32
            %dma_wait3A_321 = tpu.memref_slice %arg2[%dma_wait3A_319, %dma_wait3A_320] : memref<50000x128xbf16, #tpu.memory_space<hbm>> -> memref<50000x128xbf16, #tpu.memory_space<hbm>>
            tpu.wait_indirect_dma semaphore(%arg20 : memref<!tpu.dma_semaphore, #tpu.memory_space<semaphore_mem>>) src(%dma_wait3A_321 : memref<50000x128xbf16, #tpu.memory_space<hbm>>) dst(%arg15 : memref<128x128xbf16, #tpu.memory_space<vmem>>)
            %lt3A_322 = arith.cmpi slt, %add3A_316, %shift_right_arithmetic3A_54 : i32
            %convert_element_type3A_323 = arith.extui %lt3A_322 : i1 to i32
            %cond3A_324 = arith.constant 0 : i32
            %cond3A_325 = arith.cmpi ne, %convert_element_type3A_323, %cond3A_324 : i32
            scf.if %cond3A_325 {
              %dma_start3A = arith.constant 0 : i32
              %dma_start3A_326 = tpu.memref_slice %arg10[%add3A_316, %dma_start3A] : memref<64x128xi32, #tpu.memory_space<vmem>> -> memref<1x128xi32, #tpu.memory_space<vmem>>
              %dma_start3A_327 = tpu.memref_squeeze %dma_start3A_326 : memref<1x128xi32, #tpu.memory_space<vmem>> -> memref<128xi32, #tpu.memory_space<vmem>>
              %dma_start3A_328 = arith.constant 0 : i32
              %dma_start3A_329 = arith.constant 0 : i32
              %dma_start3A_330 = tpu.memref_slice %arg2[%dma_start3A_328, %dma_start3A_329] : memref<50000x128xbf16, #tpu.memory_space<hbm>> -> memref<50000x128xbf16, #tpu.memory_space<hbm>>
              tpu.enqueue_indirect_dma source(%dma_start3A_330 : memref<50000x128xbf16, #tpu.memory_space<hbm>>) target(%arg14 : memref<128x128xbf16, #tpu.memory_space<vmem>>) offsets(%dma_start3A_327 : memref<128xi32, #tpu.memory_space<vmem>>) semaphore(%arg19 : memref<!tpu.dma_semaphore, #tpu.memory_space<semaphore_mem>>)
            } else {
            }
            "tpu.region"() ({
              %run_scoped3A = tpu.sem_alloc : memref<!tpu.dma_semaphore, #tpu.memory_space<semaphore_mem>>
              %dma_start3A = arith.constant 0 : i32
              %dma_start3A_326 = tpu.memref_slice %arg11[%add3A_314, %dma_start3A] : memref<64x128xi32, #tpu.memory_space<vmem>> -> memref<1x128xi32, #tpu.memory_space<vmem>>
              %dma_start3A_327 = tpu.memref_squeeze %dma_start3A_326 : memref<1x128xi32, #tpu.memory_space<vmem>> -> memref<128xi32, #tpu.memory_space<vmem>>
              %dma_start3A_328 = arith.constant 0 : i32
              %dma_start3A_329 = arith.constant 0 : i32
              %dma_start3A_330 = tpu.memref_slice %arg17[%dma_start3A_328, %dma_start3A_329] : memref<12552x128xbf16, #tpu.memory_space<vmem_shared>> -> memref<12552x128xbf16, #tpu.memory_space<vmem_shared>>
              tpu.enqueue_indirect_dma source(%arg15 : memref<128x128xbf16, #tpu.memory_space<vmem>>) target(%dma_start3A_330 : memref<12552x128xbf16, #tpu.memory_space<vmem_shared>>) offsets(%dma_start3A_327 : memref<128xi32, #tpu.memory_space<vmem>>) semaphore(%run_scoped3A : memref<!tpu.dma_semaphore, #tpu.memory_space<semaphore_mem>>) {add = true}
              %dma_wait3A_331 = arith.constant 0 : i32
              %dma_wait3A_332 = tpu.memref_slice %arg11[%add3A_314, %dma_wait3A_331] : memref<64x128xi32, #tpu.memory_space<vmem>> -> memref<1x128xi32, #tpu.memory_space<vmem>>
              %dma_wait3A_333 = tpu.memref_squeeze %dma_wait3A_332 : memref<1x128xi32, #tpu.memory_space<vmem>> -> memref<128xi32, #tpu.memory_space<vmem>>
              %dma_wait3A_334 = arith.constant 0 : i32
              %dma_wait3A_335 = arith.constant 0 : i32
              %dma_wait3A_336 = tpu.memref_slice %arg17[%dma_wait3A_334, %dma_wait3A_335] : memref<12552x128xbf16, #tpu.memory_space<vmem_shared>> -> memref<12552x128xbf16, #tpu.memory_space<vmem_shared>>
              tpu.wait_indirect_dma semaphore(%run_scoped3A : memref<!tpu.dma_semaphore, #tpu.memory_space<semaphore_mem>>) src(%arg15 : memref<128x128xbf16, #tpu.memory_space<vmem>>) dst(%dma_wait3A_336 : memref<12552x128xbf16, #tpu.memory_space<vmem_shared>>)
              tpu.yield
            }) : () -> ()
            "tpu.region"() ({
              %run_scoped3A = tpu.sem_alloc : memref<!tpu.dma_semaphore, #tpu.memory_space<semaphore_mem>>
              %dma_start3A = arith.constant 0 : i32
              %dma_start3A_326 = tpu.memref_slice %arg11[%add3A_314, %dma_start3A] : memref<64x128xi32, #tpu.memory_space<vmem>> -> memref<1x128xi32, #tpu.memory_space<vmem>>
              %dma_start3A_327 = tpu.memref_squeeze %dma_start3A_326 : memref<1x128xi32, #tpu.memory_space<vmem>> -> memref<128xi32, #tpu.memory_space<vmem>>
              %dma_start3A_328 = arith.constant 0 : i32
              %dma_start3A_329 = arith.constant 0 : i32
              %dma_start3A_330 = tpu.memref_slice %arg18[%dma_start3A_328, %dma_start3A_329] : memref<12552x32xbf16, #tpu.memory_space<vmem_shared>> -> memref<12552x32xbf16, #tpu.memory_space<vmem_shared>>
              tpu.enqueue_indirect_dma source(%arg16 : memref<128x32xbf16, #tpu.memory_space<vmem>>) target(%dma_start3A_330 : memref<12552x32xbf16, #tpu.memory_space<vmem_shared>>) offsets(%dma_start3A_327 : memref<128xi32, #tpu.memory_space<vmem>>) semaphore(%run_scoped3A : memref<!tpu.dma_semaphore, #tpu.memory_space<semaphore_mem>>) {add = true}
              %dma_wait3A_331 = arith.constant 0 : i32
              %dma_wait3A_332 = tpu.memref_slice %arg11[%add3A_314, %dma_wait3A_331] : memref<64x128xi32, #tpu.memory_space<vmem>> -> memref<1x128xi32, #tpu.memory_space<vmem>>
              %dma_wait3A_333 = tpu.memref_squeeze %dma_wait3A_332 : memref<1x128xi32, #tpu.memory_space<vmem>> -> memref<128xi32, #tpu.memory_space<vmem>>
              %dma_wait3A_334 = arith.constant 0 : i32
              %dma_wait3A_335 = arith.constant 0 : i32
              %dma_wait3A_336 = tpu.memref_slice %arg18[%dma_wait3A_334, %dma_wait3A_335] : memref<12552x32xbf16, #tpu.memory_space<vmem_shared>> -> memref<12552x32xbf16, #tpu.memory_space<vmem_shared>>
              tpu.wait_indirect_dma semaphore(%run_scoped3A : memref<!tpu.dma_semaphore, #tpu.memory_space<semaphore_mem>>) src(%arg16 : memref<128x32xbf16, #tpu.memory_space<vmem>>) dst(%dma_wait3A_336 : memref<12552x32xbf16, #tpu.memory_space<vmem_shared>>)
              tpu.yield
            }) : () -> ()
          } else {
          }
          %while3A_312 = arith.constant 0 : i32
          scf.yield %while3A_312 : i32
        }
        %scan3A_297 = arith.constant 0 : i32
        scf.yield %scan3A_297 : i32
      }
      %scan3A_36 = arith.constant 4 : i32
      %barrier3A_37 = arith.constant 0 : index
      tpu.barrier barrier_id(%barrier3A_37)
      %mul3A_38 = arith.constant 784 : i32
      %mul3A_39 = arith.muli %arg1, %mul3A_38 : i32
      %add3A_40 = arith.addi %mul3A_24, %mul3A_39 : i32
      "tpu.region"() ({
        %run_scoped3A = tpu.sem_alloc : memref<!tpu.dma_semaphore, #tpu.memory_space<semaphore_mem>>
        %dma_start3A = arith.constant 0 : i32
        %dma_start3A_43 = tpu.memref_slice %arg8[%add3A_40, %dma_start3A] : memref<50176x128xbf16, #tpu.memory_space<hbm>> -> memref<784x128xbf16, #tpu.memory_space<hbm>>
        %dma_start3A_44 = arith.constant 0 : i32
        %dma_start3A_45 = tpu.memref_slice %arg17[%mul3A_39, %dma_start3A_44] : memref<12552x128xbf16, #tpu.memory_space<vmem_shared>> -> memref<784x128xbf16, #tpu.memory_space<vmem_shared>>
        tpu.enqueue_dma source(%dma_start3A_45 : memref<784x128xbf16, #tpu.memory_space<vmem_shared>>) target(%dma_start3A_43 : memref<784x128xbf16, #tpu.memory_space<hbm>>) target_semaphore(%run_scoped3A : memref<!tpu.dma_semaphore, #tpu.memory_space<semaphore_mem>>)
        %dma_wait3A = arith.constant 0 : i32
        %dma_wait3A_46 = tpu.memref_slice %arg8[%add3A_40, %dma_wait3A] : memref<50176x128xbf16, #tpu.memory_space<hbm>> -> memref<784x128xbf16, #tpu.memory_space<hbm>>
        %dma_wait3A_47 = arith.constant 0 : i32
        %dma_wait3A_48 = tpu.memref_slice %arg17[%mul3A_39, %dma_wait3A_47] : memref<12552x128xbf16, #tpu.memory_space<vmem_shared>> -> memref<784x128xbf16, #tpu.memory_space<vmem_shared>>
        tpu.wait_dma2 semaphore(%run_scoped3A : memref<!tpu.dma_semaphore, #tpu.memory_space<semaphore_mem>>) src(%dma_wait3A_48 : memref<784x128xbf16, #tpu.memory_space<vmem_shared>>) dst(%dma_wait3A_46 : memref<784x128xbf16, #tpu.memory_space<hbm>>)
        tpu.yield
      }) : () -> ()
      %add3A_41 = arith.addi %mul3A_24, %mul3A_39 : i32
      "tpu.region"() ({
        %run_scoped3A = tpu.sem_alloc : memref<!tpu.dma_semaphore, #tpu.memory_space<semaphore_mem>>
        %dma_start3A = arith.constant 0 : i32
        %dma_start3A_43 = tpu.memref_slice %arg9[%add3A_41, %dma_start3A] : memref<50176x32xbf16, #tpu.memory_space<hbm>> -> memref<784x32xbf16, #tpu.memory_space<hbm>>
        %dma_start3A_44 = arith.constant 0 : i32
        %dma_start3A_45 = tpu.memref_slice %arg18[%mul3A_39, %dma_start3A_44] : memref<12552x32xbf16, #tpu.memory_space<vmem_shared>> -> memref<784x32xbf16, #tpu.memory_space<vmem_shared>>
        tpu.enqueue_dma source(%dma_start3A_45 : memref<784x32xbf16, #tpu.memory_space<vmem_shared>>) target(%dma_start3A_43 : memref<784x32xbf16, #tpu.memory_space<hbm>>) target_semaphore(%run_scoped3A : memref<!tpu.dma_semaphore, #tpu.memory_space<semaphore_mem>>)
        %dma_wait3A = arith.constant 0 : i32
        %dma_wait3A_46 = tpu.memref_slice %arg9[%add3A_41, %dma_wait3A] : memref<50176x32xbf16, #tpu.memory_space<hbm>> -> memref<784x32xbf16, #tpu.memory_space<hbm>>
        %dma_wait3A_47 = arith.constant 0 : i32
        %dma_wait3A_48 = tpu.memref_slice %arg18[%mul3A_39, %dma_wait3A_47] : memref<12552x32xbf16, #tpu.memory_space<vmem_shared>> -> memref<784x32xbf16, #tpu.memory_space<vmem_shared>>
        tpu.wait_dma2 semaphore(%run_scoped3A : memref<!tpu.dma_semaphore, #tpu.memory_space<semaphore_mem>>) src(%dma_wait3A_48 : memref<784x32xbf16, #tpu.memory_space<vmem_shared>>) dst(%dma_wait3A_46 : memref<784x32xbf16, #tpu.memory_space<hbm>>)
        tpu.yield
      }) : () -> ()
      %scan3A_42 = arith.constant 0 : i32
      scf.yield %scan3A_42 : i32
    }
    %scan3A_17 = arith.constant 2 : i32
    return
  }
}

module attributes {stable_mosaic.version = 14 : i64} {
  func.func @_apply_packet_body(%arg0: i32, %arg1: memref<2000x128xbf16, #tpu.memory_space<vmem>>, %arg2: memref<2000x128xf32, #tpu.memory_space<vmem>>, %arg3: memref<128x128xf32, #tpu.memory_space<vmem>>, %arg4: memref<1x128xf32, #tpu.memory_space<vmem>>, %arg5: memref<2000x128xf32, #tpu.memory_space<vmem>>) attributes {dimension_semantics = [#tpu.dimension_semantics<arbitrary>], iteration_bounds = array<i64: 25>, scalar_prefetch = 0 : i64, scratch_operands = 0 : i64, tpu.core_type = #tpu.core_type<tc>, window_params = [{transform_indices = @transform_0, window_bounds = array<i64: 2000, 128>}, {transform_indices = @transform_1, window_bounds = array<i64: 2000, 128>}, {pipeline_mode = #tpu.pipeline_mode<synchronous>, transform_indices = @transform_2, window_bounds = array<i64: 128, 128>}, {pipeline_mode = #tpu.pipeline_mode<synchronous>, transform_indices = @transform_3, window_bounds = array<i64: 1, 128>}, {transform_indices = @transform_4, window_bounds = array<i64: 2000, 128>}]} {
    %get3A = arith.constant 0 : index
    %get3A_0 = arith.constant 0 : index
    %get3A_1 = vector.load %arg1[%get3A, %get3A_0] : memref<2000x128xbf16, #tpu.memory_space<vmem>>, vector<2000x128xbf16>
    %convert_element_type3A = arith.extf %get3A_1 : vector<2000x128xbf16> to vector<2000x128xf32>
    %get3A_2 = arith.constant 0 : index
    %get3A_3 = arith.constant 0 : index
    %get3A_4 = vector.load %arg3[%get3A_2, %get3A_3] : memref<128x128xf32, #tpu.memory_space<vmem>>, vector<128x128xf32>
    %dot_general3A = arith.constant dense<0.000000e+00> : vector<2000x128xf32>
    %dot_general3A_5 = tpu.matmul %convert_element_type3A, %get3A_4, %dot_general3A {dimension_numbers = #tpu.dot_dimension_numbers<[1], [0], [0], [1], [0, 0, 1, 1], [], []>, precision = #tpu.contract_precision<fp32>, transpose_lhs_hint = false} : vector<2000x128xf32>, vector<128x128xf32>, vector<2000x128xf32> -> vector<2000x128xf32>
    %get3A_6 = arith.constant 0 : index
    %get3A_7 = arith.constant 0 : index
    %get3A_8 = vector.load %arg4[%get3A_6, %get3A_7] : memref<1x128xf32, #tpu.memory_space<vmem>>, vector<1x128xf32>
    %add3A = vector.broadcast %get3A_8 : vector<1x128xf32> to vector<2000x128xf32>
    %add3A_9 = arith.addf %dot_general3A_5, %add3A : vector<2000x128xf32>
    %get3A_10 = arith.constant 0 : index
    %get3A_11 = arith.constant 0 : index
    %get3A_12 = vector.load %arg2[%get3A_10, %get3A_11] : memref<2000x128xf32, #tpu.memory_space<vmem>>, vector<2000x128xf32>
    %max3A = arith.constant 0.000000e+00 : f32
    %max3A_13 = vector.broadcast %max3A : f32 to vector<2000x128xf32>
    %max3A_14 = arith.maximumf %add3A_9, %max3A_13 : vector<2000x128xf32>
    %add3A_15 = arith.addf %get3A_12, %max3A_14 : vector<2000x128xf32>
    %swap3A = arith.constant 0 : index
    %swap3A_16 = arith.constant 0 : index
    %swap3A_17 = vector.load %arg5[%swap3A, %swap3A_16] : memref<2000x128xf32, #tpu.memory_space<vmem>>, vector<2000x128xf32>
    tpu.vector_store %arg5[%swap3A, %swap3A_16], %add3A_15 {strides = array<i32>} : memref<2000x128xf32, #tpu.memory_space<vmem>>, vector<2000x128xf32>,
    return
  }
  func.func @transform_0(%arg0: i32) -> (i32, i32) {
    %c0_i32 = arith.constant 0 : i32
    %c0_i32_0 = arith.constant 0 : i32
    return %arg0, %c0_i32 : i32, i32
  }
  func.func @transform_1(%arg0: i32) -> (i32, i32) {
    %c0_i32 = arith.constant 0 : i32
    %c0_i32_0 = arith.constant 0 : i32
    return %arg0, %c0_i32 : i32, i32
  }
  func.func @transform_2(%arg0: i32) -> (i32, i32) {
    %c0_i32 = arith.constant 0 : i32
    %c0_i32_0 = arith.constant 0 : i32
    %c0_i32_1 = arith.constant 0 : i32
    return %c0_i32, %c0_i32_0 : i32, i32
  }
  func.func @transform_3(%arg0: i32) -> (i32, i32) {
    %c0_i32 = arith.constant 0 : i32
    %c0_i32_0 = arith.constant 0 : i32
    %c0_i32_1 = arith.constant 0 : i32
    return %c0_i32, %c0_i32_0 : i32, i32
  }
  func.func @transform_4(%arg0: i32) -> (i32, i32) {
    %c0_i32 = arith.constant 0 : i32
    %c0_i32_0 = arith.constant 0 : i32
    return %arg0, %c0_i32 : i32, i32
  }
}

module attributes {stable_mosaic.version = 14 : i64} {
  func.func @_apply_router_body(%arg0: i32, %arg1: memref<2000x128xbf16, #tpu.memory_space<vmem>>, %arg2: memref<2000x32xbf16, #tpu.memory_space<vmem>>, %arg3: memref<2000x128xbf16, #tpu.memory_space<vmem>>, %arg4: memref<2000x128xf32, #tpu.memory_space<vmem>>, %arg5: memref<256x128xf32, #tpu.memory_space<vmem>>, %arg6: memref<1x128xf32, #tpu.memory_space<vmem>>, %arg7: memref<2000x128xf32, #tpu.memory_space<vmem>>) attributes {dimension_semantics = [#tpu.dimension_semantics<arbitrary>], iteration_bounds = array<i64: 25>, scalar_prefetch = 0 : i64, scratch_operands = 0 : i64, tpu.core_type = #tpu.core_type<tc>, window_params = [{transform_indices = @transform_0, window_bounds = array<i64: 2000, 128>}, {transform_indices = @transform_1, window_bounds = array<i64: 2000, 32>}, {transform_indices = @transform_2, window_bounds = array<i64: 2000, 128>}, {transform_indices = @transform_3, window_bounds = array<i64: 2000, 128>}, {pipeline_mode = #tpu.pipeline_mode<synchronous>, transform_indices = @transform_4, window_bounds = array<i64: 256, 128>}, {pipeline_mode = #tpu.pipeline_mode<synchronous>, transform_indices = @transform_5, window_bounds = array<i64: 1, 128>}, {transform_indices = @transform_6, window_bounds = array<i64: 2000, 128>}]} {
    %get3A = arith.constant 0 : index
    %get3A_0 = arith.constant 0 : index
    %get3A_1 = vector.load %arg2[%get3A, %get3A_0] : memref<2000x32xbf16, #tpu.memory_space<vmem>>, vector<2000x32xbf16>
    %slice3A = vector.extract_strided_slice %get3A_1 {offsets = [0, 0], sizes = [2000, 1], strides = [1, 1]} : vector<2000x32xbf16> to vector<2000x1xbf16>
    %convert_element_type3A = arith.extf %slice3A : vector<2000x1xbf16> to vector<2000x1xf32>
    %max3A = arith.constant 1.000000e+00 : f32
    %max3A_2 = vector.broadcast %max3A : f32 to vector<2000x1xf32>
    %max3A_3 = arith.maximumf %convert_element_type3A, %max3A_2 : vector<2000x1xf32>
    %get3A_4 = arith.constant 0 : index
    %get3A_5 = arith.constant 0 : index
    %get3A_6 = vector.load %arg1[%get3A_4, %get3A_5] : memref<2000x128xbf16, #tpu.memory_space<vmem>>, vector<2000x128xbf16>
    %convert_element_type3A_7 = arith.extf %get3A_6 : vector<2000x128xbf16> to vector<2000x128xf32>
    %div3A = vector.broadcast %max3A_3 : vector<2000x1xf32> to vector<2000x128xf32>
    %div3A_8 = arith.divf %convert_element_type3A_7, %div3A : vector<2000x128xf32>
    %get3A_9 = arith.constant 0 : index
    %get3A_10 = arith.constant 0 : index
    %get3A_11 = vector.load %arg5[%get3A_9, %get3A_10] : memref<256x128xf32, #tpu.memory_space<vmem>>, vector<128x128xf32>
    %dot_general3A = arith.constant dense<0.000000e+00> : vector<2000x128xf32>
    %dot_general3A_12 = tpu.matmul %div3A_8, %get3A_11, %dot_general3A {dimension_numbers = #tpu.dot_dimension_numbers<[1], [0], [0], [1], [0, 0, 1, 1], [], []>, precision = #tpu.contract_precision<fp32>, transpose_lhs_hint = false} : vector<2000x128xf32>, vector<128x128xf32>, vector<2000x128xf32> -> vector<2000x128xf32>
    %get3A_13 = arith.constant 0 : index
    %get3A_14 = arith.constant 0 : index
    %get3A_15 = vector.load %arg3[%get3A_13, %get3A_14] : memref<2000x128xbf16, #tpu.memory_space<vmem>>, vector<2000x128xbf16>
    %convert_element_type3A_16 = arith.extf %get3A_15 : vector<2000x128xbf16> to vector<2000x128xf32>
    %get3A_17 = arith.constant 128 : index
    %get3A_18 = arith.constant 0 : index
    %get3A_19 = vector.load %arg5[%get3A_17, %get3A_18] : memref<256x128xf32, #tpu.memory_space<vmem>>, vector<128x128xf32>
    %dot_general3A_20 = arith.constant dense<0.000000e+00> : vector<2000x128xf32>
    %dot_general3A_21 = tpu.matmul %convert_element_type3A_16, %get3A_19, %dot_general3A_20 {dimension_numbers = #tpu.dot_dimension_numbers<[1], [0], [0], [1], [0, 0, 1, 1], [], []>, precision = #tpu.contract_precision<fp32>, transpose_lhs_hint = false} : vector<2000x128xf32>, vector<128x128xf32>, vector<2000x128xf32> -> vector<2000x128xf32>
    %add3A = arith.addf %dot_general3A_12, %dot_general3A_21 : vector<2000x128xf32>
    %get3A_22 = arith.constant 0 : index
    %get3A_23 = arith.constant 0 : index
    %get3A_24 = vector.load %arg6[%get3A_22, %get3A_23] : memref<1x128xf32, #tpu.memory_space<vmem>>, vector<1x128xf32>
    %add3A_25 = vector.broadcast %get3A_24 : vector<1x128xf32> to vector<2000x128xf32>
    %add3A_26 = arith.addf %add3A, %add3A_25 : vector<2000x128xf32>
    %get3A_27 = arith.constant 0 : index
    %get3A_28 = arith.constant 0 : index
    %get3A_29 = vector.load %arg4[%get3A_27, %get3A_28] : memref<2000x128xf32, #tpu.memory_space<vmem>>, vector<2000x128xf32>
    %max3A_30 = arith.constant 0.000000e+00 : f32
    %max3A_31 = vector.broadcast %max3A_30 : f32 to vector<2000x128xf32>
    %max3A_32 = arith.maximumf %add3A_26, %max3A_31 : vector<2000x128xf32>
    %add3A_33 = arith.addf %get3A_29, %max3A_32 : vector<2000x128xf32>
    %swap3A = arith.constant 0 : index
    %swap3A_34 = arith.constant 0 : index
    %swap3A_35 = vector.load %arg7[%swap3A, %swap3A_34] : memref<2000x128xf32, #tpu.memory_space<vmem>>, vector<2000x128xf32>
    tpu.vector_store %arg7[%swap3A, %swap3A_34], %add3A_33 {strides = array<i32>} : memref<2000x128xf32, #tpu.memory_space<vmem>>, vector<2000x128xf32>,
    return
  }
  func.func @transform_0(%arg0: i32) -> (i32, i32) {
    %c0_i32 = arith.constant 0 : i32
    %c0_i32_0 = arith.constant 0 : i32
    return %arg0, %c0_i32 : i32, i32
  }
  func.func @transform_1(%arg0: i32) -> (i32, i32) {
    %c0_i32 = arith.constant 0 : i32
    %c0_i32_0 = arith.constant 0 : i32
    return %arg0, %c0_i32 : i32, i32
  }
  func.func @transform_2(%arg0: i32) -> (i32, i32) {
    %c0_i32 = arith.constant 0 : i32
    %c0_i32_0 = arith.constant 0 : i32
    return %arg0, %c0_i32 : i32, i32
  }
  func.func @transform_3(%arg0: i32) -> (i32, i32) {
    %c0_i32 = arith.constant 0 : i32
    %c0_i32_0 = arith.constant 0 : i32
    return %arg0, %c0_i32 : i32, i32
  }
  func.func @transform_4(%arg0: i32) -> (i32, i32) {
    %c0_i32 = arith.constant 0 : i32
    %c0_i32_0 = arith.constant 0 : i32
    %c0_i32_1 = arith.constant 0 : i32
    return %c0_i32, %c0_i32_0 : i32, i32
  }
  func.func @transform_5(%arg0: i32) -> (i32, i32) {
    %c0_i32 = arith.constant 0 : i32
    %c0_i32_0 = arith.constant 0 : i32
    %c0_i32_1 = arith.constant 0 : i32
    return %c0_i32, %c0_i32_0 : i32, i32
  }
  func.func @transform_6(%arg0: i32) -> (i32, i32) {
    %c0_i32 = arith.constant 0 : i32
    %c0_i32_0 = arith.constant 0 : i32
    return %arg0, %c0_i32 : i32, i32
  }
}

</mosaic_0001>

<sc_bundles>
// kernel: seg_sum.4.cloned.1.call-start
scs
__scs_entry_jumppad:
0x0: {  	(pc) =	sbr.rel $0x88, $3  }
0x1: {  	(tag) =	ssettag $0x0;
	lr =	simm.s32 $0x1  }
0x2: {  	[smem:$0x3F98] =	sst lr;
	_ =	strace $0xD0000000  }
0x3: {  	_ = 	snop  }
0x4: {  	_ = 	snop  }
0x5: {  	_ = 	snop  }
0x6: {  	_ = 	snop  }
0x7: {  	_ = 	snop  }
__scs_overlays_trampoline_lowered:
0x8: {  	[smem:$0x3FA7] =	sst s0  }
0x9: {  	[smem:$0x3FA8] =	sst s1  }
0xa: {  	[smem:$0x3FA9] =	sst s2  }
0xb: {  	[smem:$0x3FAA] =	sst s3  }
0xc: {  	[smem:$0x3FAB] =	sst s4  }
0xd: {  	[smem:$0x3FAC] =	sst s5  }
0xe: {  	[smem:$0x3FAD] =	sst s6  }
0xf: {  	[smem:$0x3FAE] =	sst s7  }
0x10: {  	[smem:$0x3FAF] =	sst s8  }
0x11: {  	[smem:$0x3FB0] =	sst s9;
	s0 =	simm.s32 @!p0 $0x0  }
0x12: {  	s1 =	sld [smem:$0x3F96];
	s0 =	simm.s32 @p0 $0x1  }
0x13: {  	[smem:$0x3FB1] =	sst s0;
	s0 =	simm.s32 @!p1 $0x0  }
0x14: {  	s2 =	sld [smem:$0x3F95];
	s0 =	simm.s32 @p1 $0x1  }
0x15: {  	[smem:$0x3FB2] =	sst s0;
	s0 =	simm.s32 @!p2 $0x0  }
0x16: {  	s3 =	sld [smem:$0x3FDB];
	s0 =	simm.s32 @p2 $0x1  }
0x17: {  	s4 =	simm.s32 $0x1BF5;
	[smem:$0x3FB4] =	sst s0  }
0x18: {  	s0 =	sld [smem:$0x3F97];
	_ =	swait.ge [sflag:s4], $0x0  }
0x19: {  	s7 =	sld [smem:$0x3F98]  }
0x1a: {  	s8 =	sadd.s32 $0xFFFFE003, lr  }
0x1b: {  	s9 =	sadd.s32 $0xFFFFFEF7, lr;
	s5 =	simm.s32 $0xFFFFFFFF;
	p2 =	slt.u32 s8, $0xFFFFF086  }
0x1c: {  	p1 =	slt.u32 s9, $0xF7A;
	s5 =	simm.s32 @!p2 $0x0  }
0x1d: {  	s5 =	simm.s32 @p1 $0x1;
	p0 =	seq.s32 s7, s2  }
0x1e: {  	s7 =	smul.u32 @!p0 $0xF7A, s2;
	p2 =	seq.s32 @!p0 s5, $0x0  }
0x1f: {  	s9 =	smul.u32 $0xF7A, s1;
	s8 =	simm.s32 @!p0 $0x1BF5;
	p2 =	por !p2, p0  }
0x20: {  	[sflag:s8] =	ssyncset.s32 @!p0 $0xFFFFF086;
	s6 =	sadd.s32 @!p0 s3, s7;
	s7 =	simm.s32 @!p0 $0x108  }
0x21: {  	s3 =	sadd.s32 s3, s9;
	s6 =	sadd.s32 @!p0 $0x88, s6;
	s7 =	simm.s32 @p2 $0x1082  }
0x22: {  	[simem:s7], [sflag:s8] =	dma.local @!p0 [hbm:s6], $0xF7A  }
0x23: {  	s9 =	sor.u32 $0xD0000000, s2;
	s6 =	simm.s32 $0x108;
	_ =	swait.ge @!p0 [sflag:s8], $0x0  }
0x24: {  	s3 =	sadd.s32 $0x88, s3;
	s6 =	simm.s32 @!p1 $0x1082;
	[sflag:s4] =	ssyncset.s32 $0xFFFFF086  }
0x25: {  	[simem:s6], [sflag:s4] =	dma.local [hbm:s3], $0xF7A  }
0x26: {  	[smem:$0x3F98] =	sst s1;
	(tag) =	ssettag s2;
	_ =	strace s9  }
0x27: {  	s1 =	sld [smem:$0x3FA8]  }
0x28: {  	s2 =	sld [smem:$0x3FA9]  }
0x29: {  	s4 =	sld [smem:$0x3FAB]  }
0x2a: {  	p0 =	seq.s32 s5, $0x0;
	s5 =	sld [smem:$0x3FAC]  }
0x2b: {  	s6 =	sld [smem:$0x3FAD]  }
0x2c: {  	s7 =	sld [smem:$0x3FAE]  }
0x2d: {  	s3 =	simm.s32 $0x108;
	s8 =	sld [smem:$0x3FAF]  }
0x2e: {  	s3 =	simm.s32 @!p0 $0x1082;
	s9 =	sld [smem:$0x3FB0]  }
0x2f: {  	lr =	sadd.s32 s0, s3;
	s0 =	sld [smem:$0x3FA7]  }
0x30: {  	s3 =	sld [smem:$0x3FAA]  }
0x31: {  	[smem:$0x3FB3] =	sst s10  }
0x32: {  	s10 =	sld [smem:$0x3FB1];
	_ =	sdelay $0x3  }
0x33: {  	p0 =	seq.s32 s10, $0x1;
	s10 =	sld [smem:$0x3FB3];
	_ =	sdelay $0x3  }
0x34: {  	[smem:$0x3FB3] =	sst s10  }
0x35: {  	s10 =	sld [smem:$0x3FB2];
	_ =	sdelay $0x3  }
0x36: {  	p1 =	seq.s32 s10, $0x1;
	s10 =	sld [smem:$0x3FB3];
	_ =	sdelay $0x3  }
0x37: {  	[smem:$0x3FB3] =	sst s10  }
0x38: {  	s10 =	sld [smem:$0x3FB4]  }
0x39: {  	_ = 	snop;
	(pc) =	sbr.ind lr, $3  }
0x3a: {  	_ = 	snop  }
0x3b: {  	_ = 	snop  }
0x3c: {  	p2 =	seq.s32 s10, $0x1;
	s10 =	sld [smem:$0x3FB3]  }
0x3d: {  	_ =	shalt  }
0x3e: {  	_ =	shalt  }
0x3f: {  	_ =	shalt  }
0x40: {  	_ =	shalt  }
0x41: {  	_ =	shalt  }
0x42: {  	_ =	shalt  }
0x43: {  	_ =	shalt  }
0x44: {  	_ =	shalt  }
0x45: {  	_ =	shalt  }
0x46: {  	_ =	shalt  }
0x47: {  	_ =	shalt  }
0x48: {  	_ =	shalt  }
0x49: {  	_ =	shalt  }
0x4a: {  	_ =	shalt  }
0x4b: {  	_ =	shalt  }
0x4c: {  	_ =	shalt  }
0x4d: {  	_ =	shalt  }
0x4e: {  	_ =	shalt  }
0x4f: {  	_ =	shalt  }
0x50: {  	_ =	shalt  }
0x51: {  	_ =	shalt  }
0x52: {  	_ =	shalt  }
0x53: {  	_ =	shalt  }
0x54: {  	_ =	shalt  }
0x55: {  	_ =	shalt  }
0x56: {  	_ =	shalt  }
0x57: {  	_ =	shalt  }
0x58: {  	_ =	shalt  }
0x59: {  	_ =	shalt  }
0x5a: {  	_ =	shalt  }
0x5b: {  	_ =	shalt  }
0x5c: {  	_ =	shalt  }
0x5d: {  	_ =	shalt  }
0x5e: {  	_ =	shalt  }
0x5f: {  	_ =	shalt  }
0x60: {  	_ =	shalt  }
0x61: {  	_ =	shalt  }
0x62: {  	_ =	shalt  }
0x63: {  	_ =	shalt  }
0x64: {  	_ =	shalt  }
0x65: {  	_ =	shalt  }
0x66: {  	_ =	shalt  }
0x67: {  	_ =	shalt  }
0x68: {  	_ =	shalt  }
0x69: {  	_ =	shalt  }
0x6a: {  	_ =	shalt  }
0x6b: {  	_ =	shalt  }
0x6c: {  	_ =	shalt  }
0x6d: {  	_ =	shalt  }
0x6e: {  	_ =	shalt  }
0x6f: {  	_ =	shalt  }
0x70: {  	_ =	shalt  }
0x71: {  	_ =	shalt  }
0x72: {  	_ =	shalt  }
0x73: {  	_ =	shalt  }
0x74: {  	_ =	shalt  }
0x75: {  	_ =	shalt  }
0x76: {  	_ =	shalt  }
0x77: {  	_ =	shalt  }
0x78: {  	_ =	shalt  }
0x79: {  	_ =	shalt  }
0x7a: {  	_ =	shalt  }
0x7b: {  	_ =	shalt  }
0x7c: {  	_ =	shalt  }
0x7d: {  	_ =	shalt  }
0x7e: {  	_ =	shalt  }
0x7f: {  	_ =	shalt  }
0x80: {  	_ =	shalt  }
0x81: {  	_ =	shalt  }
0x82: {  	_ =	shalt  }
0x83: {  	_ =	shalt  }
0x84: {  	_ =	shalt  }
0x85: {  	_ =	shalt  }
0x86: {  	_ =	shalt  }
0x87: {  	_ =	shalt  }
.Lfunc_end0:
.L_simem_size_0:
called_computation_lowered:
.L_overlay_start_0:
0x88: {  	s2 =	sld [smem:$0x3FD9]  }
0x89: {  	s3 =	sld [smem:$0x3FFE];
	_ =	sdelay $0x1  }
0x8a: {  	s1 =	srdreg.scid  }
0x8b: {  	s0 =	sand.u32 $0x1, s1  }
0x8c: {  	s14 =	sshll.u32 s0, $0xA;
	s2 =	sadd.s32 s3, s2  }
0x8d: {  	s2 =	sadd.s32 s2, s14  }
0x8e: {  	[smem:$0x3FBF] =	sst s2  }
0x8f: {  	_ = 	snop  }
0x90: {  	s2 =	sld [smem:$0x3FD0];
	_ =	sdelay $0x2  }
0x91: {  	s15 =	simm.s32 $0xB;
	s4 =	simm.s32 $0x10  }
0x92: {  	[smem:s4], [sflag:s15] =	dma.local [hbm:s2], $0x1  }
0x93: {  	_ =	swait.eq [sflag:s15], $0x1  }
0x94: {  	[sflag:s15] =	ssyncset.done $0x0  }
0x95: {  	[sflag:s15] =	ssyncadd.s32 $0xFFFFFFFF  }
0x96: {  	s16 =	sld [smem:$0x10];
	(tm) =	ssettm $0x1  }
0x97: {  	s17 =	sld [smem:$0x3FFB];
	_ =	sdelay $0x3  }
0x98: {  	_ =	strace s17  }
0x99: {  	s3 =	sld [smem:$0x3FFC];
	_ =	sdelay $0x3  }
0x9a: {  	_ =	strace s3  }
0x9b: {  	s3 =	sld [smem:$0x3FFD];
	_ =	sdelay $0x3  }
0x9c: {  	_ =	strace s3  }
0x9d: {  	_ =	strace $0x8FFFFFFF  }
0x9e: {  	s18 =	sld [smem:$0x3FDB];
	_ =	sdelay $0x1  }
0x9f: {  	s19 =	simm.s32 $_scs_section_size  }
0xa0: {  	s5 =	simm.s32 $_size__tile_overlayer_lowered;
	s6 =	simm.s32 $_tile_overlayer_lowered  }
0xa1: {  	s22 =	simm.s32 $0x1BFF;
	s21 =	sshll.u32 s6, $0x1;
	s3 =	sadd.s32 s19, s18  }
0xa2: {  	s7 =	simm.s32 $0x0;
	s20 =	sshll.u32 s5, $0x1;
	s5 =	sadd.s32 s21, s3  }
0xa3: {  	[timem:s7], [sflag:s22] =	dma.local [hbm:s5], s20  }
0xa4: {  	_ =	swait.ge [sflag:s22], s20  }
0xa5: {  	s4 =	ssub.s32 $0x0, s20;
	[sflag:s22] =	ssyncset.done $0x0  }
0xa6: {  	[sflag:s22] =	ssyncadd.s32 s4;
	_ =	sdelay $0x1  }
0xa7: {  	s23 =	simm.s32 $0x1B8B  }
0xa8: {  	_ =	swait.ge [sflag:s23], $0x1  }
0xa9: {  	[sflag:s23] =	ssyncset.done $0x0  }
0xaa: {  	s25 =	simm.s32 $0x1B8E;
	s24 =	sld [smem:$0x3FFE];
	[sflag:s23] =	ssyncadd.s32 $0xFFFFFFFF  }
0xab: {  	s26 =	simm.s32 $execute0_lowered;
	[smem:$0x3FD2] =	sst s25  }
0xac: {  	s5 =	sshll.u32 s26, $0x1;
	_ =	strace $0x80000046;
	[dreg:$0x1] =	wrdreg $0xFFFFFFFF  }
0xad: {  	s28 =	simm.s32 $_size_execute0_lowered;
	s3 =	sadd.s32 s3, s5;
	[dreg:$0x0] =	wrdreg $0x0  }
0xae: {  	s5 =	sshll.u32 s28, $0x1;
	[dreg:$0x2] =	wrdreg s3  }
0xaf: {  	[dreg:$0x3] =	wrdreg s5  }
0xb0: {  	[dreg:$0x4] =	wrdreg $0xC0  }
0xb1: {  	_ =	task [dreg:s7], $0x5FFFF  }
0xb2: {  	[dreg:$0x1] =	wrdreg $0xFFFFFFFF  }
0xb3: {  	[dreg:$0x0] =	wrdreg $0x60  }
0xb4: {  	[dreg:$0x2] =	wrdreg s24  }
0xb5: {  	[dreg:$0x3] =	wrdreg s16  }
0xb6: {  	[dreg:$0x4] =	wrdreg $0xC0000  }
0xb7: {  	[dreg:$0x5] =	wrdreg $0xA  }
0xb8: {  	_ =	task.clear_ibuf [dreg:s7], $0x6FFFF;
	_ =	strace $0x90000046  }
0xb9: {  	s29 =	simm.s32 $0xA;
	_ =	strace $0x80000048  }
0xba: {  	_ =	swait.ge [sflag:s29], $0x1  }
0xbb: {  	[sflag:s29] =	ssyncadd.s32 $0xFFFFFFFF  }
0xbc: {  	_ =	strace $0x90000048  }
0xbd: {  	_ =	sfence  }
0xbe: {  	s30 =	sld [smem:$0x0];
	_ =	sdelay $0x2  }
0xbf: {  	s31 =	sshll.u32 s1, $0xD;
	s1 =	sshrl.u32 s1, $0x2  }
0xc0: {  	s3 =	sand.u32 $0x4000, s31;
	s1 =	sadd.s32 s1, s30  }
0xc1: {  	s0 =	sor.u32 s3, s0;
	s1 =	sshll.u32 s1, $0x11  }
0xc2: {  	s0 =	sor.u32 s1, s0  }
0xc3: {  	s0 =	sadd.s32 $0x8F2B, s0  }
0xc4: {  	[sflag:s0] =	ssyncadd.remote.s32 $0x1  }
0xc5: {  	_ =	sfence.sel $0xFFFF  }
0xc6: {  	[dreg:$0x0] =	wrdreg $0xFFFFFFFF;
	(pc) =	sbr.abs _section_cstart, $3  }
0xc7: {  	[dreg:$0x1] =	wrdreg $0xFFFFFFFF  }
0xc8: {  	_ =	task.clear_ibuf [dreg:s7], $0x2FFFF;
	_ =	strace $0x9FFFFFFF  }
0xc9: {  	(tm) =	ssettm $0x7FFFFFFF  }
tec
execute0_lowered:
.L_overlay_start_1:
0x0: {  	(tag) =	ssettag $0x1  }
0x1: {  	s8 =	rddreg [dreg:$0x0]  }
0x2: {  	s1 =	rddreg [dreg:$0x1]  }
0x3: {  	s2 =	rddreg [dreg:$0x2];
	s3 =	simm.s32 $0x0;
	s4 =	srdreg.scid  }
0x4: {  	s0 =	stileid.u32;
	s17 =	simm.s32 $0x6000;
	s18 =	simm.s32 $0x2000  }
0x5: {  	s19 =	simm.s32 $0x0;
	s21 =	simm.s32 $0x0;
	[smem:$0x7FF] =	sst s3  }
0x6: {  	s10 =	sand.u32 $0x1, s4;
	s5 =	sadd.s32 $0x3A00, s8;
	s6 =	sadd.s32 $0x75600, s8  }
0x7: {  	s7 =	sadd.s32 $0x65600, s8;
	s8 =	sadd.s32 $0x2000, s8;
	s13 =	smul.u32 $0x31000, s0  }
0x8: {  	s14 =	sshll.u32 s0, $0x4;
	s15 =	sshll.u32 s0, $0x6;
	s9 =	ssub.s32 $0x2, s10  }
.Ltmp0:
0x9: {  	_ =	strace $0x80000047;
	s11 =	sshrl.u32 s9, $0x1;
	(pc) =	sbr.rel .LBB2_1-.Ltmp0, $4  }
0xa: {  	v0 =	vlaneseq.u32;
	s10 =	sshll.u32 s10, $0x1;
	s13 =	sshrl.u32 s13, $0x2;
	s12 =	ssub.s32 s9, s11  }
0xb: {  	v1 =	vmul.u32 $0x61, v0;
	s9 =	sshll.u32 s0, $0xC;
	s11 =	smul.u32 $0x310, s0;
	s16 =	sadd.s32 s13, s2  }
0xc: {  	v3 =	vimm.s32 $0x0;
	v4 =	vshrl.u32 v0, $0x3;
	v2 =	vand.u32 $0x7, v0;
	s13 =	sor.u32 $0x1C03, s15;
	s15 =	simm.s32 $0x3;
	s31 =	smax.u32 s12, $0x1  }
0xd: {  	v4 =	vmul.u32 $0x8, v4;
	v5 =	vor.u32 $0x3100, v2;
	v1 =	vadd.s32 s14, v1;
	s14 =	sshrl.u32 s16, $0x3;
	s16 =	simm.s32 $0x4000;
	[dreg:$0x4] =	wrdreg s31  }
.LBB2_13:
0xe: {  	s19 =	sadd.s32 $0x1, s19;
	s0 =	rddreg [dreg:$0x4]  }
0xf: {  	p0 =	sne.s32 s19, s0  }
.Ltmp1:
0x10: {  	_ = 	snop;
	(pc) =	sbr.rel @!p0 .LBB2_14-.Ltmp1, $1  }
0x11: {  	_ =	sdelay $0x3  }
.LBB2_1:
.Ltmp2:
0x12: {  	(pc) =	sbr.rel .LBB2_2-.Ltmp2, $2  }
0x13: {  	_ =	sdelay $0x2  }
0x14: {  	p1 =	por $0x1, $0x1;
	s20 =	simm.s32 $0x0  }
.LBB2_12:
0x15: {  	s0 =	sadd.s32 s11, s20  }
0x16: {  	s0 =	sshll.u32 s0, $0x3  }
.Ltmp3:
0x17: {  	[bflag:$0x0] =	sbarrier.arrive $0xFFFF;
	s0 =	sadd.s32 s1, s0;
	(pc) =	sbr.rel @!p0 .LBB2_13-.Ltmp3, $4  }
0x18: {  	[hbm:s0], [sflag:s13] =	dma.local [spmem:s14], $0x1880  }
0x19: {  	_ =	swait.ge [sflag:s15], $0x1880  }
0x1a: {  	[sflag:s15] =	ssyncset.done $0x0  }
0x1b: {  	s20 =	simm.s32 $0x1;
	p1 =	por $0x0, $0x0;
	[sflag:s15] =	ssyncadd.s32 $0xFFFFE780  }
.LBB2_2:
0x1c: {  	[bflag:$0x0] =	sbarrier.arrive $0xFFFF  }
0x1d: {  	[spmem:s14], [sflag:s13] =	dma.local [hbm:s8], $0x1880  }
.Ltmp4:
0x1e: {  	_ =	swait.ge [sflag:s15], $0x1880;
	(pc) =	sbr.rel .LBB2_3-.Ltmp4, $4  }
0x1f: {  	s20 =	sor.u32 s10, s20;
	[sflag:s15] =	ssyncset.done $0x0  }
0x20: {  	s20 =	smul.u32 $0x3100, s20;
	[sflag:s15] =	ssyncadd.s32 $0xFFFFE780  }
0x21: {  	[bflag:$0x0] =	sbarrier.arrive $0xFFFF  }
0x22: {  	p0 =	por p1, p1;
	s22 =	simm.s32 $0x0;
	v6 =	vmov s20  }
.LBB2_7:
0x23: {  	_ = 	snop  }
.LBB2_10:
0x24: {  	p1 =	por p2, !p1  }
0x25: {  	p2 =	sge.s32 s30, s23;
	[sflag:s29] =	ssyncset.done @!p1 $0x0  }
0x26: {  	s0 =	simm.s32 @!p2 $0x1;
	[sflag:s29] =	ssyncadd.s32 @!p1 $0xFFFFE000  }
0x27: {  	p1 =	sge.s32 @!p2 s26, s23;
	_ =	swait.ge @!p2 [sflag:s0], $0x2000  }
0x28: {  	p1 =	por p1, p2;
	[sflag:s0] =	ssyncset.done @!p2 $0x0  }
0x29: {  	s4 =	simm.s32 @!p1 $0x80;
	s12 =	simm.s32 @!p1 $0xA000;
	[sflag:s0] =	ssyncadd.s32 @!p2 $0xFFFFE000  }
0x2a: {  	[tilespmem:s12], [sflag:$0x2] =	stream.indirect.gather @!p1 [hbm4b:s5+s4], $0x40, s25, s4, $0xb8;
	[tilespmem:$0x18420] =	vst v63  }
0x2b: {  	s0 =	simm.s32 @!p2 $0x80;
	s4 =	simm.s32 @!p2 $0x8000;
	s12 =	simm.s32 @!p2 $0x4  }
0x2c: {  	[spmem:s2] =	stream.indirect.scatter.add.bf16 @!p2 [tilespmem:s4], [sflag:$0x4], $0x40, s24, s0, $0xb8;
	[tilespmem:$0x18420] =	vst v63  }
0x2d: {  	p1 =	sge.s32 s26, s23;
	_ =	swait.ge @!p2 [sflag:s12], $0x2000  }
0x2e: {  	s4 =	sadd.s32 @!p1 $0x1, s26;
	[sflag:s12] =	ssyncset.done @!p2 $0x0  }
0x2f: {  	s0 =	simm.s32 @!p1 $0x2;
	[sflag:s12] =	ssyncadd.s32 @!p2 $0xFFFFE000;
	p2 =	sge.s32 @!p1 s4, s23  }
0x30: {  	_ =	swait.ge @!p1 [sflag:s0], $0x2000;
	p2 =	por p2, p1  }
0x31: {  	s4 =	simm.s32 @!p1 $0xA000;
	[sflag:s0] =	ssyncset.done @!p1 $0x0;
	s12 =	simm.s32 @!p2 $0x80  }
0x32: {  	s23 =	simm.s32 @!p2 $0x8000;
	[sflag:s0] =	ssyncadd.s32 @!p1 $0xFFFFE000;
	s0 =	sadd.s32 @!p2 $0x80, s25  }
0x33: {  	[tilespmem:s23], [sflag:$0x1] =	stream.indirect.gather @!p2 [hbm4b:s5+s12], $0x40, s0, s12, $0xb8;
	[tilespmem:$0x18420] =	vst v63  }
0x34: {  	s0 =	sadd.s32 @!p1 $0x80, s24;
	s12 =	simm.s32 @!p1 $0x80;
	s23 =	simm.s32 @!p1 $0x3  }
0x35: {  	[spmem:s2] =	stream.indirect.scatter.add.bf16 @!p1 [tilespmem:s4], [sflag:$0x3], $0x40, s0, s12, $0xb8;
	[tilespmem:$0x18420] =	vst v63  }
0x36: {  	_ =	swait.ge @!p1 [sflag:s23], $0x2000  }
0x37: {  	[sflag:s23] =	ssyncset.done @!p1 $0x0  }
0x38: {  	[sflag:s23] =	ssyncadd.s32 @!p1 $0xFFFFE000  }
.LBB2_11:
0x39: {  	s22 =	sadd.s32 $0x1, s22  }
0x3a: {  	p1 =	sne.s32 s22, $0x4  }
.Ltmp5:
0x3b: {  	_ = 	snop;
	(pc) =	sbr.rel @!p1 .LBB2_12-.Ltmp5, $1  }
0x3c: {  	_ =	sdelay $0x3  }
.LBB2_3:
0x3d: {  	s23 =	sshll.u32 s22, $0xA  }
0x3e: {  	s23 =	sadd.s32 s9, s23  }
0x3f: {  	s24 =	sadd.s32 s6, s23  }
0x40: {  	[tilespmem:s16], [sflag:$0x3] =	stream.linear.gather [hbm4b:s24+s21], $0x2000, $0x38;
	[tilespmem:$0x18420] =	vst v63  }
0x41: {  	_ =	swait.ge [sflag:s15], $0x2000  }
0x42: {  	[sflag:s15] =	ssyncset.done $0x0  }
0x43: {  	s23 =	sadd.s32 s7, s23;
	[sflag:s15] =	ssyncadd.s32 $0xFFFFE000  }
0x44: {  	[tilespmem:s17], [sflag:$0x3] =	stream.linear.gather [hbm4b:s23+s21], $0x2000, $0x38;
	[tilespmem:$0x18420] =	vst v63  }
0x45: {  	_ =	swait.ge [sflag:s15], $0x2000  }
0x46: {  	[sflag:s15] =	ssyncset.done $0x0  }
0x47: {  	s25 =	simm.s32 $0x6040;
	[sflag:s15] =	ssyncadd.s32 $0xFFFFE000  }
0x48: {  	v7 =	vld [tilespmem:s25+$0xFFFFFFC0]  }
0x49: {  	v8 =	vld [tilespmem:s25+$0xFFFFFFD0]  }
0x4a: {  	v9 =	vld [tilespmem:s25+$0xFFFFFFE0]  }
0x4b: {  	v10 =	vld [tilespmem:s25+$0xFFFFFFF0];
	_ =	sdelay $0x1  }
0x4c: {  	v24 =	vsub.s32 v7, v6;
	v7 =	vld [tilespmem:s25+$0x0]  }
0x4d: {  	v12 =	vld [tilespmem:s25+$0x10];
	v8 =	vsub.s32 v8, v6;
	vm15 =	vlt.u32 v24, $0x3100  }
0x4e: {  	v14 =	vld [tilespmem:s25+$0x20];
	vm0 =	vlt.u32 v8, $0x3100;
	v11 =	vsel vm15, $0x1, v3  }
0x4f: {  	v9 =	vsub.s32 v9, v6;
	(xrf0) =	vadd.scan.msk.s32 $0xffff, v11;
	v11 =	vsub.s32 v10, v6;
	v10 =	vsel vm0, $0x1, v3  }
0x50: {  	vm2 =	vlt.u32 v9, $0x3100;
	(xrf0) =	vadd.scan.msk.s32 $0xffff, v10  }
0x51: {  	vm3 =	vlt.u32 v11, $0x3100;
	v10 =	vsel vm2, $0x1, v3;
	v7 =	vsub.s32 v7, v6  }
0x52: {  	v13 =	vsub.s32 v12, v6;
	v15 =	vsel vm3, $0x1, v3;
	(xrf0) =	vadd.scan.msk.s32 $0xffff, v10;
	vm1 =	vlt.u32 v7, $0x3100  }
0x53: {  	v16 =	vsub.s32 v14, v6;
	vm4 =	vlt.u32 v13, $0x3100;
	(xrf0) =	vadd.scan.msk.s32 $0xffff, v15;
	v10 =	vsel vm1, $0x1, v3  }
0x54: {  	vm5 =	vlt.u32 v16, $0x3100;
	v12 =	vsel vm4, $0x1, v3;
	(xrf0) =	vadd.scan.msk.s32 $0xffff, v10  }
0x55: {  	v15, _, _ =	vpop (xrf0);
	(xrf0) =	vadd.scan.msk.s32 $0xffff, v12;
	v12 =	vsel vm5, $0x1, v3  }
0x56: {  	v10 =	vld [tilespmem:s25+$0x30];
	v17, _, _ =	vpop (xrf0);
	(xrf0) =	vadd.scan.msk.s32 $0xffff, v12  }
0x57: {  	(v2sf) =	vpush v15, $0xF  }
0x58: {  	(v2sf) =	vpush v17, $0xF;
	v20, _, _ =	vpop (xrf0)  }
0x59: {  	(v2sf) =	vpush v20, $0xF;
	v21, _, _ =	vpop (xrf0)  }
0x5a: {  	(v2sf) =	vpush v21, $0xF;
	v14, _, _ =	vpop (xrf0)  }
0x5b: {  	v22 =	vsub.s32 v10, v6;
	(v2sf) =	vpush v14, $0xF;
	v32, _, _ =	vpop (xrf0)  }
0x5c: {  	vm6 =	vlt.u32 v22, $0x3100;
	(v2sf) =	vpush v32, $0xF;
	v30, _, _ =	vpop (xrf0)  }
0x5d: {  	v10 =	vsel vm6, $0x1, v3;
	(v2sf) =	vpush v30, $0xF  }
0x5e: {  	s25 =	simm.s32 $0x60C0;
	(xrf0) =	vadd.scan.msk.s32 $0xffff, v10  }
0x5f: {  	v18 =	vld [tilespmem:s25+$0xFFFFFFC0]  }
0x60: {  	v12 =	vld [tilespmem:s25+$0x30];
	_ =	sdelay $0x1  }
0x61: {  	vm10 =	vmmov vm5;
	vm1 =	vmmov vm1;
	v25 =	vld [tilespmem:s25+$0xFFFFFFD0]  }
0x62: {  	v19 =	vld [tilespmem:s25+$0xFFFFFFF0];
	vm5 =	vmmov vm3;
	vm3 =	vmmov vm0;
	v10 =	vmov s21  }
0x63: {  	v27 =	vld [tilespmem:s25+$0xFFFFFFE0];
	v18 =	vsub.s32 v18, v6;
	vm11 =	vmmov vm6;
	v10 =	vadd.s32 $0xFFFFFFFF, v10;
	v31, _, _ =	vpop (xrf0)  }
0x64: {  	v23 =	vsub.s32 v12, v6;
	v12 =	vld [tilespmem:s25+$0x0];
	v10 =	vbroadcast v10, $0x0;
	(v2sf) =	vpush v31, $0xF  }
0x65: {  	vm6 =	vmmov vm4;
	vm4 =	vmmov vm2;
	vm2 =	vlt.u32 v18, $0x3100;
	s26 =	spop (v2sf)  }
0x66: {  	v33 =	vld [tilespmem:s25+$0x20];
	v29 =	vsel vm2, $0x1, v3;
	v26 =	vadd.s32 v15, v10;
	v10 =	vsub.s32 v25, v6;
	s23 =	sadd.s32 $0x0, s26;
	s31 =	spop (v2sf)  }
0x67: {  	s24 =	simm.s32 $0x4040;
	vm8 =	vlt.u32 v23, $0x3100;
	(xrf0) =	vadd.scan.msk.s32 $0xffff, v29;
	v15 =	vsub.s32 v19, v6;
	v25 =	vld [tilespmem:s25+$0x10];
	vm0 =	vlt.u32 v10, $0x3100;
	s26 =	sadd.s32 s23, s31;
	s0 =	spop (v2sf)  }
0x68: {  	v29 =	vld [tilespmem:s24+$0xFFFFFFC0];
	v19 =	vsub.s32 v27, v6;
	v34 =	vsel vm0, $0x1, v3;
	v28 =	vmov s23;
	s23 =	sadd.s32 s26, s0;
	s4 =	spop (v2sf)  }
0x69: {  	v38 =	vsel vm8, $0x1, v3;
	v12 =	vsub.s32 v12, v6;
	vm9 =	vlt.u32 v19, $0x3100;
	(xrf0) =	vadd.scan.msk.s32 $0xffff, v34;
	s28 =	sadd.s32 s23, s4;
	s12 =	spop (v2sf)  }
0x6a: {  	vm7 =	vlt.u32 v15, $0x3100;
	vm12 =	vlt.u32 v12, $0x3100;
	v36 =	vsel vm9, $0x1, v3;
	s31 =	sadd.s32 s28, s12;
	s29 =	spop (v2sf)  }
0x6b: {  	v27 =	vsel vm7, $0x1, v3;
	(xrf0) =	vadd.scan.msk.s32 $0xffff, v36;
	v35 =	vmov s23;
	v37 =	vmov s28;
	s23 =	sadd.s32 s31, s29;
	s28 =	spop (v2sf)  }
0x6c: {  	v39 =	vsel vm12, $0x1, v3;
	v25 =	vsub.s32 v25, v6;
	(xrf0) =	vadd.scan.msk.s32 $0xffff, v27;
	v27 =	vsub.s32 v33, v6;
	s29 =	sadd.s32 s23, s28  }
0x6d: {  	v33, _, _ =	vpop (xrf0);
	[tilespmem:v26+s3+$0x0] =	vst.idx.msk vm15, v29;
	vm13 =	vlt.u32 v25, $0x3100;
	vm14 =	vlt.u32 v27, $0x3100;
	v40 =	vmov s29  }
0x6e: {  	(xrf0) =	vadd.scan.msk.s32 $0xffff, v39;
	(v2sf) =	vpush v33, $0xF;
	v41 =	vsel vm13, $0x1, v3;
	v60 =	vadd.s32 $0xFFFFFFFF, v40  }
0x6f: {  	v29, _, _ =	vpop (xrf0);
	(xrf0) =	vadd.scan.msk.s32 $0xffff, v41;
	v58 =	vmov s31;
	v59 =	vmov s23;
	v39 =	vbroadcast v60, $0x0  }
0x70: {  	[tilespmem:v26+s18+$0x0] =	vst.idx.msk vm15, v24;
	v61 =	vsel vm14, $0x1, v3;
	v34 =	vadd.s32 $0xFFFFFFFF, v58;
	v36 =	vadd.s32 $0xFFFFFFFF, v59  }
0x71: {  	(v2sf) =	vpush v29, $0xF;
	v42 =	vbroadcast v36, $0x0;
	v40 =	vld [tilespmem:s24+$0x30];
	v36 =	vadd.s32 v31, v39;
	v31, _, _ =	vpop (xrf0);
	(xrf0) =	vadd.scan.msk.s32 $0xffff, v61  }
0x72: {  	v26 =	vld [tilespmem:s24+$0x10];
	v63 =	vadd.s32 $0xFFFFFFFF, v35;
	v62 =	vadd.s32 $0xFFFFFFFF, v37;
	v43 =	vbroadcast v34, $0x0;
	(xrf0) =	vadd.scan.msk.s32 $0xffff, v38  }
0x73: {  	v41 =	vbroadcast v63, $0x0;
	s23 =	simm.s32 $0x40C0;
	v37 =	vadd.s32 v30, v42;
	s30 =	spop (v2sf);
	v39 =	vld [tilespmem:s24+$0x20];
	(v2sf) =	vpush v31, $0xF;
	v34, _, _ =	vpop (xrf0)  }
0x74: {  	v35 =	vbroadcast v62, $0x0;
	s28 =	simm.s32 $0x8;
	v24 =	vld [tilespmem:s23+$0x10];
	s30 =	sadd.s32 s29, s30;
	s29 =	simm.s32 $0x4140;
	v38 =	vadd.s32 v32, v43;
	(v2sf) =	vpush v34, $0xF;
	v30, _, _ =	vpop (xrf0)  }
.LBB2_4:
0x75: {  	v42 =	vld [tilespmem:s29+$0x10];
	s28 =	sadd.s32 $0x8, s28;
	(v2sf) =	vpush v30, $0xF;
	v32, _, _ =	vpop (xrf0);
	v28 =	vadd.s32 $0xFFFFFFFF, v28;
	v43 =	vmov s26  }
0x76: {  	p1 =	slt.u32 s28, $0x1F8;
	(v2sf) =	vpush v32, $0xF;
	v43 =	vadd.s32 $0xFFFFFFFF, v43;
	v41 =	vadd.s32 v21, v41;
	v44 =	vld [tilespmem:s24+$0x0];
	[tilespmem:v36+s3+$0x0] =	vst.idx.msk vm11, v40;
	v21 =	vmovc v34  }
0x77: {  	v40 =	vmov s30;
	v28 =	vbroadcast v28, $0x0;
	v34, _, _ =	vpop (xrf0);
	v43 =	vbroadcast v43, $0x0;
	v45 =	vld [tilespmem:s24+$0xFFFFFFF0];
	[tilespmem:v36+s18+$0x0] =	vst.idx.msk vm11, v22  }
0x78: {  	v40 =	vadd.s32 $0xFFFFFFFF, v40;
	v22 =	vmov v23;
	(v2sf) =	vpush v34, $0xF;
	v36, _, _ =	vpop (xrf0);
	v46 =	vld [tilespmem:s24+$0xFFFFFFD0];
	[tilespmem:v37+s3+$0x0] =	vst.idx.msk vm10, v39  }
0x79: {  	v39 =	vadd.s32 v17, v28;
	(v2sf) =	vpush v36, $0xF;
	v23 =	vld [tilespmem:s24+$0xFFFFFFE0];
	v28 =	vadd.s32 v20, v43;
	[tilespmem:v37+s18+$0x0] =	vst.idx.msk vm10, v16;
	s24 =	smov.u32 s23;
	s23 =	smov.u32 s29  }
0x7a: {  	s25 =	sadd.s32 $0x80, s25;
	v40 =	vbroadcast v40, $0x0;
	v17 =	vmovc v29;
	v16 =	vmovc v27;
	v37 =	vld [tilespmem:s24+$0xFFFFFFC0];
	[tilespmem:v38+s3+$0x0] =	vst.idx.msk vm6, v26;
	v26 =	vmov v24;
	v24 =	vmov v42  }
0x7b: {  	vm15 =	vmmov vm1;
	vm1 =	vmmov vm12;
	vm11 =	vmmov vm8;
	v20 =	vmovc v31;
	v27 =	vld [tilespmem:s25+$0x30];
	[tilespmem:v38+s18+$0x0] =	vst.idx.msk vm6, v13;
	v13 =	vmovc v25  }
0x7c: {  	vm10 =	vmmov vm14;
	v29 =	vadd.s32 v33, v40;
	vm6 =	vmmov vm13;
	v25 =	vld [tilespmem:s25+$0xFFFFFFF0];
	[tilespmem:v41+s3+$0x0] =	vst.idx.msk vm5, v45  }
0x7d: {  	v31 =	vld [tilespmem:s25+$0xFFFFFFC0];
	[tilespmem:v41+s18+$0x0] =	vst.idx.msk vm5, v11;
	v11 =	vmov v15;
	vm5 =	vmmov vm7  }
0x7e: {  	v33 =	vld [tilespmem:s25+$0xFFFFFFD0];
	[tilespmem:v28+s3+$0x0] =	vst.idx.msk vm4, v23  }
0x7f: {  	v35 =	vadd.s32 v14, v35;
	v14 =	vmovc v30;
	v38 =	vld [tilespmem:s25+$0xFFFFFFE0];
	s26 =	spop (v2sf);
	[tilespmem:v28+s18+$0x0] =	vst.idx.msk vm4, v9;
	v9 =	vmov v19;
	vm4 =	vmmov vm9  }
0x80: {  	v23 =	vsub.s32 v27, v6;
	s26 =	sadd.s32 s30, s26;
	s30 =	spop (v2sf);
	[tilespmem:v39+s3+$0x0] =	vst.idx.msk vm3, v46  }
0x81: {  	vm8 =	vlt.u32 v23, $0x3100;
	v28 =	vmov s26;
	s26 =	sadd.s32 s26, s30;
	[tilespmem:v39+s18+$0x0] =	vst.idx.msk vm3, v8;
	v8 =	vmovc v10;
	vm3 =	vmmov vm0  }
0x82: {  	v15 =	vsub.s32 v25, v6;
	v19 =	vsub.s32 v31, v6;
	v25 =	vld [tilespmem:s25+$0x0];
	v30 =	vsel vm8, $0x1, v3;
	[tilespmem:v29+s3+$0x0] =	vst.idx.msk vm2, v37;
	s30 =	spop (v2sf)  }
0x83: {  	vm7 =	vlt.u32 v15, $0x3100;
	v10 =	vsub.s32 v33, v6;
	v27 =	vld [tilespmem:s25+$0x10];
	[tilespmem:v29+s18+$0x0] =	vst.idx.msk vm2, v18;
	vm2 =	vlt.u32 v19, $0x3100;
	s30 =	sadd.s32 s26, s30;
	s31 =	spop (v2sf);
	v18 =	vmovc v19  }
0x84: {  	v29 =	vsel vm2, $0x1, v3;
	vm0 =	vlt.u32 v10, $0x3100;
	v31 =	vld [tilespmem:s25+$0x20];
	v39 =	vmov s30;
	s30 =	sadd.s32 s30, s31;
	s31 =	spop (v2sf);
	[tilespmem:v35+s3+$0x0] =	vst.idx.msk vm15, v44  }
0x85: {  	v19 =	vsub.s32 v38, v6;
	v33 =	vsel vm0, $0x1, v3;
	(xrf0) =	vadd.scan.msk.s32 $0xffff, v29;
	s31 =	sadd.s32 s30, s31;
	s0 =	spop (v2sf);
	[tilespmem:v35+s18+$0x0] =	vst.idx.msk vm15, v7;
	v7 =	vmovc v12  }
0x86: {  	vm9 =	vlt.u32 v19, $0x3100;
	v29 =	vsel vm7, $0x1, v3;
	(xrf0) =	vadd.scan.msk.s32 $0xffff, v33;
	v35 =	vmov s31  }
0x87: {  	v37 =	vmov s30;
	v33 =	vsel vm9, $0x1, v3;
	s0 =	sadd.s32 s31, s0;
	v12 =	vsub.s32 v25, v6;
	s30 =	spop (v2sf)  }
0x88: {  	v38 =	vmov s0;
	vm12 =	vlt.u32 v12, $0x3100;
	v25 =	vsub.s32 v27, v6;
	(xrf0) =	vadd.scan.msk.s32 $0xffff, v33;
	s0 =	sadd.s32 s0, s30;
	s30 =	spop (v2sf)  }
0x89: {  	v41 =	vsel vm12, $0x1, v3;
	vm13 =	vlt.u32 v25, $0x3100;
	(xrf0) =	vadd.scan.msk.s32 $0xffff, v29;
	v29 =	vmov s0;
	s30 =	sadd.s32 s0, s30  }
0x8a: {  	v27 =	vsub.s32 v31, v6;
	v40 =	vsel vm13, $0x1, v3;
	(xrf0) =	vadd.scan.msk.s32 $0xffff, v41;
	v41 =	vadd.s32 $0xFFFFFFFF, v29  }
0x8b: {  	v31 =	vadd.s32 $0xFFFFFFFF, v38;
	vm14 =	vlt.u32 v27, $0x3100;
	v33, _, _ =	vpop (xrf0);
	(xrf0) =	vadd.scan.msk.s32 $0xffff, v40;
	v38 =	vbroadcast v41, $0x0  }
.Ltmp6:
0x8c: {  	v40 =	vsel vm14, $0x1, v3;
	v41 =	vbroadcast v31, $0x0;
	(v2sf) =	vpush v33, $0xF;
	v29, _, _ =	vpop (xrf0);
	(pc) =	sbr.rel @p1 .LBB2_4-.Ltmp6, $4  }
0x8d: {  	v35 =	vadd.s32 $0xFFFFFFFF, v35;
	(v2sf) =	vpush v29, $0xF;
	(xrf0) =	vadd.scan.msk.s32 $0xffff, v40;
	v40 =	vld [tilespmem:s24+$0x30];
	v36 =	vadd.s32 v36, v38  }
0x8e: {  	v42 =	vadd.s32 $0xFFFFFFFF, v37;
	v38 =	vbroadcast v35, $0x0;
	v37 =	vadd.s32 v34, v41;
	v31, _, _ =	vpop (xrf0);
	(xrf0) =	vadd.scan.msk.s32 $0xffff, v30  }
0x8f: {  	v41 =	vadd.s32 $0xFFFFFFFF, v39;
	v35 =	vbroadcast v42, $0x0;
	(v2sf) =	vpush v31, $0xF;
	v34, _, _ =	vpop (xrf0);
	v39 =	vld [tilespmem:s24+$0x20]  }
0x90: {  	s29 =	sadd.s32 $0x80, s29;
	v41 =	vbroadcast v41, $0x0;
	v38 =	vadd.s32 v32, v38;
	(v2sf) =	vpush v34, $0xF;
	v30, _, _ =	vpop (xrf0)  }
0x91: {  	(v2sf) =	vpush v30, $0xF;
	v32, _, _ =	vpop (xrf0)  }
0x92: {  	(v2sf) =	vpush v32, $0xF  }
0x93: {  	v42, _, _ =	vpop (xrf0)  }
0x94: {  	(v2sf) =	vpush v42, $0xF;
	_ =	sdelay $0x4  }
0x95: {  	v52 =	vmov s30  }
0x96: {  	v50 =	vld [tilespmem:s24+$0xFFFFFFF0];
	vm1 =	vmmov vm1;
	v21 =	vadd.s32 v21, v41;
	v55 =	vadd.s32 $0xFFFFFFFF, v52;
	[tilespmem:v37+s3+$0x0] =	vst.idx.msk vm10, v39  }
0x97: {  	v59 =	vld [tilespmem:s24+$0x0];
	v61 =	vadd.s32 v14, v35;
	[tilespmem:v37+s18+$0x0] =	vst.idx.msk vm10, v16;
	v16 =	vbroadcast v55, $0x0  }
0x98: {  	v51 =	vadd.s32 $0xFFFFFFFF, v28;
	[tilespmem:v36+s3+$0x0] =	vst.idx.msk vm11, v40;
	s0 =	spop (v2sf)  }
0x99: {  	v57 =	vld [tilespmem:s23+$0xFFFFFFC0];
	[tilespmem:v36+s18+$0x0] =	vst.idx.msk vm11, v22;
	v22 =	vbroadcast v51, $0x0;
	v16 =	vadd.s32 v33, v16;
	s25 =	sadd.s32 s30, s0;
	s29 =	spop (v2sf)  }
0x9a: {  	v53, _, _ =	vpop (xrf0);
	s0 =	sadd.s32 s25, s29;
	s31 =	spop (v2sf)  }
0x9b: {  	v43 =	vmov s26;
	v56 =	vld [tilespmem:s24+$0xFFFFFFD0];
	v17 =	vadd.s32 v17, v22;
	[tilespmem:v21+s3+$0x0] =	vst.idx.msk vm5, v50;
	(v2sf) =	vpush v53, $0xF;
	s26 =	sadd.s32 s0, s31;
	s28 =	spop (v2sf)  }
0x9c: {  	[tilespmem:v61+s3+$0x0] =	vst.idx.msk vm1, v59;
	s28 =	sadd.s32 s26, s28;
	s29 =	spop (v2sf)  }
0x9d: {  	v43 =	vadd.s32 $0xFFFFFFFF, v43;
	[tilespmem:v61+s18+$0x0] =	vst.idx.msk vm1, v7;
	s29 =	sadd.s32 s28, s29;
	s4 =	spop (v2sf)  }
0x9e: {  	v49 =	vbroadcast v43, $0x0;
	[tilespmem:v16+s3+$0x0] =	vst.idx.msk vm2, v57;
	v33 =	vmov s26;
	s30 =	sadd.s32 s29, s4  }
0x9f: {  	[tilespmem:v16+s18+$0x0] =	vst.idx.msk vm2, v18;
	v16 =	vadd.s32 $0xFFFFFFFF, v33;
	s31 =	spop (v2sf);
	v60 =	vmov s30  }
0xa0: {  	v54 =	vld [tilespmem:s24+$0xFFFFFFE0];
	v20 =	vadd.s32 v20, v49;
	[tilespmem:v17+s3+$0x0] =	vst.idx.msk vm3, v56;
	v7 =	vbroadcast v16, $0x0;
	s31 =	sadd.s32 s30, s31;
	v62 =	vadd.s32 $0xFFFFFFFF, v60  }
0xa1: {  	[tilespmem:v17+s18+$0x0] =	vst.idx.msk vm3, v8;
	v58 =	vmov s31;
	v8 =	vbroadcast v62, $0x0  }
0xa2: {  	v39 =	vld [tilespmem:s23+$0xFFFFFFF0];
	[tilespmem:v21+s18+$0x0] =	vst.idx.msk vm5, v11;
	v7 =	vadd.s32 v34, v7;
	v11 =	vadd.s32 $0xFFFFFFFF, v58  }
0xa3: {  	[tilespmem:v38+s3+$0x0] =	vst.idx.msk vm6, v26;
	v35 =	vld [tilespmem:s23+$0x20];
	v63 =	vmov s29;
	v11 =	vbroadcast v11, $0x0;
	v8 =	vadd.s32 v42, v8  }
0xa4: {  	[tilespmem:v38+s18+$0x0] =	vst.idx.msk vm6, v13;
	v28 =	vadd.s32 $0xFFFFFFFF, v63  }
0xa5: {  	v26 =	vld [tilespmem:s23+$0x30];
	[tilespmem:v20+s3+$0x0] =	vst.idx.msk vm4, v54;
	v13 =	vbroadcast v28, $0x0;
	v11 =	vadd.s32 v53, v11  }
0xa6: {  	[tilespmem:v20+s18+$0x0] =	vst.idx.msk vm4, v9;
	v37 =	vmov s0  }
0xa7: {  	v36 =	vadd.s32 v32, v13;
	v13 =	vadd.s32 $0xFFFFFFFF, v37;
	[tilespmem:v7+s3+$0x0] =	vst.idx.msk vm7, v39  }
0xa8: {  	v41 =	vmov s28;
	v13 =	vbroadcast v13, $0x0;
	[tilespmem:v8+s3+$0x0] =	vst.idx.msk vm14, v35  }
0xa9: {  	vm3 =	vmmov vm12;
	v38 =	vmov s25;
	[tilespmem:v8+s18+$0x0] =	vst.idx.msk vm14, v27;
	v8 =	vadd.s32 $0xFFFFFFFF, v41  }
0xaa: {  	v40 =	vadd.s32 $0xFFFFFFFF, v38;
	v42 =	vld [tilespmem:s23+$0xFFFFFFE0];
	v13 =	vadd.s32 v31, v13;
	s12 =	spop (v2sf);
	[tilespmem:v11+s3+$0x0] =	vst.idx.msk vm8, v26;
	v8 =	vbroadcast v8, $0x0  }
0xab: {  	vm15 =	vmmov vm14;
	vm3 =	vmmov vm3;
	s25 =	sadd.s32 s31, s12;
	[tilespmem:v11+s18+$0x0] =	vst.idx.msk vm8, v23;
	v11 =	vbroadcast v40, $0x0  }
0xac: {  	vm0 =	vmmov vm0;
	v45 =	vld [tilespmem:s23+$0x0];
	vm11 =	vmmov vm8;
	[tilespmem:v7+s18+$0x0] =	vst.idx.msk vm7, v15;
	s24 =	sadd.s32 $0x7F, s25;
	s28 =	sand.u32 $0xFFFFFFF0, s25;
	v7 =	vadd.s32 v30, v8  }
0xad: {  	v43 =	vld [tilespmem:s23+$0xFFFFFFD0];
	vm2 =	vmmov vm13;
	[tilespmem:v36+s3+$0x0] =	vst.idx.msk vm13, v24;
	v44 =	vor.u32 s28, v0;
	s26 =	sand.u32 $0xFFFFFF80, s24;
	v11 =	vadd.s32 v29, v11  }
0xae: {  	[tilespmem:v36+s18+$0x0] =	vst.idx.msk vm13, v25;
	s23 =	sadd.s32 $0x10, s28;
	vm8 =	vmmov vm9;
	vm2 =	vge.s32 v44, s25;
	vm4 =	vlt.s32 v44, s26  }
0xaf: {  	[tilespmem:v13+s3+$0x0] =	vst.idx.msk vm9, v42;
	v46 =	vor.u32 s23, v0;
	vm2 =	vmand vm2, vm4;
	v8 =	vor.u32 s28, v4  }
0xb0: {  	s29 =	sadd.s32 $0x20, s28;
	[tilespmem:v13+s18+$0x0] =	vst.idx.msk vm9, v19;
	vm1 =	vge.s32 v46, s25;
	vm9 =	vlt.s32 v46, s26;
	v8 =	vor.u32 v2, v8  }
0xb1: {  	v47 =	vor.u32 s23, v4;
	v48 =	vor.u32 s29, v0;
	vm1 =	vmand vm1, vm9;
	[tilespmem:v7+s3+$0x0] =	vst.idx.msk vm3, v45  }
0xb2: {  	s30 =	sadd.s32 $0x30, s28;
	v9 =	vor.u32 v2, v47;
	vm10 =	vge.s32 v48, s25;
	vm11 =	vlt.s32 v48, s26;
	[tilespmem:v11+s3+$0x0] =	vst.idx.msk vm0, v43  }
0xb3: {  	v49 =	vor.u32 s29, v4;
	v50 =	vor.u32 s30, v0;
	[tilespmem:v11+s18+$0x0] =	vst.idx.msk vm0, v10;
	vm0 =	vmand vm10, vm11  }
0xb4: {  	s31 =	sadd.s32 $0x40, s28;
	vm12 =	vge.s32 v50, s25;
	vm13 =	vlt.s32 v50, s26;
	[tilespmem:v7+s18+$0x0] =	vst.idx.msk vm3, v12;
	v7 =	vor.u32 v2, v49  }
0xb5: {  	v51 =	vor.u32 s30, v4;
	v52 =	vor.u32 s31, v0;
	vm3 =	vmand vm12, vm13;
	[tilespmem:v8+s3+$0x0] =	vst.idx.msk vm2, v1  }
0xb6: {  	s4 =	sadd.s32 $0x50, s28;
	vm14 =	vge.s32 v52, s25;
	vm15 =	vlt.s32 v52, s26;
	[tilespmem:v8+s18+$0x0] =	vst.idx.msk vm2, v5;
	v8 =	vor.u32 v2, v51  }
0xb7: {  	v53 =	vor.u32 s31, v4;
	v54 =	vor.u32 s4, v0;
	vm2 =	vmand vm14, vm15;
	[tilespmem:v9+s3+$0x0] =	vst.idx.msk vm1, v1  }
0xb8: {  	s12 =	sadd.s32 $0x60, s28;
	v55 =	vor.u32 v2, v53;
	vm8 =	vge.s32 v54, s25;
	vm9 =	vlt.s32 v54, s26;
	[tilespmem:v9+s18+$0x0] =	vst.idx.msk vm1, v5  }
0xb9: {  	v56 =	vor.u32 s4, v4;
	v57 =	vor.u32 s12, v0;
	vm1 =	vmand vm8, vm9;
	[tilespmem:v7+s3+$0x0] =	vst.idx.msk vm0, v1  }
0xba: {  	s29 =	sadd.s32 $0x70, s28;
	vm10 =	vge.s32 v57, s25;
	vm11 =	vlt.s32 v57, s26;
	[tilespmem:v7+s18+$0x0] =	vst.idx.msk vm0, v5;
	v7 =	vor.u32 v2, v56  }
0xbb: {  	v58 =	vor.u32 s12, v4;
	v59 =	vor.u32 s29, v0;
	vm0 =	vmand vm10, vm11;
	[tilespmem:v8+s3+$0x0] =	vst.idx.msk vm3, v1  }
0xbc: {  	s30 =	sadd.s32 $0x80, s28;
	vm12 =	vge.s32 v59, s25;
	vm13 =	vlt.s32 v59, s26;
	[tilespmem:v8+s18+$0x0] =	vst.idx.msk vm3, v5;
	v8 =	vor.u32 v2, v58  }
0xbd: {  	v60 =	vor.u32 s29, v4;
	v61 =	vor.u32 s30, v0;
	vm3 =	vmand vm12, vm13;
	[tilespmem:v55+s3+$0x0] =	vst.idx.msk vm2, v1  }
0xbe: {  	v62 =	vor.u32 v2, v60;
	vm14 =	vge.s32 v61, s25;
	vm15 =	vlt.s32 v61, s26;
	[tilespmem:v55+s18+$0x0] =	vst.idx.msk vm2, v5  }
0xbf: {  	v63 =	vor.u32 s30, v4;
	vm2 =	vmand vm14, vm15;
	[tilespmem:v7+s3+$0x0] =	vst.idx.msk vm1, v1  }
0xc0: {  	[tilespmem:v7+s18+$0x0] =	vst.idx.msk vm1, v5;
	v7 =	vor.u32 v2, v63  }
0xc1: {  	[tilespmem:v8+s3+$0x0] =	vst.idx.msk vm0, v1  }
0xc2: {  	[tilespmem:v8+s18+$0x0] =	vst.idx.msk vm0, v5  }
0xc3: {  	[tilespmem:v62+s3+$0x0] =	vst.idx.msk vm3, v1  }
0xc4: {  	s23 =	sshra.s32 s24, $0x7;
	[tilespmem:v62+s18+$0x0] =	vst.idx.msk vm3, v5  }
0xc5: {  	p1 =	slt.s32 s23, $0x1;
	s31 =	sadd.s32 $0x1, s23;
	[tilespmem:v7+s3+$0x0] =	vst.idx.msk vm2, v1  }
0xc6: {  	s0 =	simm.s32 @!p1 $0x80;
	s24 =	simm.s32 @!p1 $0x0;
	s25 =	simm.s32 @!p1 $0x8000;
	[tilespmem:v7+s18+$0x0] =	vst.idx.msk vm2, v5  }
0xc7: {  	[tilespmem:s25], [sflag:$0x1] =	stream.indirect.gather @!p1 [hbm4b:s5+s0], $0x40, s24, s0, $0xb8;
	[tilespmem:$0x18420] =	vst v63  }
0xc8: {  	s24 =	sshra.s32 s31, $0x1  }
0xc9: {  	p1 =	slt.s32 s24, $0x1  }
.Ltmp7:
0xca: {  	_ = 	snop;
	(pc) =	sbr.rel @p1 .LBB2_11-.Ltmp7, $2  }
0xcb: {  	_ =	sdelay $0x2  }
0xcc: {  	vm6 =	vmmov vm7  }
0xcd: {  	s28 =	sadd.s32 $0xFFFFFFFF, s24  }
0xce: {  	p2 =	sne.s32 s28, $0x0  }
.Ltmp8:
0xcf: {  	_ = 	snop;
	(pc) =	sbr.rel @!p2 .LBB2_7-.Ltmp8, $3  }
0xd0: {  	_ =	sdelay $0x1  }
0xd1: {  	s24 =	simm.s32 $0x2000;
	s26 =	simm.s32 $0x1  }
0xd2: {  	s25 =	simm.s32 $0x80;
	s30 =	simm.s32 $0x0;
	p1 =	por $0x0, $0x0  }
0xd3: {  	p1 =	sle.s32 s23, $0x0  }
0xd4: {  	s0 =	simm.s32 @!p1 $0x1  }
0xd5: {  	p2 =	sle.s32 @!p1 s23, $0x1;
	_ =	swait.ge @!p1 [sflag:s0], $0x2000  }
0xd6: {  	p2 =	por p2, p1;
	[sflag:s0] =	ssyncset.done @!p1 $0x0  }
0xd7: {  	s26 =	simm.s32 @!p2 $0x80;
	s29 =	simm.s32 @!p2 $0xA000;
	[sflag:s0] =	ssyncadd.s32 @!p1 $0xFFFFE000  }
0xd8: {  	[tilespmem:s29], [sflag:$0x2] =	stream.indirect.gather @!p2 [hbm4b:s5+s26], $0x40, s25, s26, $0xb8;
	[tilespmem:$0x18420] =	vst v63  }
0xd9: {  	s0 =	simm.s32 @!p1 $0x80;
	s25 =	simm.s32 @!p1 $0x8000;
	s26 =	simm.s32 @!p1 $0x4  }
0xda: {  	[spmem:s2] =	stream.indirect.scatter.add.bf16 @!p1 [tilespmem:s25], [sflag:$0x4], $0x40, s24, s0, $0xb8;
	[tilespmem:$0x18420] =	vst v63  }
0xdb: {  	_ =	swait.ge @!p1 [sflag:s26], $0x2000  }
0xdc: {  	p2 =	sle.s32 s23, $0x1;
	[sflag:s26] =	ssyncset.done @!p1 $0x0  }
0xdd: {  	s0 =	simm.s32 @!p2 $0x2;
	[sflag:s26] =	ssyncadd.s32 @!p1 $0xFFFFE000;
	p1 =	sle.s32 @!p2 s23, $0x2  }
0xde: {  	s28 =	sadd.s32 $0xFFFFFFFF, s28;
	_ =	swait.ge @!p2 [sflag:s0], $0x2000;
	p1 =	por p1, p2  }
0xdf: {  	p3 =	sne.s32 s28, $0x0;
	[sflag:s0] =	ssyncset.done @!p2 $0x0;
	s25 =	simm.s32 @!p1 $0x80  }
0xe0: {  	s26 =	simm.s32 @!p1 $0x8000;
	[sflag:s0] =	ssyncadd.s32 @!p2 $0xFFFFE000;
	s0 =	simm.s32 @!p1 $0x100  }
0xe1: {  	[tilespmem:s26], [sflag:$0x1] =	stream.indirect.gather @!p1 [hbm4b:s5+s25], $0x40, s0, s25, $0xb8;
	[tilespmem:$0x18420] =	vst v63  }
.Ltmp9:
0xe2: {  	s30 =	simm.s32 $0x2;
	(pc) =	sbr.rel @!p3 .LBB2_10-.Ltmp9, $4  }
0xe3: {  	s29 =	simm.s32 @!p2 $0x3;
	s24 =	simm.s32 @!p2 $0xA000;
	s0 =	simm.s32 @!p2 $0x2080  }
0xe4: {  	s25 =	simm.s32 @!p2 $0x80;
	s26 =	simm.s32 $0x3;
	p1 =	por $0x1, $0x1  }
0xe5: {  	[spmem:s2] =	stream.indirect.scatter.add.bf16 @!p2 [tilespmem:s24], [sflag:$0x3], $0x40, s0, s25, $0xb8;
	[tilespmem:$0x18420] =	vst v63  }
0xe6: {  	s25 =	simm.s32 $0x180;
	s24 =	simm.s32 $0x2100;
	_ =	swait.ge @!p2 [sflag:s29], $0x2000  }
.LBB2_9:
0xe7: {  	s28 =	sadd.s32 $0xFFFFFFFF, s28;
	p4 =	sge.s32 s30, s23;
	[sflag:s29] =	ssyncset.done @!p2 $0x0  }
0xe8: {  	s0 =	simm.s32 @!p4 $0x1;
	p5 =	sge.s32 @!p4 s26, s23;
	[sflag:s29] =	ssyncadd.s32 @!p2 $0xFFFFE000  }
0xe9: {  	p3 =	sne.s32 s28, $0x0;
	_ =	swait.ge @!p4 [sflag:s0], $0x2000;
	p2 =	por p5, p4  }
0xea: {  	[sflag:s0] =	ssyncset.done @!p4 $0x0;
	s29 =	simm.s32 @!p2 $0x80;
	s30 =	simm.s32 @!p2 $0xA000  }
0xeb: {  	[sflag:s0] =	ssyncadd.s32 @!p4 $0xFFFFE000  }
0xec: {  	[tilespmem:s30], [sflag:$0x2] =	stream.indirect.gather @!p2 [hbm4b:s5+s29], $0x40, s25, s29, $0xb8;
	[tilespmem:$0x18420] =	vst v63  }
0xed: {  	s0 =	simm.s32 @!p4 $0x80;
	s29 =	simm.s32 @!p4 $0x8000;
	s30 =	simm.s32 @!p4 $0x4  }
0xee: {  	[spmem:s2] =	stream.indirect.scatter.add.bf16 @!p4 [tilespmem:s29], [sflag:$0x4], $0x40, s24, s0, $0xb8;
	[tilespmem:$0x18420] =	vst v63  }
0xef: {  	_ =	swait.ge @!p4 [sflag:s30], $0x2000  }
0xf0: {  	p2 =	sge.s32 s26, s23;
	[sflag:s30] =	ssyncset.done @!p4 $0x0  }
0xf1: {  	s0 =	sadd.s32 @!p2 $0x1, s26;
	s29 =	simm.s32 @!p2 $0x2;
	[sflag:s30] =	ssyncadd.s32 @!p4 $0xFFFFE000  }
0xf2: {  	s4 =	sadd.s32 @!p2 $0x80, s24;
	p4 =	sge.s32 @!p2 s0, s23;
	_ =	swait.ge @!p2 [sflag:s29], $0x2000  }
0xf3: {  	s0 =	simm.s32 @!p2 $0xA000;
	p4 =	por p4, p2;
	[sflag:s29] =	ssyncset.done @!p2 $0x0  }
0xf4: {  	s30 =	simm.s32 @!p4 $0x80;
	[sflag:s29] =	ssyncadd.s32 @!p2 $0xFFFFE000;
	s29 =	sadd.s32 @!p4 $0x80, s25  }
.Ltmp10:
0xf5: {  	s12 =	simm.s32 @!p2 $0x80;
	s31 =	simm.s32 @!p4 $0x8000;
	(pc) =	sbr.rel @p3 .LBB2_9-.Ltmp10, $4  }
0xf6: {  	[tilespmem:s31], [sflag:$0x1] =	stream.indirect.gather @!p4 [hbm4b:s5+s30], $0x40, s29, s30, $0xb8;
	[tilespmem:$0x18420] =	vst v63  }
0xf7: {  	s26 =	sadd.s32 $0x2, s26;
	s25 =	sadd.s32 $0x100, s25;
	s29 =	simm.s32 @!p2 $0x3  }
0xf8: {  	[spmem:s2] =	stream.indirect.scatter.add.bf16 @!p2 [tilespmem:s0], [sflag:$0x3], $0x40, s4, s12, $0xb8;
	[tilespmem:$0x18420] =	vst v63  }
0xf9: {  	s24 =	sadd.s32 $0x100, s24;
	s30 =	sadd.s32 $0xFFFFFFFF, s26;
	_ =	swait.ge @!p2 [sflag:s29], $0x2000  }
.Ltmp11:
0xfa: {  	_ = 	snop;
	(pc) =	sbr.rel .LBB2_10-.Ltmp11, $1  }
0xfb: {  	_ =	sdelay $0x3  }
.LBB2_14:
0xfc: {  	_ =	sfence.sel $0x180000  }
0xfd: {  	[bflag:$0x0] =	sbarrier.arrive $0xFFFF  }
0xfe: {  	_ =	strace $0x90000047  }
0xff: {  	s0 =	stileid.u32;
	[bflag:$0x2] =	sbarrier.arrive $0xFFFF  }
0x100: {  	p0 =	sne.s32 s0, $0x0;
	s0 =	rddreg [dreg:$0x3]  }
0x101: {  	s0 =	sadd.s32 @!p0 $0x100000, s0  }
0x102: {  	[sflag:s0] =	ssyncadd.tile.s32 @!p0 $0x1;
	_ =	shalt  }
.Lfunc_end2:
_tile_overlayer_lowered:
.L_overlay_start_2:
0x103: {  	(tag) =	ssettag $0x2  }
0x104: {  	s0 =	rddreg [dreg:$0x0];
	s2 =	stileid.u32  }
0x105: {  	s1 =	rddreg [dreg:$0x1];
	p0 =	sne.s32 s2, $0x0  }
0x106: {  	s3 =	rddreg [dreg:$0x2];
	[bflag:$0x3] =	sbarrier.arrive $0xFFFF;
	s2 =	simm.s32 @!p0 $0x1C03  }
0x107: {  	[timem:s3], [sflag:s2] =	dma.local @!p0 [hbm:s0], s1  }
0x108: {  	s0 =	simm.s32 @!p0 $0x3  }
0x109: {  	_ =	swait.ge @!p0 [sflag:s0], s1  }
0x10a: {  	s1 =	ssub.s32 @!p0 $0x0, s1;
	[sflag:s0] =	ssyncset.done @!p0 $0x0  }
0x10b: {  	[sflag:s0] =	ssyncadd.s32 @!p0 s1  }
0x10c: {  	[bflag:$0x3] =	sbarrier.arrive $0xFFFF  }
0x10d: {  	_ =	shalt  }

// kernel: seg_sum.7.cloned.1.call-start
scs
__scs_entry_jumppad:
0x0: {  	(pc) =	sbr.rel $0x88, $3  }
0x1: {  	(tag) =	ssettag $0x0;
	lr =	simm.s32 $0x1  }
0x2: {  	[smem:$0x3F98] =	sst lr;
	_ =	strace $0xD0000000  }
0x3: {  	_ = 	snop  }
0x4: {  	_ = 	snop  }
0x5: {  	_ = 	snop  }
0x6: {  	_ = 	snop  }
0x7: {  	_ = 	snop  }
__scs_overlays_trampoline_lowered:
0x8: {  	[smem:$0x3FA7] =	sst s0  }
0x9: {  	[smem:$0x3FA8] =	sst s1  }
0xa: {  	[smem:$0x3FA9] =	sst s2  }
0xb: {  	[smem:$0x3FAA] =	sst s3  }
0xc: {  	[smem:$0x3FAB] =	sst s4  }
0xd: {  	[smem:$0x3FAC] =	sst s5  }
0xe: {  	[smem:$0x3FAD] =	sst s6  }
0xf: {  	[smem:$0x3FAE] =	sst s7  }
0x10: {  	[smem:$0x3FAF] =	sst s8  }
0x11: {  	[smem:$0x3FB0] =	sst s9;
	s0 =	simm.s32 @!p0 $0x0  }
0x12: {  	s1 =	sld [smem:$0x3F96];
	s0 =	simm.s32 @p0 $0x1  }
0x13: {  	[smem:$0x3FB1] =	sst s0;
	s0 =	simm.s32 @!p1 $0x0  }
0x14: {  	s2 =	sld [smem:$0x3F95];
	s0 =	simm.s32 @p1 $0x1  }
0x15: {  	[smem:$0x3FB2] =	sst s0;
	s0 =	simm.s32 @!p2 $0x0  }
0x16: {  	s3 =	sld [smem:$0x3FDB];
	s0 =	simm.s32 @p2 $0x1  }
0x17: {  	s4 =	simm.s32 $0x1BF5;
	[smem:$0x3FB4] =	sst s0  }
0x18: {  	s0 =	sld [smem:$0x3F97];
	_ =	swait.ge [sflag:s4], $0x0  }
0x19: {  	s7 =	sld [smem:$0x3F98]  }
0x1a: {  	s8 =	sadd.s32 $0xFFFFE003, lr  }
0x1b: {  	s9 =	sadd.s32 $0xFFFFFEF7, lr;
	s5 =	simm.s32 $0xFFFFFFFF;
	p2 =	slt.u32 s8, $0xFFFFF086  }
0x1c: {  	p1 =	slt.u32 s9, $0xF7A;
	s5 =	simm.s32 @!p2 $0x0  }
0x1d: {  	s5 =	simm.s32 @p1 $0x1;
	p0 =	seq.s32 s7, s2  }
0x1e: {  	s7 =	smul.u32 @!p0 $0xF7A, s2;
	p2 =	seq.s32 @!p0 s5, $0x0  }
0x1f: {  	s9 =	smul.u32 $0xF7A, s1;
	s8 =	simm.s32 @!p0 $0x1BF5;
	p2 =	por !p2, p0  }
0x20: {  	[sflag:s8] =	ssyncset.s32 @!p0 $0xFFFFF086;
	s6 =	sadd.s32 @!p0 s3, s7;
	s7 =	simm.s32 @!p0 $0x108  }
0x21: {  	s3 =	sadd.s32 s3, s9;
	s6 =	sadd.s32 @!p0 $0x88, s6;
	s7 =	simm.s32 @p2 $0x1082  }
0x22: {  	[simem:s7], [sflag:s8] =	dma.local @!p0 [hbm:s6], $0xF7A  }
0x23: {  	s9 =	sor.u32 $0xD0000000, s2;
	s6 =	simm.s32 $0x108;
	_ =	swait.ge @!p0 [sflag:s8], $0x0  }
0x24: {  	s3 =	sadd.s32 $0x88, s3;
	s6 =	simm.s32 @!p1 $0x1082;
	[sflag:s4] =	ssyncset.s32 $0xFFFFF086  }
0x25: {  	[simem:s6], [sflag:s4] =	dma.local [hbm:s3], $0xF7A  }
0x26: {  	[smem:$0x3F98] =	sst s1;
	(tag) =	ssettag s2;
	_ =	strace s9  }
0x27: {  	s1 =	sld [smem:$0x3FA8]  }
0x28: {  	s2 =	sld [smem:$0x3FA9]  }
0x29: {  	s4 =	sld [smem:$0x3FAB]  }
0x2a: {  	p0 =	seq.s32 s5, $0x0;
	s5 =	sld [smem:$0x3FAC]  }
0x2b: {  	s6 =	sld [smem:$0x3FAD]  }
0x2c: {  	s7 =	sld [smem:$0x3FAE]  }
0x2d: {  	s3 =	simm.s32 $0x108;
	s8 =	sld [smem:$0x3FAF]  }
0x2e: {  	s3 =	simm.s32 @!p0 $0x1082;
	s9 =	sld [smem:$0x3FB0]  }
0x2f: {  	lr =	sadd.s32 s0, s3;
	s0 =	sld [smem:$0x3FA7]  }
0x30: {  	s3 =	sld [smem:$0x3FAA]  }
0x31: {  	[smem:$0x3FB3] =	sst s10  }
0x32: {  	s10 =	sld [smem:$0x3FB1];
	_ =	sdelay $0x3  }
0x33: {  	p0 =	seq.s32 s10, $0x1;
	s10 =	sld [smem:$0x3FB3];
	_ =	sdelay $0x3  }
0x34: {  	[smem:$0x3FB3] =	sst s10  }
0x35: {  	s10 =	sld [smem:$0x3FB2];
	_ =	sdelay $0x3  }
0x36: {  	p1 =	seq.s32 s10, $0x1;
	s10 =	sld [smem:$0x3FB3];
	_ =	sdelay $0x3  }
0x37: {  	[smem:$0x3FB3] =	sst s10  }
0x38: {  	s10 =	sld [smem:$0x3FB4]  }
0x39: {  	_ = 	snop;
	(pc) =	sbr.ind lr, $3  }
0x3a: {  	_ = 	snop  }
0x3b: {  	_ = 	snop  }
0x3c: {  	p2 =	seq.s32 s10, $0x1;
	s10 =	sld [smem:$0x3FB3]  }
0x3d: {  	_ =	shalt  }
0x3e: {  	_ =	shalt  }
0x3f: {  	_ =	shalt  }
0x40: {  	_ =	shalt  }
0x41: {  	_ =	shalt  }
0x42: {  	_ =	shalt  }
0x43: {  	_ =	shalt  }
0x44: {  	_ =	shalt  }
0x45: {  	_ =	shalt  }
0x46: {  	_ =	shalt  }
0x47: {  	_ =	shalt  }
0x48: {  	_ =	shalt  }
0x49: {  	_ =	shalt  }
0x4a: {  	_ =	shalt  }
0x4b: {  	_ =	shalt  }
0x4c: {  	_ =	shalt  }
0x4d: {  	_ =	shalt  }
0x4e: {  	_ =	shalt  }
0x4f: {  	_ =	shalt  }
0x50: {  	_ =	shalt  }
0x51: {  	_ =	shalt  }
0x52: {  	_ =	shalt  }
0x53: {  	_ =	shalt  }
0x54: {  	_ =	shalt  }
0x55: {  	_ =	shalt  }
0x56: {  	_ =	shalt  }
0x57: {  	_ =	shalt  }
0x58: {  	_ =	shalt  }
0x59: {  	_ =	shalt  }
0x5a: {  	_ =	shalt  }
0x5b: {  	_ =	shalt  }
0x5c: {  	_ =	shalt  }
0x5d: {  	_ =	shalt  }
0x5e: {  	_ =	shalt  }
0x5f: {  	_ =	shalt  }
0x60: {  	_ =	shalt  }
0x61: {  	_ =	shalt  }
0x62: {  	_ =	shalt  }
0x63: {  	_ =	shalt  }
0x64: {  	_ =	shalt  }
0x65: {  	_ =	shalt  }
0x66: {  	_ =	shalt  }
0x67: {  	_ =	shalt  }
0x68: {  	_ =	shalt  }
0x69: {  	_ =	shalt  }
0x6a: {  	_ =	shalt  }
0x6b: {  	_ =	shalt  }
0x6c: {  	_ =	shalt  }
0x6d: {  	_ =	shalt  }
0x6e: {  	_ =	shalt  }
0x6f: {  	_ =	shalt  }
0x70: {  	_ =	shalt  }
0x71: {  	_ =	shalt  }
0x72: {  	_ =	shalt  }
0x73: {  	_ =	shalt  }
0x74: {  	_ =	shalt  }
0x75: {  	_ =	shalt  }
0x76: {  	_ =	shalt  }
0x77: {  	_ =	shalt  }
0x78: {  	_ =	shalt  }
0x79: {  	_ =	shalt  }
0x7a: {  	_ =	shalt  }
0x7b: {  	_ =	shalt  }
0x7c: {  	_ =	shalt  }
0x7d: {  	_ =	shalt  }
0x7e: {  	_ =	shalt  }
0x7f: {  	_ =	shalt  }
0x80: {  	_ =	shalt  }
0x81: {  	_ =	shalt  }
0x82: {  	_ =	shalt  }
0x83: {  	_ =	shalt  }
0x84: {  	_ =	shalt  }
0x85: {  	_ =	shalt  }
0x86: {  	_ =	shalt  }
0x87: {  	_ =	shalt  }
.Lfunc_end0:
.L_simem_size_0:
called_computation.2_lowered:
.L_overlay_start_0:
0x88: {  	s2 =	sld [smem:$0x3FD9]  }
0x89: {  	s3 =	sld [smem:$0x3FFE];
	_ =	sdelay $0x1  }
0x8a: {  	s1 =	srdreg.scid  }
0x8b: {  	s0 =	sand.u32 $0x1, s1  }
0x8c: {  	s15 =	sshll.u32 s0, $0xA;
	s2 =	sadd.s32 s3, s2  }
0x8d: {  	s2 =	sadd.s32 s2, s15  }
0x8e: {  	[smem:$0x3FBF] =	sst s2  }
0x8f: {  	_ = 	snop  }
0x90: {  	s2 =	sld [smem:$0x3FD0];
	_ =	sdelay $0x2  }
0x91: {  	s16 =	simm.s32 $0xB;
	s4 =	simm.s32 $0x10  }
0x92: {  	[smem:s4], [sflag:s16] =	dma.local [hbm:s2], $0x1  }
0x93: {  	_ =	swait.eq [sflag:s16], $0x1  }
0x94: {  	[sflag:s16] =	ssyncset.done $0x0  }
0x95: {  	[sflag:s16] =	ssyncadd.s32 $0xFFFFFFFF  }
0x96: {  	s17 =	sld [smem:$0x10];
	(tm) =	ssettm $0x1  }
0x97: {  	s18 =	sld [smem:$0x3FFB];
	_ =	sdelay $0x3  }
0x98: {  	_ =	strace s18  }
0x99: {  	s2 =	sld [smem:$0x3FFC];
	_ =	sdelay $0x3  }
0x9a: {  	_ =	strace s2  }
0x9b: {  	s2 =	sld [smem:$0x3FFD];
	_ =	sdelay $0x3  }
0x9c: {  	_ =	strace s2  }
0x9d: {  	_ =	strace $0x8FFFFFFF  }
0x9e: {  	s19 =	sld [smem:$0x3FDB];
	_ =	sdelay $0x1  }
0x9f: {  	s20 =	simm.s32 $_scs_section_size  }
0xa0: {  	s5 =	simm.s32 $_size__tile_overlayer_lowered;
	s6 =	simm.s32 $_tile_overlayer_lowered  }
0xa1: {  	s7 =	simm.s32 $0x1BFF;
	s21 =	sshll.u32 s6, $0x1;
	s4 =	sadd.s32 s20, s19  }
0xa2: {  	s22 =	simm.s32 $0x0;
	s5 =	sshll.u32 s5, $0x1;
	s6 =	sadd.s32 s21, s4  }
0xa3: {  	[timem:s22], [sflag:s7] =	dma.local [hbm:s6], s5  }
0xa4: {  	_ =	swait.ge [sflag:s7], s5  }
0xa5: {  	s5 =	ssub.s32 $0x0, s5;
	[sflag:s7] =	ssyncset.done $0x0  }
0xa6: {  	[sflag:s7] =	ssyncadd.s32 s5;
	_ =	sdelay $0x1  }
0xa7: {  	s23 =	simm.s32 $0x1B8B  }
0xa8: {  	_ =	swait.ge [sflag:s23], $0x1  }
0xa9: {  	[sflag:s23] =	ssyncset.done $0x0  }
0xaa: {  	[sflag:s23] =	ssyncadd.s32 $0xFFFFFFFF  }
0xab: {  	s5 =	sld [smem:$0x0]  }
0xac: {  	s6 =	sand.u32 $0xFFFFFFFE, s1  }
0xad: {  	p0 =	sne.s32 s1, s6  }
0xae: {  	s6 =	sshll.u32 @p0 s6, $0xE  }
0xaf: {  	s6 =	sadd.s32 @p0 $0x11B8D, s6;
	s7 =	sshll.u32 @p0 s5, $0x11  }
0xb0: {  	s6 =	sor.u32 @p0 s7, s6  }
0xb1: {  	[sflag:s6] =	ssyncadd.remote.s32 @p0 $0x1;
	_ =	sdelay $0x1  }
0xb2: {  	s6 =	simm.s32 @p0 $0x1B8D  }
0xb3: {  	_ =	swait.eq @p0 [sflag:s6], $0x1  }
0xb4: {  	[sflag:s6] =	ssyncadd.s32 @p0 $0xFFFFFFFF  }
0xb5: {  	s7 =	sshll.u32 @!p0 s1, $0xE  }
0xb6: {  	s7 =	sor.u32 @!p0 $0x4000, s7;
	s6 =	simm.s32 @!p0 $0x1B8D  }
0xb7: {  	s5 =	sshll.u32 @!p0 s5, $0x11;
	s7 =	sadd.s32 @!p0 $0x11B8D, s7;
	_ =	swait.eq @!p0 [sflag:s6], $0x1  }
0xb8: {  	s5 =	sor.u32 @!p0 s5, s7;
	[sflag:s6] =	ssyncadd.s32 @!p0 $0xFFFFFFFF  }
0xb9: {  	s25 =	simm.s32 $0x1B8E;
	s24 =	sld [smem:$0x3FFE];
	[sflag:s5] =	ssyncadd.remote.s32 @!p0 $0x1  }
0xba: {  	s26 =	simm.s32 $execute0_lowered;
	[smem:$0x3FD2] =	sst s25  }
0xbb: {  	s6 =	sshll.u32 s26, $0x1;
	_ =	strace $0x8000004C;
	[dreg:$0x1] =	wrdreg $0xFFFFFFFF  }
0xbc: {  	s28 =	simm.s32 $_size_execute0_lowered;
	s4 =	sadd.s32 s4, s6;
	[dreg:$0x0] =	wrdreg $0x0  }
0xbd: {  	s6 =	sshll.u32 s28, $0x1;
	[dreg:$0x2] =	wrdreg s4  }
0xbe: {  	[dreg:$0x3] =	wrdreg s6  }
0xbf: {  	[dreg:$0x4] =	wrdreg $0xC0  }
0xc0: {  	_ =	task [dreg:s22], $0x5FFFF  }
0xc1: {  	[dreg:$0x1] =	wrdreg $0xFFFFFFFF  }
0xc2: {  	[dreg:$0x0] =	wrdreg $0x60  }
0xc3: {  	[dreg:$0x2] =	wrdreg s24  }
0xc4: {  	[dreg:$0x3] =	wrdreg s17  }
0xc5: {  	[dreg:$0x4] =	wrdreg $0xC0000  }
0xc6: {  	[dreg:$0x5] =	wrdreg $0xA  }
0xc7: {  	_ =	task.clear_ibuf [dreg:s22], $0x6FFFF;
	_ =	strace $0x9000004C  }
0xc8: {  	s29 =	simm.s32 $0xA;
	_ =	strace $0x8000004E  }
0xc9: {  	_ =	swait.ge [sflag:s29], $0x1  }
0xca: {  	[sflag:s29] =	ssyncadd.s32 $0xFFFFFFFF  }
0xcb: {  	_ =	strace $0x9000004E  }
0xcc: {  	_ =	sfence  }
0xcd: {  	s30 =	sld [smem:$0x0];
	_ =	sdelay $0x2  }
0xce: {  	s31 =	sshll.u32 s1, $0xD;
	s1 =	sshrl.u32 s1, $0x2  }
0xcf: {  	s4 =	sand.u32 $0x4000, s31;
	s1 =	sadd.s32 s1, s30  }
0xd0: {  	s0 =	sor.u32 s4, s0;
	s1 =	sshll.u32 s1, $0x11  }
0xd1: {  	s0 =	sor.u32 s1, s0  }
0xd2: {  	s0 =	sadd.s32 $0x8F2B, s0  }
0xd3: {  	[sflag:s0] =	ssyncadd.remote.s32 $0x1  }
0xd4: {  	_ =	sfence.sel $0xFFFF  }
0xd5: {  	[dreg:$0x0] =	wrdreg $0xFFFFFFFF;
	(pc) =	sbr.abs _section_cstart, $3  }
0xd6: {  	[dreg:$0x1] =	wrdreg $0xFFFFFFFF  }
0xd7: {  	_ =	task.clear_ibuf [dreg:s22], $0x2FFFF;
	_ =	strace $0x9FFFFFFF  }
0xd8: {  	(tm) =	ssettm $0x7FFFFFFF  }
0xd9: {  	_ =	shalt  }
tec
execute0_lowered:
.L_overlay_start_1:
0x0: {  	(tag) =	ssettag $0x1  }
0x1: {  	s8 =	rddreg [dreg:$0x0]  }
0x2: {  	s1 =	rddreg [dreg:$0x1]  }
0x3: {  	s2 =	rddreg [dreg:$0x2];
	s3 =	simm.s32 $0x0;
	s4 =	srdreg.scid  }
0x4: {  	s0 =	stileid.u32;
	s17 =	simm.s32 $0x6000;
	s18 =	simm.s32 $0x2000  }
0x5: {  	s19 =	simm.s32 $0x0;
	s21 =	simm.s32 $0x0;
	[smem:$0x7FF] =	sst s3  }
0x6: {  	s10 =	sand.u32 $0x1, s4;
	s5 =	sadd.s32 $0x3A00, s8;
	s6 =	sadd.s32 $0x120400, s8  }
0x7: {  	s7 =	sadd.s32 $0x130400, s8;
	s8 =	sadd.s32 $0x2000, s8;
	s13 =	smul.u32 $0x31000, s0  }
0x8: {  	s14 =	sshll.u32 s0, $0x4;
	s15 =	sshll.u32 s0, $0x6;
	s9 =	ssub.s32 $0x2, s10  }
.Ltmp0:
0x9: {  	_ =	strace $0x8000004D;
	s11 =	sshrl.u32 s9, $0x1;
	(pc) =	sbr.rel .LBB2_1-.Ltmp0, $4  }
0xa: {  	v0 =	vlaneseq.u32;
	s10 =	sshll.u32 s10, $0x1;
	s13 =	sshrl.u32 s13, $0x2;
	s12 =	ssub.s32 s9, s11  }
0xb: {  	v1 =	vmul.u32 $0x61, v0;
	s9 =	sshll.u32 s0, $0xC;
	s11 =	smul.u32 $0x310, s0;
	s16 =	sadd.s32 s13, s2  }
0xc: {  	v3 =	vimm.s32 $0x0;
	v4 =	vshrl.u32 v0, $0x3;
	v2 =	vand.u32 $0x7, v0;
	s13 =	sor.u32 $0x1C03, s15;
	s15 =	simm.s32 $0x3;
	s31 =	smax.u32 s12, $0x1  }
0xd: {  	v4 =	vmul.u32 $0x8, v4;
	v5 =	vor.u32 $0x3100, v2;
	v1 =	vadd.s32 s14, v1;
	s14 =	sshrl.u32 s16, $0x3;
	s16 =	simm.s32 $0x4000;
	[dreg:$0x4] =	wrdreg s31  }
.LBB2_13:
0xe: {  	s19 =	sadd.s32 $0x1, s19;
	s0 =	rddreg [dreg:$0x4]  }
0xf: {  	p0 =	sne.s32 s19, s0  }
.Ltmp1:
0x10: {  	_ = 	snop;
	(pc) =	sbr.rel @!p0 .LBB2_14-.Ltmp1, $1  }
0x11: {  	_ =	sdelay $0x3  }
.LBB2_1:
.Ltmp2:
0x12: {  	(pc) =	sbr.rel .LBB2_2-.Ltmp2, $2  }
0x13: {  	_ =	sdelay $0x2  }
0x14: {  	p1 =	por $0x1, $0x1;
	s20 =	simm.s32 $0x0  }
.LBB2_12:
0x15: {  	s0 =	sadd.s32 s11, s20  }
0x16: {  	s0 =	sshll.u32 s0, $0x3  }
.Ltmp3:
0x17: {  	[bflag:$0x0] =	sbarrier.arrive $0xFFFF;
	s0 =	sadd.s32 s1, s0;
	(pc) =	sbr.rel @!p0 .LBB2_13-.Ltmp3, $4  }
0x18: {  	[hbm:s0], [sflag:s13] =	dma.local [spmem:s14], $0x1880  }
0x19: {  	_ =	swait.ge [sflag:s15], $0x1880  }
0x1a: {  	[sflag:s15] =	ssyncset.done $0x0  }
0x1b: {  	s20 =	simm.s32 $0x1;
	p1 =	por $0x0, $0x0;
	[sflag:s15] =	ssyncadd.s32 $0xFFFFE780  }
.LBB2_2:
0x1c: {  	[bflag:$0x0] =	sbarrier.arrive $0xFFFF  }
0x1d: {  	[spmem:s14], [sflag:s13] =	dma.local [hbm:s8], $0x1880  }
.Ltmp4:
0x1e: {  	_ =	swait.ge [sflag:s15], $0x1880;
	(pc) =	sbr.rel .LBB2_3-.Ltmp4, $4  }
0x1f: {  	s20 =	sor.u32 s10, s20;
	[sflag:s15] =	ssyncset.done $0x0  }
0x20: {  	s20 =	smul.u32 $0x3100, s20;
	[sflag:s15] =	ssyncadd.s32 $0xFFFFE780  }
0x21: {  	[bflag:$0x0] =	sbarrier.arrive $0xFFFF  }
0x22: {  	p0 =	por p1, p1;
	s22 =	simm.s32 $0x0;
	v6 =	vmov s20  }
.LBB2_7:
0x23: {  	_ = 	snop  }
.LBB2_10:
0x24: {  	p1 =	por p2, !p1  }
0x25: {  	p2 =	sge.s32 s30, s23;
	[sflag:s29] =	ssyncset.done @!p1 $0x0  }
0x26: {  	s0 =	simm.s32 @!p2 $0x1;
	[sflag:s29] =	ssyncadd.s32 @!p1 $0xFFFFE000  }
0x27: {  	p1 =	sge.s32 @!p2 s26, s23;
	_ =	swait.ge @!p2 [sflag:s0], $0x2000  }
0x28: {  	p1 =	por p1, p2;
	[sflag:s0] =	ssyncset.done @!p2 $0x0  }
0x29: {  	s4 =	simm.s32 @!p1 $0x80;
	s12 =	simm.s32 @!p1 $0xA000;
	[sflag:s0] =	ssyncadd.s32 @!p2 $0xFFFFE000  }
0x2a: {  	[tilespmem:s12], [sflag:$0x2] =	stream.indirect.gather @!p1 [hbm4b:s5+s4], $0x40, s25, s4, $0xb8;
	[tilespmem:$0x18420] =	vst v63  }
0x2b: {  	s0 =	simm.s32 @!p2 $0x80;
	s4 =	simm.s32 @!p2 $0x8000;
	s12 =	simm.s32 @!p2 $0x4  }
0x2c: {  	[spmem:s2] =	stream.indirect.scatter.add.bf16 @!p2 [tilespmem:s4], [sflag:$0x4], $0x40, s24, s0, $0xb8;
	[tilespmem:$0x18420] =	vst v63  }
0x2d: {  	p1 =	sge.s32 s26, s23;
	_ =	swait.ge @!p2 [sflag:s12], $0x2000  }
0x2e: {  	s4 =	sadd.s32 @!p1 $0x1, s26;
	[sflag:s12] =	ssyncset.done @!p2 $0x0  }
0x2f: {  	s0 =	simm.s32 @!p1 $0x2;
	[sflag:s12] =	ssyncadd.s32 @!p2 $0xFFFFE000;
	p2 =	sge.s32 @!p1 s4, s23  }
0x30: {  	_ =	swait.ge @!p1 [sflag:s0], $0x2000;
	p2 =	por p2, p1  }
0x31: {  	s4 =	simm.s32 @!p1 $0xA000;
	[sflag:s0] =	ssyncset.done @!p1 $0x0;
	s12 =	simm.s32 @!p2 $0x80  }
0x32: {  	s23 =	simm.s32 @!p2 $0x8000;
	[sflag:s0] =	ssyncadd.s32 @!p1 $0xFFFFE000;
	s0 =	sadd.s32 @!p2 $0x80, s25  }
0x33: {  	[tilespmem:s23], [sflag:$0x1] =	stream.indirect.gather @!p2 [hbm4b:s5+s12], $0x40, s0, s12, $0xb8;
	[tilespmem:$0x18420] =	vst v63  }
0x34: {  	s0 =	sadd.s32 @!p1 $0x80, s24;
	s12 =	simm.s32 @!p1 $0x80;
	s23 =	simm.s32 @!p1 $0x3  }
0x35: {  	[spmem:s2] =	stream.indirect.scatter.add.bf16 @!p1 [tilespmem:s4], [sflag:$0x3], $0x40, s0, s12, $0xb8;
	[tilespmem:$0x18420] =	vst v63  }
0x36: {  	_ =	swait.ge @!p1 [sflag:s23], $0x2000  }
0x37: {  	[sflag:s23] =	ssyncset.done @!p1 $0x0  }
0x38: {  	[sflag:s23] =	ssyncadd.s32 @!p1 $0xFFFFE000  }
.LBB2_11:
0x39: {  	s22 =	sadd.s32 $0x1, s22  }
0x3a: {  	p1 =	sne.s32 s22, $0x4  }
.Ltmp5:
0x3b: {  	_ = 	snop;
	(pc) =	sbr.rel @!p1 .LBB2_12-.Ltmp5, $1  }
0x3c: {  	_ =	sdelay $0x3  }
.LBB2_3:
0x3d: {  	s23 =	sshll.u32 s22, $0xA  }
0x3e: {  	s23 =	sadd.s32 s9, s23  }
0x3f: {  	s24 =	sadd.s32 s6, s23  }
0x40: {  	[tilespmem:s16], [sflag:$0x3] =	stream.linear.gather [hbm4b:s24+s21], $0x2000, $0x38;
	[tilespmem:$0x18420] =	vst v63  }
0x41: {  	_ =	swait.ge [sflag:s15], $0x2000  }
0x42: {  	[sflag:s15] =	ssyncset.done $0x0  }
0x43: {  	s23 =	sadd.s32 s7, s23;
	[sflag:s15] =	ssyncadd.s32 $0xFFFFE000  }
0x44: {  	[tilespmem:s17], [sflag:$0x3] =	stream.linear.gather [hbm4b:s23+s21], $0x2000, $0x38;
	[tilespmem:$0x18420] =	vst v63  }
0x45: {  	_ =	swait.ge [sflag:s15], $0x2000  }
0x46: {  	[sflag:s15] =	ssyncset.done $0x0  }
0x47: {  	s25 =	simm.s32 $0x6040;
	[sflag:s15] =	ssyncadd.s32 $0xFFFFE000  }
0x48: {  	v7 =	vld [tilespmem:s25+$0xFFFFFFC0]  }
0x49: {  	v8 =	vld [tilespmem:s25+$0xFFFFFFD0]  }
0x4a: {  	v9 =	vld [tilespmem:s25+$0xFFFFFFE0]  }
0x4b: {  	v10 =	vld [tilespmem:s25+$0xFFFFFFF0];
	_ =	sdelay $0x1  }
0x4c: {  	v24 =	vsub.s32 v7, v6;
	v7 =	vld [tilespmem:s25+$0x0]  }
0x4d: {  	v12 =	vld [tilespmem:s25+$0x10];
	v8 =	vsub.s32 v8, v6;
	vm15 =	vlt.u32 v24, $0x3100  }
0x4e: {  	v14 =	vld [tilespmem:s25+$0x20];
	vm0 =	vlt.u32 v8, $0x3100;
	v11 =	vsel vm15, $0x1, v3  }
0x4f: {  	v9 =	vsub.s32 v9, v6;
	(xrf0) =	vadd.scan.msk.s32 $0xffff, v11;
	v11 =	vsub.s32 v10, v6;
	v10 =	vsel vm0, $0x1, v3  }
0x50: {  	vm2 =	vlt.u32 v9, $0x3100;
	(xrf0) =	vadd.scan.msk.s32 $0xffff, v10  }
0x51: {  	vm3 =	vlt.u32 v11, $0x3100;
	v10 =	vsel vm2, $0x1, v3;
	v7 =	vsub.s32 v7, v6  }
0x52: {  	v13 =	vsub.s32 v12, v6;
	v15 =	vsel vm3, $0x1, v3;
	(xrf0) =	vadd.scan.msk.s32 $0xffff, v10;
	vm1 =	vlt.u32 v7, $0x3100  }
0x53: {  	v16 =	vsub.s32 v14, v6;
	vm4 =	vlt.u32 v13, $0x3100;
	(xrf0) =	vadd.scan.msk.s32 $0xffff, v15;
	v10 =	vsel vm1, $0x1, v3  }
0x54: {  	vm5 =	vlt.u32 v16, $0x3100;
	v12 =	vsel vm4, $0x1, v3;
	(xrf0) =	vadd.scan.msk.s32 $0xffff, v10  }
0x55: {  	v15, _, _ =	vpop (xrf0);
	(xrf0) =	vadd.scan.msk.s32 $0xffff, v12;
	v12 =	vsel vm5, $0x1, v3  }
0x56: {  	v10 =	vld [tilespmem:s25+$0x30];
	v17, _, _ =	vpop (xrf0);
	(xrf0) =	vadd.scan.msk.s32 $0xffff, v12  }
0x57: {  	(v2sf) =	vpush v15, $0xF  }
0x58: {  	(v2sf) =	vpush v17, $0xF;
	v20, _, _ =	vpop (xrf0)  }
0x59: {  	(v2sf) =	vpush v20, $0xF;
	v21, _, _ =	vpop (xrf0)  }
0x5a: {  	(v2sf) =	vpush v21, $0xF;
	v14, _, _ =	vpop (xrf0)  }
0x5b: {  	v22 =	vsub.s32 v10, v6;
	(v2sf) =	vpush v14, $0xF;
	v32, _, _ =	vpop (xrf0)  }
0x5c: {  	vm6 =	vlt.u32 v22, $0x3100;
	(v2sf) =	vpush v32, $0xF;
	v30, _, _ =	vpop (xrf0)  }
0x5d: {  	v10 =	vsel vm6, $0x1, v3;
	(v2sf) =	vpush v30, $0xF  }
0x5e: {  	s25 =	simm.s32 $0x60C0;
	(xrf0) =	vadd.scan.msk.s32 $0xffff, v10  }
0x5f: {  	v18 =	vld [tilespmem:s25+$0xFFFFFFC0]  }
0x60: {  	v12 =	vld [tilespmem:s25+$0x30];
	_ =	sdelay $0x1  }
0x61: {  	vm10 =	vmmov vm5;
	vm1 =	vmmov vm1;
	v25 =	vld [tilespmem:s25+$0xFFFFFFD0]  }
0x62: {  	v19 =	vld [tilespmem:s25+$0xFFFFFFF0];
	vm5 =	vmmov vm3;
	vm3 =	vmmov vm0;
	v10 =	vmov s21  }
0x63: {  	v27 =	vld [tilespmem:s25+$0xFFFFFFE0];
	v18 =	vsub.s32 v18, v6;
	vm11 =	vmmov vm6;
	v10 =	vadd.s32 $0xFFFFFFFF, v10;
	v31, _, _ =	vpop (xrf0)  }
0x64: {  	v23 =	vsub.s32 v12, v6;
	v12 =	vld [tilespmem:s25+$0x0];
	v10 =	vbroadcast v10, $0x0;
	(v2sf) =	vpush v31, $0xF  }
0x65: {  	vm6 =	vmmov vm4;
	vm4 =	vmmov vm2;
	vm2 =	vlt.u32 v18, $0x3100;
	s26 =	spop (v2sf)  }
0x66: {  	v33 =	vld [tilespmem:s25+$0x20];
	v29 =	vsel vm2, $0x1, v3;
	v26 =	vadd.s32 v15, v10;
	v10 =	vsub.s32 v25, v6;
	s23 =	sadd.s32 $0x0, s26;
	s31 =	spop (v2sf)  }
0x67: {  	s24 =	simm.s32 $0x4040;
	vm8 =	vlt.u32 v23, $0x3100;
	(xrf0) =	vadd.scan.msk.s32 $0xffff, v29;
	v15 =	vsub.s32 v19, v6;
	v25 =	vld [tilespmem:s25+$0x10];
	vm0 =	vlt.u32 v10, $0x3100;
	s26 =	sadd.s32 s23, s31;
	s0 =	spop (v2sf)  }
0x68: {  	v29 =	vld [tilespmem:s24+$0xFFFFFFC0];
	v19 =	vsub.s32 v27, v6;
	v34 =	vsel vm0, $0x1, v3;
	v28 =	vmov s23;
	s23 =	sadd.s32 s26, s0;
	s4 =	spop (v2sf)  }
0x69: {  	v38 =	vsel vm8, $0x1, v3;
	v12 =	vsub.s32 v12, v6;
	vm9 =	vlt.u32 v19, $0x3100;
	(xrf0) =	vadd.scan.msk.s32 $0xffff, v34;
	s28 =	sadd.s32 s23, s4;
	s12 =	spop (v2sf)  }
0x6a: {  	vm7 =	vlt.u32 v15, $0x3100;
	vm12 =	vlt.u32 v12, $0x3100;
	v36 =	vsel vm9, $0x1, v3;
	s31 =	sadd.s32 s28, s12;
	s29 =	spop (v2sf)  }
0x6b: {  	v27 =	vsel vm7, $0x1, v3;
	(xrf0) =	vadd.scan.msk.s32 $0xffff, v36;
	v35 =	vmov s23;
	v37 =	vmov s28;
	s23 =	sadd.s32 s31, s29;
	s28 =	spop (v2sf)  }
0x6c: {  	v39 =	vsel vm12, $0x1, v3;
	v25 =	vsub.s32 v25, v6;
	(xrf0) =	vadd.scan.msk.s32 $0xffff, v27;
	v27 =	vsub.s32 v33, v6;
	s29 =	sadd.s32 s23, s28  }
0x6d: {  	v33, _, _ =	vpop (xrf0);
	[tilespmem:v26+s3+$0x0] =	vst.idx.msk vm15, v29;
	vm13 =	vlt.u32 v25, $0x3100;
	vm14 =	vlt.u32 v27, $0x3100;
	v40 =	vmov s29  }
0x6e: {  	(xrf0) =	vadd.scan.msk.s32 $0xffff, v39;
	(v2sf) =	vpush v33, $0xF;
	v41 =	vsel vm13, $0x1, v3;
	v60 =	vadd.s32 $0xFFFFFFFF, v40  }
0x6f: {  	v29, _, _ =	vpop (xrf0);
	(xrf0) =	vadd.scan.msk.s32 $0xffff, v41;
	v58 =	vmov s31;
	v59 =	vmov s23;
	v39 =	vbroadcast v60, $0x0  }
0x70: {  	[tilespmem:v26+s18+$0x0] =	vst.idx.msk vm15, v24;
	v61 =	vsel vm14, $0x1, v3;
	v34 =	vadd.s32 $0xFFFFFFFF, v58;
	v36 =	vadd.s32 $0xFFFFFFFF, v59  }
0x71: {  	(v2sf) =	vpush v29, $0xF;
	v42 =	vbroadcast v36, $0x0;
	v40 =	vld [tilespmem:s24+$0x30];
	v36 =	vadd.s32 v31, v39;
	v31, _, _ =	vpop (xrf0);
	(xrf0) =	vadd.scan.msk.s32 $0xffff, v61  }
0x72: {  	v26 =	vld [tilespmem:s24+$0x10];
	v63 =	vadd.s32 $0xFFFFFFFF, v35;
	v62 =	vadd.s32 $0xFFFFFFFF, v37;
	v43 =	vbroadcast v34, $0x0;
	(xrf0) =	vadd.scan.msk.s32 $0xffff, v38  }
0x73: {  	v41 =	vbroadcast v63, $0x0;
	s23 =	simm.s32 $0x40C0;
	v37 =	vadd.s32 v30, v42;
	s30 =	spop (v2sf);
	v39 =	vld [tilespmem:s24+$0x20];
	(v2sf) =	vpush v31, $0xF;
	v34, _, _ =	vpop (xrf0)  }
0x74: {  	v35 =	vbroadcast v62, $0x0;
	s28 =	simm.s32 $0x8;
	v24 =	vld [tilespmem:s23+$0x10];
	s30 =	sadd.s32 s29, s30;
	s29 =	simm.s32 $0x4140;
	v38 =	vadd.s32 v32, v43;
	(v2sf) =	vpush v34, $0xF;
	v30, _, _ =	vpop (xrf0)  }
.LBB2_4:
0x75: {  	v42 =	vld [tilespmem:s29+$0x10];
	s28 =	sadd.s32 $0x8, s28;
	(v2sf) =	vpush v30, $0xF;
	v32, _, _ =	vpop (xrf0);
	v28 =	vadd.s32 $0xFFFFFFFF, v28;
	v43 =	vmov s26  }
0x76: {  	p1 =	slt.u32 s28, $0x1F8;
	(v2sf) =	vpush v32, $0xF;
	v43 =	vadd.s32 $0xFFFFFFFF, v43;
	v41 =	vadd.s32 v21, v41;
	v44 =	vld [tilespmem:s24+$0x0];
	[tilespmem:v36+s3+$0x0] =	vst.idx.msk vm11, v40;
	v21 =	vmovc v34  }
0x77: {  	v40 =	vmov s30;
	v28 =	vbroadcast v28, $0x0;
	v34, _, _ =	vpop (xrf0);
	v43 =	vbroadcast v43, $0x0;
	v45 =	vld [tilespmem:s24+$0xFFFFFFF0];
	[tilespmem:v36+s18+$0x0] =	vst.idx.msk vm11, v22  }
0x78: {  	v40 =	vadd.s32 $0xFFFFFFFF, v40;
	v22 =	vmov v23;
	(v2sf) =	vpush v34, $0xF;
	v36, _, _ =	vpop (xrf0);
	v46 =	vld [tilespmem:s24+$0xFFFFFFD0];
	[tilespmem:v37+s3+$0x0] =	vst.idx.msk vm10, v39  }
0x79: {  	v39 =	vadd.s32 v17, v28;
	(v2sf) =	vpush v36, $0xF;
	v23 =	vld [tilespmem:s24+$0xFFFFFFE0];
	v28 =	vadd.s32 v20, v43;
	[tilespmem:v37+s18+$0x0] =	vst.idx.msk vm10, v16;
	s24 =	smov.u32 s23;
	s23 =	smov.u32 s29  }
0x7a: {  	s25 =	sadd.s32 $0x80, s25;
	v40 =	vbroadcast v40, $0x0;
	v17 =	vmovc v29;
	v16 =	vmovc v27;
	v37 =	vld [tilespmem:s24+$0xFFFFFFC0];
	[tilespmem:v38+s3+$0x0] =	vst.idx.msk vm6, v26;
	v26 =	vmov v24;
	v24 =	vmov v42  }
0x7b: {  	vm15 =	vmmov vm1;
	vm1 =	vmmov vm12;
	vm11 =	vmmov vm8;
	v20 =	vmovc v31;
	v27 =	vld [tilespmem:s25+$0x30];
	[tilespmem:v38+s18+$0x0] =	vst.idx.msk vm6, v13;
	v13 =	vmovc v25  }
0x7c: {  	vm10 =	vmmov vm14;
	v29 =	vadd.s32 v33, v40;
	vm6 =	vmmov vm13;
	v25 =	vld [tilespmem:s25+$0xFFFFFFF0];
	[tilespmem:v41+s3+$0x0] =	vst.idx.msk vm5, v45  }
0x7d: {  	v31 =	vld [tilespmem:s25+$0xFFFFFFC0];
	[tilespmem:v41+s18+$0x0] =	vst.idx.msk vm5, v11;
	v11 =	vmov v15;
	vm5 =	vmmov vm7  }
0x7e: {  	v33 =	vld [tilespmem:s25+$0xFFFFFFD0];
	[tilespmem:v28+s3+$0x0] =	vst.idx.msk vm4, v23  }
0x7f: {  	v35 =	vadd.s32 v14, v35;
	v14 =	vmovc v30;
	v38 =	vld [tilespmem:s25+$0xFFFFFFE0];
	s26 =	spop (v2sf);
	[tilespmem:v28+s18+$0x0] =	vst.idx.msk vm4, v9;
	v9 =	vmov v19;
	vm4 =	vmmov vm9  }
0x80: {  	v23 =	vsub.s32 v27, v6;
	s26 =	sadd.s32 s30, s26;
	s30 =	spop (v2sf);
	[tilespmem:v39+s3+$0x0] =	vst.idx.msk vm3, v46  }
0x81: {  	vm8 =	vlt.u32 v23, $0x3100;
	v28 =	vmov s26;
	s26 =	sadd.s32 s26, s30;
	[tilespmem:v39+s18+$0x0] =	vst.idx.msk vm3, v8;
	v8 =	vmovc v10;
	vm3 =	vmmov vm0  }
0x82: {  	v15 =	vsub.s32 v25, v6;
	v19 =	vsub.s32 v31, v6;
	v25 =	vld [tilespmem:s25+$0x0];
	v30 =	vsel vm8, $0x1, v3;
	[tilespmem:v29+s3+$0x0] =	vst.idx.msk vm2, v37;
	s30 =	spop (v2sf)  }
0x83: {  	vm7 =	vlt.u32 v15, $0x3100;
	v10 =	vsub.s32 v33, v6;
	v27 =	vld [tilespmem:s25+$0x10];
	[tilespmem:v29+s18+$0x0] =	vst.idx.msk vm2, v18;
	vm2 =	vlt.u32 v19, $0x3100;
	s30 =	sadd.s32 s26, s30;
	s31 =	spop (v2sf);
	v18 =	vmovc v19  }
0x84: {  	v29 =	vsel vm2, $0x1, v3;
	vm0 =	vlt.u32 v10, $0x3100;
	v31 =	vld [tilespmem:s25+$0x20];
	v39 =	vmov s30;
	s30 =	sadd.s32 s30, s31;
	s31 =	spop (v2sf);
	[tilespmem:v35+s3+$0x0] =	vst.idx.msk vm15, v44  }
0x85: {  	v19 =	vsub.s32 v38, v6;
	v33 =	vsel vm0, $0x1, v3;
	(xrf0) =	vadd.scan.msk.s32 $0xffff, v29;
	s31 =	sadd.s32 s30, s31;
	s0 =	spop (v2sf);
	[tilespmem:v35+s18+$0x0] =	vst.idx.msk vm15, v7;
	v7 =	vmovc v12  }
0x86: {  	vm9 =	vlt.u32 v19, $0x3100;
	v29 =	vsel vm7, $0x1, v3;
	(xrf0) =	vadd.scan.msk.s32 $0xffff, v33;
	v35 =	vmov s31  }
0x87: {  	v37 =	vmov s30;
	v33 =	vsel vm9, $0x1, v3;
	s0 =	sadd.s32 s31, s0;
	v12 =	vsub.s32 v25, v6;
	s30 =	spop (v2sf)  }
0x88: {  	v38 =	vmov s0;
	vm12 =	vlt.u32 v12, $0x3100;
	v25 =	vsub.s32 v27, v6;
	(xrf0) =	vadd.scan.msk.s32 $0xffff, v33;
	s0 =	sadd.s32 s0, s30;
	s30 =	spop (v2sf)  }
0x89: {  	v41 =	vsel vm12, $0x1, v3;
	vm13 =	vlt.u32 v25, $0x3100;
	(xrf0) =	vadd.scan.msk.s32 $0xffff, v29;
	v29 =	vmov s0;
	s30 =	sadd.s32 s0, s30  }
0x8a: {  	v27 =	vsub.s32 v31, v6;
	v40 =	vsel vm13, $0x1, v3;
	(xrf0) =	vadd.scan.msk.s32 $0xffff, v41;
	v41 =	vadd.s32 $0xFFFFFFFF, v29  }
0x8b: {  	v31 =	vadd.s32 $0xFFFFFFFF, v38;
	vm14 =	vlt.u32 v27, $0x3100;
	v33, _, _ =	vpop (xrf0);
	(xrf0) =	vadd.scan.msk.s32 $0xffff, v40;
	v38 =	vbroadcast v41, $0x0  }
.Ltmp6:
0x8c: {  	v40 =	vsel vm14, $0x1, v3;
	v41 =	vbroadcast v31, $0x0;
	(v2sf) =	vpush v33, $0xF;
	v29, _, _ =	vpop (xrf0);
	(pc) =	sbr.rel @p1 .LBB2_4-.Ltmp6, $4  }
0x8d: {  	v35 =	vadd.s32 $0xFFFFFFFF, v35;
	(v2sf) =	vpush v29, $0xF;
	(xrf0) =	vadd.scan.msk.s32 $0xffff, v40;
	v40 =	vld [tilespmem:s24+$0x30];
	v36 =	vadd.s32 v36, v38  }
0x8e: {  	v42 =	vadd.s32 $0xFFFFFFFF, v37;
	v38 =	vbroadcast v35, $0x0;
	v37 =	vadd.s32 v34, v41;
	v31, _, _ =	vpop (xrf0);
	(xrf0) =	vadd.scan.msk.s32 $0xffff, v30  }
0x8f: {  	v41 =	vadd.s32 $0xFFFFFFFF, v39;
	v35 =	vbroadcast v42, $0x0;
	(v2sf) =	vpush v31, $0xF;
	v34, _, _ =	vpop (xrf0);
	v39 =	vld [tilespmem:s24+$0x20]  }
0x90: {  	s29 =	sadd.s32 $0x80, s29;
	v41 =	vbroadcast v41, $0x0;
	v38 =	vadd.s32 v32, v38;
	(v2sf) =	vpush v34, $0xF;
	v30, _, _ =	vpop (xrf0)  }
0x91: {  	(v2sf) =	vpush v30, $0xF;
	v32, _, _ =	vpop (xrf0)  }
0x92: {  	(v2sf) =	vpush v32, $0xF  }
0x93: {  	v42, _, _ =	vpop (xrf0)  }
0x94: {  	(v2sf) =	vpush v42, $0xF;
	_ =	sdelay $0x4  }
0x95: {  	v52 =	vmov s30  }
0x96: {  	v50 =	vld [tilespmem:s24+$0xFFFFFFF0];
	vm1 =	vmmov vm1;
	v21 =	vadd.s32 v21, v41;
	v55 =	vadd.s32 $0xFFFFFFFF, v52;
	[tilespmem:v37+s3+$0x0] =	vst.idx.msk vm10, v39  }
0x97: {  	v59 =	vld [tilespmem:s24+$0x0];
	v61 =	vadd.s32 v14, v35;
	[tilespmem:v37+s18+$0x0] =	vst.idx.msk vm10, v16;
	v16 =	vbroadcast v55, $0x0  }
0x98: {  	v51 =	vadd.s32 $0xFFFFFFFF, v28;
	[tilespmem:v36+s3+$0x0] =	vst.idx.msk vm11, v40;
	s0 =	spop (v2sf)  }
0x99: {  	v57 =	vld [tilespmem:s23+$0xFFFFFFC0];
	[tilespmem:v36+s18+$0x0] =	vst.idx.msk vm11, v22;
	v22 =	vbroadcast v51, $0x0;
	v16 =	vadd.s32 v33, v16;
	s25 =	sadd.s32 s30, s0;
	s29 =	spop (v2sf)  }
0x9a: {  	v53, _, _ =	vpop (xrf0);
	s0 =	sadd.s32 s25, s29;
	s31 =	spop (v2sf)  }
0x9b: {  	v43 =	vmov s26;
	v56 =	vld [tilespmem:s24+$0xFFFFFFD0];
	v17 =	vadd.s32 v17, v22;
	[tilespmem:v21+s3+$0x0] =	vst.idx.msk vm5, v50;
	(v2sf) =	vpush v53, $0xF;
	s26 =	sadd.s32 s0, s31;
	s28 =	spop (v2sf)  }
0x9c: {  	[tilespmem:v61+s3+$0x0] =	vst.idx.msk vm1, v59;
	s28 =	sadd.s32 s26, s28;
	s29 =	spop (v2sf)  }
0x9d: {  	v43 =	vadd.s32 $0xFFFFFFFF, v43;
	[tilespmem:v61+s18+$0x0] =	vst.idx.msk vm1, v7;
	s29 =	sadd.s32 s28, s29;
	s4 =	spop (v2sf)  }
0x9e: {  	v49 =	vbroadcast v43, $0x0;
	[tilespmem:v16+s3+$0x0] =	vst.idx.msk vm2, v57;
	v33 =	vmov s26;
	s30 =	sadd.s32 s29, s4  }
0x9f: {  	[tilespmem:v16+s18+$0x0] =	vst.idx.msk vm2, v18;
	v16 =	vadd.s32 $0xFFFFFFFF, v33;
	s31 =	spop (v2sf);
	v60 =	vmov s30  }
0xa0: {  	v54 =	vld [tilespmem:s24+$0xFFFFFFE0];
	v20 =	vadd.s32 v20, v49;
	[tilespmem:v17+s3+$0x0] =	vst.idx.msk vm3, v56;
	v7 =	vbroadcast v16, $0x0;
	s31 =	sadd.s32 s30, s31;
	v62 =	vadd.s32 $0xFFFFFFFF, v60  }
0xa1: {  	[tilespmem:v17+s18+$0x0] =	vst.idx.msk vm3, v8;
	v58 =	vmov s31;
	v8 =	vbroadcast v62, $0x0  }
0xa2: {  	v39 =	vld [tilespmem:s23+$0xFFFFFFF0];
	[tilespmem:v21+s18+$0x0] =	vst.idx.msk vm5, v11;
	v7 =	vadd.s32 v34, v7;
	v11 =	vadd.s32 $0xFFFFFFFF, v58  }
0xa3: {  	[tilespmem:v38+s3+$0x0] =	vst.idx.msk vm6, v26;
	v35 =	vld [tilespmem:s23+$0x20];
	v63 =	vmov s29;
	v11 =	vbroadcast v11, $0x0;
	v8 =	vadd.s32 v42, v8  }
0xa4: {  	[tilespmem:v38+s18+$0x0] =	vst.idx.msk vm6, v13;
	v28 =	vadd.s32 $0xFFFFFFFF, v63  }
0xa5: {  	v26 =	vld [tilespmem:s23+$0x30];
	[tilespmem:v20+s3+$0x0] =	vst.idx.msk vm4, v54;
	v13 =	vbroadcast v28, $0x0;
	v11 =	vadd.s32 v53, v11  }
0xa6: {  	[tilespmem:v20+s18+$0x0] =	vst.idx.msk vm4, v9;
	v37 =	vmov s0  }
0xa7: {  	v36 =	vadd.s32 v32, v13;
	v13 =	vadd.s32 $0xFFFFFFFF, v37;
	[tilespmem:v7+s3+$0x0] =	vst.idx.msk vm7, v39  }
0xa8: {  	v41 =	vmov s28;
	v13 =	vbroadcast v13, $0x0;
	[tilespmem:v8+s3+$0x0] =	vst.idx.msk vm14, v35  }
0xa9: {  	vm3 =	vmmov vm12;
	v38 =	vmov s25;
	[tilespmem:v8+s18+$0x0] =	vst.idx.msk vm14, v27;
	v8 =	vadd.s32 $0xFFFFFFFF, v41  }
0xaa: {  	v40 =	vadd.s32 $0xFFFFFFFF, v38;
	v42 =	vld [tilespmem:s23+$0xFFFFFFE0];
	v13 =	vadd.s32 v31, v13;
	s12 =	spop (v2sf);
	[tilespmem:v11+s3+$0x0] =	vst.idx.msk vm8, v26;
	v8 =	vbroadcast v8, $0x0  }
0xab: {  	vm15 =	vmmov vm14;
	vm3 =	vmmov vm3;
	s25 =	sadd.s32 s31, s12;
	[tilespmem:v11+s18+$0x0] =	vst.idx.msk vm8, v23;
	v11 =	vbroadcast v40, $0x0  }
0xac: {  	vm0 =	vmmov vm0;
	v45 =	vld [tilespmem:s23+$0x0];
	vm11 =	vmmov vm8;
	[tilespmem:v7+s18+$0x0] =	vst.idx.msk vm7, v15;
	s24 =	sadd.s32 $0x7F, s25;
	s28 =	sand.u32 $0xFFFFFFF0, s25;
	v7 =	vadd.s32 v30, v8  }
0xad: {  	v43 =	vld [tilespmem:s23+$0xFFFFFFD0];
	vm2 =	vmmov vm13;
	[tilespmem:v36+s3+$0x0] =	vst.idx.msk vm13, v24;
	v44 =	vor.u32 s28, v0;
	s26 =	sand.u32 $0xFFFFFF80, s24;
	v11 =	vadd.s32 v29, v11  }
0xae: {  	[tilespmem:v36+s18+$0x0] =	vst.idx.msk vm13, v25;
	s23 =	sadd.s32 $0x10, s28;
	vm8 =	vmmov vm9;
	vm2 =	vge.s32 v44, s25;
	vm4 =	vlt.s32 v44, s26  }
0xaf: {  	[tilespmem:v13+s3+$0x0] =	vst.idx.msk vm9, v42;
	v46 =	vor.u32 s23, v0;
	vm2 =	vmand vm2, vm4;
	v8 =	vor.u32 s28, v4  }
0xb0: {  	s29 =	sadd.s32 $0x20, s28;
	[tilespmem:v13+s18+$0x0] =	vst.idx.msk vm9, v19;
	vm1 =	vge.s32 v46, s25;
	vm9 =	vlt.s32 v46, s26;
	v8 =	vor.u32 v2, v8  }
0xb1: {  	v47 =	vor.u32 s23, v4;
	v48 =	vor.u32 s29, v0;
	vm1 =	vmand vm1, vm9;
	[tilespmem:v7+s3+$0x0] =	vst.idx.msk vm3, v45  }
0xb2: {  	s30 =	sadd.s32 $0x30, s28;
	v9 =	vor.u32 v2, v47;
	vm10 =	vge.s32 v48, s25;
	vm11 =	vlt.s32 v48, s26;
	[tilespmem:v11+s3+$0x0] =	vst.idx.msk vm0, v43  }
0xb3: {  	v49 =	vor.u32 s29, v4;
	v50 =	vor.u32 s30, v0;
	[tilespmem:v11+s18+$0x0] =	vst.idx.msk vm0, v10;
	vm0 =	vmand vm10, vm11  }
0xb4: {  	s31 =	sadd.s32 $0x40, s28;
	vm12 =	vge.s32 v50, s25;
	vm13 =	vlt.s32 v50, s26;
	[tilespmem:v7+s18+$0x0] =	vst.idx.msk vm3, v12;
	v7 =	vor.u32 v2, v49  }
0xb5: {  	v51 =	vor.u32 s30, v4;
	v52 =	vor.u32 s31, v0;
	vm3 =	vmand vm12, vm13;
	[tilespmem:v8+s3+$0x0] =	vst.idx.msk vm2, v1  }
0xb6: {  	s4 =	sadd.s32 $0x50, s28;
	vm14 =	vge.s32 v52, s25;
	vm15 =	vlt.s32 v52, s26;
	[tilespmem:v8+s18+$0x0] =	vst.idx.msk vm2, v5;
	v8 =	vor.u32 v2, v51  }
0xb7: {  	v53 =	vor.u32 s31, v4;
	v54 =	vor.u32 s4, v0;
	vm2 =	vmand vm14, vm15;
	[tilespmem:v9+s3+$0x0] =	vst.idx.msk vm1, v1  }
0xb8: {  	s12 =	sadd.s32 $0x60, s28;
	v55 =	vor.u32 v2, v53;
	vm8 =	vge.s32 v54, s25;
	vm9 =	vlt.s32 v54, s26;
	[tilespmem:v9+s18+$0x0] =	vst.idx.msk vm1, v5  }
0xb9: {  	v56 =	vor.u32 s4, v4;
	v57 =	vor.u32 s12, v0;
	vm1 =	vmand vm8, vm9;
	[tilespmem:v7+s3+$0x0] =	vst.idx.msk vm0, v1  }
0xba: {  	s29 =	sadd.s32 $0x70, s28;
	vm10 =	vge.s32 v57, s25;
	vm11 =	vlt.s32 v57, s26;
	[tilespmem:v7+s18+$0x0] =	vst.idx.msk vm0, v5;
	v7 =	vor.u32 v2, v56  }
0xbb: {  	v58 =	vor.u32 s12, v4;
	v59 =	vor.u32 s29, v0;
	vm0 =	vmand vm10, vm11;
	[tilespmem:v8+s3+$0x0] =	vst.idx.msk vm3, v1  }
0xbc: {  	s30 =	sadd.s32 $0x80, s28;
	vm12 =	vge.s32 v59, s25;
	vm13 =	vlt.s32 v59, s26;
	[tilespmem:v8+s18+$0x0] =	vst.idx.msk vm3, v5;
	v8 =	vor.u32 v2, v58  }
0xbd: {  	v60 =	vor.u32 s29, v4;
	v61 =	vor.u32 s30, v0;
	vm3 =	vmand vm12, vm13;
	[tilespmem:v55+s3+$0x0] =	vst.idx.msk vm2, v1  }
0xbe: {  	v62 =	vor.u32 v2, v60;
	vm14 =	vge.s32 v61, s25;
	vm15 =	vlt.s32 v61, s26;
	[tilespmem:v55+s18+$0x0] =	vst.idx.msk vm2, v5  }
0xbf: {  	v63 =	vor.u32 s30, v4;
	vm2 =	vmand vm14, vm15;
	[tilespmem:v7+s3+$0x0] =	vst.idx.msk vm1, v1  }
0xc0: {  	[tilespmem:v7+s18+$0x0] =	vst.idx.msk vm1, v5;
	v7 =	vor.u32 v2, v63  }
0xc1: {  	[tilespmem:v8+s3+$0x0] =	vst.idx.msk vm0, v1  }
0xc2: {  	[tilespmem:v8+s18+$0x0] =	vst.idx.msk vm0, v5  }
0xc3: {  	[tilespmem:v62+s3+$0x0] =	vst.idx.msk vm3, v1  }
0xc4: {  	s23 =	sshra.s32 s24, $0x7;
	[tilespmem:v62+s18+$0x0] =	vst.idx.msk vm3, v5  }
0xc5: {  	p1 =	slt.s32 s23, $0x1;
	s31 =	sadd.s32 $0x1, s23;
	[tilespmem:v7+s3+$0x0] =	vst.idx.msk vm2, v1  }
0xc6: {  	s0 =	simm.s32 @!p1 $0x80;
	s24 =	simm.s32 @!p1 $0x0;
	s25 =	simm.s32 @!p1 $0x8000;
	[tilespmem:v7+s18+$0x0] =	vst.idx.msk vm2, v5  }
0xc7: {  	[tilespmem:s25], [sflag:$0x1] =	stream.indirect.gather @!p1 [hbm4b:s5+s0], $0x40, s24, s0, $0xb8;
	[tilespmem:$0x18420] =	vst v63  }
0xc8: {  	s24 =	sshra.s32 s31, $0x1  }
0xc9: {  	p1 =	slt.s32 s24, $0x1  }
.Ltmp7:
0xca: {  	_ = 	snop;
	(pc) =	sbr.rel @p1 .LBB2_11-.Ltmp7, $2  }
0xcb: {  	_ =	sdelay $0x2  }
0xcc: {  	vm6 =	vmmov vm7  }
0xcd: {  	s28 =	sadd.s32 $0xFFFFFFFF, s24  }
0xce: {  	p2 =	sne.s32 s28, $0x0  }
.Ltmp8:
0xcf: {  	_ = 	snop;
	(pc) =	sbr.rel @!p2 .LBB2_7-.Ltmp8, $3  }
0xd0: {  	_ =	sdelay $0x1  }
0xd1: {  	s24 =	simm.s32 $0x2000;
	s26 =	simm.s32 $0x1  }
0xd2: {  	s25 =	simm.s32 $0x80;
	s30 =	simm.s32 $0x0;
	p1 =	por $0x0, $0x0  }
0xd3: {  	p1 =	sle.s32 s23, $0x0  }
0xd4: {  	s0 =	simm.s32 @!p1 $0x1  }
0xd5: {  	p2 =	sle.s32 @!p1 s23, $0x1;
	_ =	swait.ge @!p1 [sflag:s0], $0x2000  }
0xd6: {  	p2 =	por p2, p1;
	[sflag:s0] =	ssyncset.done @!p1 $0x0  }
0xd7: {  	s26 =	simm.s32 @!p2 $0x80;
	s29 =	simm.s32 @!p2 $0xA000;
	[sflag:s0] =	ssyncadd.s32 @!p1 $0xFFFFE000  }
0xd8: {  	[tilespmem:s29], [sflag:$0x2] =	stream.indirect.gather @!p2 [hbm4b:s5+s26], $0x40, s25, s26, $0xb8;
	[tilespmem:$0x18420] =	vst v63  }
0xd9: {  	s0 =	simm.s32 @!p1 $0x80;
	s25 =	simm.s32 @!p1 $0x8000;
	s26 =	simm.s32 @!p1 $0x4  }
0xda: {  	[spmem:s2] =	stream.indirect.scatter.add.bf16 @!p1 [tilespmem:s25], [sflag:$0x4], $0x40, s24, s0, $0xb8;
	[tilespmem:$0x18420] =	vst v63  }
0xdb: {  	_ =	swait.ge @!p1 [sflag:s26], $0x2000  }
0xdc: {  	p2 =	sle.s32 s23, $0x1;
	[sflag:s26] =	ssyncset.done @!p1 $0x0  }
0xdd: {  	s0 =	simm.s32 @!p2 $0x2;
	[sflag:s26] =	ssyncadd.s32 @!p1 $0xFFFFE000;
	p1 =	sle.s32 @!p2 s23, $0x2  }
0xde: {  	s28 =	sadd.s32 $0xFFFFFFFF, s28;
	_ =	swait.ge @!p2 [sflag:s0], $0x2000;
	p1 =	por p1, p2  }
0xdf: {  	p3 =	sne.s32 s28, $0x0;
	[sflag:s0] =	ssyncset.done @!p2 $0x0;
	s25 =	simm.s32 @!p1 $0x80  }
0xe0: {  	s26 =	simm.s32 @!p1 $0x8000;
	[sflag:s0] =	ssyncadd.s32 @!p2 $0xFFFFE000;
	s0 =	simm.s32 @!p1 $0x100  }
0xe1: {  	[tilespmem:s26], [sflag:$0x1] =	stream.indirect.gather @!p1 [hbm4b:s5+s25], $0x40, s0, s25, $0xb8;
	[tilespmem:$0x18420] =	vst v63  }
.Ltmp9:
0xe2: {  	s30 =	simm.s32 $0x2;
	(pc) =	sbr.rel @!p3 .LBB2_10-.Ltmp9, $4  }
0xe3: {  	s29 =	simm.s32 @!p2 $0x3;
	s24 =	simm.s32 @!p2 $0xA000;
	s0 =	simm.s32 @!p2 $0x2080  }
0xe4: {  	s25 =	simm.s32 @!p2 $0x80;
	s26 =	simm.s32 $0x3;
	p1 =	por $0x1, $0x1  }
0xe5: {  	[spmem:s2] =	stream.indirect.scatter.add.bf16 @!p2 [tilespmem:s24], [sflag:$0x3], $0x40, s0, s25, $0xb8;
	[tilespmem:$0x18420] =	vst v63  }
0xe6: {  	s25 =	simm.s32 $0x180;
	s24 =	simm.s32 $0x2100;
	_ =	swait.ge @!p2 [sflag:s29], $0x2000  }
.LBB2_9:
0xe7: {  	s28 =	sadd.s32 $0xFFFFFFFF, s28;
	p4 =	sge.s32 s30, s23;
	[sflag:s29] =	ssyncset.done @!p2 $0x0  }
0xe8: {  	s0 =	simm.s32 @!p4 $0x1;
	p5 =	sge.s32 @!p4 s26, s23;
	[sflag:s29] =	ssyncadd.s32 @!p2 $0xFFFFE000  }
0xe9: {  	p3 =	sne.s32 s28, $0x0;
	_ =	swait.ge @!p4 [sflag:s0], $0x2000;
	p2 =	por p5, p4  }
0xea: {  	[sflag:s0] =	ssyncset.done @!p4 $0x0;
	s29 =	simm.s32 @!p2 $0x80;
	s30 =	simm.s32 @!p2 $0xA000  }
0xeb: {  	[sflag:s0] =	ssyncadd.s32 @!p4 $0xFFFFE000  }
0xec: {  	[tilespmem:s30], [sflag:$0x2] =	stream.indirect.gather @!p2 [hbm4b:s5+s29], $0x40, s25, s29, $0xb8;
	[tilespmem:$0x18420] =	vst v63  }
0xed: {  	s0 =	simm.s32 @!p4 $0x80;
	s29 =	simm.s32 @!p4 $0x8000;
	s30 =	simm.s32 @!p4 $0x4  }
0xee: {  	[spmem:s2] =	stream.indirect.scatter.add.bf16 @!p4 [tilespmem:s29], [sflag:$0x4], $0x40, s24, s0, $0xb8;
	[tilespmem:$0x18420] =	vst v63  }
0xef: {  	_ =	swait.ge @!p4 [sflag:s30], $0x2000  }
0xf0: {  	p2 =	sge.s32 s26, s23;
	[sflag:s30] =	ssyncset.done @!p4 $0x0  }
0xf1: {  	s0 =	sadd.s32 @!p2 $0x1, s26;
	s29 =	simm.s32 @!p2 $0x2;
	[sflag:s30] =	ssyncadd.s32 @!p4 $0xFFFFE000  }
0xf2: {  	s4 =	sadd.s32 @!p2 $0x80, s24;
	p4 =	sge.s32 @!p2 s0, s23;
	_ =	swait.ge @!p2 [sflag:s29], $0x2000  }
0xf3: {  	s0 =	simm.s32 @!p2 $0xA000;
	p4 =	por p4, p2;
	[sflag:s29] =	ssyncset.done @!p2 $0x0  }
0xf4: {  	s30 =	simm.s32 @!p4 $0x80;
	[sflag:s29] =	ssyncadd.s32 @!p2 $0xFFFFE000;
	s29 =	sadd.s32 @!p4 $0x80, s25  }
.Ltmp10:
0xf5: {  	s12 =	simm.s32 @!p2 $0x80;
	s31 =	simm.s32 @!p4 $0x8000;
	(pc) =	sbr.rel @p3 .LBB2_9-.Ltmp10, $4  }
0xf6: {  	[tilespmem:s31], [sflag:$0x1] =	stream.indirect.gather @!p4 [hbm4b:s5+s30], $0x40, s29, s30, $0xb8;
	[tilespmem:$0x18420] =	vst v63  }
0xf7: {  	s26 =	sadd.s32 $0x2, s26;
	s25 =	sadd.s32 $0x100, s25;
	s29 =	simm.s32 @!p2 $0x3  }
0xf8: {  	[spmem:s2] =	stream.indirect.scatter.add.bf16 @!p2 [tilespmem:s0], [sflag:$0x3], $0x40, s4, s12, $0xb8;
	[tilespmem:$0x18420] =	vst v63  }
0xf9: {  	s24 =	sadd.s32 $0x100, s24;
	s30 =	sadd.s32 $0xFFFFFFFF, s26;
	_ =	swait.ge @!p2 [sflag:s29], $0x2000  }
.Ltmp11:
0xfa: {  	_ = 	snop;
	(pc) =	sbr.rel .LBB2_10-.Ltmp11, $1  }
0xfb: {  	_ =	sdelay $0x3  }
.LBB2_14:
0xfc: {  	_ =	sfence.sel $0x180000  }
0xfd: {  	[bflag:$0x0] =	sbarrier.arrive $0xFFFF  }
0xfe: {  	_ =	strace $0x9000004D  }
0xff: {  	s0 =	stileid.u32;
	[bflag:$0x2] =	sbarrier.arrive $0xFFFF  }
0x100: {  	p0 =	sne.s32 s0, $0x0;
	s0 =	rddreg [dreg:$0x3]  }
0x101: {  	s0 =	sadd.s32 @!p0 $0x100000, s0  }
0x102: {  	[sflag:s0] =	ssyncadd.tile.s32 @!p0 $0x1;
	_ =	shalt  }
.Lfunc_end2:
_tile_overlayer_lowered:
.L_overlay_start_2:
0x103: {  	(tag) =	ssettag $0x2  }
0x104: {  	s0 =	rddreg [dreg:$0x0];
	s2 =	stileid.u32  }
0x105: {  	s1 =	rddreg [dreg:$0x1];
	p0 =	sne.s32 s2, $0x0  }
0x106: {  	s3 =	rddreg [dreg:$0x2];
	[bflag:$0x3] =	sbarrier.arrive $0xFFFF;
	s2 =	simm.s32 @!p0 $0x1C03  }
0x107: {  	[timem:s3], [sflag:s2] =	dma.local @!p0 [hbm:s0], s1  }
0x108: {  	s0 =	simm.s32 @!p0 $0x3  }
0x109: {  	_ =	swait.ge @!p0 [sflag:s0], s1  }
0x10a: {  	s1 =	ssub.s32 @!p0 $0x0, s1;
	[sflag:s0] =	ssyncset.done @!p0 $0x0  }
0x10b: {  	[sflag:s0] =	ssyncadd.s32 @!p0 s1  }
0x10c: {  	[bflag:$0x3] =	sbarrier.arrive $0xFFFF  }
0x10d: {  	_ =	shalt  }

// kernel: seg_sum_cnt.3.cloned.1.call-start
scs
__scs_entry_jumppad:
0x0: {  	(pc) =	sbr.rel $0x88, $3  }
0x1: {  	(tag) =	ssettag $0x0;
	lr =	simm.s32 $0x1  }
0x2: {  	[smem:$0x3F98] =	sst lr;
	_ =	strace $0xD0000000  }
0x3: {  	_ = 	snop  }
0x4: {  	_ = 	snop  }
0x5: {  	_ = 	snop  }
0x6: {  	_ = 	snop  }
0x7: {  	_ = 	snop  }
__scs_overlays_trampoline_lowered:
0x8: {  	[smem:$0x3FA7] =	sst s0  }
0x9: {  	[smem:$0x3FA8] =	sst s1  }
0xa: {  	[smem:$0x3FA9] =	sst s2  }
0xb: {  	[smem:$0x3FAA] =	sst s3  }
0xc: {  	[smem:$0x3FAB] =	sst s4  }
0xd: {  	[smem:$0x3FAC] =	sst s5  }
0xe: {  	[smem:$0x3FAD] =	sst s6  }
0xf: {  	[smem:$0x3FAE] =	sst s7  }
0x10: {  	[smem:$0x3FAF] =	sst s8  }
0x11: {  	[smem:$0x3FB0] =	sst s9;
	s0 =	simm.s32 @!p0 $0x0  }
0x12: {  	s1 =	sld [smem:$0x3F96];
	s0 =	simm.s32 @p0 $0x1  }
0x13: {  	[smem:$0x3FB1] =	sst s0;
	s0 =	simm.s32 @!p1 $0x0  }
0x14: {  	s2 =	sld [smem:$0x3F95];
	s0 =	simm.s32 @p1 $0x1  }
0x15: {  	[smem:$0x3FB2] =	sst s0;
	s0 =	simm.s32 @!p2 $0x0  }
0x16: {  	s3 =	sld [smem:$0x3FDB];
	s0 =	simm.s32 @p2 $0x1  }
0x17: {  	s4 =	simm.s32 $0x1BF5;
	[smem:$0x3FB4] =	sst s0  }
0x18: {  	s0 =	sld [smem:$0x3F97];
	_ =	swait.ge [sflag:s4], $0x0  }
0x19: {  	s7 =	sld [smem:$0x3F98]  }
0x1a: {  	s8 =	sadd.s32 $0xFFFFE003, lr  }
0x1b: {  	s9 =	sadd.s32 $0xFFFFFEF7, lr;
	s5 =	simm.s32 $0xFFFFFFFF;
	p2 =	slt.u32 s8, $0xFFFFF086  }
0x1c: {  	p1 =	slt.u32 s9, $0xF7A;
	s5 =	simm.s32 @!p2 $0x0  }
0x1d: {  	s5 =	simm.s32 @p1 $0x1;
	p0 =	seq.s32 s7, s2  }
0x1e: {  	s7 =	smul.u32 @!p0 $0xF7A, s2;
	p2 =	seq.s32 @!p0 s5, $0x0  }
0x1f: {  	s9 =	smul.u32 $0xF7A, s1;
	s8 =	simm.s32 @!p0 $0x1BF5;
	p2 =	por !p2, p0  }
0x20: {  	[sflag:s8] =	ssyncset.s32 @!p0 $0xFFFFF086;
	s6 =	sadd.s32 @!p0 s3, s7;
	s7 =	simm.s32 @!p0 $0x108  }
0x21: {  	s3 =	sadd.s32 s3, s9;
	s6 =	sadd.s32 @!p0 $0x88, s6;
	s7 =	simm.s32 @p2 $0x1082  }
0x22: {  	[simem:s7], [sflag:s8] =	dma.local @!p0 [hbm:s6], $0xF7A  }
0x23: {  	s9 =	sor.u32 $0xD0000000, s2;
	s6 =	simm.s32 $0x108;
	_ =	swait.ge @!p0 [sflag:s8], $0x0  }
0x24: {  	s3 =	sadd.s32 $0x88, s3;
	s6 =	simm.s32 @!p1 $0x1082;
	[sflag:s4] =	ssyncset.s32 $0xFFFFF086  }
0x25: {  	[simem:s6], [sflag:s4] =	dma.local [hbm:s3], $0xF7A  }
0x26: {  	[smem:$0x3F98] =	sst s1;
	(tag) =	ssettag s2;
	_ =	strace s9  }
0x27: {  	s1 =	sld [smem:$0x3FA8]  }
0x28: {  	s2 =	sld [smem:$0x3FA9]  }
0x29: {  	s4 =	sld [smem:$0x3FAB]  }
0x2a: {  	p0 =	seq.s32 s5, $0x0;
	s5 =	sld [smem:$0x3FAC]  }
0x2b: {  	s6 =	sld [smem:$0x3FAD]  }
0x2c: {  	s7 =	sld [smem:$0x3FAE]  }
0x2d: {  	s3 =	simm.s32 $0x108;
	s8 =	sld [smem:$0x3FAF]  }
0x2e: {  	s3 =	simm.s32 @!p0 $0x1082;
	s9 =	sld [smem:$0x3FB0]  }
0x2f: {  	lr =	sadd.s32 s0, s3;
	s0 =	sld [smem:$0x3FA7]  }
0x30: {  	s3 =	sld [smem:$0x3FAA]  }
0x31: {  	[smem:$0x3FB3] =	sst s10  }
0x32: {  	s10 =	sld [smem:$0x3FB1];
	_ =	sdelay $0x3  }
0x33: {  	p0 =	seq.s32 s10, $0x1;
	s10 =	sld [smem:$0x3FB3];
	_ =	sdelay $0x3  }
0x34: {  	[smem:$0x3FB3] =	sst s10  }
0x35: {  	s10 =	sld [smem:$0x3FB2];
	_ =	sdelay $0x3  }
0x36: {  	p1 =	seq.s32 s10, $0x1;
	s10 =	sld [smem:$0x3FB3];
	_ =	sdelay $0x3  }
0x37: {  	[smem:$0x3FB3] =	sst s10  }
0x38: {  	s10 =	sld [smem:$0x3FB4]  }
0x39: {  	_ = 	snop;
	(pc) =	sbr.ind lr, $3  }
0x3a: {  	_ = 	snop  }
0x3b: {  	_ = 	snop  }
0x3c: {  	p2 =	seq.s32 s10, $0x1;
	s10 =	sld [smem:$0x3FB3]  }
0x3d: {  	_ =	shalt  }
0x3e: {  	_ =	shalt  }
0x3f: {  	_ =	shalt  }
0x40: {  	_ =	shalt  }
0x41: {  	_ =	shalt  }
0x42: {  	_ =	shalt  }
0x43: {  	_ =	shalt  }
0x44: {  	_ =	shalt  }
0x45: {  	_ =	shalt  }
0x46: {  	_ =	shalt  }
0x47: {  	_ =	shalt  }
0x48: {  	_ =	shalt  }
0x49: {  	_ =	shalt  }
0x4a: {  	_ =	shalt  }
0x4b: {  	_ =	shalt  }
0x4c: {  	_ =	shalt  }
0x4d: {  	_ =	shalt  }
0x4e: {  	_ =	shalt  }
0x4f: {  	_ =	shalt  }
0x50: {  	_ =	shalt  }
0x51: {  	_ =	shalt  }
0x52: {  	_ =	shalt  }
0x53: {  	_ =	shalt  }
0x54: {  	_ =	shalt  }
0x55: {  	_ =	shalt  }
0x56: {  	_ =	shalt  }
0x57: {  	_ =	shalt  }
0x58: {  	_ =	shalt  }
0x59: {  	_ =	shalt  }
0x5a: {  	_ =	shalt  }
0x5b: {  	_ =	shalt  }
0x5c: {  	_ =	shalt  }
0x5d: {  	_ =	shalt  }
0x5e: {  	_ =	shalt  }
0x5f: {  	_ =	shalt  }
0x60: {  	_ =	shalt  }
0x61: {  	_ =	shalt  }
0x62: {  	_ =	shalt  }
0x63: {  	_ =	shalt  }
0x64: {  	_ =	shalt  }
0x65: {  	_ =	shalt  }
0x66: {  	_ =	shalt  }
0x67: {  	_ =	shalt  }
0x68: {  	_ =	shalt  }
0x69: {  	_ =	shalt  }
0x6a: {  	_ =	shalt  }
0x6b: {  	_ =	shalt  }
0x6c: {  	_ =	shalt  }
0x6d: {  	_ =	shalt  }
0x6e: {  	_ =	shalt  }
0x6f: {  	_ =	shalt  }
0x70: {  	_ =	shalt  }
0x71: {  	_ =	shalt  }
0x72: {  	_ =	shalt  }
0x73: {  	_ =	shalt  }
0x74: {  	_ =	shalt  }
0x75: {  	_ =	shalt  }
0x76: {  	_ =	shalt  }
0x77: {  	_ =	shalt  }
0x78: {  	_ =	shalt  }
0x79: {  	_ =	shalt  }
0x7a: {  	_ =	shalt  }
0x7b: {  	_ =	shalt  }
0x7c: {  	_ =	shalt  }
0x7d: {  	_ =	shalt  }
0x7e: {  	_ =	shalt  }
0x7f: {  	_ =	shalt  }
0x80: {  	_ =	shalt  }
0x81: {  	_ =	shalt  }
0x82: {  	_ =	shalt  }
0x83: {  	_ =	shalt  }
0x84: {  	_ =	shalt  }
0x85: {  	_ =	shalt  }
0x86: {  	_ =	shalt  }
0x87: {  	_ =	shalt  }
.Lfunc_end0:
.L_simem_size_0:
called_computation.1_lowered:
.L_overlay_start_0:
0x88: {  	s2 =	sld [smem:$0x3FD9]  }
0x89: {  	s3 =	sld [smem:$0x3FFE];
	_ =	sdelay $0x1  }
0x8a: {  	s1 =	srdreg.scid  }
0x8b: {  	s0 =	sand.u32 $0x1, s1  }
0x8c: {  	s15 =	sshll.u32 s0, $0xA;
	s2 =	sadd.s32 s3, s2  }
0x8d: {  	s2 =	sadd.s32 s2, s15  }
0x8e: {  	[smem:$0x3FBF] =	sst s2  }
0x8f: {  	_ = 	snop  }
0x90: {  	s2 =	sld [smem:$0x3FD0];
	_ =	sdelay $0x2  }
0x91: {  	s16 =	simm.s32 $0xB;
	s4 =	simm.s32 $0x10  }
0x92: {  	[smem:s4], [sflag:s16] =	dma.local [hbm:s2], $0x1  }
0x93: {  	_ =	swait.eq [sflag:s16], $0x1  }
0x94: {  	[sflag:s16] =	ssyncset.done $0x0  }
0x95: {  	[sflag:s16] =	ssyncadd.s32 $0xFFFFFFFF  }
0x96: {  	s17 =	sld [smem:$0x11];
	(tm) =	ssettm $0x1  }
0x97: {  	s18 =	sld [smem:$0x3FFB];
	_ =	sdelay $0x3  }
0x98: {  	_ =	strace s18  }
0x99: {  	s2 =	sld [smem:$0x3FFC];
	_ =	sdelay $0x3  }
0x9a: {  	_ =	strace s2  }
0x9b: {  	s2 =	sld [smem:$0x3FFD];
	_ =	sdelay $0x3  }
0x9c: {  	_ =	strace s2  }
0x9d: {  	_ =	strace $0x8FFFFFFF  }
0x9e: {  	s19 =	sld [smem:$0x3FDB];
	_ =	sdelay $0x1  }
0x9f: {  	s20 =	simm.s32 $_scs_section_size  }
0xa0: {  	s5 =	simm.s32 $_size__tile_overlayer_lowered;
	s6 =	simm.s32 $_tile_overlayer_lowered  }
0xa1: {  	s7 =	simm.s32 $0x1BFF;
	s21 =	sshll.u32 s6, $0x1;
	s4 =	sadd.s32 s20, s19  }
0xa2: {  	s22 =	simm.s32 $0x0;
	s5 =	sshll.u32 s5, $0x1;
	s6 =	sadd.s32 s21, s4  }
0xa3: {  	[timem:s22], [sflag:s7] =	dma.local [hbm:s6], s5  }
0xa4: {  	_ =	swait.ge [sflag:s7], s5  }
0xa5: {  	s5 =	ssub.s32 $0x0, s5;
	[sflag:s7] =	ssyncset.done $0x0  }
0xa6: {  	[sflag:s7] =	ssyncadd.s32 s5;
	_ =	sdelay $0x1  }
0xa7: {  	s23 =	simm.s32 $0x1B8B  }
0xa8: {  	_ =	swait.ge [sflag:s23], $0x1  }
0xa9: {  	[sflag:s23] =	ssyncset.done $0x0  }
0xaa: {  	[sflag:s23] =	ssyncadd.s32 $0xFFFFFFFF  }
0xab: {  	s5 =	sld [smem:$0x0]  }
0xac: {  	s6 =	sand.u32 $0xFFFFFFFE, s1  }
0xad: {  	p0 =	sne.s32 s1, s6  }
0xae: {  	s6 =	sshll.u32 @p0 s6, $0xE  }
0xaf: {  	s6 =	sadd.s32 @p0 $0x11B8D, s6;
	s7 =	sshll.u32 @p0 s5, $0x11  }
0xb0: {  	s6 =	sor.u32 @p0 s7, s6  }
0xb1: {  	[sflag:s6] =	ssyncadd.remote.s32 @p0 $0x1;
	_ =	sdelay $0x1  }
0xb2: {  	s6 =	simm.s32 @p0 $0x1B8D  }
0xb3: {  	_ =	swait.eq @p0 [sflag:s6], $0x1  }
0xb4: {  	[sflag:s6] =	ssyncadd.s32 @p0 $0xFFFFFFFF  }
0xb5: {  	s7 =	sshll.u32 @!p0 s1, $0xE  }
0xb6: {  	s7 =	sor.u32 @!p0 $0x4000, s7;
	s6 =	simm.s32 @!p0 $0x1B8D  }
0xb7: {  	s5 =	sshll.u32 @!p0 s5, $0x11;
	s7 =	sadd.s32 @!p0 $0x11B8D, s7;
	_ =	swait.eq @!p0 [sflag:s6], $0x1  }
0xb8: {  	s5 =	sor.u32 @!p0 s5, s7;
	[sflag:s6] =	ssyncadd.s32 @!p0 $0xFFFFFFFF  }
0xb9: {  	s25 =	simm.s32 $0x1B8E;
	s24 =	sld [smem:$0x3FFE];
	[sflag:s5] =	ssyncadd.remote.s32 @!p0 $0x1  }
0xba: {  	s26 =	simm.s32 $execute0_lowered;
	[smem:$0x3FD2] =	sst s25  }
0xbb: {  	s6 =	sshll.u32 s26, $0x1;
	_ =	strace $0x80000049;
	[dreg:$0x1] =	wrdreg $0xFFFFFFFF  }
0xbc: {  	s28 =	simm.s32 $_size_execute0_lowered;
	s4 =	sadd.s32 s4, s6;
	[dreg:$0x0] =	wrdreg $0x0  }
0xbd: {  	s6 =	sshll.u32 s28, $0x1;
	[dreg:$0x2] =	wrdreg s4  }
0xbe: {  	[dreg:$0x3] =	wrdreg s6  }
0xbf: {  	[dreg:$0x4] =	wrdreg $0xC0  }
0xc0: {  	_ =	task [dreg:s22], $0x5FFFF  }
0xc1: {  	[dreg:$0x1] =	wrdreg $0xFFFFFFFF  }
0xc2: {  	[dreg:$0x0] =	wrdreg $0x60  }
0xc3: {  	[dreg:$0x2] =	wrdreg s24  }
0xc4: {  	[dreg:$0x3] =	wrdreg s17  }
0xc5: {  	[dreg:$0x4] =	wrdreg $0xC8000  }
0xc6: {  	[dreg:$0x5] =	wrdreg $0x18C200  }
0xc7: {  	[dreg:$0x6] =	wrdreg $0x9  }
0xc8: {  	_ =	task.clear_ibuf [dreg:s22], $0x7FFFF;
	_ =	strace $0x90000049  }
0xc9: {  	s29 =	simm.s32 $0x9;
	_ =	strace $0x8000004B  }
0xca: {  	_ =	swait.ge [sflag:s29], $0x1  }
0xcb: {  	[sflag:s29] =	ssyncadd.s32 $0xFFFFFFFF  }
0xcc: {  	_ =	strace $0x9000004B  }
0xcd: {  	_ =	sfence  }
0xce: {  	s30 =	sld [smem:$0x0];
	_ =	sdelay $0x2  }
0xcf: {  	s31 =	sshll.u32 s1, $0xD;
	s1 =	sshrl.u32 s1, $0x2  }
0xd0: {  	s4 =	sand.u32 $0x4000, s31;
	s1 =	sadd.s32 s1, s30  }
0xd1: {  	s0 =	sor.u32 s4, s0;
	s1 =	sshll.u32 s1, $0x11  }
0xd2: {  	s0 =	sor.u32 s1, s0  }
0xd3: {  	s0 =	sadd.s32 $0x8F2B, s0  }
0xd4: {  	[sflag:s0] =	ssyncadd.remote.s32 $0x1  }
0xd5: {  	_ =	sfence.sel $0xFFFF  }
0xd6: {  	[dreg:$0x0] =	wrdreg $0xFFFFFFFF;
	(pc) =	sbr.abs _section_cstart, $3  }
0xd7: {  	[dreg:$0x1] =	wrdreg $0xFFFFFFFF  }
0xd8: {  	_ =	task.clear_ibuf [dreg:s22], $0x2FFFF;
	_ =	strace $0x9FFFFFFF  }
0xd9: {  	(tm) =	ssettm $0x7FFFFFFF  }
tec
execute0_lowered:
.L_overlay_start_1:
0x0: {  	(tag) =	ssettag $0x1  }
0x1: {  	s0 =	rddreg [dreg:$0x0]  }
0x2: {  	s2 =	rddreg [dreg:$0x2]  }
0x3: {  	s3 =	rddreg [dreg:$0x3]  }
0x4: {  	s4 =	simm.s32 $0x0;
	s8 =	srdreg.scid;
	s25 =	stileid.u32  }
0x5: {  	s18 =	simm.s32 $0x3;
	s22 =	simm.s32 $0x4000;
	s28 =	simm.s32 $0x0  }
0x6: {  	[smem:$0x7FF] =	sst s4;
	s5 =	sadd.s32 $0xA5E00, s0;
	s6 =	sadd.s32 $0x95600, s0  }
0x7: {  	s7 =	sadd.s32 $0x85600, s0;
	s1 =	sadd.s32 $0x2000, s0;
	s23 =	sadd.s32 $0xA5600, s0  }
0x8: {  	s8 =	sand.u32 $0x1, s8;
	s24 =	sadd.s32 $0x107A00, s0;
	s12 =	sadd.s32 $0x107C00, s0  }
0x9: {  	s15 =	smul.u32 $0x31000, s25;
	_ =	strace $0x8000004A;
	[dreg:$0x5] =	wrdreg s1  }
0xa: {  	s29 =	sshll.u32 s25, $0x4;
	s16 =	smul.u32 $0xC400, s25;
	[dreg:$0x6] =	wrdreg s23  }
0xb: {  	s13 =	sshll.u32 s25, $0xC;
	s31 =	sshll.u32 s25, $0x6;
	[dreg:$0x7] =	wrdreg s24  }
0xc: {  	s11 =	ssub.s32 $0x2, s8;
	s14 =	sshll.u32 s8, $0x1;
	s19 =	sor.u32 $0x1C03, s31  }
.Ltmp0:
0xd: {  	s23 =	simm.s32 $0x6000;
	s24 =	simm.s32 $0x2000;
	(pc) =	sbr.rel .LBB2_1-.Ltmp0, $4  }
0xe: {  	v0 =	vlaneseq.u32;
	s1 =	simm.s32 $0x0;
	s26 =	sshrl.u32 s11, $0x1;
	s30 =	sshrl.u32 s15, $0x2  }
0xf: {  	v1 =	vmul.u32 $0x61, v0;
	s15 =	smul.u32 $0x310, s25;
	s16 =	sshrl.u32 s16, $0x2;
	s0 =	ssub.s32 s11, s26  }
0x10: {  	v3 =	vimm.s32 $0x0;
	v4 =	vshrl.u32 v0, $0x3;
	v2 =	vand.u32 $0x7, v0;
	s8 =	sadd.s32 s30, s2;
	s16 =	sadd.s32 s16, s3;
	s0 =	smax.u32 s0, $0x1  }
0x11: {  	v4 =	vmul.u32 $0x8, v4;
	v5 =	vor.u32 $0x3100, v2;
	v1 =	vadd.s32 s29, v1;
	s20 =	sshrl.u32 s8, $0x3;
	s21 =	sshrl.u32 s16, $0x3;
	[dreg:$0x8] =	wrdreg s0  }
.LBB2_13:
0x12: {  	s1 =	rddreg [dreg:$0x9]  }
0x13: {  	s0 =	rddreg [dreg:$0x8];
	s1 =	sadd.s32 $0x1, s1  }
0x14: {  	p0 =	sne.s32 s1, s0  }
.Ltmp1:
0x15: {  	_ = 	snop;
	(pc) =	sbr.rel @!p0 .LBB2_14-.Ltmp1, $1  }
0x16: {  	_ =	sdelay $0x3  }
.LBB2_1:
0x17: {  	[dreg:$0x9] =	wrdreg s1  }
.Ltmp2:
0x18: {  	s0 =	rddreg [dreg:$0x7];
	s31 =	simm.s32 $0xC000;
	(pc) =	sbr.rel .LBB2_2-.Ltmp2, $4  }
0x19: {  	[tilespmem:s31], [sflag:$0x3] =	stream.linear.gather [hbm4b:s0+s4], $0x800, $0x38;
	[tilespmem:$0x1BD28] =	vst v63  }
0x1a: {  	_ =	swait.ge [sflag:s18], $0x800  }
0x1b: {  	[sflag:s18] =	ssyncset.done $0x0  }
0x1c: {  	p1 =	por $0x1, $0x1;
	s0 =	simm.s32 $0x0;
	[sflag:s18] =	ssyncadd.s32 $0xFFFFF800  }
.LBB2_12:
0x1d: {  	s0 =	sadd.s32 s15, s26;
	[bflag:$0x0] =	sbarrier.arrive $0xFFFF  }
0x1e: {  	s1 =	sshll.u32 s0, $0x3;
	s8 =	rddreg [dreg:$0x1]  }
0x1f: {  	s1 =	sadd.s32 s8, s1  }
0x20: {  	[hbm:s1], [sflag:s19] =	dma.local [spmem:s20], $0x1880  }
0x21: {  	_ =	swait.ge [sflag:s18], $0x1880  }
0x22: {  	s0 =	sshll.u32 s0, $0x1;
	[sflag:s18] =	ssyncset.done $0x0  }
.Ltmp3:
0x23: {  	s0 =	sadd.s32 s12, s0;
	[sflag:s18] =	ssyncadd.s32 $0xFFFFE780;
	(pc) =	sbr.rel @!p0 .LBB2_13-.Ltmp3, $4  }
0x24: {  	[hbm:s0], [sflag:s19] =	dma.local [spmem:s21], $0x620  }
0x25: {  	_ =	swait.ge [sflag:s18], $0x620  }
0x26: {  	[sflag:s18] =	ssyncset.done $0x0  }
0x27: {  	p1 =	por $0x0, $0x0;
	s0 =	simm.s32 $0x1;
	[sflag:s18] =	ssyncadd.s32 $0xFFFFF9E0  }
.LBB2_2:
0x28: {  	[bflag:$0x0] =	sbarrier.arrive $0xFFFF  }
0x29: {  	s1 =	rddreg [dreg:$0x5]  }
0x2a: {  	[spmem:s20], [sflag:s19] =	dma.local [hbm:s1], $0x1880  }
0x2b: {  	_ =	swait.ge [sflag:s18], $0x1880  }
0x2c: {  	[sflag:s18] =	ssyncset.done $0x0  }
0x2d: {  	s31 =	rddreg [dreg:$0x6];
	[sflag:s18] =	ssyncadd.s32 $0xFFFFE780  }
0x2e: {  	[spmem:s21], [sflag:s19] =	dma.local [hbm:s31], $0x620  }
.Ltmp4:
0x2f: {  	_ =	swait.ge [sflag:s18], $0x620;
	(pc) =	sbr.rel .LBB2_3-.Ltmp4, $4  }
0x30: {  	s0 =	sor.u32 s14, s0;
	[sflag:s18] =	ssyncset.done $0x0  }
0x31: {  	s26 =	smul.u32 $0x3100, s0;
	[sflag:s18] =	ssyncadd.s32 $0xFFFFF9E0  }
0x32: {  	[bflag:$0x0] =	sbarrier.arrive $0xFFFF  }
0x33: {  	p0 =	por p1, p1;
	s29 =	simm.s32 $0x0;
	v6 =	vmov s26  }
.LBB2_7:
0x34: {  	_ = 	snop  }
.LBB2_10:
0x35: {  	p2 =	por p3, !p2  }
0x36: {  	[sflag:s30] =	ssyncset.done @!p2 $0x0  }
0x37: {  	s1 =	simm.s32 @!p1 $0x1;
	[sflag:s30] =	ssyncadd.s32 @!p2 $0xFFFFF800  }
0x38: {  	p2 =	sge.s32 @!p1 s16, s0;
	_ =	swait.ge @!p1 [sflag:s1], $0x2000  }
0x39: {  	p2 =	por p2, p1;
	[sflag:s1] =	ssyncset.done @!p1 $0x0  }
0x3a: {  	s9 =	simm.s32 @!p2 $0x80;
	s10 =	simm.s32 @!p2 $0xA000;
	[sflag:s1] =	ssyncadd.s32 @!p1 $0xFFFFE000  }
0x3b: {  	[tilespmem:s10], [sflag:$0x2] =	stream.indirect.gather @!p2 [hbm4b:s5+s9], $0x40, s11, s9, $0xb8;
	[tilespmem:$0x1BD28] =	vst v63  }
0x3c: {  	s1 =	simm.s32 @!p1 $0x80;
	s9 =	simm.s32 @!p1 $0x8000;
	s10 =	simm.s32 @!p1 $0x4  }
0x3d: {  	[spmem:s2] =	stream.indirect.scatter.add.bf16 @!p1 [tilespmem:s9], [sflag:$0x4], $0x40, s8, s1, $0xb8;
	[tilespmem:$0x1BD28] =	vst v63  }
0x3e: {  	_ =	swait.ge @!p1 [sflag:s10], $0x2000  }
0x3f: {  	[sflag:s10] =	ssyncset.done @!p1 $0x0  }
0x40: {  	s9 =	simm.s32 @!p1 $0xC000;
	[sflag:s10] =	ssyncadd.s32 @!p1 $0xFFFFE000  }
0x41: {  	[spmem:s3] =	stream.indirect.scatter.add.bf16 @!p1 [tilespmem:s9], [sflag:$0x4], $0x10, s8, s1, $0xb8;
	[tilespmem:$0x1BD28] =	vst v63  }
0x42: {  	p2 =	sge.s32 s16, s0;
	_ =	swait.ge @!p1 [sflag:s10], $0x800  }
0x43: {  	s1 =	sadd.s32 @!p2 $0x1, s16;
	[sflag:s10] =	ssyncset.done @!p1 $0x0  }
0x44: {  	s9 =	simm.s32 @!p2 $0x2;
	[sflag:s10] =	ssyncadd.s32 @!p1 $0xFFFFF800;
	p1 =	sge.s32 @!p2 s1, s0  }
0x45: {  	_ =	swait.ge @!p2 [sflag:s9], $0x2000;
	p1 =	por p1, p2  }
0x46: {  	s8 =	sadd.s32 @!p2 $0x80, s8;
	[sflag:s9] =	ssyncset.done @!p2 $0x0;
	s1 =	sadd.s32 @!p1 $0x80, s11  }
0x47: {  	s10 =	simm.s32 @!p1 $0x80;
	[sflag:s9] =	ssyncadd.s32 @!p2 $0xFFFFE000;
	s9 =	simm.s32 @!p1 $0x8000  }
0x48: {  	[tilespmem:s9], [sflag:$0x1] =	stream.indirect.gather @!p1 [hbm4b:s5+s10], $0x40, s1, s10, $0xb8;
	[tilespmem:$0x1BD28] =	vst v63  }
0x49: {  	s0 =	simm.s32 @!p2 $0xA000;
	s1 =	simm.s32 @!p2 $0x80;
	s9 =	simm.s32 @!p2 $0x4  }
0x4a: {  	[spmem:s2] =	stream.indirect.scatter.add.bf16 @!p2 [tilespmem:s0], [sflag:$0x4], $0x40, s8, s1, $0xb8;
	[tilespmem:$0x1BD28] =	vst v63  }
0x4b: {  	_ =	swait.ge @!p2 [sflag:s9], $0x2000  }
0x4c: {  	[sflag:s9] =	ssyncset.done @!p2 $0x0  }
0x4d: {  	s0 =	simm.s32 @!p2 $0xC000;
	[sflag:s9] =	ssyncadd.s32 @!p2 $0xFFFFE000;
	s9 =	simm.s32 @!p2 $0x3  }
0x4e: {  	[spmem:s3] =	stream.indirect.scatter.add.bf16 @!p2 [tilespmem:s0], [sflag:$0x3], $0x10, s8, s1, $0xb8;
	[tilespmem:$0x1BD28] =	vst v63  }
0x4f: {  	_ =	swait.ge @!p2 [sflag:s9], $0x800  }
0x50: {  	[sflag:s9] =	ssyncset.done @!p2 $0x0  }
0x51: {  	[sflag:s9] =	ssyncadd.s32 @!p2 $0xFFFFF800  }
.LBB2_11:
0x52: {  	s29 =	sadd.s32 $0x1, s29  }
0x53: {  	p1 =	sne.s32 s29, $0x4  }
.Ltmp5:
0x54: {  	_ = 	snop;
	(pc) =	sbr.rel @!p1 .LBB2_12-.Ltmp5, $1  }
0x55: {  	_ =	sdelay $0x3  }
.LBB2_3:
0x56: {  	s0 =	sshll.u32 s29, $0xA  }
0x57: {  	s0 =	sadd.s32 s13, s0  }
0x58: {  	s8 =	sadd.s32 s6, s0  }
0x59: {  	[tilespmem:s22], [sflag:$0x3] =	stream.linear.gather [hbm4b:s8+s28], $0x2000, $0x38;
	[tilespmem:$0x1BD28] =	vst v63  }
0x5a: {  	_ =	swait.ge [sflag:s18], $0x2000  }
0x5b: {  	[sflag:s18] =	ssyncset.done $0x0  }
0x5c: {  	s0 =	sadd.s32 s7, s0;
	[sflag:s18] =	ssyncadd.s32 $0xFFFFE000  }
0x5d: {  	[tilespmem:s23], [sflag:$0x3] =	stream.linear.gather [hbm4b:s0+s28], $0x2000, $0x38;
	[tilespmem:$0x1BD28] =	vst v63  }
0x5e: {  	_ =	swait.ge [sflag:s18], $0x2000  }
0x5f: {  	[sflag:s18] =	ssyncset.done $0x0  }
0x60: {  	s17 =	simm.s32 $0x6040;
	[sflag:s18] =	ssyncadd.s32 $0xFFFFE000  }
0x61: {  	v7 =	vld [tilespmem:s17+$0xFFFFFFC0]  }
0x62: {  	v8 =	vld [tilespmem:s17+$0xFFFFFFD0]  }
0x63: {  	v9 =	vld [tilespmem:s17+$0xFFFFFFE0]  }
0x64: {  	v10 =	vld [tilespmem:s17+$0xFFFFFFF0];
	_ =	sdelay $0x1  }
0x65: {  	v24 =	vsub.s32 v7, v6;
	v7 =	vld [tilespmem:s17+$0x0]  }
0x66: {  	v12 =	vld [tilespmem:s17+$0x10];
	v8 =	vsub.s32 v8, v6;
	vm15 =	vlt.u32 v24, $0x3100  }
0x67: {  	v14 =	vld [tilespmem:s17+$0x20];
	vm0 =	vlt.u32 v8, $0x3100;
	v11 =	vsel vm15, $0x1, v3  }
0x68: {  	v9 =	vsub.s32 v9, v6;
	(xrf0) =	vadd.scan.msk.s32 $0xffff, v11;
	v11 =	vsub.s32 v10, v6;
	v10 =	vsel vm0, $0x1, v3  }
0x69: {  	vm2 =	vlt.u32 v9, $0x3100;
	(xrf0) =	vadd.scan.msk.s32 $0xffff, v10  }
0x6a: {  	vm3 =	vlt.u32 v11, $0x3100;
	v10 =	vsel vm2, $0x1, v3;
	v7 =	vsub.s32 v7, v6  }
0x6b: {  	v13 =	vsub.s32 v12, v6;
	v15 =	vsel vm3, $0x1, v3;
	(xrf0) =	vadd.scan.msk.s32 $0xffff, v10;
	vm1 =	vlt.u32 v7, $0x3100  }
0x6c: {  	v16 =	vsub.s32 v14, v6;
	vm4 =	vlt.u32 v13, $0x3100;
	(xrf0) =	vadd.scan.msk.s32 $0xffff, v15;
	v10 =	vsel vm1, $0x1, v3  }
0x6d: {  	vm5 =	vlt.u32 v16, $0x3100;
	v12 =	vsel vm4, $0x1, v3;
	(xrf0) =	vadd.scan.msk.s32 $0xffff, v10  }
0x6e: {  	v15, _, _ =	vpop (xrf0);
	(xrf0) =	vadd.scan.msk.s32 $0xffff, v12;
	v12 =	vsel vm5, $0x1, v3  }
0x6f: {  	v10 =	vld [tilespmem:s17+$0x30];
	v17, _, _ =	vpop (xrf0);
	(xrf0) =	vadd.scan.msk.s32 $0xffff, v12  }
0x70: {  	(v2sf) =	vpush v15, $0xF  }
0x71: {  	(v2sf) =	vpush v17, $0xF;
	v20, _, _ =	vpop (xrf0)  }
0x72: {  	(v2sf) =	vpush v20, $0xF;
	v21, _, _ =	vpop (xrf0)  }
0x73: {  	(v2sf) =	vpush v21, $0xF;
	v14, _, _ =	vpop (xrf0)  }
0x74: {  	v22 =	vsub.s32 v10, v6;
	(v2sf) =	vpush v14, $0xF;
	v32, _, _ =	vpop (xrf0)  }
0x75: {  	s0 =	simm.s32 $0x60C0;
	vm6 =	vlt.u32 v22, $0x3100;
	(v2sf) =	vpush v32, $0xF;
	v30, _, _ =	vpop (xrf0)  }
0x76: {  	v18 =	vld [tilespmem:s0+$0xFFFFFFC0];
	v10 =	vsel vm6, $0x1, v3;
	(v2sf) =	vpush v30, $0xF  }
0x77: {  	(xrf0) =	vadd.scan.msk.s32 $0xffff, v10;
	_ =	sdelay $0x1  }
0x78: {  	v12 =	vld [tilespmem:s0+$0x30];
	_ =	sdelay $0x1  }
0x79: {  	v25 =	vld [tilespmem:s0+$0xFFFFFFD0];
	v18 =	vsub.s32 v18, v6;
	vm10 =	vmmov vm5  }
0x7a: {  	v19 =	vld [tilespmem:s0+$0xFFFFFFF0];
	vm1 =	vmmov vm1;
	vm5 =	vmmov vm3;
	v10 =	vmov s28  }
0x7b: {  	v27 =	vld [tilespmem:s0+$0xFFFFFFE0];
	vm3 =	vmmov vm0;
	vm11 =	vmmov vm6;
	v10 =	vadd.s32 $0xFFFFFFFF, v10;
	v31, _, _ =	vpop (xrf0)  }
0x7c: {  	v23 =	vsub.s32 v12, v6;
	v12 =	vld [tilespmem:s0+$0x0];
	v10 =	vbroadcast v10, $0x0;
	(v2sf) =	vpush v31, $0xF  }
0x7d: {  	vm6 =	vmmov vm4;
	vm4 =	vmmov vm2;
	vm2 =	vlt.u32 v18, $0x3100;
	s25 =	spop (v2sf)  }
0x7e: {  	v33 =	vld [tilespmem:s0+$0x20];
	v29 =	vsel vm2, $0x1, v3;
	v26 =	vadd.s32 v15, v10;
	v10 =	vsub.s32 v25, v6;
	s8 =	sadd.s32 $0x0, s25;
	s11 =	spop (v2sf)  }
0x7f: {  	s31 =	simm.s32 $0x4040;
	vm8 =	vlt.u32 v23, $0x3100;
	(xrf0) =	vadd.scan.msk.s32 $0xffff, v29;
	v25 =	vld [tilespmem:s0+$0x10];
	vm0 =	vlt.u32 v10, $0x3100;
	v28 =	vmov s8;
	s8 =	sadd.s32 s8, s11;
	s1 =	spop (v2sf)  }
0x80: {  	v29 =	vld [tilespmem:s31+$0xFFFFFFC0];
	v15 =	vsub.s32 v19, v6;
	v19 =	vsub.s32 v27, v6;
	v34 =	vsel vm0, $0x1, v3;
	s11 =	sadd.s32 s8, s1;
	s16 =	spop (v2sf)  }
0x81: {  	v38 =	vsel vm8, $0x1, v3;
	v12 =	vsub.s32 v12, v6;
	vm9 =	vlt.u32 v19, $0x3100;
	(xrf0) =	vadd.scan.msk.s32 $0xffff, v34;
	s16 =	sadd.s32 s11, s16;
	s17 =	spop (v2sf)  }
0x82: {  	vm7 =	vlt.u32 v15, $0x3100;
	vm12 =	vlt.u32 v12, $0x3100;
	v36 =	vsel vm9, $0x1, v3;
	s9 =	sadd.s32 s16, s17;
	s10 =	spop (v2sf)  }
0x83: {  	v27 =	vsel vm7, $0x1, v3;
	v39 =	vsel vm12, $0x1, v3;
	(xrf0) =	vadd.scan.msk.s32 $0xffff, v36;
	v35 =	vmov s11;
	s11 =	sadd.s32 s9, s10;
	s17 =	spop (v2sf)  }
0x84: {  	v25 =	vsub.s32 v25, v6;
	(xrf0) =	vadd.scan.msk.s32 $0xffff, v27;
	v27 =	vsub.s32 v33, v6;
	v59 =	vmov s11;
	s11 =	sadd.s32 s11, s17  }
0x85: {  	v33, _, _ =	vpop (xrf0);
	[tilespmem:v26+s4+$0x0] =	vst.idx.msk vm15, v29;
	vm13 =	vlt.u32 v25, $0x3100;
	vm14 =	vlt.u32 v27, $0x3100;
	v40 =	vmov s11  }
0x86: {  	(xrf0) =	vadd.scan.msk.s32 $0xffff, v39;
	(v2sf) =	vpush v33, $0xF;
	v41 =	vsel vm13, $0x1, v3;
	v60 =	vadd.s32 $0xFFFFFFFF, v40  }
0x87: {  	v61 =	vsel vm14, $0x1, v3;
	v29, _, _ =	vpop (xrf0);
	(xrf0) =	vadd.scan.msk.s32 $0xffff, v41;
	v58 =	vmov s9;
	v39 =	vbroadcast v60, $0x0  }
0x88: {  	[tilespmem:v26+s24+$0x0] =	vst.idx.msk vm15, v24;
	v37 =	vmov s16;
	v34 =	vadd.s32 $0xFFFFFFFF, v58;
	v36 =	vadd.s32 $0xFFFFFFFF, v59  }
0x89: {  	(v2sf) =	vpush v29, $0xF;
	v42 =	vbroadcast v36, $0x0;
	v40 =	vld [tilespmem:s31+$0x30];
	v36 =	vadd.s32 v31, v39;
	v31, _, _ =	vpop (xrf0);
	(xrf0) =	vadd.scan.msk.s32 $0xffff, v61  }
0x8a: {  	v26 =	vld [tilespmem:s31+$0x10];
	v63 =	vadd.s32 $0xFFFFFFFF, v35;
	v62 =	vadd.s32 $0xFFFFFFFF, v37;
	v43 =	vbroadcast v34, $0x0;
	(xrf0) =	vadd.scan.msk.s32 $0xffff, v38  }
0x8b: {  	s30 =	simm.s32 $0x40C0;
	v41 =	vbroadcast v63, $0x0;
	v37 =	vadd.s32 v30, v42;
	s25 =	spop (v2sf);
	v39 =	vld [tilespmem:s31+$0x20];
	(v2sf) =	vpush v31, $0xF;
	v34, _, _ =	vpop (xrf0)  }
0x8c: {  	v24 =	vld [tilespmem:s30+$0x10];
	v35 =	vbroadcast v62, $0x0;
	s17 =	simm.s32 $0x8;
	s16 =	sadd.s32 s11, s25;
	s11 =	simm.s32 $0x4140;
	v38 =	vadd.s32 v32, v43;
	(v2sf) =	vpush v34, $0xF;
	v30, _, _ =	vpop (xrf0)  }
.LBB2_4:
0x8d: {  	v42 =	vld [tilespmem:s11+$0x10];
	s17 =	sadd.s32 $0x8, s17;
	(v2sf) =	vpush v30, $0xF;
	v32, _, _ =	vpop (xrf0);
	v28 =	vadd.s32 $0xFFFFFFFF, v28;
	v43 =	vmov s8  }
0x8e: {  	p1 =	slt.u32 s17, $0x1F8;
	(v2sf) =	vpush v32, $0xF;
	v43 =	vadd.s32 $0xFFFFFFFF, v43;
	v41 =	vadd.s32 v21, v41;
	v44 =	vld [tilespmem:s31+$0x0];
	[tilespmem:v36+s4+$0x0] =	vst.idx.msk vm11, v40;
	v21 =	vmovc v34  }
0x8f: {  	v40 =	vmov s16;
	v28 =	vbroadcast v28, $0x0;
	v34, _, _ =	vpop (xrf0);
	v43 =	vbroadcast v43, $0x0;
	v45 =	vld [tilespmem:s31+$0xFFFFFFF0];
	[tilespmem:v36+s24+$0x0] =	vst.idx.msk vm11, v22  }
0x90: {  	v40 =	vadd.s32 $0xFFFFFFFF, v40;
	v22 =	vmov v23;
	(v2sf) =	vpush v34, $0xF;
	v36, _, _ =	vpop (xrf0);
	v46 =	vld [tilespmem:s31+$0xFFFFFFD0];
	[tilespmem:v37+s4+$0x0] =	vst.idx.msk vm10, v39  }
0x91: {  	v39 =	vadd.s32 v17, v28;
	(v2sf) =	vpush v36, $0xF;
	v23 =	vld [tilespmem:s31+$0xFFFFFFE0];
	v28 =	vadd.s32 v20, v43;
	[tilespmem:v37+s24+$0x0] =	vst.idx.msk vm10, v16;
	s31 =	smov.u32 s30;
	s30 =	smov.u32 s11  }
0x92: {  	s0 =	sadd.s32 $0x80, s0;
	v40 =	vbroadcast v40, $0x0;
	v17 =	vmovc v29;
	v16 =	vmovc v27;
	v37 =	vld [tilespmem:s31+$0xFFFFFFC0];
	[tilespmem:v38+s4+$0x0] =	vst.idx.msk vm6, v26;
	v26 =	vmov v24;
	v24 =	vmov v42  }
0x93: {  	vm15 =	vmmov vm1;
	vm1 =	vmmov vm12;
	vm11 =	vmmov vm8;
	v20 =	vmovc v31;
	v27 =	vld [tilespmem:s0+$0x30];
	[tilespmem:v38+s24+$0x0] =	vst.idx.msk vm6, v13;
	v13 =	vmovc v25  }
0x94: {  	vm10 =	vmmov vm14;
	v29 =	vadd.s32 v33, v40;
	vm6 =	vmmov vm13;
	v25 =	vld [tilespmem:s0+$0xFFFFFFF0];
	[tilespmem:v41+s4+$0x0] =	vst.idx.msk vm5, v45  }
0x95: {  	v31 =	vld [tilespmem:s0+$0xFFFFFFC0];
	[tilespmem:v41+s24+$0x0] =	vst.idx.msk vm5, v11;
	v11 =	vmov v15;
	vm5 =	vmmov vm7  }
0x96: {  	v33 =	vld [tilespmem:s0+$0xFFFFFFD0];
	[tilespmem:v28+s4+$0x0] =	vst.idx.msk vm4, v23  }
0x97: {  	v35 =	vadd.s32 v14, v35;
	v14 =	vmovc v30;
	v38 =	vld [tilespmem:s0+$0xFFFFFFE0];
	s8 =	spop (v2sf);
	[tilespmem:v28+s24+$0x0] =	vst.idx.msk vm4, v9;
	v9 =	vmov v19;
	vm4 =	vmmov vm9  }
0x98: {  	v23 =	vsub.s32 v27, v6;
	s8 =	sadd.s32 s16, s8;
	s16 =	spop (v2sf);
	[tilespmem:v39+s4+$0x0] =	vst.idx.msk vm3, v46  }
0x99: {  	vm8 =	vlt.u32 v23, $0x3100;
	v28 =	vmov s8;
	s8 =	sadd.s32 s8, s16;
	[tilespmem:v39+s24+$0x0] =	vst.idx.msk vm3, v8;
	v8 =	vmovc v10;
	vm3 =	vmmov vm0  }
0x9a: {  	v15 =	vsub.s32 v25, v6;
	v19 =	vsub.s32 v31, v6;
	v25 =	vld [tilespmem:s0+$0x0];
	v30 =	vsel vm8, $0x1, v3;
	[tilespmem:v29+s4+$0x0] =	vst.idx.msk vm2, v37;
	s16 =	spop (v2sf)  }
0x9b: {  	vm7 =	vlt.u32 v15, $0x3100;
	v10 =	vsub.s32 v33, v6;
	v27 =	vld [tilespmem:s0+$0x10];
	[tilespmem:v29+s24+$0x0] =	vst.idx.msk vm2, v18;
	vm2 =	vlt.u32 v19, $0x3100;
	s16 =	sadd.s32 s8, s16;
	s25 =	spop (v2sf);
	v18 =	vmovc v19  }
0x9c: {  	v29 =	vsel vm2, $0x1, v3;
	vm0 =	vlt.u32 v10, $0x3100;
	v31 =	vld [tilespmem:s0+$0x20];
	v39 =	vmov s16;
	s16 =	sadd.s32 s16, s25;
	s25 =	spop (v2sf);
	[tilespmem:v35+s4+$0x0] =	vst.idx.msk vm15, v44  }
0x9d: {  	v19 =	vsub.s32 v38, v6;
	v33 =	vsel vm0, $0x1, v3;
	(xrf0) =	vadd.scan.msk.s32 $0xffff, v29;
	s25 =	sadd.s32 s16, s25;
	s1 =	spop (v2sf);
	[tilespmem:v35+s24+$0x0] =	vst.idx.msk vm15, v7;
	v7 =	vmovc v12  }
0x9e: {  	vm9 =	vlt.u32 v19, $0x3100;
	v29 =	vsel vm7, $0x1, v3;
	(xrf0) =	vadd.scan.msk.s32 $0xffff, v33;
	v35 =	vmov s25  }
0x9f: {  	v37 =	vmov s16;
	v33 =	vsel vm9, $0x1, v3;
	s1 =	sadd.s32 s25, s1;
	v12 =	vsub.s32 v25, v6;
	s16 =	spop (v2sf)  }
0xa0: {  	v38 =	vmov s1;
	vm12 =	vlt.u32 v12, $0x3100;
	v25 =	vsub.s32 v27, v6;
	(xrf0) =	vadd.scan.msk.s32 $0xffff, v33;
	s1 =	sadd.s32 s1, s16;
	s16 =	spop (v2sf)  }
0xa1: {  	v41 =	vsel vm12, $0x1, v3;
	vm13 =	vlt.u32 v25, $0x3100;
	(xrf0) =	vadd.scan.msk.s32 $0xffff, v29;
	v29 =	vmov s1;
	s16 =	sadd.s32 s1, s16  }
0xa2: {  	v27 =	vsub.s32 v31, v6;
	v40 =	vsel vm13, $0x1, v3;
	(xrf0) =	vadd.scan.msk.s32 $0xffff, v41;
	v41 =	vadd.s32 $0xFFFFFFFF, v29  }
0xa3: {  	v31 =	vadd.s32 $0xFFFFFFFF, v38;
	vm14 =	vlt.u32 v27, $0x3100;
	v33, _, _ =	vpop (xrf0);
	(xrf0) =	vadd.scan.msk.s32 $0xffff, v40;
	v38 =	vbroadcast v41, $0x0  }
.Ltmp6:
0xa4: {  	v40 =	vsel vm14, $0x1, v3;
	v41 =	vbroadcast v31, $0x0;
	(v2sf) =	vpush v33, $0xF;
	v29, _, _ =	vpop (xrf0);
	(pc) =	sbr.rel @p1 .LBB2_4-.Ltmp6, $4  }
0xa5: {  	v35 =	vadd.s32 $0xFFFFFFFF, v35;
	(v2sf) =	vpush v29, $0xF;
	(xrf0) =	vadd.scan.msk.s32 $0xffff, v40;
	v40 =	vld [tilespmem:s31+$0x30];
	v36 =	vadd.s32 v36, v38  }
0xa6: {  	v42 =	vadd.s32 $0xFFFFFFFF, v37;
	v38 =	vbroadcast v35, $0x0;
	v37 =	vadd.s32 v34, v41;
	v31, _, _ =	vpop (xrf0);
	(xrf0) =	vadd.scan.msk.s32 $0xffff, v30  }
0xa7: {  	v41 =	vadd.s32 $0xFFFFFFFF, v39;
	v35 =	vbroadcast v42, $0x0;
	(v2sf) =	vpush v31, $0xF;
	v34, _, _ =	vpop (xrf0);
	v39 =	vld [tilespmem:s31+$0x20]  }
0xa8: {  	s11 =	sadd.s32 $0x80, s11;
	v41 =	vbroadcast v41, $0x0;
	v38 =	vadd.s32 v32, v38;
	(v2sf) =	vpush v34, $0xF;
	v30, _, _ =	vpop (xrf0)  }
0xa9: {  	(v2sf) =	vpush v30, $0xF;
	v32, _, _ =	vpop (xrf0)  }
0xaa: {  	(v2sf) =	vpush v32, $0xF  }
0xab: {  	v42, _, _ =	vpop (xrf0)  }
0xac: {  	(v2sf) =	vpush v42, $0xF;
	_ =	sdelay $0x4  }
0xad: {  	v52 =	vmov s16  }
0xae: {  	v50 =	vld [tilespmem:s31+$0xFFFFFFF0];
	vm1 =	vmmov vm1;
	v21 =	vadd.s32 v21, v41;
	v55 =	vadd.s32 $0xFFFFFFFF, v52;
	[tilespmem:v37+s4+$0x0] =	vst.idx.msk vm10, v39  }
0xaf: {  	v59 =	vld [tilespmem:s31+$0x0];
	v61 =	vadd.s32 v14, v35;
	[tilespmem:v37+s24+$0x0] =	vst.idx.msk vm10, v16;
	v16 =	vbroadcast v55, $0x0  }
0xb0: {  	v51 =	vadd.s32 $0xFFFFFFFF, v28;
	[tilespmem:v36+s4+$0x0] =	vst.idx.msk vm11, v40;
	s0 =	spop (v2sf)  }
0xb1: {  	v57 =	vld [tilespmem:s30+$0xFFFFFFC0];
	[tilespmem:v36+s24+$0x0] =	vst.idx.msk vm11, v22;
	v22 =	vbroadcast v51, $0x0;
	v16 =	vadd.s32 v33, v16;
	s0 =	sadd.s32 s16, s0;
	s1 =	spop (v2sf)  }
0xb2: {  	v53, _, _ =	vpop (xrf0);
	s1 =	sadd.s32 s0, s1;
	s9 =	spop (v2sf)  }
0xb3: {  	v43 =	vmov s8;
	v56 =	vld [tilespmem:s31+$0xFFFFFFD0];
	v17 =	vadd.s32 v17, v22;
	[tilespmem:v21+s4+$0x0] =	vst.idx.msk vm5, v50;
	(v2sf) =	vpush v53, $0xF;
	s8 =	sadd.s32 s1, s9;
	s11 =	spop (v2sf)  }
0xb4: {  	[tilespmem:v61+s4+$0x0] =	vst.idx.msk vm1, v59;
	s11 =	sadd.s32 s8, s11;
	s10 =	spop (v2sf)  }
0xb5: {  	v43 =	vadd.s32 $0xFFFFFFFF, v43;
	[tilespmem:v61+s24+$0x0] =	vst.idx.msk vm1, v7;
	s16 =	sadd.s32 s11, s10;
	s17 =	spop (v2sf)  }
0xb6: {  	v49 =	vbroadcast v43, $0x0;
	[tilespmem:v16+s4+$0x0] =	vst.idx.msk vm2, v57;
	v33 =	vmov s8;
	s17 =	sadd.s32 s16, s17  }
0xb7: {  	[tilespmem:v16+s24+$0x0] =	vst.idx.msk vm2, v18;
	v16 =	vadd.s32 $0xFFFFFFFF, v33;
	s25 =	spop (v2sf);
	v60 =	vmov s17  }
0xb8: {  	v54 =	vld [tilespmem:s31+$0xFFFFFFE0];
	v20 =	vadd.s32 v20, v49;
	[tilespmem:v17+s4+$0x0] =	vst.idx.msk vm3, v56;
	v7 =	vbroadcast v16, $0x0;
	s25 =	sadd.s32 s17, s25;
	v62 =	vadd.s32 $0xFFFFFFFF, v60  }
0xb9: {  	[tilespmem:v17+s24+$0x0] =	vst.idx.msk vm3, v8;
	v58 =	vmov s25;
	v8 =	vbroadcast v62, $0x0  }
0xba: {  	v39 =	vld [tilespmem:s30+$0xFFFFFFF0];
	[tilespmem:v21+s24+$0x0] =	vst.idx.msk vm5, v11;
	v7 =	vadd.s32 v34, v7;
	v11 =	vadd.s32 $0xFFFFFFFF, v58  }
0xbb: {  	[tilespmem:v38+s4+$0x0] =	vst.idx.msk vm6, v26;
	v35 =	vld [tilespmem:s30+$0x20];
	v63 =	vmov s16;
	v11 =	vbroadcast v11, $0x0;
	v8 =	vadd.s32 v42, v8  }
0xbc: {  	[tilespmem:v38+s24+$0x0] =	vst.idx.msk vm6, v13;
	v28 =	vadd.s32 $0xFFFFFFFF, v63  }
0xbd: {  	v26 =	vld [tilespmem:s30+$0x30];
	[tilespmem:v20+s4+$0x0] =	vst.idx.msk vm4, v54;
	v13 =	vbroadcast v28, $0x0;
	v11 =	vadd.s32 v53, v11  }
0xbe: {  	[tilespmem:v20+s24+$0x0] =	vst.idx.msk vm4, v9;
	v37 =	vmov s1  }
0xbf: {  	v36 =	vadd.s32 v32, v13;
	v13 =	vadd.s32 $0xFFFFFFFF, v37;
	[tilespmem:v7+s4+$0x0] =	vst.idx.msk vm7, v39  }
0xc0: {  	v41 =	vmov s11;
	v13 =	vbroadcast v13, $0x0;
	[tilespmem:v8+s4+$0x0] =	vst.idx.msk vm14, v35  }
0xc1: {  	vm3 =	vmmov vm12;
	v38 =	vmov s0;
	[tilespmem:v8+s24+$0x0] =	vst.idx.msk vm14, v27;
	v8 =	vadd.s32 $0xFFFFFFFF, v41  }
0xc2: {  	v40 =	vadd.s32 $0xFFFFFFFF, v38;
	v42 =	vld [tilespmem:s30+$0xFFFFFFE0];
	v13 =	vadd.s32 v31, v13;
	s17 =	spop (v2sf);
	[tilespmem:v11+s4+$0x0] =	vst.idx.msk vm8, v26;
	v8 =	vbroadcast v8, $0x0  }
0xc3: {  	vm15 =	vmmov vm14;
	vm3 =	vmmov vm3;
	s8 =	sadd.s32 s25, s17;
	[tilespmem:v11+s24+$0x0] =	vst.idx.msk vm8, v23;
	v11 =	vbroadcast v40, $0x0  }
0xc4: {  	vm0 =	vmmov vm0;
	v45 =	vld [tilespmem:s30+$0x0];
	vm11 =	vmmov vm8;
	[tilespmem:v7+s24+$0x0] =	vst.idx.msk vm7, v15;
	s0 =	sadd.s32 $0x7F, s8;
	s16 =	sand.u32 $0xFFFFFFF0, s8;
	v7 =	vadd.s32 v30, v8  }
0xc5: {  	v43 =	vld [tilespmem:s30+$0xFFFFFFD0];
	vm2 =	vmmov vm13;
	[tilespmem:v36+s4+$0x0] =	vst.idx.msk vm13, v24;
	v44 =	vor.u32 s16, v0;
	s11 =	sand.u32 $0xFFFFFF80, s0;
	v11 =	vadd.s32 v29, v11  }
0xc6: {  	[tilespmem:v36+s24+$0x0] =	vst.idx.msk vm13, v25;
	s25 =	sadd.s32 $0x10, s16;
	vm8 =	vmmov vm9;
	vm2 =	vge.s32 v44, s8;
	vm4 =	vlt.s32 v44, s11  }
0xc7: {  	[tilespmem:v13+s4+$0x0] =	vst.idx.msk vm9, v42;
	v46 =	vor.u32 s25, v0;
	vm2 =	vmand vm2, vm4;
	v8 =	vor.u32 s16, v4  }
0xc8: {  	s30 =	sadd.s32 $0x20, s16;
	[tilespmem:v13+s24+$0x0] =	vst.idx.msk vm9, v19;
	vm1 =	vge.s32 v46, s8;
	vm9 =	vlt.s32 v46, s11;
	v8 =	vor.u32 v2, v8  }
0xc9: {  	v47 =	vor.u32 s25, v4;
	v48 =	vor.u32 s30, v0;
	vm1 =	vmand vm1, vm9;
	[tilespmem:v7+s4+$0x0] =	vst.idx.msk vm3, v45  }
0xca: {  	s31 =	sadd.s32 $0x30, s16;
	v9 =	vor.u32 v2, v47;
	vm10 =	vge.s32 v48, s8;
	vm11 =	vlt.s32 v48, s11;
	[tilespmem:v11+s4+$0x0] =	vst.idx.msk vm0, v43  }
0xcb: {  	v49 =	vor.u32 s30, v4;
	v50 =	vor.u32 s31, v0;
	[tilespmem:v11+s24+$0x0] =	vst.idx.msk vm0, v10;
	vm0 =	vmand vm10, vm11  }
0xcc: {  	s9 =	sadd.s32 $0x40, s16;
	vm12 =	vge.s32 v50, s8;
	vm13 =	vlt.s32 v50, s11;
	[tilespmem:v7+s24+$0x0] =	vst.idx.msk vm3, v12;
	v7 =	vor.u32 v2, v49  }
0xcd: {  	v51 =	vor.u32 s31, v4;
	v52 =	vor.u32 s9, v0;
	vm3 =	vmand vm12, vm13;
	[tilespmem:v8+s4+$0x0] =	vst.idx.msk vm2, v1  }
0xce: {  	s10 =	sadd.s32 $0x50, s16;
	vm14 =	vge.s32 v52, s8;
	vm15 =	vlt.s32 v52, s11;
	[tilespmem:v8+s24+$0x0] =	vst.idx.msk vm2, v5;
	v8 =	vor.u32 v2, v51  }
0xcf: {  	v53 =	vor.u32 s9, v4;
	v54 =	vor.u32 s10, v0;
	vm2 =	vmand vm14, vm15;
	[tilespmem:v9+s4+$0x0] =	vst.idx.msk vm1, v1  }
0xd0: {  	s25 =	sadd.s32 $0x60, s16;
	v55 =	vor.u32 v2, v53;
	vm8 =	vge.s32 v54, s8;
	vm9 =	vlt.s32 v54, s11;
	[tilespmem:v9+s24+$0x0] =	vst.idx.msk vm1, v5  }
0xd1: {  	v56 =	vor.u32 s10, v4;
	v57 =	vor.u32 s25, v0;
	vm1 =	vmand vm8, vm9;
	[tilespmem:v7+s4+$0x0] =	vst.idx.msk vm0, v1  }
0xd2: {  	s30 =	sadd.s32 $0x70, s16;
	vm10 =	vge.s32 v57, s8;
	vm11 =	vlt.s32 v57, s11;
	[tilespmem:v7+s24+$0x0] =	vst.idx.msk vm0, v5;
	v7 =	vor.u32 v2, v56  }
0xd3: {  	v58 =	vor.u32 s25, v4;
	v59 =	vor.u32 s30, v0;
	vm0 =	vmand vm10, vm11;
	[tilespmem:v8+s4+$0x0] =	vst.idx.msk vm3, v1  }
0xd4: {  	s16 =	sadd.s32 $0x80, s16;
	vm12 =	vge.s32 v59, s8;
	vm13 =	vlt.s32 v59, s11;
	[tilespmem:v8+s24+$0x0] =	vst.idx.msk vm3, v5;
	v8 =	vor.u32 v2, v58  }
0xd5: {  	v60 =	vor.u32 s30, v4;
	v61 =	vor.u32 s16, v0;
	vm3 =	vmand vm12, vm13;
	[tilespmem:v55+s4+$0x0] =	vst.idx.msk vm2, v1  }
0xd6: {  	v62 =	vor.u32 v2, v60;
	vm14 =	vge.s32 v61, s8;
	vm15 =	vlt.s32 v61, s11;
	[tilespmem:v55+s24+$0x0] =	vst.idx.msk vm2, v5  }
0xd7: {  	v63 =	vor.u32 s16, v4;
	vm2 =	vmand vm14, vm15;
	[tilespmem:v7+s4+$0x0] =	vst.idx.msk vm1, v1  }
0xd8: {  	[tilespmem:v7+s24+$0x0] =	vst.idx.msk vm1, v5;
	v7 =	vor.u32 v2, v63  }
0xd9: {  	[tilespmem:v8+s4+$0x0] =	vst.idx.msk vm0, v1  }
0xda: {  	[tilespmem:v8+s24+$0x0] =	vst.idx.msk vm0, v5  }
0xdb: {  	[tilespmem:v62+s4+$0x0] =	vst.idx.msk vm3, v1  }
0xdc: {  	s0 =	sshra.s32 s0, $0x7;
	[tilespmem:v62+s24+$0x0] =	vst.idx.msk vm3, v5  }
0xdd: {  	p1 =	slt.s32 s0, $0x1;
	s31 =	sadd.s32 $0x1, s0;
	[tilespmem:v7+s4+$0x0] =	vst.idx.msk vm2, v1  }
0xde: {  	s1 =	simm.s32 @!p1 $0x80;
	s8 =	simm.s32 @!p1 $0x0;
	s11 =	simm.s32 @!p1 $0x8000;
	[tilespmem:v7+s24+$0x0] =	vst.idx.msk vm2, v5  }
0xdf: {  	[tilespmem:s11], [sflag:$0x1] =	stream.indirect.gather @!p1 [hbm4b:s5+s1], $0x40, s8, s1, $0xb8;
	[tilespmem:$0x1BD28] =	vst v63  }
0xe0: {  	s8 =	sshra.s32 s31, $0x1  }
0xe1: {  	p1 =	slt.s32 s8, $0x1  }
.Ltmp7:
0xe2: {  	_ = 	snop;
	(pc) =	sbr.rel @p1 .LBB2_11-.Ltmp7, $2  }
0xe3: {  	_ =	sdelay $0x2  }
0xe4: {  	vm6 =	vmmov vm7  }
0xe5: {  	s17 =	sadd.s32 $0xFFFFFFFF, s8  }
0xe6: {  	p3 =	sne.s32 s17, $0x0  }
.Ltmp8:
0xe7: {  	_ = 	snop;
	(pc) =	sbr.rel @!p3 .LBB2_7-.Ltmp8, $3  }
0xe8: {  	_ =	sdelay $0x1  }
0xe9: {  	s8 =	simm.s32 $0x2000;
	s16 =	simm.s32 $0x1  }
0xea: {  	s11 =	simm.s32 $0x80;
	p1 =	sle.s32 s0, $0x0;
	p2 =	por $0x0, $0x0  }
0xeb: {  	s1 =	simm.s32 @!p1 $0x1  }
0xec: {  	p2 =	sle.s32 @!p1 s0, $0x1;
	_ =	swait.ge @!p1 [sflag:s1], $0x2000  }
0xed: {  	p2 =	por p2, p1;
	[sflag:s1] =	ssyncset.done @!p1 $0x0  }
0xee: {  	s16 =	simm.s32 @!p2 $0x80;
	s25 =	simm.s32 @!p2 $0xA000;
	[sflag:s1] =	ssyncadd.s32 @!p1 $0xFFFFE000  }
0xef: {  	[tilespmem:s25], [sflag:$0x2] =	stream.indirect.gather @!p2 [hbm4b:s5+s16], $0x40, s11, s16, $0xb8;
	[tilespmem:$0x1BD28] =	vst v63  }
0xf0: {  	s1 =	simm.s32 @!p1 $0x80;
	s11 =	simm.s32 @!p1 $0x8000;
	s16 =	simm.s32 @!p1 $0x4  }
0xf1: {  	[spmem:s2] =	stream.indirect.scatter.add.bf16 @!p1 [tilespmem:s11], [sflag:$0x4], $0x40, s8, s1, $0xb8;
	[tilespmem:$0x1BD28] =	vst v63  }
0xf2: {  	_ =	swait.ge @!p1 [sflag:s16], $0x2000  }
0xf3: {  	[sflag:s16] =	ssyncset.done @!p1 $0x0  }
0xf4: {  	s11 =	simm.s32 @!p1 $0xC000;
	[sflag:s16] =	ssyncadd.s32 @!p1 $0xFFFFE000  }
0xf5: {  	[spmem:s3] =	stream.indirect.scatter.add.bf16 @!p1 [tilespmem:s11], [sflag:$0x4], $0x10, s8, s1, $0xb8;
	[tilespmem:$0x1BD28] =	vst v63  }
0xf6: {  	_ =	swait.ge @!p1 [sflag:s16], $0x800  }
0xf7: {  	p3 =	sle.s32 s0, $0x1;
	s17 =	sadd.s32 $0xFFFFFFFF, s17;
	[sflag:s16] =	ssyncset.done @!p1 $0x0  }
0xf8: {  	s1 =	simm.s32 @!p3 $0x2;
	[sflag:s16] =	ssyncadd.s32 @!p1 $0xFFFFF800;
	p1 =	sle.s32 @!p3 s0, $0x2  }
0xf9: {  	p4 =	sne.s32 s17, $0x0;
	_ =	swait.ge @!p3 [sflag:s1], $0x2000;
	p1 =	por p1, p3  }
0xfa: {  	s25 =	simm.s32 @!p3 $0x4;
	[sflag:s1] =	ssyncset.done @!p3 $0x0;
	s11 =	simm.s32 @!p1 $0x100  }
0xfb: {  	s16 =	simm.s32 @!p1 $0x80;
	[sflag:s1] =	ssyncadd.s32 @!p3 $0xFFFFE000;
	s1 =	simm.s32 @!p1 $0x8000  }
0xfc: {  	[tilespmem:s1], [sflag:$0x1] =	stream.indirect.gather @!p1 [hbm4b:s5+s16], $0x40, s11, s16, $0xb8;
	[tilespmem:$0x1BD28] =	vst v63  }
0xfd: {  	s8 =	simm.s32 @!p3 $0xA000;
	s1 =	simm.s32 @!p3 $0x80;
	s16 =	simm.s32 @!p3 $0x2080  }
0xfe: {  	[spmem:s2] =	stream.indirect.scatter.add.bf16 @!p3 [tilespmem:s8], [sflag:$0x4], $0x40, s16, s1, $0xb8;
	[tilespmem:$0x1BD28] =	vst v63  }
.Ltmp9:
0xff: {  	s30 =	simm.s32 @!p3 $0x3;
	_ =	swait.ge @!p3 [sflag:s25], $0x2000;
	(pc) =	sbr.rel @!p4 .LBB2_10-.Ltmp9, $4  }
0x100: {  	p2 =	por $0x1, $0x1;
	s11 =	simm.s32 $0x180;
	[sflag:s25] =	ssyncset.done @!p3 $0x0  }
0x101: {  	p1 =	sle.s32 s0, $0x2;
	s8 =	simm.s32 @!p3 $0xC000;
	[sflag:s25] =	ssyncadd.s32 @!p3 $0xFFFFE000  }
0x102: {  	[spmem:s3] =	stream.indirect.scatter.add.bf16 @!p3 [tilespmem:s8], [sflag:$0x3], $0x10, s16, s1, $0xb8;
	[tilespmem:$0x1BD28] =	vst v63  }
0x103: {  	s16 =	simm.s32 $0x3;
	s8 =	simm.s32 $0x2100;
	_ =	swait.ge @!p3 [sflag:s30], $0x800  }
.LBB2_9:
0x104: {  	s17 =	sadd.s32 $0xFFFFFFFF, s17;
	s1 =	simm.s32 @!p1 $0x1;
	[sflag:s30] =	ssyncset.done @!p3 $0x0  }
0x105: {  	p5 =	sge.s32 @!p1 s16, s0;
	p4 =	sne.s32 s17, $0x0;
	[sflag:s30] =	ssyncadd.s32 @!p3 $0xFFFFF800  }
0x106: {  	p3 =	por p5, p1;
	_ =	swait.ge @!p1 [sflag:s1], $0x2000  }
0x107: {  	s25 =	simm.s32 @!p3 $0x80;
	s30 =	simm.s32 @!p3 $0xA000;
	[sflag:s1] =	ssyncset.done @!p1 $0x0  }
0x108: {  	[sflag:s1] =	ssyncadd.s32 @!p1 $0xFFFFE000  }
0x109: {  	[tilespmem:s30], [sflag:$0x2] =	stream.indirect.gather @!p3 [hbm4b:s5+s25], $0x40, s11, s25, $0xb8;
	[tilespmem:$0x1BD28] =	vst v63  }
0x10a: {  	s1 =	simm.s32 @!p1 $0x80;
	s25 =	simm.s32 @!p1 $0x8000;
	s30 =	simm.s32 @!p1 $0x4  }
0x10b: {  	[spmem:s2] =	stream.indirect.scatter.add.bf16 @!p1 [tilespmem:s25], [sflag:$0x4], $0x40, s8, s1, $0xb8;
	[tilespmem:$0x1BD28] =	vst v63  }
0x10c: {  	_ =	swait.ge @!p1 [sflag:s30], $0x2000  }
0x10d: {  	s25 =	simm.s32 @!p1 $0xC000;
	[sflag:s30] =	ssyncset.done @!p1 $0x0  }
0x10e: {  	[sflag:s30] =	ssyncadd.s32 @!p1 $0xFFFFE000  }
0x10f: {  	[spmem:s3] =	stream.indirect.scatter.add.bf16 @!p1 [tilespmem:s25], [sflag:$0x4], $0x10, s8, s1, $0xb8;
	[tilespmem:$0x1BD28] =	vst v63  }
0x110: {  	p3 =	sge.s32 s16, s0;
	_ =	swait.ge @!p1 [sflag:s30], $0x800  }
0x111: {  	s1 =	sadd.s32 @!p3 $0x1, s16;
	s25 =	simm.s32 @!p3 $0x2;
	[sflag:s30] =	ssyncset.done @!p1 $0x0  }
0x112: {  	[sflag:s30] =	ssyncadd.s32 @!p1 $0xFFFFF800;
	p1 =	sge.s32 @!p3 s1, s0;
	s1 =	simm.s32 @!p3 $0xA000  }
0x113: {  	s31 =	simm.s32 @!p3 $0x80;
	_ =	swait.ge @!p3 [sflag:s25], $0x2000;
	p1 =	por p1, p3  }
0x114: {  	[sflag:s25] =	ssyncset.done @!p3 $0x0;
	s30 =	sadd.s32 @!p1 $0x80, s11;
	s9 =	simm.s32 @!p1 $0x80  }
0x115: {  	s10 =	sadd.s32 @!p3 $0x80, s8;
	[sflag:s25] =	ssyncadd.s32 @!p3 $0xFFFFE000;
	s25 =	simm.s32 @!p1 $0x8000  }
0x116: {  	[tilespmem:s25], [sflag:$0x1] =	stream.indirect.gather @!p1 [hbm4b:s5+s9], $0x40, s30, s9, $0xb8;
	[tilespmem:$0x1BD28] =	vst v63  }
0x117: {  	s9 =	simm.s32 @!p3 $0x4  }
0x118: {  	[spmem:s2] =	stream.indirect.scatter.add.bf16 @!p3 [tilespmem:s1], [sflag:$0x4], $0x40, s10, s31, $0xb8;
	[tilespmem:$0x1BD28] =	vst v63  }
.Ltmp10:
0x119: {  	s11 =	sadd.s32 $0x100, s11;
	_ =	swait.ge @!p3 [sflag:s9], $0x2000;
	(pc) =	sbr.rel @p4 .LBB2_9-.Ltmp10, $4  }
0x11a: {  	s16 =	sadd.s32 $0x2, s16;
	s1 =	simm.s32 @!p3 $0xC000;
	[sflag:s9] =	ssyncset.done @!p3 $0x0  }
0x11b: {  	s25 =	sadd.s32 $0xFFFFFFFF, s16;
	s30 =	simm.s32 @!p3 $0x3;
	[sflag:s9] =	ssyncadd.s32 @!p3 $0xFFFFE000  }
0x11c: {  	[spmem:s3] =	stream.indirect.scatter.add.bf16 @!p3 [tilespmem:s1], [sflag:$0x3], $0x10, s10, s31, $0xb8;
	[tilespmem:$0x1BD28] =	vst v63  }
0x11d: {  	s8 =	sadd.s32 $0x100, s8;
	p1 =	sge.s32 s25, s0;
	_ =	swait.ge @!p3 [sflag:s30], $0x800  }
.Ltmp11:
0x11e: {  	_ = 	snop;
	(pc) =	sbr.rel .LBB2_10-.Ltmp11, $1  }
0x11f: {  	_ =	sdelay $0x3  }
.LBB2_14:
0x120: {  	_ =	sfence.sel $0x180000  }
0x121: {  	[bflag:$0x0] =	sbarrier.arrive $0xFFFF  }
0x122: {  	_ =	strace $0x9000004A  }
0x123: {  	s0 =	stileid.u32;
	[bflag:$0x2] =	sbarrier.arrive $0xFFFF  }
0x124: {  	p0 =	sne.s32 s0, $0x0;
	s0 =	rddreg [dreg:$0x4]  }
0x125: {  	s0 =	sadd.s32 @!p0 $0x100000, s0  }
0x126: {  	[sflag:s0] =	ssyncadd.tile.s32 @!p0 $0x1;
	_ =	shalt  }
.Lfunc_end2:
_tile_overlayer_lowered:
.L_overlay_start_2:
0x127: {  	(tag) =	ssettag $0x2  }
0x128: {  	s0 =	rddreg [dreg:$0x0];
	s2 =	stileid.u32  }
0x129: {  	s1 =	rddreg [dreg:$0x1];
	p0 =	sne.s32 s2, $0x0  }
0x12a: {  	s3 =	rddreg [dreg:$0x2];
	[bflag:$0x3] =	sbarrier.arrive $0xFFFF;
	s2 =	simm.s32 @!p0 $0x1C03  }
0x12b: {  	[timem:s3], [sflag:s2] =	dma.local @!p0 [hbm:s0], s1  }
0x12c: {  	s0 =	simm.s32 @!p0 $0x3  }
0x12d: {  	_ =	swait.ge @!p0 [sflag:s0], s1  }
0x12e: {  	s1 =	ssub.s32 @!p0 $0x0, s1;
	[sflag:s0] =	ssyncset.done @!p0 $0x0  }
0x12f: {  	[sflag:s0] =	ssyncadd.s32 @!p0 s1  }
0x130: {  	[bflag:$0x3] =	sbarrier.arrive $0xFFFF  }
0x131: {  	_ =	shalt  }

</sc_bundles>
